<compile_context>
chip_gen: v7x
topology: tpu7x:2x2x1
jax: 0.10.2.dev20260603
libtpu: 0.0.44.dev20260713+nightly
codegen_flags: <defaults>
</compile_context>

<pallas_src>
import jax
import jax.numpy as jnp
from jax import lax
from jax.experimental import pallas as pl
from jax.experimental.pallas import tpu as pltpu
from jax.experimental.pallas import tpu_sc as plsc

VOCAB = 8192
N_TOK = 8192
SUB = 8
LANE = VOCAB // SUB

NC, NS = 2, 16
NW = NC * NS
TPW = N_TOK // NW
CH = 8
NCHUNK = TPW // CH
NPAIRS = NCHUNK // 2
VHALF = VOCAB // 2


def _sc_mesh():
    return plsc.VectorSubcoreMesh(
        core_axis_name="c", subcore_axis_name="s", num_cores=NC, num_subcores=NS
    )


def _sc_gather_body(table, idx, tgt, out, out_tval,
                    idx_v, tgt_v, tot_v, buf0, buf1, sem0, sem1):
    wid = lax.axis_index("s") * NC + lax.axis_index("c")
    base = wid * TPW
    pltpu.sync_copy(idx.at[pl.ds(base, TPW)], idx_v)
    pltpu.sync_copy(tgt.at[pl.ds(base, TPW)], tgt_v)

    lane16 = lax.iota(jnp.int32, 16)
    one = jnp.int32(1)

    def src(c, h):
        return table.at[idx_v.at[pl.ds(c * CH, CH)], pl.ds(h * VHALF, VHALF)]

    def dst(c, h):
        return out.at[pl.ds(base + c * CH, CH), pl.ds(h * VHALF, VHALF)]

    def extract(tt, parity):
        part = (lane16 * 0).astype(jnp.float32)
        for r in range(CH):
            t_j = tt[parity * CH + r]
            d = t_j // VHALF
            cc0 = jnp.clip(t_j, 0, VHALF - 1)
            cc1 = jnp.clip(t_j - VHALF, 0, VHALF - 1)
            for h, buf, cc in ((0, buf0, cc0), (1, buf1, cc1)):
                inh = (one - jnp.abs(d - h)).astype(jnp.float32)
                c16 = (cc // 16) * 16
                l_j = cc % 16
                lmask = (
                    one - jnp.minimum(one, jnp.abs(lane16 - l_j))
                ).astype(jnp.float32)
                vec = buf[r, pl.ds(c16, 16)]
                part = part + vec * lmask * inh
        return part

    pltpu.async_copy(src(0, 0), buf0, sem0)

    def pairstep(c2, tot):
        tt = tgt_v[pl.ds(c2 * 16, 16)]
        for parity in range(2):
            c = c2 * 2 + parity
            pltpu.make_async_copy(src(c, 0), buf0, sem0).wait()
            pltpu.async_copy(src(c, 1), buf1, sem1)
            pltpu.sync_copy(buf0, dst(c, 0))
            pltpu.make_async_copy(src(c, 1), buf1, sem1).wait()
            tot = tot + extract(tt, parity)

            @pl.when(c + 1 < NCHUNK)
            def _():
                pltpu.async_copy(src(c + 1, 0), buf0, sem0)

            pltpu.sync_copy(buf1, dst(c, 1))
        return tot

    tot = lax.fori_loop(
        0, NPAIRS, pairstep, (lane16 * 0).astype(jnp.float32)
    )
    tot_v[0] = tot
    pltpu.sync_copy(tot_v, out_tval.at[pl.ds(wid, 1)])


def _sc_gather(embds, flat_idx, flat_tgt):
    f = pl.kernel(
        _sc_gather_body,
        out_type=(
            jax.ShapeDtypeStruct((N_TOK, VOCAB), jnp.float32),
            jax.ShapeDtypeStruct((NW, 16), jnp.float32),
        ),
        mesh=_sc_mesh(),
        scratch_types=[
            pltpu.VMEM((TPW,), jnp.int32),
            pltpu.VMEM((TPW,), jnp.int32),
            pltpu.VMEM((1, 16), jnp.float32),
            pltpu.VMEM((CH, VHALF), jnp.float32),
            pltpu.VMEM((CH, VHALF), jnp.float32),
            pltpu.SemaphoreType.DMA,
            pltpu.SemaphoreType.DMA,
        ],
    )
    return f(embds, flat_idx, flat_tgt)


KL = 32
GRID_L = VOCAB // (2 * KL)


def _lse_body(x0_ref, x1_ref, cnt_ref, acc_ref):
    i = pl.program_id(0)

    @pl.when(i == 0)
    def _():
        acc_ref[0, 0] = 0.0

    def one_blk(X):
        m = jnp.max(X, axis=1, keepdims=True)
        s = jnp.sum(jnp.exp(X - m), axis=1, keepdims=True)
        return (m + jnp.log(s)).reshape(1, 1, KL)

    w0 = jnp.sum(one_blk(x0_ref[...])[0, 0] * cnt_ref[0, 0])
    w1 = jnp.sum(one_blk(x1_ref[...])[0, 0] * cnt_ref[0, 1])
    acc_ref[0, 0] += w0 + w1


def _tc_lse_weighted(embds, counts3):
    return pl.pallas_call(
        _lse_body,
        grid=(GRID_L,),
        in_specs=[
            pl.BlockSpec((KL, VOCAB), lambda i: (2 * i, 0)),
            pl.BlockSpec((KL, VOCAB), lambda i: (2 * i + 1, 0)),
            pl.BlockSpec((1, 2, KL), lambda i: (i, 0, 0)),
        ],
        out_specs=pl.BlockSpec(
            (1, 1), lambda i: (0, 0), memory_space=pltpu.SMEM
        ),
        out_shape=jax.ShapeDtypeStruct((1, 1), jnp.float32),
    )(embds, embds, counts3)


def _mean_body(wsum_ref, tval_ref, loss_ref):
    loss_ref[0, 0] = (wsum_ref[0, 0] - jnp.sum(tval_ref[...])) * (1.0 / N_TOK)


def _tc_mean(wsum, tval):
    loss = pl.pallas_call(
        _mean_body,
        in_specs=[
            pl.BlockSpec((1, 1), lambda: (0, 0), memory_space=pltpu.SMEM),
            pl.BlockSpec((NW, 16), lambda: (0, 0)),
        ],
        out_specs=pl.BlockSpec(memory_space=pltpu.SMEM),
        out_shape=jax.ShapeDtypeStruct((1, 1), jnp.float32),
    )(wsum, tval)
    return loss[0, 0]


@jax.jit
def _run(flat_idx, flat_tgt, embds):
    logits, tval = _sc_gather(embds, flat_idx, flat_tgt)
    counts = jnp.zeros((VOCAB,), jnp.float32).at[flat_idx].add(1.0)
    wsum = _tc_lse_weighted(embds, counts.reshape(GRID_L, 2, KL))
    loss = _tc_mean(wsum, tval)
    return logits, loss


def kernel(inputs, targets, embds):
    Bq, Tq = inputs.shape
    flat_idx = inputs.reshape(-1).astype(jnp.int32)
    flat_tgt = targets.reshape(-1).astype(jnp.int32)
    logits, loss = _run(flat_idx, flat_tgt, embds)
    return logits.reshape(Bq, Tq, VOCAB), loss

# --- scband reference (transcript-rebuilt; emitter-appended) ---
"""Pipeline reference for scband-bigram-model-67757404062001 (READ-ONLY COPY).

The authoritative reference and input builder live on the scoring server;
editing this copy changes nothing except your own understanding.
"""

import jax, jax.numpy as jnp
import numpy as np

VOCAB = 8192
B = 4
T = 2048

def setup_inputs(seed: int = 0) -> dict:
    key = jax.random.key(seed)
    k1, k2, k3 = jax.random.split(key, 3)
    inputs = jax.random.randint(k1, (B, T), 0, VOCAB)
    targets = jax.random.randint(k2, (B, T), 0, VOCAB)
    embds = jax.random.normal(k3, (VOCAB, VOCAB), dtype=jnp.float32) * 0.02
    return {"inputs": inputs, "targets": targets, "embds": embds}

def reference(inputs, targets, embds):
    # logits = self.embds(inputs) -> gather rows of the [vocab, vocab] table
    logits = jnp.take(embds, inputs, axis=0)  # [B, T, C]
    Bq, Tq, C = logits.shape
    flat = logits.reshape(-1, C)               # [B*T, C]
    logp = jax.nn.log_softmax(flat, axis=-1)
    tgt = targets.reshape(-1)                  # [B*T]
    nll = -jnp.take_along_axis(logp, tgt[:, None], axis=1)[:, 0]
    loss = jnp.mean(nll)                       # F.cross_entropy with mean reduction
    return (logits, loss)

if __name__ == "__main__":
    import jax
    _d = setup_inputs()
    print(jax.jit(kernel)(*tuple(_d.values())))

</pallas_src>

<mosaic_0001>
#map = affine_map<(d0, d1) -> (0, 0)>
#map1 = affine_map<(d0, d1) -> (0)>
module attributes {stable_mosaic.version = 14 : i64} {
  func.func @_sc_gather_body(%arg0: i32, %arg1: i32, %arg2: memref<8192x8192xf32, #tpu.memory_space<hbm>>, %arg3: memref<8192xi32, #tpu.memory_space<hbm>>, %arg4: memref<8192xi32, #tpu.memory_space<hbm>>, %arg5: memref<8192x8192xf32, #tpu.memory_space<hbm>>, %arg6: memref<32x16xf32, #tpu.memory_space<hbm>>, %arg7: memref<256xi32, #tpu.memory_space<vmem>>, %arg8: memref<256xi32, #tpu.memory_space<vmem>>, %arg9: memref<1x16xf32, #tpu.memory_space<vmem>>, %arg10: memref<8x4096xf32, #tpu.memory_space<vmem>>, %arg11: memref<8x4096xf32, #tpu.memory_space<vmem>>, %arg12: memref<!tpu.dma_semaphore, #tpu.memory_space<semaphore_mem>>, %arg13: memref<!tpu.dma_semaphore, #tpu.memory_space<semaphore_mem>>) attributes {dimension_semantics = [#tpu.dimension_semantics<core_parallel>, #tpu.dimension_semantics<subcore_parallel>], iteration_bounds = array<i64: 2, 16>, scalar_prefetch = 0 : i64, scratch_operands = 7 : i64, tpu.core_type = #tpu.core_type<sc_vector_subcore>, window_params = [{transform_indices = #map}, {transform_indices = #map1}, {transform_indices = #map1}, {transform_indices = #map}, {transform_indices = #map}]} {
    %mul3A = arith.constant 2 : i32
    %mul3A_0 = arith.muli %arg1, %mul3A : i32
    %add3A = arith.addi %mul3A_0, %arg0 : i32
    %mul3A_1 = arith.constant 256 : i32
    %mul3A_2 = arith.muli %add3A, %mul3A_1 : i32
    "tpu.region"() ({
      %run_scoped3A = tpu.sem_alloc : memref<!tpu.dma_semaphore, #tpu.memory_space<semaphore_mem>>
      %dma_start3A_21 = tpu.memref_slice %arg3[%mul3A_2] : memref<8192xi32, #tpu.memory_space<hbm>> -> memref<256xi32, #tpu.memory_space<hbm>>
      %dma_start3A_22 = tpu.memref_slice %arg3[%mul3A_2] : memref<8192xi32, #tpu.memory_space<hbm>> -> memref<256xi32, #tpu.memory_space<hbm>>
      tpu.enqueue_dma source(%dma_start3A_22 : memref<256xi32, #tpu.memory_space<hbm>>) target(%arg7 : memref<256xi32, #tpu.memory_space<vmem>>) target_semaphore(%run_scoped3A : memref<!tpu.dma_semaphore, #tpu.memory_space<semaphore_mem>>)
      %dma_wait3A = tpu.memref_slice %arg3[%mul3A_2] : memref<8192xi32, #tpu.memory_space<hbm>> -> memref<256xi32, #tpu.memory_space<hbm>>
      %dma_wait3A_23 = tpu.memref_slice %arg3[%mul3A_2] : memref<8192xi32, #tpu.memory_space<hbm>> -> memref<256xi32, #tpu.memory_space<hbm>>
      tpu.wait_dma2 semaphore(%run_scoped3A : memref<!tpu.dma_semaphore, #tpu.memory_space<semaphore_mem>>) src(%dma_wait3A_23 : memref<256xi32, #tpu.memory_space<hbm>>) dst(%arg7 : memref<256xi32, #tpu.memory_space<vmem>>)
      tpu.yield
    }) : () -> ()
    "tpu.region"() ({
      %run_scoped3A = tpu.sem_alloc : memref<!tpu.dma_semaphore, #tpu.memory_space<semaphore_mem>>
      %dma_start3A_21 = tpu.memref_slice %arg4[%mul3A_2] : memref<8192xi32, #tpu.memory_space<hbm>> -> memref<256xi32, #tpu.memory_space<hbm>>
      %dma_start3A_22 = tpu.memref_slice %arg4[%mul3A_2] : memref<8192xi32, #tpu.memory_space<hbm>> -> memref<256xi32, #tpu.memory_space<hbm>>
      tpu.enqueue_dma source(%dma_start3A_22 : memref<256xi32, #tpu.memory_space<hbm>>) target(%arg8 : memref<256xi32, #tpu.memory_space<vmem>>) target_semaphore(%run_scoped3A : memref<!tpu.dma_semaphore, #tpu.memory_space<semaphore_mem>>)
      %dma_wait3A = tpu.memref_slice %arg4[%mul3A_2] : memref<8192xi32, #tpu.memory_space<hbm>> -> memref<256xi32, #tpu.memory_space<hbm>>
      %dma_wait3A_23 = tpu.memref_slice %arg4[%mul3A_2] : memref<8192xi32, #tpu.memory_space<hbm>> -> memref<256xi32, #tpu.memory_space<hbm>>
      tpu.wait_dma2 semaphore(%run_scoped3A : memref<!tpu.dma_semaphore, #tpu.memory_space<semaphore_mem>>) src(%dma_wait3A_23 : memref<256xi32, #tpu.memory_space<hbm>>) dst(%arg8 : memref<256xi32, #tpu.memory_space<vmem>>)
      tpu.yield
    }) : () -> ()
    %iota3A = tpu.iota {dimensions = array<i32: 0>} : vector<16xi32>
    %dma_start3A = arith.constant 0 : i32
    %dma_start3A_3 = tpu.memref_slice %arg7[%dma_start3A] : memref<256xi32, #tpu.memory_space<vmem>> -> memref<8xi32, #tpu.memory_space<vmem>>
    %dma_start3A_4 = arith.constant 0 : i32
    %dma_start3A_5 = arith.constant 0 : i32
    %dma_start3A_6 = tpu.memref_slice %arg2[%dma_start3A_4, %dma_start3A_5] : memref<8192x8192xf32, #tpu.memory_space<hbm>> -> memref<8192x4096xf32, #tpu.memory_space<hbm>>
    tpu.enqueue_indirect_dma source(%dma_start3A_6 : memref<8192x4096xf32, #tpu.memory_space<hbm>>) target(%arg10 : memref<8x4096xf32, #tpu.memory_space<vmem>>) offsets(%dma_start3A_3 : memref<8xi32, #tpu.memory_space<vmem>>) semaphore(%arg12 : memref<!tpu.dma_semaphore, #tpu.memory_space<semaphore_mem>>)
    %mul3A_7 = arith.constant 0 : i32
    %mul3A_8 = vector.broadcast %mul3A_7 : i32 to vector<16xi32>
    %mul3A_9 = arith.muli %iota3A, %mul3A_8 : vector<16xi32>
    %convert_element_type3A = arith.sitofp %mul3A_9 : vector<16xi32> to vector<16xf32>
    %scan3A = arith.constant 1 : i32
    %scan3A_10 = arith.constant 0 : i32
    %scan3A_11 = arith.constant 16 : i32
    %scan3A_12 = arith.addi %scan3A_10, %scan3A_11 : i32
    %scan3A_13 = arith.constant 1 : i32
    %scan3A_14 = scf.for %scan3A_21 = %scan3A_10 to %scan3A_12 step %scan3A_13 iter_args(%scan3A_22 = %convert_element_type3A) -> (vector<16xf32>)  : i32 {
      %mul3A_23 = arith.constant 16 : i32
      %mul3A_24 = arith.muli %scan3A_21, %mul3A_23 : i32
      %get3A = arith.index_cast %mul3A_24 : i32 to index
      %get3A_25 = tpu.vector_load %arg8[%get3A] {strides = array<i32>} : memref<256xi32, #tpu.memory_space<vmem>>, vector<16xi32>,
      %get3A_26 = vector.shape_cast %get3A_25 : vector<16xi32> to vector<16xi32>
      %mul3A_27 = arith.constant 2 : i32
      %mul3A_28 = arith.muli %scan3A_21, %mul3A_27 : i32
      %add3A_29 = arith.constant 0 : i32
      %add3A_30 = arith.addi %mul3A_28, %add3A_29 : i32
      %mul3A_31 = arith.constant 8 : i32
      %mul3A_32 = arith.muli %add3A_30, %mul3A_31 : i32
      %dma_wait3A = tpu.memref_slice %arg7[%mul3A_32] : memref<256xi32, #tpu.memory_space<vmem>> -> memref<8xi32, #tpu.memory_space<vmem>>
      %dma_wait3A_33 = arith.constant 0 : i32
      %dma_wait3A_34 = arith.constant 0 : i32
      %dma_wait3A_35 = tpu.memref_slice %arg2[%dma_wait3A_33, %dma_wait3A_34] : memref<8192x8192xf32, #tpu.memory_space<hbm>> -> memref<8192x4096xf32, #tpu.memory_space<hbm>>
      tpu.wait_indirect_dma semaphore(%arg12 : memref<!tpu.dma_semaphore, #tpu.memory_space<semaphore_mem>>) src(%dma_wait3A_35 : memref<8192x4096xf32, #tpu.memory_space<hbm>>) dst(%arg10 : memref<8x4096xf32, #tpu.memory_space<vmem>>)
      %mul3A_36 = arith.constant 8 : i32
      %mul3A_37 = arith.muli %add3A_30, %mul3A_36 : i32
      %dma_start3A_38 = tpu.memref_slice %arg7[%mul3A_37] : memref<256xi32, #tpu.memory_space<vmem>> -> memref<8xi32, #tpu.memory_space<vmem>>
      %dma_start3A_39 = arith.constant 0 : i32
      %dma_start3A_40 = arith.constant 4096 : i32
      %dma_start3A_41 = tpu.memref_slice %arg2[%dma_start3A_39, %dma_start3A_40] : memref<8192x8192xf32, #tpu.memory_space<hbm>> -> memref<8192x4096xf32, #tpu.memory_space<hbm>>
      tpu.enqueue_indirect_dma source(%dma_start3A_41 : memref<8192x4096xf32, #tpu.memory_space<hbm>>) target(%arg11 : memref<8x4096xf32, #tpu.memory_space<vmem>>) offsets(%dma_start3A_38 : memref<8xi32, #tpu.memory_space<vmem>>) semaphore(%arg13 : memref<!tpu.dma_semaphore, #tpu.memory_space<semaphore_mem>>)
      %mul3A_42 = arith.constant 8 : i32
      %mul3A_43 = arith.muli %add3A_30, %mul3A_42 : i32
      %add3A_44 = arith.addi %mul3A_2, %mul3A_43 : i32
      "tpu.region"() ({
        %run_scoped3A = tpu.sem_alloc : memref<!tpu.dma_semaphore, #tpu.memory_space<semaphore_mem>>
        %dma_start3A_2714 = arith.constant 0 : i32
        %dma_start3A_2715 = tpu.memref_slice %arg5[%add3A_44, %dma_start3A_2714] : memref<8192x8192xf32, #tpu.memory_space<hbm>> -> memref<8x4096xf32, #tpu.memory_space<hbm>>
        %dma_start3A_2716 = arith.constant 0 : i32
        %dma_start3A_2717 = tpu.memref_slice %arg5[%add3A_44, %dma_start3A_2716] : memref<8192x8192xf32, #tpu.memory_space<hbm>> -> memref<8x4096xf32, #tpu.memory_space<hbm>>
        tpu.enqueue_dma source(%arg10 : memref<8x4096xf32, #tpu.memory_space<vmem>>) target(%dma_start3A_2717 : memref<8x4096xf32, #tpu.memory_space<hbm>>) target_semaphore(%run_scoped3A : memref<!tpu.dma_semaphore, #tpu.memory_space<semaphore_mem>>)
        %dma_wait3A_2718 = arith.constant 0 : i32
        %dma_wait3A_2719 = tpu.memref_slice %arg5[%add3A_44, %dma_wait3A_2718] : memref<8192x8192xf32, #tpu.memory_space<hbm>> -> memref<8x4096xf32, #tpu.memory_space<hbm>>
        %dma_wait3A_2720 = arith.constant 0 : i32
        %dma_wait3A_2721 = tpu.memref_slice %arg5[%add3A_44, %dma_wait3A_2720] : memref<8192x8192xf32, #tpu.memory_space<hbm>> -> memref<8x4096xf32, #tpu.memory_space<hbm>>
        tpu.wait_dma2 semaphore(%run_scoped3A : memref<!tpu.dma_semaphore, #tpu.memory_space<semaphore_mem>>) src(%arg10 : memref<8x4096xf32, #tpu.memory_space<vmem>>) dst(%dma_wait3A_2721 : memref<8x4096xf32, #tpu.memory_space<hbm>>)
        tpu.yield
      }) : () -> ()
      %mul3A_45 = arith.constant 8 : i32
      %mul3A_46 = arith.muli %add3A_30, %mul3A_45 : i32
      %dma_wait3A_47 = tpu.memref_slice %arg7[%mul3A_46] : memref<256xi32, #tpu.memory_space<vmem>> -> memref<8xi32, #tpu.memory_space<vmem>>
      %dma_wait3A_48 = arith.constant 0 : i32
      %dma_wait3A_49 = arith.constant 4096 : i32
      %dma_wait3A_50 = tpu.memref_slice %arg2[%dma_wait3A_48, %dma_wait3A_49] : memref<8192x8192xf32, #tpu.memory_space<hbm>> -> memref<8192x4096xf32, #tpu.memory_space<hbm>>
      tpu.wait_indirect_dma semaphore(%arg13 : memref<!tpu.dma_semaphore, #tpu.memory_space<semaphore_mem>>) src(%dma_wait3A_50 : memref<8192x4096xf32, #tpu.memory_space<hbm>>) dst(%arg11 : memref<8x4096xf32, #tpu.memory_space<vmem>>)
      %mul3A_51 = arith.constant 0 : i32
      %mul3A_52 = vector.broadcast %mul3A_51 : i32 to vector<16xi32>
      %mul3A_53 = arith.muli %iota3A, %mul3A_52 : vector<16xi32>
      %convert_element_type3A_54 = arith.sitofp %mul3A_53 : vector<16xi32> to vector<16xf32>
      %slice3A = vector.extract_strided_slice %get3A_26 {offsets = [0], sizes = [1], strides = [1]} : vector<16xi32> to vector<1xi32>
      %squeeze3A = vector.extract %slice3A[0] : i32 from vector<1xi32>
      %jit3A = arith.constant 4096 : i32
      %div3A = arith.divsi %squeeze3A, %jit3A : i32
      %sign3A = arith.constant 0 : i32
      %sign3A_55 = arith.cmpi sgt, %squeeze3A, %sign3A : i32
      %sign3A_56 = arith.extui %sign3A_55 : i1 to i32
      %sign3A_57 = arith.constant 0 : i32
      %sign3A_58 = arith.cmpi slt, %squeeze3A, %sign3A_57 : i32
      %sign3A_59 = arith.extui %sign3A_58 : i1 to i32
      %sign3A_60 = arith.subi %sign3A_56, %sign3A_59 : i32
      %sign3A_61 = arith.constant 0 : i32
      %sign3A_62 = arith.cmpi sgt, %jit3A, %sign3A_61 : i32
      %sign3A_63 = arith.extui %sign3A_62 : i1 to i32
      %sign3A_64 = arith.constant 0 : i32
      %sign3A_65 = arith.cmpi slt, %jit3A, %sign3A_64 : i32
      %sign3A_66 = arith.extui %sign3A_65 : i1 to i32
      %sign3A_67 = arith.subi %sign3A_63, %sign3A_66 : i32
      %ne3A = arith.cmpi ne, %sign3A_60, %sign3A_67 : i32
      %rem3A = arith.remsi %squeeze3A, %jit3A : i32
      %ne3A_68 = arith.constant 0 : i32
      %ne3A_69 = arith.cmpi ne, %rem3A, %ne3A_68 : i32
      %and3A = arith.andi %ne3A, %ne3A_69 : i1
      %sub3A = arith.constant 1 : i32
      %sub3A_70 = arith.subi %div3A, %sub3A : i32
      %select_n3A = arith.select %and3A, %sub3A_70, %div3A : i32
      %jit3A_71 = arith.constant 0 : i32
      %jit3A_72 = arith.constant 4095 : i32
      %max3A = arith.maxsi %jit3A_71, %squeeze3A : i32
      %min3A = arith.minsi %jit3A_72, %max3A : i32
      %sub3A_73 = arith.constant 4096 : i32
      %sub3A_74 = arith.subi %squeeze3A, %sub3A_73 : i32
      %jit3A_75 = arith.constant 0 : i32
      %jit3A_76 = arith.constant 4095 : i32
      %max3A_77 = arith.maxsi %jit3A_75, %sub3A_74 : i32
      %min3A_78 = arith.minsi %jit3A_76, %max3A_77 : i32
      %sub3A_79 = arith.constant 0 : i32
      %sub3A_80 = arith.subi %select_n3A, %sub3A_79 : i32
      %abs3A = math.absi %sub3A_80 : i32
      %sub3A_81 = arith.subi %scan3A, %abs3A : i32
      %convert_element_type3A_82 = arith.sitofp %sub3A_81 : i32 to f32
      %jit3A_83 = arith.constant 16 : i32
      %div3A_84 = arith.divsi %min3A, %jit3A_83 : i32
      %sign3A_85 = arith.constant 0 : i32
      %sign3A_86 = arith.cmpi sgt, %min3A, %sign3A_85 : i32
      %sign3A_87 = arith.extui %sign3A_86 : i1 to i32
      %sign3A_88 = arith.constant 0 : i32
      %sign3A_89 = arith.cmpi slt, %min3A, %sign3A_88 : i32
      %sign3A_90 = arith.extui %sign3A_89 : i1 to i32
      %sign3A_91 = arith.subi %sign3A_87, %sign3A_90 : i32
      %sign3A_92 = arith.constant 0 : i32
      %sign3A_93 = arith.cmpi sgt, %jit3A_83, %sign3A_92 : i32
      %sign3A_94 = arith.extui %sign3A_93 : i1 to i32
      %sign3A_95 = arith.constant 0 : i32
      %sign3A_96 = arith.cmpi slt, %jit3A_83, %sign3A_95 : i32
      %sign3A_97 = arith.extui %sign3A_96 : i1 to i32
      %sign3A_98 = arith.subi %sign3A_94, %sign3A_97 : i32
      %ne3A_99 = arith.cmpi ne, %sign3A_91, %sign3A_98 : i32
      %rem3A_100 = arith.remsi %min3A, %jit3A_83 : i32
      %ne3A_101 = arith.constant 0 : i32
      %ne3A_102 = arith.cmpi ne, %rem3A_100, %ne3A_101 : i32
      %and3A_103 = arith.andi %ne3A_99, %ne3A_102 : i1
      %sub3A_104 = arith.constant 1 : i32
      %sub3A_105 = arith.subi %div3A_84, %sub3A_104 : i32
      %select_n3A_106 = arith.select %and3A_103, %sub3A_105, %div3A_84 : i32
      %mul3A_107 = arith.constant 16 : i32
      %mul3A_108 = arith.muli %select_n3A_106, %mul3A_107 : i32
      %jit3A_109 = arith.constant 16 : i32
      %eq3A = arith.constant 0 : i32
      %eq3A_110 = arith.cmpi eq, %jit3A_109, %eq3A : i32
      %jit3A_111 = arith.constant 1 : i32
      %select_n3A_112 = arith.select %eq3A_110, %jit3A_111, %jit3A_109 : i32
      %rem3A_113 = arith.remsi %min3A, %select_n3A_112 : i32
      %ne3A_114 = arith.constant 0 : i32
      %ne3A_115 = arith.cmpi ne, %rem3A_113, %ne3A_114 : i32
      %lt3A = arith.constant 0 : i32
      %lt3A_116 = arith.cmpi slt, %rem3A_113, %lt3A : i32
      %lt3A_117 = arith.constant 0 : i32
      %lt3A_118 = arith.cmpi slt, %select_n3A_112, %lt3A_117 : i32
      %ne3A_119 = arith.xori %lt3A_116, %lt3A_118 : i1
      %and3A_120 = arith.andi %ne3A_119, %ne3A_115 : i1
      %add3A_121 = arith.addi %rem3A_113, %select_n3A_112 : i32
      %select_n3A_122 = arith.select %and3A_120, %add3A_121, %rem3A_113 : i32
      %sub3A_123 = vector.broadcast %select_n3A_122 : i32 to vector<16xi32>
      %sub3A_124 = arith.subi %iota3A, %sub3A_123 : vector<16xi32>
      %abs3A_125 = math.absi %sub3A_124 : vector<16xi32>
      %min3A_126 = vector.broadcast %scan3A : i32 to vector<16xi32>
      %min3A_127 = arith.minsi %min3A_126, %abs3A_125 : vector<16xi32>
      %sub3A_128 = vector.broadcast %scan3A : i32 to vector<16xi32>
      %sub3A_129 = arith.subi %sub3A_128, %min3A_127 : vector<16xi32>
      %convert_element_type3A_130 = arith.sitofp %sub3A_129 : vector<16xi32> to vector<16xf32>
      %get3A_131 = arith.constant 0 : i32
      %get3A_132 = arith.index_cast %get3A_131 : i32 to index
      %get3A_133 = arith.index_cast %mul3A_108 : i32 to index
      %get3A_134 = tpu.vector_load %arg10[%get3A_132, %get3A_133] {strides = array<i32>} : memref<8x4096xf32, #tpu.memory_space<vmem>>, vector<1x16xf32>,
      %get3A_135 = vector.shape_cast %get3A_134 : vector<1x16xf32> to vector<16xf32>
      %mul3A_136 = arith.mulf %get3A_135, %convert_element_type3A_130 : vector<16xf32>
      %mul3A_137 = vector.broadcast %convert_element_type3A_82 : f32 to vector<16xf32>
      %mul3A_138 = arith.mulf %mul3A_136, %mul3A_137 : vector<16xf32>
      %add3A_139 = arith.addf %convert_element_type3A_54, %mul3A_138 : vector<16xf32>
      %sub3A_140 = arith.constant 1 : i32
      %sub3A_141 = arith.subi %select_n3A, %sub3A_140 : i32
      %abs3A_142 = math.absi %sub3A_141 : i32
      %sub3A_143 = arith.subi %scan3A, %abs3A_142 : i32
      %convert_element_type3A_144 = arith.sitofp %sub3A_143 : i32 to f32
      %jit3A_145 = arith.constant 16 : i32
      %div3A_146 = arith.divsi %min3A_78, %jit3A_145 : i32
      %sign3A_147 = arith.constant 0 : i32
      %sign3A_148 = arith.cmpi sgt, %min3A_78, %sign3A_147 : i32
      %sign3A_149 = arith.extui %sign3A_148 : i1 to i32
      %sign3A_150 = arith.constant 0 : i32
      %sign3A_151 = arith.cmpi slt, %min3A_78, %sign3A_150 : i32
      %sign3A_152 = arith.extui %sign3A_151 : i1 to i32
      %sign3A_153 = arith.subi %sign3A_149, %sign3A_152 : i32
      %sign3A_154 = arith.constant 0 : i32
      %sign3A_155 = arith.cmpi sgt, %jit3A_145, %sign3A_154 : i32
      %sign3A_156 = arith.extui %sign3A_155 : i1 to i32
      %sign3A_157 = arith.constant 0 : i32
      %sign3A_158 = arith.cmpi slt, %jit3A_145, %sign3A_157 : i32
      %sign3A_159 = arith.extui %sign3A_158 : i1 to i32
      %sign3A_160 = arith.subi %sign3A_156, %sign3A_159 : i32
      %ne3A_161 = arith.cmpi ne, %sign3A_153, %sign3A_160 : i32
      %rem3A_162 = arith.remsi %min3A_78, %jit3A_145 : i32
      %ne3A_163 = arith.constant 0 : i32
      %ne3A_164 = arith.cmpi ne, %rem3A_162, %ne3A_163 : i32
      %and3A_165 = arith.andi %ne3A_161, %ne3A_164 : i1
      %sub3A_166 = arith.constant 1 : i32
      %sub3A_167 = arith.subi %div3A_146, %sub3A_166 : i32
      %select_n3A_168 = arith.select %and3A_165, %sub3A_167, %div3A_146 : i32
      %mul3A_169 = arith.constant 16 : i32
      %mul3A_170 = arith.muli %select_n3A_168, %mul3A_169 : i32
      %jit3A_171 = arith.constant 16 : i32
      %eq3A_172 = arith.constant 0 : i32
      %eq3A_173 = arith.cmpi eq, %jit3A_171, %eq3A_172 : i32
      %jit3A_174 = arith.constant 1 : i32
      %select_n3A_175 = arith.select %eq3A_173, %jit3A_174, %jit3A_171 : i32
      %rem3A_176 = arith.remsi %min3A_78, %select_n3A_175 : i32
      %ne3A_177 = arith.constant 0 : i32
      %ne3A_178 = arith.cmpi ne, %rem3A_176, %ne3A_177 : i32
      %lt3A_179 = arith.constant 0 : i32
      %lt3A_180 = arith.cmpi slt, %rem3A_176, %lt3A_179 : i32
      %lt3A_181 = arith.constant 0 : i32
      %lt3A_182 = arith.cmpi slt, %select_n3A_175, %lt3A_181 : i32
      %ne3A_183 = arith.xori %lt3A_180, %lt3A_182 : i1
      %and3A_184 = arith.andi %ne3A_183, %ne3A_178 : i1
      %add3A_185 = arith.addi %rem3A_176, %select_n3A_175 : i32
      %select_n3A_186 = arith.select %and3A_184, %add3A_185, %rem3A_176 : i32
      %sub3A_187 = vector.broadcast %select_n3A_186 : i32 to vector<16xi32>
      %sub3A_188 = arith.subi %iota3A, %sub3A_187 : vector<16xi32>
      %abs3A_189 = math.absi %sub3A_188 : vector<16xi32>
      %min3A_190 = vector.broadcast %scan3A : i32 to vector<16xi32>
      %min3A_191 = arith.minsi %min3A_190, %abs3A_189 : vector<16xi32>
      %sub3A_192 = vector.broadcast %scan3A : i32 to vector<16xi32>
      %sub3A_193 = arith.subi %sub3A_192, %min3A_191 : vector<16xi32>
      %convert_element_type3A_194 = arith.sitofp %sub3A_193 : vector<16xi32> to vector<16xf32>
      %get3A_195 = arith.constant 0 : i32
      %get3A_196 = arith.index_cast %get3A_195 : i32 to index
      %get3A_197 = arith.index_cast %mul3A_170 : i32 to index
      %get3A_198 = tpu.vector_load %arg11[%get3A_196, %get3A_197] {strides = array<i32>} : memref<8x4096xf32, #tpu.memory_space<vmem>>, vector<1x16xf32>,
      %get3A_199 = vector.shape_cast %get3A_198 : vector<1x16xf32> to vector<16xf32>
      %mul3A_200 = arith.mulf %get3A_199, %convert_element_type3A_194 : vector<16xf32>
      %mul3A_201 = vector.broadcast %convert_element_type3A_144 : f32 to vector<16xf32>
      %mul3A_202 = arith.mulf %mul3A_200, %mul3A_201 : vector<16xf32>
      %add3A_203 = arith.addf %add3A_139, %mul3A_202 : vector<16xf32>
      %slice3A_204 = vector.extract_strided_slice %get3A_26 {offsets = [1], sizes = [1], strides = [1]} : vector<16xi32> to vector<1xi32>
      %squeeze3A_205 = vector.extract %slice3A_204[0] : i32 from vector<1xi32>
      %jit3A_206 = arith.constant 4096 : i32
      %div3A_207 = arith.divsi %squeeze3A_205, %jit3A_206 : i32
      %sign3A_208 = arith.constant 0 : i32
      %sign3A_209 = arith.cmpi sgt, %squeeze3A_205, %sign3A_208 : i32
      %sign3A_210 = arith.extui %sign3A_209 : i1 to i32
      %sign3A_211 = arith.constant 0 : i32
      %sign3A_212 = arith.cmpi slt, %squeeze3A_205, %sign3A_211 : i32
      %sign3A_213 = arith.extui %sign3A_212 : i1 to i32
      %sign3A_214 = arith.subi %sign3A_210, %sign3A_213 : i32
      %sign3A_215 = arith.constant 0 : i32
      %sign3A_216 = arith.cmpi sgt, %jit3A_206, %sign3A_215 : i32
      %sign3A_217 = arith.extui %sign3A_216 : i1 to i32
      %sign3A_218 = arith.constant 0 : i32
      %sign3A_219 = arith.cmpi slt, %jit3A_206, %sign3A_218 : i32
      %sign3A_220 = arith.extui %sign3A_219 : i1 to i32
      %sign3A_221 = arith.subi %sign3A_217, %sign3A_220 : i32
      %ne3A_222 = arith.cmpi ne, %sign3A_214, %sign3A_221 : i32
      %rem3A_223 = arith.remsi %squeeze3A_205, %jit3A_206 : i32
      %ne3A_224 = arith.constant 0 : i32
      %ne3A_225 = arith.cmpi ne, %rem3A_223, %ne3A_224 : i32
      %and3A_226 = arith.andi %ne3A_222, %ne3A_225 : i1
      %sub3A_227 = arith.constant 1 : i32
      %sub3A_228 = arith.subi %div3A_207, %sub3A_227 : i32
      %select_n3A_229 = arith.select %and3A_226, %sub3A_228, %div3A_207 : i32
      %jit3A_230 = arith.constant 0 : i32
      %jit3A_231 = arith.constant 4095 : i32
      %max3A_232 = arith.maxsi %jit3A_230, %squeeze3A_205 : i32
      %min3A_233 = arith.minsi %jit3A_231, %max3A_232 : i32
      %sub3A_234 = arith.constant 4096 : i32
      %sub3A_235 = arith.subi %squeeze3A_205, %sub3A_234 : i32
      %jit3A_236 = arith.constant 0 : i32
      %jit3A_237 = arith.constant 4095 : i32
      %max3A_238 = arith.maxsi %jit3A_236, %sub3A_235 : i32
      %min3A_239 = arith.minsi %jit3A_237, %max3A_238 : i32
      %sub3A_240 = arith.constant 0 : i32
      %sub3A_241 = arith.subi %select_n3A_229, %sub3A_240 : i32
      %abs3A_242 = math.absi %sub3A_241 : i32
      %sub3A_243 = arith.subi %scan3A, %abs3A_242 : i32
      %convert_element_type3A_244 = arith.sitofp %sub3A_243 : i32 to f32
      %jit3A_245 = arith.constant 16 : i32
      %div3A_246 = arith.divsi %min3A_233, %jit3A_245 : i32
      %sign3A_247 = arith.constant 0 : i32
      %sign3A_248 = arith.cmpi sgt, %min3A_233, %sign3A_247 : i32
      %sign3A_249 = arith.extui %sign3A_248 : i1 to i32
      %sign3A_250 = arith.constant 0 : i32
      %sign3A_251 = arith.cmpi slt, %min3A_233, %sign3A_250 : i32
      %sign3A_252 = arith.extui %sign3A_251 : i1 to i32
      %sign3A_253 = arith.subi %sign3A_249, %sign3A_252 : i32
      %sign3A_254 = arith.constant 0 : i32
      %sign3A_255 = arith.cmpi sgt, %jit3A_245, %sign3A_254 : i32
      %sign3A_256 = arith.extui %sign3A_255 : i1 to i32
      %sign3A_257 = arith.constant 0 : i32
      %sign3A_258 = arith.cmpi slt, %jit3A_245, %sign3A_257 : i32
      %sign3A_259 = arith.extui %sign3A_258 : i1 to i32
      %sign3A_260 = arith.subi %sign3A_256, %sign3A_259 : i32
      %ne3A_261 = arith.cmpi ne, %sign3A_253, %sign3A_260 : i32
      %rem3A_262 = arith.remsi %min3A_233, %jit3A_245 : i32
      %ne3A_263 = arith.constant 0 : i32
      %ne3A_264 = arith.cmpi ne, %rem3A_262, %ne3A_263 : i32
      %and3A_265 = arith.andi %ne3A_261, %ne3A_264 : i1
      %sub3A_266 = arith.constant 1 : i32
      %sub3A_267 = arith.subi %div3A_246, %sub3A_266 : i32
      %select_n3A_268 = arith.select %and3A_265, %sub3A_267, %div3A_246 : i32
      %mul3A_269 = arith.constant 16 : i32
      %mul3A_270 = arith.muli %select_n3A_268, %mul3A_269 : i32
      %jit3A_271 = arith.constant 16 : i32
      %eq3A_272 = arith.constant 0 : i32
      %eq3A_273 = arith.cmpi eq, %jit3A_271, %eq3A_272 : i32
      %jit3A_274 = arith.constant 1 : i32
      %select_n3A_275 = arith.select %eq3A_273, %jit3A_274, %jit3A_271 : i32
      %rem3A_276 = arith.remsi %min3A_233, %select_n3A_275 : i32
      %ne3A_277 = arith.constant 0 : i32
      %ne3A_278 = arith.cmpi ne, %rem3A_276, %ne3A_277 : i32
      %lt3A_279 = arith.constant 0 : i32
      %lt3A_280 = arith.cmpi slt, %rem3A_276, %lt3A_279 : i32
      %lt3A_281 = arith.constant 0 : i32
      %lt3A_282 = arith.cmpi slt, %select_n3A_275, %lt3A_281 : i32
      %ne3A_283 = arith.xori %lt3A_280, %lt3A_282 : i1
      %and3A_284 = arith.andi %ne3A_283, %ne3A_278 : i1
      %add3A_285 = arith.addi %rem3A_276, %select_n3A_275 : i32
      %select_n3A_286 = arith.select %and3A_284, %add3A_285, %rem3A_276 : i32
      %sub3A_287 = vector.broadcast %select_n3A_286 : i32 to vector<16xi32>
      %sub3A_288 = arith.subi %iota3A, %sub3A_287 : vector<16xi32>
      %abs3A_289 = math.absi %sub3A_288 : vector<16xi32>
      %min3A_290 = vector.broadcast %scan3A : i32 to vector<16xi32>
      %min3A_291 = arith.minsi %min3A_290, %abs3A_289 : vector<16xi32>
      %sub3A_292 = vector.broadcast %scan3A : i32 to vector<16xi32>
      %sub3A_293 = arith.subi %sub3A_292, %min3A_291 : vector<16xi32>
      %convert_element_type3A_294 = arith.sitofp %sub3A_293 : vector<16xi32> to vector<16xf32>
      %get3A_295 = arith.constant 1 : i32
      %get3A_296 = arith.index_cast %get3A_295 : i32 to index
      %get3A_297 = arith.index_cast %mul3A_270 : i32 to index
      %get3A_298 = tpu.vector_load %arg10[%get3A_296, %get3A_297] {strides = array<i32>} : memref<8x4096xf32, #tpu.memory_space<vmem>>, vector<1x16xf32>,
      %get3A_299 = vector.shape_cast %get3A_298 : vector<1x16xf32> to vector<16xf32>
      %mul3A_300 = arith.mulf %get3A_299, %convert_element_type3A_294 : vector<16xf32>
      %mul3A_301 = vector.broadcast %convert_element_type3A_244 : f32 to vector<16xf32>
      %mul3A_302 = arith.mulf %mul3A_300, %mul3A_301 : vector<16xf32>
      %add3A_303 = arith.addf %add3A_203, %mul3A_302 : vector<16xf32>
      %sub3A_304 = arith.constant 1 : i32
      %sub3A_305 = arith.subi %select_n3A_229, %sub3A_304 : i32
      %abs3A_306 = math.absi %sub3A_305 : i32
      %sub3A_307 = arith.subi %scan3A, %abs3A_306 : i32
      %convert_element_type3A_308 = arith.sitofp %sub3A_307 : i32 to f32
      %jit3A_309 = arith.constant 16 : i32
      %div3A_310 = arith.divsi %min3A_239, %jit3A_309 : i32
      %sign3A_311 = arith.constant 0 : i32
      %sign3A_312 = arith.cmpi sgt, %min3A_239, %sign3A_311 : i32
      %sign3A_313 = arith.extui %sign3A_312 : i1 to i32
      %sign3A_314 = arith.constant 0 : i32
      %sign3A_315 = arith.cmpi slt, %min3A_239, %sign3A_314 : i32
      %sign3A_316 = arith.extui %sign3A_315 : i1 to i32
      %sign3A_317 = arith.subi %sign3A_313, %sign3A_316 : i32
      %sign3A_318 = arith.constant 0 : i32
      %sign3A_319 = arith.cmpi sgt, %jit3A_309, %sign3A_318 : i32
      %sign3A_320 = arith.extui %sign3A_319 : i1 to i32
      %sign3A_321 = arith.constant 0 : i32
      %sign3A_322 = arith.cmpi slt, %jit3A_309, %sign3A_321 : i32
      %sign3A_323 = arith.extui %sign3A_322 : i1 to i32
      %sign3A_324 = arith.subi %sign3A_320, %sign3A_323 : i32
      %ne3A_325 = arith.cmpi ne, %sign3A_317, %sign3A_324 : i32
      %rem3A_326 = arith.remsi %min3A_239, %jit3A_309 : i32
      %ne3A_327 = arith.constant 0 : i32
      %ne3A_328 = arith.cmpi ne, %rem3A_326, %ne3A_327 : i32
      %and3A_329 = arith.andi %ne3A_325, %ne3A_328 : i1
      %sub3A_330 = arith.constant 1 : i32
      %sub3A_331 = arith.subi %div3A_310, %sub3A_330 : i32
      %select_n3A_332 = arith.select %and3A_329, %sub3A_331, %div3A_310 : i32
      %mul3A_333 = arith.constant 16 : i32
      %mul3A_334 = arith.muli %select_n3A_332, %mul3A_333 : i32
      %jit3A_335 = arith.constant 16 : i32
      %eq3A_336 = arith.constant 0 : i32
      %eq3A_337 = arith.cmpi eq, %jit3A_335, %eq3A_336 : i32
      %jit3A_338 = arith.constant 1 : i32
      %select_n3A_339 = arith.select %eq3A_337, %jit3A_338, %jit3A_335 : i32
      %rem3A_340 = arith.remsi %min3A_239, %select_n3A_339 : i32
      %ne3A_341 = arith.constant 0 : i32
      %ne3A_342 = arith.cmpi ne, %rem3A_340, %ne3A_341 : i32
      %lt3A_343 = arith.constant 0 : i32
      %lt3A_344 = arith.cmpi slt, %rem3A_340, %lt3A_343 : i32
      %lt3A_345 = arith.constant 0 : i32
      %lt3A_346 = arith.cmpi slt, %select_n3A_339, %lt3A_345 : i32
      %ne3A_347 = arith.xori %lt3A_344, %lt3A_346 : i1
      %and3A_348 = arith.andi %ne3A_347, %ne3A_342 : i1
      %add3A_349 = arith.addi %rem3A_340, %select_n3A_339 : i32
      %select_n3A_350 = arith.select %and3A_348, %add3A_349, %rem3A_340 : i32
      %sub3A_351 = vector.broadcast %select_n3A_350 : i32 to vector<16xi32>
      %sub3A_352 = arith.subi %iota3A, %sub3A_351 : vector<16xi32>
      %abs3A_353 = math.absi %sub3A_352 : vector<16xi32>
      %min3A_354 = vector.broadcast %scan3A : i32 to vector<16xi32>
      %min3A_355 = arith.minsi %min3A_354, %abs3A_353 : vector<16xi32>
      %sub3A_356 = vector.broadcast %scan3A : i32 to vector<16xi32>
      %sub3A_357 = arith.subi %sub3A_356, %min3A_355 : vector<16xi32>
      %convert_element_type3A_358 = arith.sitofp %sub3A_357 : vector<16xi32> to vector<16xf32>
      %get3A_359 = arith.constant 1 : i32
      %get3A_360 = arith.index_cast %get3A_359 : i32 to index
      %get3A_361 = arith.index_cast %mul3A_334 : i32 to index
      %get3A_362 = tpu.vector_load %arg11[%get3A_360, %get3A_361] {strides = array<i32>} : memref<8x4096xf32, #tpu.memory_space<vmem>>, vector<1x16xf32>,
      %get3A_363 = vector.shape_cast %get3A_362 : vector<1x16xf32> to vector<16xf32>
      %mul3A_364 = arith.mulf %get3A_363, %convert_element_type3A_358 : vector<16xf32>
      %mul3A_365 = vector.broadcast %convert_element_type3A_308 : f32 to vector<16xf32>
      %mul3A_366 = arith.mulf %mul3A_364, %mul3A_365 : vector<16xf32>
      %add3A_367 = arith.addf %add3A_303, %mul3A_366 : vector<16xf32>
      %slice3A_368 = vector.extract_strided_slice %get3A_26 {offsets = [2], sizes = [1], strides = [1]} : vector<16xi32> to vector<1xi32>
      %squeeze3A_369 = vector.extract %slice3A_368[0] : i32 from vector<1xi32>
      %jit3A_370 = arith.constant 4096 : i32
      %div3A_371 = arith.divsi %squeeze3A_369, %jit3A_370 : i32
      %sign3A_372 = arith.constant 0 : i32
      %sign3A_373 = arith.cmpi sgt, %squeeze3A_369, %sign3A_372 : i32
      %sign3A_374 = arith.extui %sign3A_373 : i1 to i32
      %sign3A_375 = arith.constant 0 : i32
      %sign3A_376 = arith.cmpi slt, %squeeze3A_369, %sign3A_375 : i32
      %sign3A_377 = arith.extui %sign3A_376 : i1 to i32
      %sign3A_378 = arith.subi %sign3A_374, %sign3A_377 : i32
      %sign3A_379 = arith.constant 0 : i32
      %sign3A_380 = arith.cmpi sgt, %jit3A_370, %sign3A_379 : i32
      %sign3A_381 = arith.extui %sign3A_380 : i1 to i32
      %sign3A_382 = arith.constant 0 : i32
      %sign3A_383 = arith.cmpi slt, %jit3A_370, %sign3A_382 : i32
      %sign3A_384 = arith.extui %sign3A_383 : i1 to i32
      %sign3A_385 = arith.subi %sign3A_381, %sign3A_384 : i32
      %ne3A_386 = arith.cmpi ne, %sign3A_378, %sign3A_385 : i32
      %rem3A_387 = arith.remsi %squeeze3A_369, %jit3A_370 : i32
      %ne3A_388 = arith.constant 0 : i32
      %ne3A_389 = arith.cmpi ne, %rem3A_387, %ne3A_388 : i32
      %and3A_390 = arith.andi %ne3A_386, %ne3A_389 : i1
      %sub3A_391 = arith.constant 1 : i32
      %sub3A_392 = arith.subi %div3A_371, %sub3A_391 : i32
      %select_n3A_393 = arith.select %and3A_390, %sub3A_392, %div3A_371 : i32
      %jit3A_394 = arith.constant 0 : i32
      %jit3A_395 = arith.constant 4095 : i32
      %max3A_396 = arith.maxsi %jit3A_394, %squeeze3A_369 : i32
      %min3A_397 = arith.minsi %jit3A_395, %max3A_396 : i32
      %sub3A_398 = arith.constant 4096 : i32
      %sub3A_399 = arith.subi %squeeze3A_369, %sub3A_398 : i32
      %jit3A_400 = arith.constant 0 : i32
      %jit3A_401 = arith.constant 4095 : i32
      %max3A_402 = arith.maxsi %jit3A_400, %sub3A_399 : i32
      %min3A_403 = arith.minsi %jit3A_401, %max3A_402 : i32
      %sub3A_404 = arith.constant 0 : i32
      %sub3A_405 = arith.subi %select_n3A_393, %sub3A_404 : i32
      %abs3A_406 = math.absi %sub3A_405 : i32
      %sub3A_407 = arith.subi %scan3A, %abs3A_406 : i32
      %convert_element_type3A_408 = arith.sitofp %sub3A_407 : i32 to f32
      %jit3A_409 = arith.constant 16 : i32
      %div3A_410 = arith.divsi %min3A_397, %jit3A_409 : i32
      %sign3A_411 = arith.constant 0 : i32
      %sign3A_412 = arith.cmpi sgt, %min3A_397, %sign3A_411 : i32
      %sign3A_413 = arith.extui %sign3A_412 : i1 to i32
      %sign3A_414 = arith.constant 0 : i32
      %sign3A_415 = arith.cmpi slt, %min3A_397, %sign3A_414 : i32
      %sign3A_416 = arith.extui %sign3A_415 : i1 to i32
      %sign3A_417 = arith.subi %sign3A_413, %sign3A_416 : i32
      %sign3A_418 = arith.constant 0 : i32
      %sign3A_419 = arith.cmpi sgt, %jit3A_409, %sign3A_418 : i32
      %sign3A_420 = arith.extui %sign3A_419 : i1 to i32
      %sign3A_421 = arith.constant 0 : i32
      %sign3A_422 = arith.cmpi slt, %jit3A_409, %sign3A_421 : i32
      %sign3A_423 = arith.extui %sign3A_422 : i1 to i32
      %sign3A_424 = arith.subi %sign3A_420, %sign3A_423 : i32
      %ne3A_425 = arith.cmpi ne, %sign3A_417, %sign3A_424 : i32
      %rem3A_426 = arith.remsi %min3A_397, %jit3A_409 : i32
      %ne3A_427 = arith.constant 0 : i32
      %ne3A_428 = arith.cmpi ne, %rem3A_426, %ne3A_427 : i32
      %and3A_429 = arith.andi %ne3A_425, %ne3A_428 : i1
      %sub3A_430 = arith.constant 1 : i32
      %sub3A_431 = arith.subi %div3A_410, %sub3A_430 : i32
      %select_n3A_432 = arith.select %and3A_429, %sub3A_431, %div3A_410 : i32
      %mul3A_433 = arith.constant 16 : i32
      %mul3A_434 = arith.muli %select_n3A_432, %mul3A_433 : i32
      %jit3A_435 = arith.constant 16 : i32
      %eq3A_436 = arith.constant 0 : i32
      %eq3A_437 = arith.cmpi eq, %jit3A_435, %eq3A_436 : i32
      %jit3A_438 = arith.constant 1 : i32
      %select_n3A_439 = arith.select %eq3A_437, %jit3A_438, %jit3A_435 : i32
      %rem3A_440 = arith.remsi %min3A_397, %select_n3A_439 : i32
      %ne3A_441 = arith.constant 0 : i32
      %ne3A_442 = arith.cmpi ne, %rem3A_440, %ne3A_441 : i32
      %lt3A_443 = arith.constant 0 : i32
      %lt3A_444 = arith.cmpi slt, %rem3A_440, %lt3A_443 : i32
      %lt3A_445 = arith.constant 0 : i32
      %lt3A_446 = arith.cmpi slt, %select_n3A_439, %lt3A_445 : i32
      %ne3A_447 = arith.xori %lt3A_444, %lt3A_446 : i1
      %and3A_448 = arith.andi %ne3A_447, %ne3A_442 : i1
      %add3A_449 = arith.addi %rem3A_440, %select_n3A_439 : i32
      %select_n3A_450 = arith.select %and3A_448, %add3A_449, %rem3A_440 : i32
      %sub3A_451 = vector.broadcast %select_n3A_450 : i32 to vector<16xi32>
      %sub3A_452 = arith.subi %iota3A, %sub3A_451 : vector<16xi32>
      %abs3A_453 = math.absi %sub3A_452 : vector<16xi32>
      %min3A_454 = vector.broadcast %scan3A : i32 to vector<16xi32>
      %min3A_455 = arith.minsi %min3A_454, %abs3A_453 : vector<16xi32>
      %sub3A_456 = vector.broadcast %scan3A : i32 to vector<16xi32>
      %sub3A_457 = arith.subi %sub3A_456, %min3A_455 : vector<16xi32>
      %convert_element_type3A_458 = arith.sitofp %sub3A_457 : vector<16xi32> to vector<16xf32>
      %get3A_459 = arith.constant 2 : i32
      %get3A_460 = arith.index_cast %get3A_459 : i32 to index
      %get3A_461 = arith.index_cast %mul3A_434 : i32 to index
      %get3A_462 = tpu.vector_load %arg10[%get3A_460, %get3A_461] {strides = array<i32>} : memref<8x4096xf32, #tpu.memory_space<vmem>>, vector<1x16xf32>,
      %get3A_463 = vector.shape_cast %get3A_462 : vector<1x16xf32> to vector<16xf32>
      %mul3A_464 = arith.mulf %get3A_463, %convert_element_type3A_458 : vector<16xf32>
      %mul3A_465 = vector.broadcast %convert_element_type3A_408 : f32 to vector<16xf32>
      %mul3A_466 = arith.mulf %mul3A_464, %mul3A_465 : vector<16xf32>
      %add3A_467 = arith.addf %add3A_367, %mul3A_466 : vector<16xf32>
      %sub3A_468 = arith.constant 1 : i32
      %sub3A_469 = arith.subi %select_n3A_393, %sub3A_468 : i32
      %abs3A_470 = math.absi %sub3A_469 : i32
      %sub3A_471 = arith.subi %scan3A, %abs3A_470 : i32
      %convert_element_type3A_472 = arith.sitofp %sub3A_471 : i32 to f32
      %jit3A_473 = arith.constant 16 : i32
      %div3A_474 = arith.divsi %min3A_403, %jit3A_473 : i32
      %sign3A_475 = arith.constant 0 : i32
      %sign3A_476 = arith.cmpi sgt, %min3A_403, %sign3A_475 : i32
      %sign3A_477 = arith.extui %sign3A_476 : i1 to i32
      %sign3A_478 = arith.constant 0 : i32
      %sign3A_479 = arith.cmpi slt, %min3A_403, %sign3A_478 : i32
      %sign3A_480 = arith.extui %sign3A_479 : i1 to i32
      %sign3A_481 = arith.subi %sign3A_477, %sign3A_480 : i32
      %sign3A_482 = arith.constant 0 : i32
      %sign3A_483 = arith.cmpi sgt, %jit3A_473, %sign3A_482 : i32
      %sign3A_484 = arith.extui %sign3A_483 : i1 to i32
      %sign3A_485 = arith.constant 0 : i32
      %sign3A_486 = arith.cmpi slt, %jit3A_473, %sign3A_485 : i32
      %sign3A_487 = arith.extui %sign3A_486 : i1 to i32
      %sign3A_488 = arith.subi %sign3A_484, %sign3A_487 : i32
      %ne3A_489 = arith.cmpi ne, %sign3A_481, %sign3A_488 : i32
      %rem3A_490 = arith.remsi %min3A_403, %jit3A_473 : i32
      %ne3A_491 = arith.constant 0 : i32
      %ne3A_492 = arith.cmpi ne, %rem3A_490, %ne3A_491 : i32
      %and3A_493 = arith.andi %ne3A_489, %ne3A_492 : i1
      %sub3A_494 = arith.constant 1 : i32
      %sub3A_495 = arith.subi %div3A_474, %sub3A_494 : i32
      %select_n3A_496 = arith.select %and3A_493, %sub3A_495, %div3A_474 : i32
      %mul3A_497 = arith.constant 16 : i32
      %mul3A_498 = arith.muli %select_n3A_496, %mul3A_497 : i32
      %jit3A_499 = arith.constant 16 : i32
      %eq3A_500 = arith.constant 0 : i32
      %eq3A_501 = arith.cmpi eq, %jit3A_499, %eq3A_500 : i32
      %jit3A_502 = arith.constant 1 : i32
      %select_n3A_503 = arith.select %eq3A_501, %jit3A_502, %jit3A_499 : i32
      %rem3A_504 = arith.remsi %min3A_403, %select_n3A_503 : i32
      %ne3A_505 = arith.constant 0 : i32
      %ne3A_506 = arith.cmpi ne, %rem3A_504, %ne3A_505 : i32
      %lt3A_507 = arith.constant 0 : i32
      %lt3A_508 = arith.cmpi slt, %rem3A_504, %lt3A_507 : i32
      %lt3A_509 = arith.constant 0 : i32
      %lt3A_510 = arith.cmpi slt, %select_n3A_503, %lt3A_509 : i32
      %ne3A_511 = arith.xori %lt3A_508, %lt3A_510 : i1
      %and3A_512 = arith.andi %ne3A_511, %ne3A_506 : i1
      %add3A_513 = arith.addi %rem3A_504, %select_n3A_503 : i32
      %select_n3A_514 = arith.select %and3A_512, %add3A_513, %rem3A_504 : i32
      %sub3A_515 = vector.broadcast %select_n3A_514 : i32 to vector<16xi32>
      %sub3A_516 = arith.subi %iota3A, %sub3A_515 : vector<16xi32>
      %abs3A_517 = math.absi %sub3A_516 : vector<16xi32>
      %min3A_518 = vector.broadcast %scan3A : i32 to vector<16xi32>
      %min3A_519 = arith.minsi %min3A_518, %abs3A_517 : vector<16xi32>
      %sub3A_520 = vector.broadcast %scan3A : i32 to vector<16xi32>
      %sub3A_521 = arith.subi %sub3A_520, %min3A_519 : vector<16xi32>
      %convert_element_type3A_522 = arith.sitofp %sub3A_521 : vector<16xi32> to vector<16xf32>
      %get3A_523 = arith.constant 2 : i32
      %get3A_524 = arith.index_cast %get3A_523 : i32 to index
      %get3A_525 = arith.index_cast %mul3A_498 : i32 to index
      %get3A_526 = tpu.vector_load %arg11[%get3A_524, %get3A_525] {strides = array<i32>} : memref<8x4096xf32, #tpu.memory_space<vmem>>, vector<1x16xf32>,
      %get3A_527 = vector.shape_cast %get3A_526 : vector<1x16xf32> to vector<16xf32>
      %mul3A_528 = arith.mulf %get3A_527, %convert_element_type3A_522 : vector<16xf32>
      %mul3A_529 = vector.broadcast %convert_element_type3A_472 : f32 to vector<16xf32>
      %mul3A_530 = arith.mulf %mul3A_528, %mul3A_529 : vector<16xf32>
      %add3A_531 = arith.addf %add3A_467, %mul3A_530 : vector<16xf32>
      %slice3A_532 = vector.extract_strided_slice %get3A_26 {offsets = [3], sizes = [1], strides = [1]} : vector<16xi32> to vector<1xi32>
      %squeeze3A_533 = vector.extract %slice3A_532[0] : i32 from vector<1xi32>
      %jit3A_534 = arith.constant 4096 : i32
      %div3A_535 = arith.divsi %squeeze3A_533, %jit3A_534 : i32
      %sign3A_536 = arith.constant 0 : i32
      %sign3A_537 = arith.cmpi sgt, %squeeze3A_533, %sign3A_536 : i32
      %sign3A_538 = arith.extui %sign3A_537 : i1 to i32
      %sign3A_539 = arith.constant 0 : i32
      %sign3A_540 = arith.cmpi slt, %squeeze3A_533, %sign3A_539 : i32
      %sign3A_541 = arith.extui %sign3A_540 : i1 to i32
      %sign3A_542 = arith.subi %sign3A_538, %sign3A_541 : i32
      %sign3A_543 = arith.constant 0 : i32
      %sign3A_544 = arith.cmpi sgt, %jit3A_534, %sign3A_543 : i32
      %sign3A_545 = arith.extui %sign3A_544 : i1 to i32
      %sign3A_546 = arith.constant 0 : i32
      %sign3A_547 = arith.cmpi slt, %jit3A_534, %sign3A_546 : i32
      %sign3A_548 = arith.extui %sign3A_547 : i1 to i32
      %sign3A_549 = arith.subi %sign3A_545, %sign3A_548 : i32
      %ne3A_550 = arith.cmpi ne, %sign3A_542, %sign3A_549 : i32
      %rem3A_551 = arith.remsi %squeeze3A_533, %jit3A_534 : i32
      %ne3A_552 = arith.constant 0 : i32
      %ne3A_553 = arith.cmpi ne, %rem3A_551, %ne3A_552 : i32
      %and3A_554 = arith.andi %ne3A_550, %ne3A_553 : i1
      %sub3A_555 = arith.constant 1 : i32
      %sub3A_556 = arith.subi %div3A_535, %sub3A_555 : i32
      %select_n3A_557 = arith.select %and3A_554, %sub3A_556, %div3A_535 : i32
      %jit3A_558 = arith.constant 0 : i32
      %jit3A_559 = arith.constant 4095 : i32
      %max3A_560 = arith.maxsi %jit3A_558, %squeeze3A_533 : i32
      %min3A_561 = arith.minsi %jit3A_559, %max3A_560 : i32
      %sub3A_562 = arith.constant 4096 : i32
      %sub3A_563 = arith.subi %squeeze3A_533, %sub3A_562 : i32
      %jit3A_564 = arith.constant 0 : i32
      %jit3A_565 = arith.constant 4095 : i32
      %max3A_566 = arith.maxsi %jit3A_564, %sub3A_563 : i32
      %min3A_567 = arith.minsi %jit3A_565, %max3A_566 : i32
      %sub3A_568 = arith.constant 0 : i32
      %sub3A_569 = arith.subi %select_n3A_557, %sub3A_568 : i32
      %abs3A_570 = math.absi %sub3A_569 : i32
      %sub3A_571 = arith.subi %scan3A, %abs3A_570 : i32
      %convert_element_type3A_572 = arith.sitofp %sub3A_571 : i32 to f32
      %jit3A_573 = arith.constant 16 : i32
      %div3A_574 = arith.divsi %min3A_561, %jit3A_573 : i32
      %sign3A_575 = arith.constant 0 : i32
      %sign3A_576 = arith.cmpi sgt, %min3A_561, %sign3A_575 : i32
      %sign3A_577 = arith.extui %sign3A_576 : i1 to i32
      %sign3A_578 = arith.constant 0 : i32
      %sign3A_579 = arith.cmpi slt, %min3A_561, %sign3A_578 : i32
      %sign3A_580 = arith.extui %sign3A_579 : i1 to i32
      %sign3A_581 = arith.subi %sign3A_577, %sign3A_580 : i32
      %sign3A_582 = arith.constant 0 : i32
      %sign3A_583 = arith.cmpi sgt, %jit3A_573, %sign3A_582 : i32
      %sign3A_584 = arith.extui %sign3A_583 : i1 to i32
      %sign3A_585 = arith.constant 0 : i32
      %sign3A_586 = arith.cmpi slt, %jit3A_573, %sign3A_585 : i32
      %sign3A_587 = arith.extui %sign3A_586 : i1 to i32
      %sign3A_588 = arith.subi %sign3A_584, %sign3A_587 : i32
      %ne3A_589 = arith.cmpi ne, %sign3A_581, %sign3A_588 : i32
      %rem3A_590 = arith.remsi %min3A_561, %jit3A_573 : i32
      %ne3A_591 = arith.constant 0 : i32
      %ne3A_592 = arith.cmpi ne, %rem3A_590, %ne3A_591 : i32
      %and3A_593 = arith.andi %ne3A_589, %ne3A_592 : i1
      %sub3A_594 = arith.constant 1 : i32
      %sub3A_595 = arith.subi %div3A_574, %sub3A_594 : i32
      %select_n3A_596 = arith.select %and3A_593, %sub3A_595, %div3A_574 : i32
      %mul3A_597 = arith.constant 16 : i32
      %mul3A_598 = arith.muli %select_n3A_596, %mul3A_597 : i32
      %jit3A_599 = arith.constant 16 : i32
      %eq3A_600 = arith.constant 0 : i32
      %eq3A_601 = arith.cmpi eq, %jit3A_599, %eq3A_600 : i32
      %jit3A_602 = arith.constant 1 : i32
      %select_n3A_603 = arith.select %eq3A_601, %jit3A_602, %jit3A_599 : i32
      %rem3A_604 = arith.remsi %min3A_561, %select_n3A_603 : i32
      %ne3A_605 = arith.constant 0 : i32
      %ne3A_606 = arith.cmpi ne, %rem3A_604, %ne3A_605 : i32
      %lt3A_607 = arith.constant 0 : i32
      %lt3A_608 = arith.cmpi slt, %rem3A_604, %lt3A_607 : i32
      %lt3A_609 = arith.constant 0 : i32
      %lt3A_610 = arith.cmpi slt, %select_n3A_603, %lt3A_609 : i32
      %ne3A_611 = arith.xori %lt3A_608, %lt3A_610 : i1
      %and3A_612 = arith.andi %ne3A_611, %ne3A_606 : i1
      %add3A_613 = arith.addi %rem3A_604, %select_n3A_603 : i32
      %select_n3A_614 = arith.select %and3A_612, %add3A_613, %rem3A_604 : i32
      %sub3A_615 = vector.broadcast %select_n3A_614 : i32 to vector<16xi32>
      %sub3A_616 = arith.subi %iota3A, %sub3A_615 : vector<16xi32>
      %abs3A_617 = math.absi %sub3A_616 : vector<16xi32>
      %min3A_618 = vector.broadcast %scan3A : i32 to vector<16xi32>
      %min3A_619 = arith.minsi %min3A_618, %abs3A_617 : vector<16xi32>
      %sub3A_620 = vector.broadcast %scan3A : i32 to vector<16xi32>
      %sub3A_621 = arith.subi %sub3A_620, %min3A_619 : vector<16xi32>
      %convert_element_type3A_622 = arith.sitofp %sub3A_621 : vector<16xi32> to vector<16xf32>
      %get3A_623 = arith.constant 3 : i32
      %get3A_624 = arith.index_cast %get3A_623 : i32 to index
      %get3A_625 = arith.index_cast %mul3A_598 : i32 to index
      %get3A_626 = tpu.vector_load %arg10[%get3A_624, %get3A_625] {strides = array<i32>} : memref<8x4096xf32, #tpu.memory_space<vmem>>, vector<1x16xf32>,
      %get3A_627 = vector.shape_cast %get3A_626 : vector<1x16xf32> to vector<16xf32>
      %mul3A_628 = arith.mulf %get3A_627, %convert_element_type3A_622 : vector<16xf32>
      %mul3A_629 = vector.broadcast %convert_element_type3A_572 : f32 to vector<16xf32>
      %mul3A_630 = arith.mulf %mul3A_628, %mul3A_629 : vector<16xf32>
      %add3A_631 = arith.addf %add3A_531, %mul3A_630 : vector<16xf32>
      %sub3A_632 = arith.constant 1 : i32
      %sub3A_633 = arith.subi %select_n3A_557, %sub3A_632 : i32
      %abs3A_634 = math.absi %sub3A_633 : i32
      %sub3A_635 = arith.subi %scan3A, %abs3A_634 : i32
      %convert_element_type3A_636 = arith.sitofp %sub3A_635 : i32 to f32
      %jit3A_637 = arith.constant 16 : i32
      %div3A_638 = arith.divsi %min3A_567, %jit3A_637 : i32
      %sign3A_639 = arith.constant 0 : i32
      %sign3A_640 = arith.cmpi sgt, %min3A_567, %sign3A_639 : i32
      %sign3A_641 = arith.extui %sign3A_640 : i1 to i32
      %sign3A_642 = arith.constant 0 : i32
      %sign3A_643 = arith.cmpi slt, %min3A_567, %sign3A_642 : i32
      %sign3A_644 = arith.extui %sign3A_643 : i1 to i32
      %sign3A_645 = arith.subi %sign3A_641, %sign3A_644 : i32
      %sign3A_646 = arith.constant 0 : i32
      %sign3A_647 = arith.cmpi sgt, %jit3A_637, %sign3A_646 : i32
      %sign3A_648 = arith.extui %sign3A_647 : i1 to i32
      %sign3A_649 = arith.constant 0 : i32
      %sign3A_650 = arith.cmpi slt, %jit3A_637, %sign3A_649 : i32
      %sign3A_651 = arith.extui %sign3A_650 : i1 to i32
      %sign3A_652 = arith.subi %sign3A_648, %sign3A_651 : i32
      %ne3A_653 = arith.cmpi ne, %sign3A_645, %sign3A_652 : i32
      %rem3A_654 = arith.remsi %min3A_567, %jit3A_637 : i32
      %ne3A_655 = arith.constant 0 : i32
      %ne3A_656 = arith.cmpi ne, %rem3A_654, %ne3A_655 : i32
      %and3A_657 = arith.andi %ne3A_653, %ne3A_656 : i1
      %sub3A_658 = arith.constant 1 : i32
      %sub3A_659 = arith.subi %div3A_638, %sub3A_658 : i32
      %select_n3A_660 = arith.select %and3A_657, %sub3A_659, %div3A_638 : i32
      %mul3A_661 = arith.constant 16 : i32
      %mul3A_662 = arith.muli %select_n3A_660, %mul3A_661 : i32
      %jit3A_663 = arith.constant 16 : i32
      %eq3A_664 = arith.constant 0 : i32
      %eq3A_665 = arith.cmpi eq, %jit3A_663, %eq3A_664 : i32
      %jit3A_666 = arith.constant 1 : i32
      %select_n3A_667 = arith.select %eq3A_665, %jit3A_666, %jit3A_663 : i32
      %rem3A_668 = arith.remsi %min3A_567, %select_n3A_667 : i32
      %ne3A_669 = arith.constant 0 : i32
      %ne3A_670 = arith.cmpi ne, %rem3A_668, %ne3A_669 : i32
      %lt3A_671 = arith.constant 0 : i32
      %lt3A_672 = arith.cmpi slt, %rem3A_668, %lt3A_671 : i32
      %lt3A_673 = arith.constant 0 : i32
      %lt3A_674 = arith.cmpi slt, %select_n3A_667, %lt3A_673 : i32
      %ne3A_675 = arith.xori %lt3A_672, %lt3A_674 : i1
      %and3A_676 = arith.andi %ne3A_675, %ne3A_670 : i1
      %add3A_677 = arith.addi %rem3A_668, %select_n3A_667 : i32
      %select_n3A_678 = arith.select %and3A_676, %add3A_677, %rem3A_668 : i32
      %sub3A_679 = vector.broadcast %select_n3A_678 : i32 to vector<16xi32>
      %sub3A_680 = arith.subi %iota3A, %sub3A_679 : vector<16xi32>
      %abs3A_681 = math.absi %sub3A_680 : vector<16xi32>
      %min3A_682 = vector.broadcast %scan3A : i32 to vector<16xi32>
      %min3A_683 = arith.minsi %min3A_682, %abs3A_681 : vector<16xi32>
      %sub3A_684 = vector.broadcast %scan3A : i32 to vector<16xi32>
      %sub3A_685 = arith.subi %sub3A_684, %min3A_683 : vector<16xi32>
      %convert_element_type3A_686 = arith.sitofp %sub3A_685 : vector<16xi32> to vector<16xf32>
      %get3A_687 = arith.constant 3 : i32
      %get3A_688 = arith.index_cast %get3A_687 : i32 to index
      %get3A_689 = arith.index_cast %mul3A_662 : i32 to index
      %get3A_690 = tpu.vector_load %arg11[%get3A_688, %get3A_689] {strides = array<i32>} : memref<8x4096xf32, #tpu.memory_space<vmem>>, vector<1x16xf32>,
      %get3A_691 = vector.shape_cast %get3A_690 : vector<1x16xf32> to vector<16xf32>
      %mul3A_692 = arith.mulf %get3A_691, %convert_element_type3A_686 : vector<16xf32>
      %mul3A_693 = vector.broadcast %convert_element_type3A_636 : f32 to vector<16xf32>
      %mul3A_694 = arith.mulf %mul3A_692, %mul3A_693 : vector<16xf32>
      %add3A_695 = arith.addf %add3A_631, %mul3A_694 : vector<16xf32>
      %slice3A_696 = vector.extract_strided_slice %get3A_26 {offsets = [4], sizes = [1], strides = [1]} : vector<16xi32> to vector<1xi32>
      %squeeze3A_697 = vector.extract %slice3A_696[0] : i32 from vector<1xi32>
      %jit3A_698 = arith.constant 4096 : i32
      %div3A_699 = arith.divsi %squeeze3A_697, %jit3A_698 : i32
      %sign3A_700 = arith.constant 0 : i32
      %sign3A_701 = arith.cmpi sgt, %squeeze3A_697, %sign3A_700 : i32
      %sign3A_702 = arith.extui %sign3A_701 : i1 to i32
      %sign3A_703 = arith.constant 0 : i32
      %sign3A_704 = arith.cmpi slt, %squeeze3A_697, %sign3A_703 : i32
      %sign3A_705 = arith.extui %sign3A_704 : i1 to i32
      %sign3A_706 = arith.subi %sign3A_702, %sign3A_705 : i32
      %sign3A_707 = arith.constant 0 : i32
      %sign3A_708 = arith.cmpi sgt, %jit3A_698, %sign3A_707 : i32
      %sign3A_709 = arith.extui %sign3A_708 : i1 to i32
      %sign3A_710 = arith.constant 0 : i32
      %sign3A_711 = arith.cmpi slt, %jit3A_698, %sign3A_710 : i32
      %sign3A_712 = arith.extui %sign3A_711 : i1 to i32
      %sign3A_713 = arith.subi %sign3A_709, %sign3A_712 : i32
      %ne3A_714 = arith.cmpi ne, %sign3A_706, %sign3A_713 : i32
      %rem3A_715 = arith.remsi %squeeze3A_697, %jit3A_698 : i32
      %ne3A_716 = arith.constant 0 : i32
      %ne3A_717 = arith.cmpi ne, %rem3A_715, %ne3A_716 : i32
      %and3A_718 = arith.andi %ne3A_714, %ne3A_717 : i1
      %sub3A_719 = arith.constant 1 : i32
      %sub3A_720 = arith.subi %div3A_699, %sub3A_719 : i32
      %select_n3A_721 = arith.select %and3A_718, %sub3A_720, %div3A_699 : i32
      %jit3A_722 = arith.constant 0 : i32
      %jit3A_723 = arith.constant 4095 : i32
      %max3A_724 = arith.maxsi %jit3A_722, %squeeze3A_697 : i32
      %min3A_725 = arith.minsi %jit3A_723, %max3A_724 : i32
      %sub3A_726 = arith.constant 4096 : i32
      %sub3A_727 = arith.subi %squeeze3A_697, %sub3A_726 : i32
      %jit3A_728 = arith.constant 0 : i32
      %jit3A_729 = arith.constant 4095 : i32
      %max3A_730 = arith.maxsi %jit3A_728, %sub3A_727 : i32
      %min3A_731 = arith.minsi %jit3A_729, %max3A_730 : i32
      %sub3A_732 = arith.constant 0 : i32
      %sub3A_733 = arith.subi %select_n3A_721, %sub3A_732 : i32
      %abs3A_734 = math.absi %sub3A_733 : i32
      %sub3A_735 = arith.subi %scan3A, %abs3A_734 : i32
      %convert_element_type3A_736 = arith.sitofp %sub3A_735 : i32 to f32
      %jit3A_737 = arith.constant 16 : i32
      %div3A_738 = arith.divsi %min3A_725, %jit3A_737 : i32
      %sign3A_739 = arith.constant 0 : i32
      %sign3A_740 = arith.cmpi sgt, %min3A_725, %sign3A_739 : i32
      %sign3A_741 = arith.extui %sign3A_740 : i1 to i32
      %sign3A_742 = arith.constant 0 : i32
      %sign3A_743 = arith.cmpi slt, %min3A_725, %sign3A_742 : i32
      %sign3A_744 = arith.extui %sign3A_743 : i1 to i32
      %sign3A_745 = arith.subi %sign3A_741, %sign3A_744 : i32
      %sign3A_746 = arith.constant 0 : i32
      %sign3A_747 = arith.cmpi sgt, %jit3A_737, %sign3A_746 : i32
      %sign3A_748 = arith.extui %sign3A_747 : i1 to i32
      %sign3A_749 = arith.constant 0 : i32
      %sign3A_750 = arith.cmpi slt, %jit3A_737, %sign3A_749 : i32
      %sign3A_751 = arith.extui %sign3A_750 : i1 to i32
      %sign3A_752 = arith.subi %sign3A_748, %sign3A_751 : i32
      %ne3A_753 = arith.cmpi ne, %sign3A_745, %sign3A_752 : i32
      %rem3A_754 = arith.remsi %min3A_725, %jit3A_737 : i32
      %ne3A_755 = arith.constant 0 : i32
      %ne3A_756 = arith.cmpi ne, %rem3A_754, %ne3A_755 : i32
      %and3A_757 = arith.andi %ne3A_753, %ne3A_756 : i1
      %sub3A_758 = arith.constant 1 : i32
      %sub3A_759 = arith.subi %div3A_738, %sub3A_758 : i32
      %select_n3A_760 = arith.select %and3A_757, %sub3A_759, %div3A_738 : i32
      %mul3A_761 = arith.constant 16 : i32
      %mul3A_762 = arith.muli %select_n3A_760, %mul3A_761 : i32
      %jit3A_763 = arith.constant 16 : i32
      %eq3A_764 = arith.constant 0 : i32
      %eq3A_765 = arith.cmpi eq, %jit3A_763, %eq3A_764 : i32
      %jit3A_766 = arith.constant 1 : i32
      %select_n3A_767 = arith.select %eq3A_765, %jit3A_766, %jit3A_763 : i32
      %rem3A_768 = arith.remsi %min3A_725, %select_n3A_767 : i32
      %ne3A_769 = arith.constant 0 : i32
      %ne3A_770 = arith.cmpi ne, %rem3A_768, %ne3A_769 : i32
      %lt3A_771 = arith.constant 0 : i32
      %lt3A_772 = arith.cmpi slt, %rem3A_768, %lt3A_771 : i32
      %lt3A_773 = arith.constant 0 : i32
      %lt3A_774 = arith.cmpi slt, %select_n3A_767, %lt3A_773 : i32
      %ne3A_775 = arith.xori %lt3A_772, %lt3A_774 : i1
      %and3A_776 = arith.andi %ne3A_775, %ne3A_770 : i1
      %add3A_777 = arith.addi %rem3A_768, %select_n3A_767 : i32
      %select_n3A_778 = arith.select %and3A_776, %add3A_777, %rem3A_768 : i32
      %sub3A_779 = vector.broadcast %select_n3A_778 : i32 to vector<16xi32>
      %sub3A_780 = arith.subi %iota3A, %sub3A_779 : vector<16xi32>
      %abs3A_781 = math.absi %sub3A_780 : vector<16xi32>
      %min3A_782 = vector.broadcast %scan3A : i32 to vector<16xi32>
      %min3A_783 = arith.minsi %min3A_782, %abs3A_781 : vector<16xi32>
      %sub3A_784 = vector.broadcast %scan3A : i32 to vector<16xi32>
      %sub3A_785 = arith.subi %sub3A_784, %min3A_783 : vector<16xi32>
      %convert_element_type3A_786 = arith.sitofp %sub3A_785 : vector<16xi32> to vector<16xf32>
      %get3A_787 = arith.constant 4 : i32
      %get3A_788 = arith.index_cast %get3A_787 : i32 to index
      %get3A_789 = arith.index_cast %mul3A_762 : i32 to index
      %get3A_790 = tpu.vector_load %arg10[%get3A_788, %get3A_789] {strides = array<i32>} : memref<8x4096xf32, #tpu.memory_space<vmem>>, vector<1x16xf32>,
      %get3A_791 = vector.shape_cast %get3A_790 : vector<1x16xf32> to vector<16xf32>
      %mul3A_792 = arith.mulf %get3A_791, %convert_element_type3A_786 : vector<16xf32>
      %mul3A_793 = vector.broadcast %convert_element_type3A_736 : f32 to vector<16xf32>
      %mul3A_794 = arith.mulf %mul3A_792, %mul3A_793 : vector<16xf32>
      %add3A_795 = arith.addf %add3A_695, %mul3A_794 : vector<16xf32>
      %sub3A_796 = arith.constant 1 : i32
      %sub3A_797 = arith.subi %select_n3A_721, %sub3A_796 : i32
      %abs3A_798 = math.absi %sub3A_797 : i32
      %sub3A_799 = arith.subi %scan3A, %abs3A_798 : i32
      %convert_element_type3A_800 = arith.sitofp %sub3A_799 : i32 to f32
      %jit3A_801 = arith.constant 16 : i32
      %div3A_802 = arith.divsi %min3A_731, %jit3A_801 : i32
      %sign3A_803 = arith.constant 0 : i32
      %sign3A_804 = arith.cmpi sgt, %min3A_731, %sign3A_803 : i32
      %sign3A_805 = arith.extui %sign3A_804 : i1 to i32
      %sign3A_806 = arith.constant 0 : i32
      %sign3A_807 = arith.cmpi slt, %min3A_731, %sign3A_806 : i32
      %sign3A_808 = arith.extui %sign3A_807 : i1 to i32
      %sign3A_809 = arith.subi %sign3A_805, %sign3A_808 : i32
      %sign3A_810 = arith.constant 0 : i32
      %sign3A_811 = arith.cmpi sgt, %jit3A_801, %sign3A_810 : i32
      %sign3A_812 = arith.extui %sign3A_811 : i1 to i32
      %sign3A_813 = arith.constant 0 : i32
      %sign3A_814 = arith.cmpi slt, %jit3A_801, %sign3A_813 : i32
      %sign3A_815 = arith.extui %sign3A_814 : i1 to i32
      %sign3A_816 = arith.subi %sign3A_812, %sign3A_815 : i32
      %ne3A_817 = arith.cmpi ne, %sign3A_809, %sign3A_816 : i32
      %rem3A_818 = arith.remsi %min3A_731, %jit3A_801 : i32
      %ne3A_819 = arith.constant 0 : i32
      %ne3A_820 = arith.cmpi ne, %rem3A_818, %ne3A_819 : i32
      %and3A_821 = arith.andi %ne3A_817, %ne3A_820 : i1
      %sub3A_822 = arith.constant 1 : i32
      %sub3A_823 = arith.subi %div3A_802, %sub3A_822 : i32
      %select_n3A_824 = arith.select %and3A_821, %sub3A_823, %div3A_802 : i32
      %mul3A_825 = arith.constant 16 : i32
      %mul3A_826 = arith.muli %select_n3A_824, %mul3A_825 : i32
      %jit3A_827 = arith.constant 16 : i32
      %eq3A_828 = arith.constant 0 : i32
      %eq3A_829 = arith.cmpi eq, %jit3A_827, %eq3A_828 : i32
      %jit3A_830 = arith.constant 1 : i32
      %select_n3A_831 = arith.select %eq3A_829, %jit3A_830, %jit3A_827 : i32
      %rem3A_832 = arith.remsi %min3A_731, %select_n3A_831 : i32
      %ne3A_833 = arith.constant 0 : i32
      %ne3A_834 = arith.cmpi ne, %rem3A_832, %ne3A_833 : i32
      %lt3A_835 = arith.constant 0 : i32
      %lt3A_836 = arith.cmpi slt, %rem3A_832, %lt3A_835 : i32
      %lt3A_837 = arith.constant 0 : i32
      %lt3A_838 = arith.cmpi slt, %select_n3A_831, %lt3A_837 : i32
      %ne3A_839 = arith.xori %lt3A_836, %lt3A_838 : i1
      %and3A_840 = arith.andi %ne3A_839, %ne3A_834 : i1
      %add3A_841 = arith.addi %rem3A_832, %select_n3A_831 : i32
      %select_n3A_842 = arith.select %and3A_840, %add3A_841, %rem3A_832 : i32
      %sub3A_843 = vector.broadcast %select_n3A_842 : i32 to vector<16xi32>
      %sub3A_844 = arith.subi %iota3A, %sub3A_843 : vector<16xi32>
      %abs3A_845 = math.absi %sub3A_844 : vector<16xi32>
      %min3A_846 = vector.broadcast %scan3A : i32 to vector<16xi32>
      %min3A_847 = arith.minsi %min3A_846, %abs3A_845 : vector<16xi32>
      %sub3A_848 = vector.broadcast %scan3A : i32 to vector<16xi32>
      %sub3A_849 = arith.subi %sub3A_848, %min3A_847 : vector<16xi32>
      %convert_element_type3A_850 = arith.sitofp %sub3A_849 : vector<16xi32> to vector<16xf32>
      %get3A_851 = arith.constant 4 : i32
      %get3A_852 = arith.index_cast %get3A_851 : i32 to index
      %get3A_853 = arith.index_cast %mul3A_826 : i32 to index
      %get3A_854 = tpu.vector_load %arg11[%get3A_852, %get3A_853] {strides = array<i32>} : memref<8x4096xf32, #tpu.memory_space<vmem>>, vector<1x16xf32>,
      %get3A_855 = vector.shape_cast %get3A_854 : vector<1x16xf32> to vector<16xf32>
      %mul3A_856 = arith.mulf %get3A_855, %convert_element_type3A_850 : vector<16xf32>
      %mul3A_857 = vector.broadcast %convert_element_type3A_800 : f32 to vector<16xf32>
      %mul3A_858 = arith.mulf %mul3A_856, %mul3A_857 : vector<16xf32>
      %add3A_859 = arith.addf %add3A_795, %mul3A_858 : vector<16xf32>
      %slice3A_860 = vector.extract_strided_slice %get3A_26 {offsets = [5], sizes = [1], strides = [1]} : vector<16xi32> to vector<1xi32>
      %squeeze3A_861 = vector.extract %slice3A_860[0] : i32 from vector<1xi32>
      %jit3A_862 = arith.constant 4096 : i32
      %div3A_863 = arith.divsi %squeeze3A_861, %jit3A_862 : i32
      %sign3A_864 = arith.constant 0 : i32
      %sign3A_865 = arith.cmpi sgt, %squeeze3A_861, %sign3A_864 : i32
      %sign3A_866 = arith.extui %sign3A_865 : i1 to i32
      %sign3A_867 = arith.constant 0 : i32
      %sign3A_868 = arith.cmpi slt, %squeeze3A_861, %sign3A_867 : i32
      %sign3A_869 = arith.extui %sign3A_868 : i1 to i32
      %sign3A_870 = arith.subi %sign3A_866, %sign3A_869 : i32
      %sign3A_871 = arith.constant 0 : i32
      %sign3A_872 = arith.cmpi sgt, %jit3A_862, %sign3A_871 : i32
      %sign3A_873 = arith.extui %sign3A_872 : i1 to i32
      %sign3A_874 = arith.constant 0 : i32
      %sign3A_875 = arith.cmpi slt, %jit3A_862, %sign3A_874 : i32
      %sign3A_876 = arith.extui %sign3A_875 : i1 to i32
      %sign3A_877 = arith.subi %sign3A_873, %sign3A_876 : i32
      %ne3A_878 = arith.cmpi ne, %sign3A_870, %sign3A_877 : i32
      %rem3A_879 = arith.remsi %squeeze3A_861, %jit3A_862 : i32
      %ne3A_880 = arith.constant 0 : i32
      %ne3A_881 = arith.cmpi ne, %rem3A_879, %ne3A_880 : i32
      %and3A_882 = arith.andi %ne3A_878, %ne3A_881 : i1
      %sub3A_883 = arith.constant 1 : i32
      %sub3A_884 = arith.subi %div3A_863, %sub3A_883 : i32
      %select_n3A_885 = arith.select %and3A_882, %sub3A_884, %div3A_863 : i32
      %jit3A_886 = arith.constant 0 : i32
      %jit3A_887 = arith.constant 4095 : i32
      %max3A_888 = arith.maxsi %jit3A_886, %squeeze3A_861 : i32
      %min3A_889 = arith.minsi %jit3A_887, %max3A_888 : i32
      %sub3A_890 = arith.constant 4096 : i32
      %sub3A_891 = arith.subi %squeeze3A_861, %sub3A_890 : i32
      %jit3A_892 = arith.constant 0 : i32
      %jit3A_893 = arith.constant 4095 : i32
      %max3A_894 = arith.maxsi %jit3A_892, %sub3A_891 : i32
      %min3A_895 = arith.minsi %jit3A_893, %max3A_894 : i32
      %sub3A_896 = arith.constant 0 : i32
      %sub3A_897 = arith.subi %select_n3A_885, %sub3A_896 : i32
      %abs3A_898 = math.absi %sub3A_897 : i32
      %sub3A_899 = arith.subi %scan3A, %abs3A_898 : i32
      %convert_element_type3A_900 = arith.sitofp %sub3A_899 : i32 to f32
      %jit3A_901 = arith.constant 16 : i32
      %div3A_902 = arith.divsi %min3A_889, %jit3A_901 : i32
      %sign3A_903 = arith.constant 0 : i32
      %sign3A_904 = arith.cmpi sgt, %min3A_889, %sign3A_903 : i32
      %sign3A_905 = arith.extui %sign3A_904 : i1 to i32
      %sign3A_906 = arith.constant 0 : i32
      %sign3A_907 = arith.cmpi slt, %min3A_889, %sign3A_906 : i32
      %sign3A_908 = arith.extui %sign3A_907 : i1 to i32
      %sign3A_909 = arith.subi %sign3A_905, %sign3A_908 : i32
      %sign3A_910 = arith.constant 0 : i32
      %sign3A_911 = arith.cmpi sgt, %jit3A_901, %sign3A_910 : i32
      %sign3A_912 = arith.extui %sign3A_911 : i1 to i32
      %sign3A_913 = arith.constant 0 : i32
      %sign3A_914 = arith.cmpi slt, %jit3A_901, %sign3A_913 : i32
      %sign3A_915 = arith.extui %sign3A_914 : i1 to i32
      %sign3A_916 = arith.subi %sign3A_912, %sign3A_915 : i32
      %ne3A_917 = arith.cmpi ne, %sign3A_909, %sign3A_916 : i32
      %rem3A_918 = arith.remsi %min3A_889, %jit3A_901 : i32
      %ne3A_919 = arith.constant 0 : i32
      %ne3A_920 = arith.cmpi ne, %rem3A_918, %ne3A_919 : i32
      %and3A_921 = arith.andi %ne3A_917, %ne3A_920 : i1
      %sub3A_922 = arith.constant 1 : i32
      %sub3A_923 = arith.subi %div3A_902, %sub3A_922 : i32
      %select_n3A_924 = arith.select %and3A_921, %sub3A_923, %div3A_902 : i32
      %mul3A_925 = arith.constant 16 : i32
      %mul3A_926 = arith.muli %select_n3A_924, %mul3A_925 : i32
      %jit3A_927 = arith.constant 16 : i32
      %eq3A_928 = arith.constant 0 : i32
      %eq3A_929 = arith.cmpi eq, %jit3A_927, %eq3A_928 : i32
      %jit3A_930 = arith.constant 1 : i32
      %select_n3A_931 = arith.select %eq3A_929, %jit3A_930, %jit3A_927 : i32
      %rem3A_932 = arith.remsi %min3A_889, %select_n3A_931 : i32
      %ne3A_933 = arith.constant 0 : i32
      %ne3A_934 = arith.cmpi ne, %rem3A_932, %ne3A_933 : i32
      %lt3A_935 = arith.constant 0 : i32
      %lt3A_936 = arith.cmpi slt, %rem3A_932, %lt3A_935 : i32
      %lt3A_937 = arith.constant 0 : i32
      %lt3A_938 = arith.cmpi slt, %select_n3A_931, %lt3A_937 : i32
      %ne3A_939 = arith.xori %lt3A_936, %lt3A_938 : i1
      %and3A_940 = arith.andi %ne3A_939, %ne3A_934 : i1
      %add3A_941 = arith.addi %rem3A_932, %select_n3A_931 : i32
      %select_n3A_942 = arith.select %and3A_940, %add3A_941, %rem3A_932 : i32
      %sub3A_943 = vector.broadcast %select_n3A_942 : i32 to vector<16xi32>
      %sub3A_944 = arith.subi %iota3A, %sub3A_943 : vector<16xi32>
      %abs3A_945 = math.absi %sub3A_944 : vector<16xi32>
      %min3A_946 = vector.broadcast %scan3A : i32 to vector<16xi32>
      %min3A_947 = arith.minsi %min3A_946, %abs3A_945 : vector<16xi32>
      %sub3A_948 = vector.broadcast %scan3A : i32 to vector<16xi32>
      %sub3A_949 = arith.subi %sub3A_948, %min3A_947 : vector<16xi32>
      %convert_element_type3A_950 = arith.sitofp %sub3A_949 : vector<16xi32> to vector<16xf32>
      %get3A_951 = arith.constant 5 : i32
      %get3A_952 = arith.index_cast %get3A_951 : i32 to index
      %get3A_953 = arith.index_cast %mul3A_926 : i32 to index
      %get3A_954 = tpu.vector_load %arg10[%get3A_952, %get3A_953] {strides = array<i32>} : memref<8x4096xf32, #tpu.memory_space<vmem>>, vector<1x16xf32>,
      %get3A_955 = vector.shape_cast %get3A_954 : vector<1x16xf32> to vector<16xf32>
      %mul3A_956 = arith.mulf %get3A_955, %convert_element_type3A_950 : vector<16xf32>
      %mul3A_957 = vector.broadcast %convert_element_type3A_900 : f32 to vector<16xf32>
      %mul3A_958 = arith.mulf %mul3A_956, %mul3A_957 : vector<16xf32>
      %add3A_959 = arith.addf %add3A_859, %mul3A_958 : vector<16xf32>
      %sub3A_960 = arith.constant 1 : i32
      %sub3A_961 = arith.subi %select_n3A_885, %sub3A_960 : i32
      %abs3A_962 = math.absi %sub3A_961 : i32
      %sub3A_963 = arith.subi %scan3A, %abs3A_962 : i32
      %convert_element_type3A_964 = arith.sitofp %sub3A_963 : i32 to f32
      %jit3A_965 = arith.constant 16 : i32
      %div3A_966 = arith.divsi %min3A_895, %jit3A_965 : i32
      %sign3A_967 = arith.constant 0 : i32
      %sign3A_968 = arith.cmpi sgt, %min3A_895, %sign3A_967 : i32
      %sign3A_969 = arith.extui %sign3A_968 : i1 to i32
      %sign3A_970 = arith.constant 0 : i32
      %sign3A_971 = arith.cmpi slt, %min3A_895, %sign3A_970 : i32
      %sign3A_972 = arith.extui %sign3A_971 : i1 to i32
      %sign3A_973 = arith.subi %sign3A_969, %sign3A_972 : i32
      %sign3A_974 = arith.constant 0 : i32
      %sign3A_975 = arith.cmpi sgt, %jit3A_965, %sign3A_974 : i32
      %sign3A_976 = arith.extui %sign3A_975 : i1 to i32
      %sign3A_977 = arith.constant 0 : i32
      %sign3A_978 = arith.cmpi slt, %jit3A_965, %sign3A_977 : i32
      %sign3A_979 = arith.extui %sign3A_978 : i1 to i32
      %sign3A_980 = arith.subi %sign3A_976, %sign3A_979 : i32
      %ne3A_981 = arith.cmpi ne, %sign3A_973, %sign3A_980 : i32
      %rem3A_982 = arith.remsi %min3A_895, %jit3A_965 : i32
      %ne3A_983 = arith.constant 0 : i32
      %ne3A_984 = arith.cmpi ne, %rem3A_982, %ne3A_983 : i32
      %and3A_985 = arith.andi %ne3A_981, %ne3A_984 : i1
      %sub3A_986 = arith.constant 1 : i32
      %sub3A_987 = arith.subi %div3A_966, %sub3A_986 : i32
      %select_n3A_988 = arith.select %and3A_985, %sub3A_987, %div3A_966 : i32
      %mul3A_989 = arith.constant 16 : i32
      %mul3A_990 = arith.muli %select_n3A_988, %mul3A_989 : i32
      %jit3A_991 = arith.constant 16 : i32
      %eq3A_992 = arith.constant 0 : i32
      %eq3A_993 = arith.cmpi eq, %jit3A_991, %eq3A_992 : i32
      %jit3A_994 = arith.constant 1 : i32
      %select_n3A_995 = arith.select %eq3A_993, %jit3A_994, %jit3A_991 : i32
      %rem3A_996 = arith.remsi %min3A_895, %select_n3A_995 : i32
      %ne3A_997 = arith.constant 0 : i32
      %ne3A_998 = arith.cmpi ne, %rem3A_996, %ne3A_997 : i32
      %lt3A_999 = arith.constant 0 : i32
      %lt3A_1000 = arith.cmpi slt, %rem3A_996, %lt3A_999 : i32
      %lt3A_1001 = arith.constant 0 : i32
      %lt3A_1002 = arith.cmpi slt, %select_n3A_995, %lt3A_1001 : i32
      %ne3A_1003 = arith.xori %lt3A_1000, %lt3A_1002 : i1
      %and3A_1004 = arith.andi %ne3A_1003, %ne3A_998 : i1
      %add3A_1005 = arith.addi %rem3A_996, %select_n3A_995 : i32
      %select_n3A_1006 = arith.select %and3A_1004, %add3A_1005, %rem3A_996 : i32
      %sub3A_1007 = vector.broadcast %select_n3A_1006 : i32 to vector<16xi32>
      %sub3A_1008 = arith.subi %iota3A, %sub3A_1007 : vector<16xi32>
      %abs3A_1009 = math.absi %sub3A_1008 : vector<16xi32>
      %min3A_1010 = vector.broadcast %scan3A : i32 to vector<16xi32>
      %min3A_1011 = arith.minsi %min3A_1010, %abs3A_1009 : vector<16xi32>
      %sub3A_1012 = vector.broadcast %scan3A : i32 to vector<16xi32>
      %sub3A_1013 = arith.subi %sub3A_1012, %min3A_1011 : vector<16xi32>
      %convert_element_type3A_1014 = arith.sitofp %sub3A_1013 : vector<16xi32> to vector<16xf32>
      %get3A_1015 = arith.constant 5 : i32
      %get3A_1016 = arith.index_cast %get3A_1015 : i32 to index
      %get3A_1017 = arith.index_cast %mul3A_990 : i32 to index
      %get3A_1018 = tpu.vector_load %arg11[%get3A_1016, %get3A_1017] {strides = array<i32>} : memref<8x4096xf32, #tpu.memory_space<vmem>>, vector<1x16xf32>,
      %get3A_1019 = vector.shape_cast %get3A_1018 : vector<1x16xf32> to vector<16xf32>
      %mul3A_1020 = arith.mulf %get3A_1019, %convert_element_type3A_1014 : vector<16xf32>
      %mul3A_1021 = vector.broadcast %convert_element_type3A_964 : f32 to vector<16xf32>
      %mul3A_1022 = arith.mulf %mul3A_1020, %mul3A_1021 : vector<16xf32>
      %add3A_1023 = arith.addf %add3A_959, %mul3A_1022 : vector<16xf32>
      %slice3A_1024 = vector.extract_strided_slice %get3A_26 {offsets = [6], sizes = [1], strides = [1]} : vector<16xi32> to vector<1xi32>
      %squeeze3A_1025 = vector.extract %slice3A_1024[0] : i32 from vector<1xi32>
      %jit3A_1026 = arith.constant 4096 : i32
      %div3A_1027 = arith.divsi %squeeze3A_1025, %jit3A_1026 : i32
      %sign3A_1028 = arith.constant 0 : i32
      %sign3A_1029 = arith.cmpi sgt, %squeeze3A_1025, %sign3A_1028 : i32
      %sign3A_1030 = arith.extui %sign3A_1029 : i1 to i32
      %sign3A_1031 = arith.constant 0 : i32
      %sign3A_1032 = arith.cmpi slt, %squeeze3A_1025, %sign3A_1031 : i32
      %sign3A_1033 = arith.extui %sign3A_1032 : i1 to i32
      %sign3A_1034 = arith.subi %sign3A_1030, %sign3A_1033 : i32
      %sign3A_1035 = arith.constant 0 : i32
      %sign3A_1036 = arith.cmpi sgt, %jit3A_1026, %sign3A_1035 : i32
      %sign3A_1037 = arith.extui %sign3A_1036 : i1 to i32
      %sign3A_1038 = arith.constant 0 : i32
      %sign3A_1039 = arith.cmpi slt, %jit3A_1026, %sign3A_1038 : i32
      %sign3A_1040 = arith.extui %sign3A_1039 : i1 to i32
      %sign3A_1041 = arith.subi %sign3A_1037, %sign3A_1040 : i32
      %ne3A_1042 = arith.cmpi ne, %sign3A_1034, %sign3A_1041 : i32
      %rem3A_1043 = arith.remsi %squeeze3A_1025, %jit3A_1026 : i32
      %ne3A_1044 = arith.constant 0 : i32
      %ne3A_1045 = arith.cmpi ne, %rem3A_1043, %ne3A_1044 : i32
      %and3A_1046 = arith.andi %ne3A_1042, %ne3A_1045 : i1
      %sub3A_1047 = arith.constant 1 : i32
      %sub3A_1048 = arith.subi %div3A_1027, %sub3A_1047 : i32
      %select_n3A_1049 = arith.select %and3A_1046, %sub3A_1048, %div3A_1027 : i32
      %jit3A_1050 = arith.constant 0 : i32
      %jit3A_1051 = arith.constant 4095 : i32
      %max3A_1052 = arith.maxsi %jit3A_1050, %squeeze3A_1025 : i32
      %min3A_1053 = arith.minsi %jit3A_1051, %max3A_1052 : i32
      %sub3A_1054 = arith.constant 4096 : i32
      %sub3A_1055 = arith.subi %squeeze3A_1025, %sub3A_1054 : i32
      %jit3A_1056 = arith.constant 0 : i32
      %jit3A_1057 = arith.constant 4095 : i32
      %max3A_1058 = arith.maxsi %jit3A_1056, %sub3A_1055 : i32
      %min3A_1059 = arith.minsi %jit3A_1057, %max3A_1058 : i32
      %sub3A_1060 = arith.constant 0 : i32
      %sub3A_1061 = arith.subi %select_n3A_1049, %sub3A_1060 : i32
      %abs3A_1062 = math.absi %sub3A_1061 : i32
      %sub3A_1063 = arith.subi %scan3A, %abs3A_1062 : i32
      %convert_element_type3A_1064 = arith.sitofp %sub3A_1063 : i32 to f32
      %jit3A_1065 = arith.constant 16 : i32
      %div3A_1066 = arith.divsi %min3A_1053, %jit3A_1065 : i32
      %sign3A_1067 = arith.constant 0 : i32
      %sign3A_1068 = arith.cmpi sgt, %min3A_1053, %sign3A_1067 : i32
      %sign3A_1069 = arith.extui %sign3A_1068 : i1 to i32
      %sign3A_1070 = arith.constant 0 : i32
      %sign3A_1071 = arith.cmpi slt, %min3A_1053, %sign3A_1070 : i32
      %sign3A_1072 = arith.extui %sign3A_1071 : i1 to i32
      %sign3A_1073 = arith.subi %sign3A_1069, %sign3A_1072 : i32
      %sign3A_1074 = arith.constant 0 : i32
      %sign3A_1075 = arith.cmpi sgt, %jit3A_1065, %sign3A_1074 : i32
      %sign3A_1076 = arith.extui %sign3A_1075 : i1 to i32
      %sign3A_1077 = arith.constant 0 : i32
      %sign3A_1078 = arith.cmpi slt, %jit3A_1065, %sign3A_1077 : i32
      %sign3A_1079 = arith.extui %sign3A_1078 : i1 to i32
      %sign3A_1080 = arith.subi %sign3A_1076, %sign3A_1079 : i32
      %ne3A_1081 = arith.cmpi ne, %sign3A_1073, %sign3A_1080 : i32
      %rem3A_1082 = arith.remsi %min3A_1053, %jit3A_1065 : i32
      %ne3A_1083 = arith.constant 0 : i32
      %ne3A_1084 = arith.cmpi ne, %rem3A_1082, %ne3A_1083 : i32
      %and3A_1085 = arith.andi %ne3A_1081, %ne3A_1084 : i1
      %sub3A_1086 = arith.constant 1 : i32
      %sub3A_1087 = arith.subi %div3A_1066, %sub3A_1086 : i32
      %select_n3A_1088 = arith.select %and3A_1085, %sub3A_1087, %div3A_1066 : i32
      %mul3A_1089 = arith.constant 16 : i32
      %mul3A_1090 = arith.muli %select_n3A_1088, %mul3A_1089 : i32
      %jit3A_1091 = arith.constant 16 : i32
      %eq3A_1092 = arith.constant 0 : i32
      %eq3A_1093 = arith.cmpi eq, %jit3A_1091, %eq3A_1092 : i32
      %jit3A_1094 = arith.constant 1 : i32
      %select_n3A_1095 = arith.select %eq3A_1093, %jit3A_1094, %jit3A_1091 : i32
      %rem3A_1096 = arith.remsi %min3A_1053, %select_n3A_1095 : i32
      %ne3A_1097 = arith.constant 0 : i32
      %ne3A_1098 = arith.cmpi ne, %rem3A_1096, %ne3A_1097 : i32
      %lt3A_1099 = arith.constant 0 : i32
      %lt3A_1100 = arith.cmpi slt, %rem3A_1096, %lt3A_1099 : i32
      %lt3A_1101 = arith.constant 0 : i32
      %lt3A_1102 = arith.cmpi slt, %select_n3A_1095, %lt3A_1101 : i32
      %ne3A_1103 = arith.xori %lt3A_1100, %lt3A_1102 : i1
      %and3A_1104 = arith.andi %ne3A_1103, %ne3A_1098 : i1
      %add3A_1105 = arith.addi %rem3A_1096, %select_n3A_1095 : i32
      %select_n3A_1106 = arith.select %and3A_1104, %add3A_1105, %rem3A_1096 : i32
      %sub3A_1107 = vector.broadcast %select_n3A_1106 : i32 to vector<16xi32>
      %sub3A_1108 = arith.subi %iota3A, %sub3A_1107 : vector<16xi32>
      %abs3A_1109 = math.absi %sub3A_1108 : vector<16xi32>
      %min3A_1110 = vector.broadcast %scan3A : i32 to vector<16xi32>
      %min3A_1111 = arith.minsi %min3A_1110, %abs3A_1109 : vector<16xi32>
      %sub3A_1112 = vector.broadcast %scan3A : i32 to vector<16xi32>
      %sub3A_1113 = arith.subi %sub3A_1112, %min3A_1111 : vector<16xi32>
      %convert_element_type3A_1114 = arith.sitofp %sub3A_1113 : vector<16xi32> to vector<16xf32>
      %get3A_1115 = arith.constant 6 : i32
      %get3A_1116 = arith.index_cast %get3A_1115 : i32 to index
      %get3A_1117 = arith.index_cast %mul3A_1090 : i32 to index
      %get3A_1118 = tpu.vector_load %arg10[%get3A_1116, %get3A_1117] {strides = array<i32>} : memref<8x4096xf32, #tpu.memory_space<vmem>>, vector<1x16xf32>,
      %get3A_1119 = vector.shape_cast %get3A_1118 : vector<1x16xf32> to vector<16xf32>
      %mul3A_1120 = arith.mulf %get3A_1119, %convert_element_type3A_1114 : vector<16xf32>
      %mul3A_1121 = vector.broadcast %convert_element_type3A_1064 : f32 to vector<16xf32>
      %mul3A_1122 = arith.mulf %mul3A_1120, %mul3A_1121 : vector<16xf32>
      %add3A_1123 = arith.addf %add3A_1023, %mul3A_1122 : vector<16xf32>
      %sub3A_1124 = arith.constant 1 : i32
      %sub3A_1125 = arith.subi %select_n3A_1049, %sub3A_1124 : i32
      %abs3A_1126 = math.absi %sub3A_1125 : i32
      %sub3A_1127 = arith.subi %scan3A, %abs3A_1126 : i32
      %convert_element_type3A_1128 = arith.sitofp %sub3A_1127 : i32 to f32
      %jit3A_1129 = arith.constant 16 : i32
      %div3A_1130 = arith.divsi %min3A_1059, %jit3A_1129 : i32
      %sign3A_1131 = arith.constant 0 : i32
      %sign3A_1132 = arith.cmpi sgt, %min3A_1059, %sign3A_1131 : i32
      %sign3A_1133 = arith.extui %sign3A_1132 : i1 to i32
      %sign3A_1134 = arith.constant 0 : i32
      %sign3A_1135 = arith.cmpi slt, %min3A_1059, %sign3A_1134 : i32
      %sign3A_1136 = arith.extui %sign3A_1135 : i1 to i32
      %sign3A_1137 = arith.subi %sign3A_1133, %sign3A_1136 : i32
      %sign3A_1138 = arith.constant 0 : i32
      %sign3A_1139 = arith.cmpi sgt, %jit3A_1129, %sign3A_1138 : i32
      %sign3A_1140 = arith.extui %sign3A_1139 : i1 to i32
      %sign3A_1141 = arith.constant 0 : i32
      %sign3A_1142 = arith.cmpi slt, %jit3A_1129, %sign3A_1141 : i32
      %sign3A_1143 = arith.extui %sign3A_1142 : i1 to i32
      %sign3A_1144 = arith.subi %sign3A_1140, %sign3A_1143 : i32
      %ne3A_1145 = arith.cmpi ne, %sign3A_1137, %sign3A_1144 : i32
      %rem3A_1146 = arith.remsi %min3A_1059, %jit3A_1129 : i32
      %ne3A_1147 = arith.constant 0 : i32
      %ne3A_1148 = arith.cmpi ne, %rem3A_1146, %ne3A_1147 : i32
      %and3A_1149 = arith.andi %ne3A_1145, %ne3A_1148 : i1
      %sub3A_1150 = arith.constant 1 : i32
      %sub3A_1151 = arith.subi %div3A_1130, %sub3A_1150 : i32
      %select_n3A_1152 = arith.select %and3A_1149, %sub3A_1151, %div3A_1130 : i32
      %mul3A_1153 = arith.constant 16 : i32
      %mul3A_1154 = arith.muli %select_n3A_1152, %mul3A_1153 : i32
      %jit3A_1155 = arith.constant 16 : i32
      %eq3A_1156 = arith.constant 0 : i32
      %eq3A_1157 = arith.cmpi eq, %jit3A_1155, %eq3A_1156 : i32
      %jit3A_1158 = arith.constant 1 : i32
      %select_n3A_1159 = arith.select %eq3A_1157, %jit3A_1158, %jit3A_1155 : i32
      %rem3A_1160 = arith.remsi %min3A_1059, %select_n3A_1159 : i32
      %ne3A_1161 = arith.constant 0 : i32
      %ne3A_1162 = arith.cmpi ne, %rem3A_1160, %ne3A_1161 : i32
      %lt3A_1163 = arith.constant 0 : i32
      %lt3A_1164 = arith.cmpi slt, %rem3A_1160, %lt3A_1163 : i32
      %lt3A_1165 = arith.constant 0 : i32
      %lt3A_1166 = arith.cmpi slt, %select_n3A_1159, %lt3A_1165 : i32
      %ne3A_1167 = arith.xori %lt3A_1164, %lt3A_1166 : i1
      %and3A_1168 = arith.andi %ne3A_1167, %ne3A_1162 : i1
      %add3A_1169 = arith.addi %rem3A_1160, %select_n3A_1159 : i32
      %select_n3A_1170 = arith.select %and3A_1168, %add3A_1169, %rem3A_1160 : i32
      %sub3A_1171 = vector.broadcast %select_n3A_1170 : i32 to vector<16xi32>
      %sub3A_1172 = arith.subi %iota3A, %sub3A_1171 : vector<16xi32>
      %abs3A_1173 = math.absi %sub3A_1172 : vector<16xi32>
      %min3A_1174 = vector.broadcast %scan3A : i32 to vector<16xi32>
      %min3A_1175 = arith.minsi %min3A_1174, %abs3A_1173 : vector<16xi32>
      %sub3A_1176 = vector.broadcast %scan3A : i32 to vector<16xi32>
      %sub3A_1177 = arith.subi %sub3A_1176, %min3A_1175 : vector<16xi32>
      %convert_element_type3A_1178 = arith.sitofp %sub3A_1177 : vector<16xi32> to vector<16xf32>
      %get3A_1179 = arith.constant 6 : i32
      %get3A_1180 = arith.index_cast %get3A_1179 : i32 to index
      %get3A_1181 = arith.index_cast %mul3A_1154 : i32 to index
      %get3A_1182 = tpu.vector_load %arg11[%get3A_1180, %get3A_1181] {strides = array<i32>} : memref<8x4096xf32, #tpu.memory_space<vmem>>, vector<1x16xf32>,
      %get3A_1183 = vector.shape_cast %get3A_1182 : vector<1x16xf32> to vector<16xf32>
      %mul3A_1184 = arith.mulf %get3A_1183, %convert_element_type3A_1178 : vector<16xf32>
      %mul3A_1185 = vector.broadcast %convert_element_type3A_1128 : f32 to vector<16xf32>
      %mul3A_1186 = arith.mulf %mul3A_1184, %mul3A_1185 : vector<16xf32>
      %add3A_1187 = arith.addf %add3A_1123, %mul3A_1186 : vector<16xf32>
      %slice3A_1188 = vector.extract_strided_slice %get3A_26 {offsets = [7], sizes = [1], strides = [1]} : vector<16xi32> to vector<1xi32>
      %squeeze3A_1189 = vector.extract %slice3A_1188[0] : i32 from vector<1xi32>
      %jit3A_1190 = arith.constant 4096 : i32
      %div3A_1191 = arith.divsi %squeeze3A_1189, %jit3A_1190 : i32
      %sign3A_1192 = arith.constant 0 : i32
      %sign3A_1193 = arith.cmpi sgt, %squeeze3A_1189, %sign3A_1192 : i32
      %sign3A_1194 = arith.extui %sign3A_1193 : i1 to i32
      %sign3A_1195 = arith.constant 0 : i32
      %sign3A_1196 = arith.cmpi slt, %squeeze3A_1189, %sign3A_1195 : i32
      %sign3A_1197 = arith.extui %sign3A_1196 : i1 to i32
      %sign3A_1198 = arith.subi %sign3A_1194, %sign3A_1197 : i32
      %sign3A_1199 = arith.constant 0 : i32
      %sign3A_1200 = arith.cmpi sgt, %jit3A_1190, %sign3A_1199 : i32
      %sign3A_1201 = arith.extui %sign3A_1200 : i1 to i32
      %sign3A_1202 = arith.constant 0 : i32
      %sign3A_1203 = arith.cmpi slt, %jit3A_1190, %sign3A_1202 : i32
      %sign3A_1204 = arith.extui %sign3A_1203 : i1 to i32
      %sign3A_1205 = arith.subi %sign3A_1201, %sign3A_1204 : i32
      %ne3A_1206 = arith.cmpi ne, %sign3A_1198, %sign3A_1205 : i32
      %rem3A_1207 = arith.remsi %squeeze3A_1189, %jit3A_1190 : i32
      %ne3A_1208 = arith.constant 0 : i32
      %ne3A_1209 = arith.cmpi ne, %rem3A_1207, %ne3A_1208 : i32
      %and3A_1210 = arith.andi %ne3A_1206, %ne3A_1209 : i1
      %sub3A_1211 = arith.constant 1 : i32
      %sub3A_1212 = arith.subi %div3A_1191, %sub3A_1211 : i32
      %select_n3A_1213 = arith.select %and3A_1210, %sub3A_1212, %div3A_1191 : i32
      %jit3A_1214 = arith.constant 0 : i32
      %jit3A_1215 = arith.constant 4095 : i32
      %max3A_1216 = arith.maxsi %jit3A_1214, %squeeze3A_1189 : i32
      %min3A_1217 = arith.minsi %jit3A_1215, %max3A_1216 : i32
      %sub3A_1218 = arith.constant 4096 : i32
      %sub3A_1219 = arith.subi %squeeze3A_1189, %sub3A_1218 : i32
      %jit3A_1220 = arith.constant 0 : i32
      %jit3A_1221 = arith.constant 4095 : i32
      %max3A_1222 = arith.maxsi %jit3A_1220, %sub3A_1219 : i32
      %min3A_1223 = arith.minsi %jit3A_1221, %max3A_1222 : i32
      %sub3A_1224 = arith.constant 0 : i32
      %sub3A_1225 = arith.subi %select_n3A_1213, %sub3A_1224 : i32
      %abs3A_1226 = math.absi %sub3A_1225 : i32
      %sub3A_1227 = arith.subi %scan3A, %abs3A_1226 : i32
      %convert_element_type3A_1228 = arith.sitofp %sub3A_1227 : i32 to f32
      %jit3A_1229 = arith.constant 16 : i32
      %div3A_1230 = arith.divsi %min3A_1217, %jit3A_1229 : i32
      %sign3A_1231 = arith.constant 0 : i32
      %sign3A_1232 = arith.cmpi sgt, %min3A_1217, %sign3A_1231 : i32
      %sign3A_1233 = arith.extui %sign3A_1232 : i1 to i32
      %sign3A_1234 = arith.constant 0 : i32
      %sign3A_1235 = arith.cmpi slt, %min3A_1217, %sign3A_1234 : i32
      %sign3A_1236 = arith.extui %sign3A_1235 : i1 to i32
      %sign3A_1237 = arith.subi %sign3A_1233, %sign3A_1236 : i32
      %sign3A_1238 = arith.constant 0 : i32
      %sign3A_1239 = arith.cmpi sgt, %jit3A_1229, %sign3A_1238 : i32
      %sign3A_1240 = arith.extui %sign3A_1239 : i1 to i32
      %sign3A_1241 = arith.constant 0 : i32
      %sign3A_1242 = arith.cmpi slt, %jit3A_1229, %sign3A_1241 : i32
      %sign3A_1243 = arith.extui %sign3A_1242 : i1 to i32
      %sign3A_1244 = arith.subi %sign3A_1240, %sign3A_1243 : i32
      %ne3A_1245 = arith.cmpi ne, %sign3A_1237, %sign3A_1244 : i32
      %rem3A_1246 = arith.remsi %min3A_1217, %jit3A_1229 : i32
      %ne3A_1247 = arith.constant 0 : i32
      %ne3A_1248 = arith.cmpi ne, %rem3A_1246, %ne3A_1247 : i32
      %and3A_1249 = arith.andi %ne3A_1245, %ne3A_1248 : i1
      %sub3A_1250 = arith.constant 1 : i32
      %sub3A_1251 = arith.subi %div3A_1230, %sub3A_1250 : i32
      %select_n3A_1252 = arith.select %and3A_1249, %sub3A_1251, %div3A_1230 : i32
      %mul3A_1253 = arith.constant 16 : i32
      %mul3A_1254 = arith.muli %select_n3A_1252, %mul3A_1253 : i32
      %jit3A_1255 = arith.constant 16 : i32
      %eq3A_1256 = arith.constant 0 : i32
      %eq3A_1257 = arith.cmpi eq, %jit3A_1255, %eq3A_1256 : i32
      %jit3A_1258 = arith.constant 1 : i32
      %select_n3A_1259 = arith.select %eq3A_1257, %jit3A_1258, %jit3A_1255 : i32
      %rem3A_1260 = arith.remsi %min3A_1217, %select_n3A_1259 : i32
      %ne3A_1261 = arith.constant 0 : i32
      %ne3A_1262 = arith.cmpi ne, %rem3A_1260, %ne3A_1261 : i32
      %lt3A_1263 = arith.constant 0 : i32
      %lt3A_1264 = arith.cmpi slt, %rem3A_1260, %lt3A_1263 : i32
      %lt3A_1265 = arith.constant 0 : i32
      %lt3A_1266 = arith.cmpi slt, %select_n3A_1259, %lt3A_1265 : i32
      %ne3A_1267 = arith.xori %lt3A_1264, %lt3A_1266 : i1
      %and3A_1268 = arith.andi %ne3A_1267, %ne3A_1262 : i1
      %add3A_1269 = arith.addi %rem3A_1260, %select_n3A_1259 : i32
      %select_n3A_1270 = arith.select %and3A_1268, %add3A_1269, %rem3A_1260 : i32
      %sub3A_1271 = vector.broadcast %select_n3A_1270 : i32 to vector<16xi32>
      %sub3A_1272 = arith.subi %iota3A, %sub3A_1271 : vector<16xi32>
      %abs3A_1273 = math.absi %sub3A_1272 : vector<16xi32>
      %min3A_1274 = vector.broadcast %scan3A : i32 to vector<16xi32>
      %min3A_1275 = arith.minsi %min3A_1274, %abs3A_1273 : vector<16xi32>
      %sub3A_1276 = vector.broadcast %scan3A : i32 to vector<16xi32>
      %sub3A_1277 = arith.subi %sub3A_1276, %min3A_1275 : vector<16xi32>
      %convert_element_type3A_1278 = arith.sitofp %sub3A_1277 : vector<16xi32> to vector<16xf32>
      %get3A_1279 = arith.constant 7 : i32
      %get3A_1280 = arith.index_cast %get3A_1279 : i32 to index
      %get3A_1281 = arith.index_cast %mul3A_1254 : i32 to index
      %get3A_1282 = tpu.vector_load %arg10[%get3A_1280, %get3A_1281] {strides = array<i32>} : memref<8x4096xf32, #tpu.memory_space<vmem>>, vector<1x16xf32>,
      %get3A_1283 = vector.shape_cast %get3A_1282 : vector<1x16xf32> to vector<16xf32>
      %mul3A_1284 = arith.mulf %get3A_1283, %convert_element_type3A_1278 : vector<16xf32>
      %mul3A_1285 = vector.broadcast %convert_element_type3A_1228 : f32 to vector<16xf32>
      %mul3A_1286 = arith.mulf %mul3A_1284, %mul3A_1285 : vector<16xf32>
      %add3A_1287 = arith.addf %add3A_1187, %mul3A_1286 : vector<16xf32>
      %sub3A_1288 = arith.constant 1 : i32
      %sub3A_1289 = arith.subi %select_n3A_1213, %sub3A_1288 : i32
      %abs3A_1290 = math.absi %sub3A_1289 : i32
      %sub3A_1291 = arith.subi %scan3A, %abs3A_1290 : i32
      %convert_element_type3A_1292 = arith.sitofp %sub3A_1291 : i32 to f32
      %jit3A_1293 = arith.constant 16 : i32
      %div3A_1294 = arith.divsi %min3A_1223, %jit3A_1293 : i32
      %sign3A_1295 = arith.constant 0 : i32
      %sign3A_1296 = arith.cmpi sgt, %min3A_1223, %sign3A_1295 : i32
      %sign3A_1297 = arith.extui %sign3A_1296 : i1 to i32
      %sign3A_1298 = arith.constant 0 : i32
      %sign3A_1299 = arith.cmpi slt, %min3A_1223, %sign3A_1298 : i32
      %sign3A_1300 = arith.extui %sign3A_1299 : i1 to i32
      %sign3A_1301 = arith.subi %sign3A_1297, %sign3A_1300 : i32
      %sign3A_1302 = arith.constant 0 : i32
      %sign3A_1303 = arith.cmpi sgt, %jit3A_1293, %sign3A_1302 : i32
      %sign3A_1304 = arith.extui %sign3A_1303 : i1 to i32
      %sign3A_1305 = arith.constant 0 : i32
      %sign3A_1306 = arith.cmpi slt, %jit3A_1293, %sign3A_1305 : i32
      %sign3A_1307 = arith.extui %sign3A_1306 : i1 to i32
      %sign3A_1308 = arith.subi %sign3A_1304, %sign3A_1307 : i32
      %ne3A_1309 = arith.cmpi ne, %sign3A_1301, %sign3A_1308 : i32
      %rem3A_1310 = arith.remsi %min3A_1223, %jit3A_1293 : i32
      %ne3A_1311 = arith.constant 0 : i32
      %ne3A_1312 = arith.cmpi ne, %rem3A_1310, %ne3A_1311 : i32
      %and3A_1313 = arith.andi %ne3A_1309, %ne3A_1312 : i1
      %sub3A_1314 = arith.constant 1 : i32
      %sub3A_1315 = arith.subi %div3A_1294, %sub3A_1314 : i32
      %select_n3A_1316 = arith.select %and3A_1313, %sub3A_1315, %div3A_1294 : i32
      %mul3A_1317 = arith.constant 16 : i32
      %mul3A_1318 = arith.muli %select_n3A_1316, %mul3A_1317 : i32
      %jit3A_1319 = arith.constant 16 : i32
      %eq3A_1320 = arith.constant 0 : i32
      %eq3A_1321 = arith.cmpi eq, %jit3A_1319, %eq3A_1320 : i32
      %jit3A_1322 = arith.constant 1 : i32
      %select_n3A_1323 = arith.select %eq3A_1321, %jit3A_1322, %jit3A_1319 : i32
      %rem3A_1324 = arith.remsi %min3A_1223, %select_n3A_1323 : i32
      %ne3A_1325 = arith.constant 0 : i32
      %ne3A_1326 = arith.cmpi ne, %rem3A_1324, %ne3A_1325 : i32
      %lt3A_1327 = arith.constant 0 : i32
      %lt3A_1328 = arith.cmpi slt, %rem3A_1324, %lt3A_1327 : i32
      %lt3A_1329 = arith.constant 0 : i32
      %lt3A_1330 = arith.cmpi slt, %select_n3A_1323, %lt3A_1329 : i32
      %ne3A_1331 = arith.xori %lt3A_1328, %lt3A_1330 : i1
      %and3A_1332 = arith.andi %ne3A_1331, %ne3A_1326 : i1
      %add3A_1333 = arith.addi %rem3A_1324, %select_n3A_1323 : i32
      %select_n3A_1334 = arith.select %and3A_1332, %add3A_1333, %rem3A_1324 : i32
      %sub3A_1335 = vector.broadcast %select_n3A_1334 : i32 to vector<16xi32>
      %sub3A_1336 = arith.subi %iota3A, %sub3A_1335 : vector<16xi32>
      %abs3A_1337 = math.absi %sub3A_1336 : vector<16xi32>
      %min3A_1338 = vector.broadcast %scan3A : i32 to vector<16xi32>
      %min3A_1339 = arith.minsi %min3A_1338, %abs3A_1337 : vector<16xi32>
      %sub3A_1340 = vector.broadcast %scan3A : i32 to vector<16xi32>
      %sub3A_1341 = arith.subi %sub3A_1340, %min3A_1339 : vector<16xi32>
      %convert_element_type3A_1342 = arith.sitofp %sub3A_1341 : vector<16xi32> to vector<16xf32>
      %get3A_1343 = arith.constant 7 : i32
      %get3A_1344 = arith.index_cast %get3A_1343 : i32 to index
      %get3A_1345 = arith.index_cast %mul3A_1318 : i32 to index
      %get3A_1346 = tpu.vector_load %arg11[%get3A_1344, %get3A_1345] {strides = array<i32>} : memref<8x4096xf32, #tpu.memory_space<vmem>>, vector<1x16xf32>,
      %get3A_1347 = vector.shape_cast %get3A_1346 : vector<1x16xf32> to vector<16xf32>
      %mul3A_1348 = arith.mulf %get3A_1347, %convert_element_type3A_1342 : vector<16xf32>
      %mul3A_1349 = vector.broadcast %convert_element_type3A_1292 : f32 to vector<16xf32>
      %mul3A_1350 = arith.mulf %mul3A_1348, %mul3A_1349 : vector<16xf32>
      %add3A_1351 = arith.addf %add3A_1287, %mul3A_1350 : vector<16xf32>
      %add3A_1352 = arith.addf %scan3A_22, %add3A_1351 : vector<16xf32>
      %add3A_1353 = arith.constant 1 : i32
      %add3A_1354 = arith.addi %add3A_30, %add3A_1353 : i32
      %lt3A_1355 = arith.constant 32 : i32
      %lt3A_1356 = arith.cmpi slt, %add3A_1354, %lt3A_1355 : i32
      %convert_element_type3A_1357 = arith.extui %lt3A_1356 : i1 to i32
      %cond3A = arith.constant 0 : i32
      %cond3A_1358 = arith.cmpi ne, %convert_element_type3A_1357, %cond3A : i32
      scf.if %cond3A_1358 {
        %add3A_2714 = arith.constant 1 : i32
        %add3A_2715 = arith.addi %add3A_30, %add3A_2714 : i32
        %mul3A_2716 = arith.constant 8 : i32
        %mul3A_2717 = arith.muli %add3A_2715, %mul3A_2716 : i32
        %dma_start3A_2718 = tpu.memref_slice %arg7[%mul3A_2717] : memref<256xi32, #tpu.memory_space<vmem>> -> memref<8xi32, #tpu.memory_space<vmem>>
        %dma_start3A_2719 = arith.constant 0 : i32
        %dma_start3A_2720 = arith.constant 0 : i32
        %dma_start3A_2721 = tpu.memref_slice %arg2[%dma_start3A_2719, %dma_start3A_2720] : memref<8192x8192xf32, #tpu.memory_space<hbm>> -> memref<8192x4096xf32, #tpu.memory_space<hbm>>
        tpu.enqueue_indirect_dma source(%dma_start3A_2721 : memref<8192x4096xf32, #tpu.memory_space<hbm>>) target(%arg10 : memref<8x4096xf32, #tpu.memory_space<vmem>>) offsets(%dma_start3A_2718 : memref<8xi32, #tpu.memory_space<vmem>>) semaphore(%arg12 : memref<!tpu.dma_semaphore, #tpu.memory_space<semaphore_mem>>)
      } else {
      }
      %mul3A_1359 = arith.constant 8 : i32
      %mul3A_1360 = arith.muli %add3A_30, %mul3A_1359 : i32
      %add3A_1361 = arith.addi %mul3A_2, %mul3A_1360 : i32
      "tpu.region"() ({
        %run_scoped3A = tpu.sem_alloc : memref<!tpu.dma_semaphore, #tpu.memory_space<semaphore_mem>>
        %dma_start3A_2714 = arith.constant 4096 : i32
        %dma_start3A_2715 = tpu.memref_slice %arg5[%add3A_1361, %dma_start3A_2714] : memref<8192x8192xf32, #tpu.memory_space<hbm>> -> memref<8x4096xf32, #tpu.memory_space<hbm>>
        %dma_start3A_2716 = arith.constant 4096 : i32
        %dma_start3A_2717 = tpu.memref_slice %arg5[%add3A_1361, %dma_start3A_2716] : memref<8192x8192xf32, #tpu.memory_space<hbm>> -> memref<8x4096xf32, #tpu.memory_space<hbm>>
        tpu.enqueue_dma source(%arg11 : memref<8x4096xf32, #tpu.memory_space<vmem>>) target(%dma_start3A_2717 : memref<8x4096xf32, #tpu.memory_space<hbm>>) target_semaphore(%run_scoped3A : memref<!tpu.dma_semaphore, #tpu.memory_space<semaphore_mem>>)
        %dma_wait3A_2718 = arith.constant 4096 : i32
        %dma_wait3A_2719 = tpu.memref_slice %arg5[%add3A_1361, %dma_wait3A_2718] : memref<8192x8192xf32, #tpu.memory_space<hbm>> -> memref<8x4096xf32, #tpu.memory_space<hbm>>
        %dma_wait3A_2720 = arith.constant 4096 : i32
        %dma_wait3A_2721 = tpu.memref_slice %arg5[%add3A_1361, %dma_wait3A_2720] : memref<8192x8192xf32, #tpu.memory_space<hbm>> -> memref<8x4096xf32, #tpu.memory_space<hbm>>
        tpu.wait_dma2 semaphore(%run_scoped3A : memref<!tpu.dma_semaphore, #tpu.memory_space<semaphore_mem>>) src(%arg11 : memref<8x4096xf32, #tpu.memory_space<vmem>>) dst(%dma_wait3A_2721 : memref<8x4096xf32, #tpu.memory_space<hbm>>)
        tpu.yield
      }) : () -> ()
      %mul3A_1362 = arith.constant 2 : i32
      %mul3A_1363 = arith.muli %scan3A_21, %mul3A_1362 : i32
      %add3A_1364 = arith.constant 1 : i32
      %add3A_1365 = arith.addi %mul3A_1363, %add3A_1364 : i32
      %mul3A_1366 = arith.constant 8 : i32
      %mul3A_1367 = arith.muli %add3A_1365, %mul3A_1366 : i32
      %dma_wait3A_1368 = tpu.memref_slice %arg7[%mul3A_1367] : memref<256xi32, #tpu.memory_space<vmem>> -> memref<8xi32, #tpu.memory_space<vmem>>
      %dma_wait3A_1369 = arith.constant 0 : i32
      %dma_wait3A_1370 = arith.constant 0 : i32
      %dma_wait3A_1371 = tpu.memref_slice %arg2[%dma_wait3A_1369, %dma_wait3A_1370] : memref<8192x8192xf32, #tpu.memory_space<hbm>> -> memref<8192x4096xf32, #tpu.memory_space<hbm>>
      tpu.wait_indirect_dma semaphore(%arg12 : memref<!tpu.dma_semaphore, #tpu.memory_space<semaphore_mem>>) src(%dma_wait3A_1371 : memref<8192x4096xf32, #tpu.memory_space<hbm>>) dst(%arg10 : memref<8x4096xf32, #tpu.memory_space<vmem>>)
      %mul3A_1372 = arith.constant 8 : i32
      %mul3A_1373 = arith.muli %add3A_1365, %mul3A_1372 : i32
      %dma_start3A_1374 = tpu.memref_slice %arg7[%mul3A_1373] : memref<256xi32, #tpu.memory_space<vmem>> -> memref<8xi32, #tpu.memory_space<vmem>>
      %dma_start3A_1375 = arith.constant 0 : i32
      %dma_start3A_1376 = arith.constant 4096 : i32
      %dma_start3A_1377 = tpu.memref_slice %arg2[%dma_start3A_1375, %dma_start3A_1376] : memref<8192x8192xf32, #tpu.memory_space<hbm>> -> memref<8192x4096xf32, #tpu.memory_space<hbm>>
      tpu.enqueue_indirect_dma source(%dma_start3A_1377 : memref<8192x4096xf32, #tpu.memory_space<hbm>>) target(%arg11 : memref<8x4096xf32, #tpu.memory_space<vmem>>) offsets(%dma_start3A_1374 : memref<8xi32, #tpu.memory_space<vmem>>) semaphore(%arg13 : memref<!tpu.dma_semaphore, #tpu.memory_space<semaphore_mem>>)
      %mul3A_1378 = arith.constant 8 : i32
      %mul3A_1379 = arith.muli %add3A_1365, %mul3A_1378 : i32
      %add3A_1380 = arith.addi %mul3A_2, %mul3A_1379 : i32
      "tpu.region"() ({
        %run_scoped3A = tpu.sem_alloc : memref<!tpu.dma_semaphore, #tpu.memory_space<semaphore_mem>>
        %dma_start3A_2714 = arith.constant 0 : i32
        %dma_start3A_2715 = tpu.memref_slice %arg5[%add3A_1380, %dma_start3A_2714] : memref<8192x8192xf32, #tpu.memory_space<hbm>> -> memref<8x4096xf32, #tpu.memory_space<hbm>>
        %dma_start3A_2716 = arith.constant 0 : i32
        %dma_start3A_2717 = tpu.memref_slice %arg5[%add3A_1380, %dma_start3A_2716] : memref<8192x8192xf32, #tpu.memory_space<hbm>> -> memref<8x4096xf32, #tpu.memory_space<hbm>>
        tpu.enqueue_dma source(%arg10 : memref<8x4096xf32, #tpu.memory_space<vmem>>) target(%dma_start3A_2717 : memref<8x4096xf32, #tpu.memory_space<hbm>>) target_semaphore(%run_scoped3A : memref<!tpu.dma_semaphore, #tpu.memory_space<semaphore_mem>>)
        %dma_wait3A_2718 = arith.constant 0 : i32
        %dma_wait3A_2719 = tpu.memref_slice %arg5[%add3A_1380, %dma_wait3A_2718] : memref<8192x8192xf32, #tpu.memory_space<hbm>> -> memref<8x4096xf32, #tpu.memory_space<hbm>>
        %dma_wait3A_2720 = arith.constant 0 : i32
        %dma_wait3A_2721 = tpu.memref_slice %arg5[%add3A_1380, %dma_wait3A_2720] : memref<8192x8192xf32, #tpu.memory_space<hbm>> -> memref<8x4096xf32, #tpu.memory_space<hbm>>
        tpu.wait_dma2 semaphore(%run_scoped3A : memref<!tpu.dma_semaphore, #tpu.memory_space<semaphore_mem>>) src(%arg10 : memref<8x4096xf32, #tpu.memory_space<vmem>>) dst(%dma_wait3A_2721 : memref<8x4096xf32, #tpu.memory_space<hbm>>)
        tpu.yield
      }) : () -> ()
      %mul3A_1381 = arith.constant 8 : i32
      %mul3A_1382 = arith.muli %add3A_1365, %mul3A_1381 : i32
      %dma_wait3A_1383 = tpu.memref_slice %arg7[%mul3A_1382] : memref<256xi32, #tpu.memory_space<vmem>> -> memref<8xi32, #tpu.memory_space<vmem>>
      %dma_wait3A_1384 = arith.constant 0 : i32
      %dma_wait3A_1385 = arith.constant 4096 : i32
      %dma_wait3A_1386 = tpu.memref_slice %arg2[%dma_wait3A_1384, %dma_wait3A_1385] : memref<8192x8192xf32, #tpu.memory_space<hbm>> -> memref<8192x4096xf32, #tpu.memory_space<hbm>>
      tpu.wait_indirect_dma semaphore(%arg13 : memref<!tpu.dma_semaphore, #tpu.memory_space<semaphore_mem>>) src(%dma_wait3A_1386 : memref<8192x4096xf32, #tpu.memory_space<hbm>>) dst(%arg11 : memref<8x4096xf32, #tpu.memory_space<vmem>>)
      %mul3A_1387 = arith.constant 0 : i32
      %mul3A_1388 = vector.broadcast %mul3A_1387 : i32 to vector<16xi32>
      %mul3A_1389 = arith.muli %iota3A, %mul3A_1388 : vector<16xi32>
      %convert_element_type3A_1390 = arith.sitofp %mul3A_1389 : vector<16xi32> to vector<16xf32>
      %slice3A_1391 = vector.extract_strided_slice %get3A_26 {offsets = [8], sizes = [1], strides = [1]} : vector<16xi32> to vector<1xi32>
      %squeeze3A_1392 = vector.extract %slice3A_1391[0] : i32 from vector<1xi32>
      %jit3A_1393 = arith.constant 4096 : i32
      %div3A_1394 = arith.divsi %squeeze3A_1392, %jit3A_1393 : i32
      %sign3A_1395 = arith.constant 0 : i32
      %sign3A_1396 = arith.cmpi sgt, %squeeze3A_1392, %sign3A_1395 : i32
      %sign3A_1397 = arith.extui %sign3A_1396 : i1 to i32
      %sign3A_1398 = arith.constant 0 : i32
      %sign3A_1399 = arith.cmpi slt, %squeeze3A_1392, %sign3A_1398 : i32
      %sign3A_1400 = arith.extui %sign3A_1399 : i1 to i32
      %sign3A_1401 = arith.subi %sign3A_1397, %sign3A_1400 : i32
      %sign3A_1402 = arith.constant 0 : i32
      %sign3A_1403 = arith.cmpi sgt, %jit3A_1393, %sign3A_1402 : i32
      %sign3A_1404 = arith.extui %sign3A_1403 : i1 to i32
      %sign3A_1405 = arith.constant 0 : i32
      %sign3A_1406 = arith.cmpi slt, %jit3A_1393, %sign3A_1405 : i32
      %sign3A_1407 = arith.extui %sign3A_1406 : i1 to i32
      %sign3A_1408 = arith.subi %sign3A_1404, %sign3A_1407 : i32
      %ne3A_1409 = arith.cmpi ne, %sign3A_1401, %sign3A_1408 : i32
      %rem3A_1410 = arith.remsi %squeeze3A_1392, %jit3A_1393 : i32
      %ne3A_1411 = arith.constant 0 : i32
      %ne3A_1412 = arith.cmpi ne, %rem3A_1410, %ne3A_1411 : i32
      %and3A_1413 = arith.andi %ne3A_1409, %ne3A_1412 : i1
      %sub3A_1414 = arith.constant 1 : i32
      %sub3A_1415 = arith.subi %div3A_1394, %sub3A_1414 : i32
      %select_n3A_1416 = arith.select %and3A_1413, %sub3A_1415, %div3A_1394 : i32
      %jit3A_1417 = arith.constant 0 : i32
      %jit3A_1418 = arith.constant 4095 : i32
      %max3A_1419 = arith.maxsi %jit3A_1417, %squeeze3A_1392 : i32
      %min3A_1420 = arith.minsi %jit3A_1418, %max3A_1419 : i32
      %sub3A_1421 = arith.constant 4096 : i32
      %sub3A_1422 = arith.subi %squeeze3A_1392, %sub3A_1421 : i32
      %jit3A_1423 = arith.constant 0 : i32
      %jit3A_1424 = arith.constant 4095 : i32
      %max3A_1425 = arith.maxsi %jit3A_1423, %sub3A_1422 : i32
      %min3A_1426 = arith.minsi %jit3A_1424, %max3A_1425 : i32
      %sub3A_1427 = arith.constant 0 : i32
      %sub3A_1428 = arith.subi %select_n3A_1416, %sub3A_1427 : i32
      %abs3A_1429 = math.absi %sub3A_1428 : i32
      %sub3A_1430 = arith.subi %scan3A, %abs3A_1429 : i32
      %convert_element_type3A_1431 = arith.sitofp %sub3A_1430 : i32 to f32
      %jit3A_1432 = arith.constant 16 : i32
      %div3A_1433 = arith.divsi %min3A_1420, %jit3A_1432 : i32
      %sign3A_1434 = arith.constant 0 : i32
      %sign3A_1435 = arith.cmpi sgt, %min3A_1420, %sign3A_1434 : i32
      %sign3A_1436 = arith.extui %sign3A_1435 : i1 to i32
      %sign3A_1437 = arith.constant 0 : i32
      %sign3A_1438 = arith.cmpi slt, %min3A_1420, %sign3A_1437 : i32
      %sign3A_1439 = arith.extui %sign3A_1438 : i1 to i32
      %sign3A_1440 = arith.subi %sign3A_1436, %sign3A_1439 : i32
      %sign3A_1441 = arith.constant 0 : i32
      %sign3A_1442 = arith.cmpi sgt, %jit3A_1432, %sign3A_1441 : i32
      %sign3A_1443 = arith.extui %sign3A_1442 : i1 to i32
      %sign3A_1444 = arith.constant 0 : i32
      %sign3A_1445 = arith.cmpi slt, %jit3A_1432, %sign3A_1444 : i32
      %sign3A_1446 = arith.extui %sign3A_1445 : i1 to i32
      %sign3A_1447 = arith.subi %sign3A_1443, %sign3A_1446 : i32
      %ne3A_1448 = arith.cmpi ne, %sign3A_1440, %sign3A_1447 : i32
      %rem3A_1449 = arith.remsi %min3A_1420, %jit3A_1432 : i32
      %ne3A_1450 = arith.constant 0 : i32
      %ne3A_1451 = arith.cmpi ne, %rem3A_1449, %ne3A_1450 : i32
      %and3A_1452 = arith.andi %ne3A_1448, %ne3A_1451 : i1
      %sub3A_1453 = arith.constant 1 : i32
      %sub3A_1454 = arith.subi %div3A_1433, %sub3A_1453 : i32
      %select_n3A_1455 = arith.select %and3A_1452, %sub3A_1454, %div3A_1433 : i32
      %mul3A_1456 = arith.constant 16 : i32
      %mul3A_1457 = arith.muli %select_n3A_1455, %mul3A_1456 : i32
      %jit3A_1458 = arith.constant 16 : i32
      %eq3A_1459 = arith.constant 0 : i32
      %eq3A_1460 = arith.cmpi eq, %jit3A_1458, %eq3A_1459 : i32
      %jit3A_1461 = arith.constant 1 : i32
      %select_n3A_1462 = arith.select %eq3A_1460, %jit3A_1461, %jit3A_1458 : i32
      %rem3A_1463 = arith.remsi %min3A_1420, %select_n3A_1462 : i32
      %ne3A_1464 = arith.constant 0 : i32
      %ne3A_1465 = arith.cmpi ne, %rem3A_1463, %ne3A_1464 : i32
      %lt3A_1466 = arith.constant 0 : i32
      %lt3A_1467 = arith.cmpi slt, %rem3A_1463, %lt3A_1466 : i32
      %lt3A_1468 = arith.constant 0 : i32
      %lt3A_1469 = arith.cmpi slt, %select_n3A_1462, %lt3A_1468 : i32
      %ne3A_1470 = arith.xori %lt3A_1467, %lt3A_1469 : i1
      %and3A_1471 = arith.andi %ne3A_1470, %ne3A_1465 : i1
      %add3A_1472 = arith.addi %rem3A_1463, %select_n3A_1462 : i32
      %select_n3A_1473 = arith.select %and3A_1471, %add3A_1472, %rem3A_1463 : i32
      %sub3A_1474 = vector.broadcast %select_n3A_1473 : i32 to vector<16xi32>
      %sub3A_1475 = arith.subi %iota3A, %sub3A_1474 : vector<16xi32>
      %abs3A_1476 = math.absi %sub3A_1475 : vector<16xi32>
      %min3A_1477 = vector.broadcast %scan3A : i32 to vector<16xi32>
      %min3A_1478 = arith.minsi %min3A_1477, %abs3A_1476 : vector<16xi32>
      %sub3A_1479 = vector.broadcast %scan3A : i32 to vector<16xi32>
      %sub3A_1480 = arith.subi %sub3A_1479, %min3A_1478 : vector<16xi32>
      %convert_element_type3A_1481 = arith.sitofp %sub3A_1480 : vector<16xi32> to vector<16xf32>
      %get3A_1482 = arith.constant 0 : i32
      %get3A_1483 = arith.index_cast %get3A_1482 : i32 to index
      %get3A_1484 = arith.index_cast %mul3A_1457 : i32 to index
      %get3A_1485 = tpu.vector_load %arg10[%get3A_1483, %get3A_1484] {strides = array<i32>} : memref<8x4096xf32, #tpu.memory_space<vmem>>, vector<1x16xf32>,
      %get3A_1486 = vector.shape_cast %get3A_1485 : vector<1x16xf32> to vector<16xf32>
      %mul3A_1487 = arith.mulf %get3A_1486, %convert_element_type3A_1481 : vector<16xf32>
      %mul3A_1488 = vector.broadcast %convert_element_type3A_1431 : f32 to vector<16xf32>
      %mul3A_1489 = arith.mulf %mul3A_1487, %mul3A_1488 : vector<16xf32>
      %add3A_1490 = arith.addf %convert_element_type3A_1390, %mul3A_1489 : vector<16xf32>
      %sub3A_1491 = arith.constant 1 : i32
      %sub3A_1492 = arith.subi %select_n3A_1416, %sub3A_1491 : i32
      %abs3A_1493 = math.absi %sub3A_1492 : i32
      %sub3A_1494 = arith.subi %scan3A, %abs3A_1493 : i32
      %convert_element_type3A_1495 = arith.sitofp %sub3A_1494 : i32 to f32
      %jit3A_1496 = arith.constant 16 : i32
      %div3A_1497 = arith.divsi %min3A_1426, %jit3A_1496 : i32
      %sign3A_1498 = arith.constant 0 : i32
      %sign3A_1499 = arith.cmpi sgt, %min3A_1426, %sign3A_1498 : i32
      %sign3A_1500 = arith.extui %sign3A_1499 : i1 to i32
      %sign3A_1501 = arith.constant 0 : i32
      %sign3A_1502 = arith.cmpi slt, %min3A_1426, %sign3A_1501 : i32
      %sign3A_1503 = arith.extui %sign3A_1502 : i1 to i32
      %sign3A_1504 = arith.subi %sign3A_1500, %sign3A_1503 : i32
      %sign3A_1505 = arith.constant 0 : i32
      %sign3A_1506 = arith.cmpi sgt, %jit3A_1496, %sign3A_1505 : i32
      %sign3A_1507 = arith.extui %sign3A_1506 : i1 to i32
      %sign3A_1508 = arith.constant 0 : i32
      %sign3A_1509 = arith.cmpi slt, %jit3A_1496, %sign3A_1508 : i32
      %sign3A_1510 = arith.extui %sign3A_1509 : i1 to i32
      %sign3A_1511 = arith.subi %sign3A_1507, %sign3A_1510 : i32
      %ne3A_1512 = arith.cmpi ne, %sign3A_1504, %sign3A_1511 : i32
      %rem3A_1513 = arith.remsi %min3A_1426, %jit3A_1496 : i32
      %ne3A_1514 = arith.constant 0 : i32
      %ne3A_1515 = arith.cmpi ne, %rem3A_1513, %ne3A_1514 : i32
      %and3A_1516 = arith.andi %ne3A_1512, %ne3A_1515 : i1
      %sub3A_1517 = arith.constant 1 : i32
      %sub3A_1518 = arith.subi %div3A_1497, %sub3A_1517 : i32
      %select_n3A_1519 = arith.select %and3A_1516, %sub3A_1518, %div3A_1497 : i32
      %mul3A_1520 = arith.constant 16 : i32
      %mul3A_1521 = arith.muli %select_n3A_1519, %mul3A_1520 : i32
      %jit3A_1522 = arith.constant 16 : i32
      %eq3A_1523 = arith.constant 0 : i32
      %eq3A_1524 = arith.cmpi eq, %jit3A_1522, %eq3A_1523 : i32
      %jit3A_1525 = arith.constant 1 : i32
      %select_n3A_1526 = arith.select %eq3A_1524, %jit3A_1525, %jit3A_1522 : i32
      %rem3A_1527 = arith.remsi %min3A_1426, %select_n3A_1526 : i32
      %ne3A_1528 = arith.constant 0 : i32
      %ne3A_1529 = arith.cmpi ne, %rem3A_1527, %ne3A_1528 : i32
      %lt3A_1530 = arith.constant 0 : i32
      %lt3A_1531 = arith.cmpi slt, %rem3A_1527, %lt3A_1530 : i32
      %lt3A_1532 = arith.constant 0 : i32
      %lt3A_1533 = arith.cmpi slt, %select_n3A_1526, %lt3A_1532 : i32
      %ne3A_1534 = arith.xori %lt3A_1531, %lt3A_1533 : i1
      %and3A_1535 = arith.andi %ne3A_1534, %ne3A_1529 : i1
      %add3A_1536 = arith.addi %rem3A_1527, %select_n3A_1526 : i32
      %select_n3A_1537 = arith.select %and3A_1535, %add3A_1536, %rem3A_1527 : i32
      %sub3A_1538 = vector.broadcast %select_n3A_1537 : i32 to vector<16xi32>
      %sub3A_1539 = arith.subi %iota3A, %sub3A_1538 : vector<16xi32>
      %abs3A_1540 = math.absi %sub3A_1539 : vector<16xi32>
      %min3A_1541 = vector.broadcast %scan3A : i32 to vector<16xi32>
      %min3A_1542 = arith.minsi %min3A_1541, %abs3A_1540 : vector<16xi32>
      %sub3A_1543 = vector.broadcast %scan3A : i32 to vector<16xi32>
      %sub3A_1544 = arith.subi %sub3A_1543, %min3A_1542 : vector<16xi32>
      %convert_element_type3A_1545 = arith.sitofp %sub3A_1544 : vector<16xi32> to vector<16xf32>
      %get3A_1546 = arith.constant 0 : i32
      %get3A_1547 = arith.index_cast %get3A_1546 : i32 to index
      %get3A_1548 = arith.index_cast %mul3A_1521 : i32 to index
      %get3A_1549 = tpu.vector_load %arg11[%get3A_1547, %get3A_1548] {strides = array<i32>} : memref<8x4096xf32, #tpu.memory_space<vmem>>, vector<1x16xf32>,
      %get3A_1550 = vector.shape_cast %get3A_1549 : vector<1x16xf32> to vector<16xf32>
      %mul3A_1551 = arith.mulf %get3A_1550, %convert_element_type3A_1545 : vector<16xf32>
      %mul3A_1552 = vector.broadcast %convert_element_type3A_1495 : f32 to vector<16xf32>
      %mul3A_1553 = arith.mulf %mul3A_1551, %mul3A_1552 : vector<16xf32>
      %add3A_1554 = arith.addf %add3A_1490, %mul3A_1553 : vector<16xf32>
      %slice3A_1555 = vector.extract_strided_slice %get3A_26 {offsets = [9], sizes = [1], strides = [1]} : vector<16xi32> to vector<1xi32>
      %squeeze3A_1556 = vector.extract %slice3A_1555[0] : i32 from vector<1xi32>
      %jit3A_1557 = arith.constant 4096 : i32
      %div3A_1558 = arith.divsi %squeeze3A_1556, %jit3A_1557 : i32
      %sign3A_1559 = arith.constant 0 : i32
      %sign3A_1560 = arith.cmpi sgt, %squeeze3A_1556, %sign3A_1559 : i32
      %sign3A_1561 = arith.extui %sign3A_1560 : i1 to i32
      %sign3A_1562 = arith.constant 0 : i32
      %sign3A_1563 = arith.cmpi slt, %squeeze3A_1556, %sign3A_1562 : i32
      %sign3A_1564 = arith.extui %sign3A_1563 : i1 to i32
      %sign3A_1565 = arith.subi %sign3A_1561, %sign3A_1564 : i32
      %sign3A_1566 = arith.constant 0 : i32
      %sign3A_1567 = arith.cmpi sgt, %jit3A_1557, %sign3A_1566 : i32
      %sign3A_1568 = arith.extui %sign3A_1567 : i1 to i32
      %sign3A_1569 = arith.constant 0 : i32
      %sign3A_1570 = arith.cmpi slt, %jit3A_1557, %sign3A_1569 : i32
      %sign3A_1571 = arith.extui %sign3A_1570 : i1 to i32
      %sign3A_1572 = arith.subi %sign3A_1568, %sign3A_1571 : i32
      %ne3A_1573 = arith.cmpi ne, %sign3A_1565, %sign3A_1572 : i32
      %rem3A_1574 = arith.remsi %squeeze3A_1556, %jit3A_1557 : i32
      %ne3A_1575 = arith.constant 0 : i32
      %ne3A_1576 = arith.cmpi ne, %rem3A_1574, %ne3A_1575 : i32
      %and3A_1577 = arith.andi %ne3A_1573, %ne3A_1576 : i1
      %sub3A_1578 = arith.constant 1 : i32
      %sub3A_1579 = arith.subi %div3A_1558, %sub3A_1578 : i32
      %select_n3A_1580 = arith.select %and3A_1577, %sub3A_1579, %div3A_1558 : i32
      %jit3A_1581 = arith.constant 0 : i32
      %jit3A_1582 = arith.constant 4095 : i32
      %max3A_1583 = arith.maxsi %jit3A_1581, %squeeze3A_1556 : i32
      %min3A_1584 = arith.minsi %jit3A_1582, %max3A_1583 : i32
      %sub3A_1585 = arith.constant 4096 : i32
      %sub3A_1586 = arith.subi %squeeze3A_1556, %sub3A_1585 : i32
      %jit3A_1587 = arith.constant 0 : i32
      %jit3A_1588 = arith.constant 4095 : i32
      %max3A_1589 = arith.maxsi %jit3A_1587, %sub3A_1586 : i32
      %min3A_1590 = arith.minsi %jit3A_1588, %max3A_1589 : i32
      %sub3A_1591 = arith.constant 0 : i32
      %sub3A_1592 = arith.subi %select_n3A_1580, %sub3A_1591 : i32
      %abs3A_1593 = math.absi %sub3A_1592 : i32
      %sub3A_1594 = arith.subi %scan3A, %abs3A_1593 : i32
      %convert_element_type3A_1595 = arith.sitofp %sub3A_1594 : i32 to f32
      %jit3A_1596 = arith.constant 16 : i32
      %div3A_1597 = arith.divsi %min3A_1584, %jit3A_1596 : i32
      %sign3A_1598 = arith.constant 0 : i32
      %sign3A_1599 = arith.cmpi sgt, %min3A_1584, %sign3A_1598 : i32
      %sign3A_1600 = arith.extui %sign3A_1599 : i1 to i32
      %sign3A_1601 = arith.constant 0 : i32
      %sign3A_1602 = arith.cmpi slt, %min3A_1584, %sign3A_1601 : i32
      %sign3A_1603 = arith.extui %sign3A_1602 : i1 to i32
      %sign3A_1604 = arith.subi %sign3A_1600, %sign3A_1603 : i32
      %sign3A_1605 = arith.constant 0 : i32
      %sign3A_1606 = arith.cmpi sgt, %jit3A_1596, %sign3A_1605 : i32
      %sign3A_1607 = arith.extui %sign3A_1606 : i1 to i32
      %sign3A_1608 = arith.constant 0 : i32
      %sign3A_1609 = arith.cmpi slt, %jit3A_1596, %sign3A_1608 : i32
      %sign3A_1610 = arith.extui %sign3A_1609 : i1 to i32
      %sign3A_1611 = arith.subi %sign3A_1607, %sign3A_1610 : i32
      %ne3A_1612 = arith.cmpi ne, %sign3A_1604, %sign3A_1611 : i32
      %rem3A_1613 = arith.remsi %min3A_1584, %jit3A_1596 : i32
      %ne3A_1614 = arith.constant 0 : i32
      %ne3A_1615 = arith.cmpi ne, %rem3A_1613, %ne3A_1614 : i32
      %and3A_1616 = arith.andi %ne3A_1612, %ne3A_1615 : i1
      %sub3A_1617 = arith.constant 1 : i32
      %sub3A_1618 = arith.subi %div3A_1597, %sub3A_1617 : i32
      %select_n3A_1619 = arith.select %and3A_1616, %sub3A_1618, %div3A_1597 : i32
      %mul3A_1620 = arith.constant 16 : i32
      %mul3A_1621 = arith.muli %select_n3A_1619, %mul3A_1620 : i32
      %jit3A_1622 = arith.constant 16 : i32
      %eq3A_1623 = arith.constant 0 : i32
      %eq3A_1624 = arith.cmpi eq, %jit3A_1622, %eq3A_1623 : i32
      %jit3A_1625 = arith.constant 1 : i32
      %select_n3A_1626 = arith.select %eq3A_1624, %jit3A_1625, %jit3A_1622 : i32
      %rem3A_1627 = arith.remsi %min3A_1584, %select_n3A_1626 : i32
      %ne3A_1628 = arith.constant 0 : i32
      %ne3A_1629 = arith.cmpi ne, %rem3A_1627, %ne3A_1628 : i32
      %lt3A_1630 = arith.constant 0 : i32
      %lt3A_1631 = arith.cmpi slt, %rem3A_1627, %lt3A_1630 : i32
      %lt3A_1632 = arith.constant 0 : i32
      %lt3A_1633 = arith.cmpi slt, %select_n3A_1626, %lt3A_1632 : i32
      %ne3A_1634 = arith.xori %lt3A_1631, %lt3A_1633 : i1
      %and3A_1635 = arith.andi %ne3A_1634, %ne3A_1629 : i1
      %add3A_1636 = arith.addi %rem3A_1627, %select_n3A_1626 : i32
      %select_n3A_1637 = arith.select %and3A_1635, %add3A_1636, %rem3A_1627 : i32
      %sub3A_1638 = vector.broadcast %select_n3A_1637 : i32 to vector<16xi32>
      %sub3A_1639 = arith.subi %iota3A, %sub3A_1638 : vector<16xi32>
      %abs3A_1640 = math.absi %sub3A_1639 : vector<16xi32>
      %min3A_1641 = vector.broadcast %scan3A : i32 to vector<16xi32>
      %min3A_1642 = arith.minsi %min3A_1641, %abs3A_1640 : vector<16xi32>
      %sub3A_1643 = vector.broadcast %scan3A : i32 to vector<16xi32>
      %sub3A_1644 = arith.subi %sub3A_1643, %min3A_1642 : vector<16xi32>
      %convert_element_type3A_1645 = arith.sitofp %sub3A_1644 : vector<16xi32> to vector<16xf32>
      %get3A_1646 = arith.constant 1 : i32
      %get3A_1647 = arith.index_cast %get3A_1646 : i32 to index
      %get3A_1648 = arith.index_cast %mul3A_1621 : i32 to index
      %get3A_1649 = tpu.vector_load %arg10[%get3A_1647, %get3A_1648] {strides = array<i32>} : memref<8x4096xf32, #tpu.memory_space<vmem>>, vector<1x16xf32>,
      %get3A_1650 = vector.shape_cast %get3A_1649 : vector<1x16xf32> to vector<16xf32>
      %mul3A_1651 = arith.mulf %get3A_1650, %convert_element_type3A_1645 : vector<16xf32>
      %mul3A_1652 = vector.broadcast %convert_element_type3A_1595 : f32 to vector<16xf32>
      %mul3A_1653 = arith.mulf %mul3A_1651, %mul3A_1652 : vector<16xf32>
      %add3A_1654 = arith.addf %add3A_1554, %mul3A_1653 : vector<16xf32>
      %sub3A_1655 = arith.constant 1 : i32
      %sub3A_1656 = arith.subi %select_n3A_1580, %sub3A_1655 : i32
      %abs3A_1657 = math.absi %sub3A_1656 : i32
      %sub3A_1658 = arith.subi %scan3A, %abs3A_1657 : i32
      %convert_element_type3A_1659 = arith.sitofp %sub3A_1658 : i32 to f32
      %jit3A_1660 = arith.constant 16 : i32
      %div3A_1661 = arith.divsi %min3A_1590, %jit3A_1660 : i32
      %sign3A_1662 = arith.constant 0 : i32
      %sign3A_1663 = arith.cmpi sgt, %min3A_1590, %sign3A_1662 : i32
      %sign3A_1664 = arith.extui %sign3A_1663 : i1 to i32
      %sign3A_1665 = arith.constant 0 : i32
      %sign3A_1666 = arith.cmpi slt, %min3A_1590, %sign3A_1665 : i32
      %sign3A_1667 = arith.extui %sign3A_1666 : i1 to i32
      %sign3A_1668 = arith.subi %sign3A_1664, %sign3A_1667 : i32
      %sign3A_1669 = arith.constant 0 : i32
      %sign3A_1670 = arith.cmpi sgt, %jit3A_1660, %sign3A_1669 : i32
      %sign3A_1671 = arith.extui %sign3A_1670 : i1 to i32
      %sign3A_1672 = arith.constant 0 : i32
      %sign3A_1673 = arith.cmpi slt, %jit3A_1660, %sign3A_1672 : i32
      %sign3A_1674 = arith.extui %sign3A_1673 : i1 to i32
      %sign3A_1675 = arith.subi %sign3A_1671, %sign3A_1674 : i32
      %ne3A_1676 = arith.cmpi ne, %sign3A_1668, %sign3A_1675 : i32
      %rem3A_1677 = arith.remsi %min3A_1590, %jit3A_1660 : i32
      %ne3A_1678 = arith.constant 0 : i32
      %ne3A_1679 = arith.cmpi ne, %rem3A_1677, %ne3A_1678 : i32
      %and3A_1680 = arith.andi %ne3A_1676, %ne3A_1679 : i1
      %sub3A_1681 = arith.constant 1 : i32
      %sub3A_1682 = arith.subi %div3A_1661, %sub3A_1681 : i32
      %select_n3A_1683 = arith.select %and3A_1680, %sub3A_1682, %div3A_1661 : i32
      %mul3A_1684 = arith.constant 16 : i32
      %mul3A_1685 = arith.muli %select_n3A_1683, %mul3A_1684 : i32
      %jit3A_1686 = arith.constant 16 : i32
      %eq3A_1687 = arith.constant 0 : i32
      %eq3A_1688 = arith.cmpi eq, %jit3A_1686, %eq3A_1687 : i32
      %jit3A_1689 = arith.constant 1 : i32
      %select_n3A_1690 = arith.select %eq3A_1688, %jit3A_1689, %jit3A_1686 : i32
      %rem3A_1691 = arith.remsi %min3A_1590, %select_n3A_1690 : i32
      %ne3A_1692 = arith.constant 0 : i32
      %ne3A_1693 = arith.cmpi ne, %rem3A_1691, %ne3A_1692 : i32
      %lt3A_1694 = arith.constant 0 : i32
      %lt3A_1695 = arith.cmpi slt, %rem3A_1691, %lt3A_1694 : i32
      %lt3A_1696 = arith.constant 0 : i32
      %lt3A_1697 = arith.cmpi slt, %select_n3A_1690, %lt3A_1696 : i32
      %ne3A_1698 = arith.xori %lt3A_1695, %lt3A_1697 : i1
      %and3A_1699 = arith.andi %ne3A_1698, %ne3A_1693 : i1
      %add3A_1700 = arith.addi %rem3A_1691, %select_n3A_1690 : i32
      %select_n3A_1701 = arith.select %and3A_1699, %add3A_1700, %rem3A_1691 : i32
      %sub3A_1702 = vector.broadcast %select_n3A_1701 : i32 to vector<16xi32>
      %sub3A_1703 = arith.subi %iota3A, %sub3A_1702 : vector<16xi32>
      %abs3A_1704 = math.absi %sub3A_1703 : vector<16xi32>
      %min3A_1705 = vector.broadcast %scan3A : i32 to vector<16xi32>
      %min3A_1706 = arith.minsi %min3A_1705, %abs3A_1704 : vector<16xi32>
      %sub3A_1707 = vector.broadcast %scan3A : i32 to vector<16xi32>
      %sub3A_1708 = arith.subi %sub3A_1707, %min3A_1706 : vector<16xi32>
      %convert_element_type3A_1709 = arith.sitofp %sub3A_1708 : vector<16xi32> to vector<16xf32>
      %get3A_1710 = arith.constant 1 : i32
      %get3A_1711 = arith.index_cast %get3A_1710 : i32 to index
      %get3A_1712 = arith.index_cast %mul3A_1685 : i32 to index
      %get3A_1713 = tpu.vector_load %arg11[%get3A_1711, %get3A_1712] {strides = array<i32>} : memref<8x4096xf32, #tpu.memory_space<vmem>>, vector<1x16xf32>,
      %get3A_1714 = vector.shape_cast %get3A_1713 : vector<1x16xf32> to vector<16xf32>
      %mul3A_1715 = arith.mulf %get3A_1714, %convert_element_type3A_1709 : vector<16xf32>
      %mul3A_1716 = vector.broadcast %convert_element_type3A_1659 : f32 to vector<16xf32>
      %mul3A_1717 = arith.mulf %mul3A_1715, %mul3A_1716 : vector<16xf32>
      %add3A_1718 = arith.addf %add3A_1654, %mul3A_1717 : vector<16xf32>
      %slice3A_1719 = vector.extract_strided_slice %get3A_26 {offsets = [10], sizes = [1], strides = [1]} : vector<16xi32> to vector<1xi32>
      %squeeze3A_1720 = vector.extract %slice3A_1719[0] : i32 from vector<1xi32>
      %jit3A_1721 = arith.constant 4096 : i32
      %div3A_1722 = arith.divsi %squeeze3A_1720, %jit3A_1721 : i32
      %sign3A_1723 = arith.constant 0 : i32
      %sign3A_1724 = arith.cmpi sgt, %squeeze3A_1720, %sign3A_1723 : i32
      %sign3A_1725 = arith.extui %sign3A_1724 : i1 to i32
      %sign3A_1726 = arith.constant 0 : i32
      %sign3A_1727 = arith.cmpi slt, %squeeze3A_1720, %sign3A_1726 : i32
      %sign3A_1728 = arith.extui %sign3A_1727 : i1 to i32
      %sign3A_1729 = arith.subi %sign3A_1725, %sign3A_1728 : i32
      %sign3A_1730 = arith.constant 0 : i32
      %sign3A_1731 = arith.cmpi sgt, %jit3A_1721, %sign3A_1730 : i32
      %sign3A_1732 = arith.extui %sign3A_1731 : i1 to i32
      %sign3A_1733 = arith.constant 0 : i32
      %sign3A_1734 = arith.cmpi slt, %jit3A_1721, %sign3A_1733 : i32
      %sign3A_1735 = arith.extui %sign3A_1734 : i1 to i32
      %sign3A_1736 = arith.subi %sign3A_1732, %sign3A_1735 : i32
      %ne3A_1737 = arith.cmpi ne, %sign3A_1729, %sign3A_1736 : i32
      %rem3A_1738 = arith.remsi %squeeze3A_1720, %jit3A_1721 : i32
      %ne3A_1739 = arith.constant 0 : i32
      %ne3A_1740 = arith.cmpi ne, %rem3A_1738, %ne3A_1739 : i32
      %and3A_1741 = arith.andi %ne3A_1737, %ne3A_1740 : i1
      %sub3A_1742 = arith.constant 1 : i32
      %sub3A_1743 = arith.subi %div3A_1722, %sub3A_1742 : i32
      %select_n3A_1744 = arith.select %and3A_1741, %sub3A_1743, %div3A_1722 : i32
      %jit3A_1745 = arith.constant 0 : i32
      %jit3A_1746 = arith.constant 4095 : i32
      %max3A_1747 = arith.maxsi %jit3A_1745, %squeeze3A_1720 : i32
      %min3A_1748 = arith.minsi %jit3A_1746, %max3A_1747 : i32
      %sub3A_1749 = arith.constant 4096 : i32
      %sub3A_1750 = arith.subi %squeeze3A_1720, %sub3A_1749 : i32
      %jit3A_1751 = arith.constant 0 : i32
      %jit3A_1752 = arith.constant 4095 : i32
      %max3A_1753 = arith.maxsi %jit3A_1751, %sub3A_1750 : i32
      %min3A_1754 = arith.minsi %jit3A_1752, %max3A_1753 : i32
      %sub3A_1755 = arith.constant 0 : i32
      %sub3A_1756 = arith.subi %select_n3A_1744, %sub3A_1755 : i32
      %abs3A_1757 = math.absi %sub3A_1756 : i32
      %sub3A_1758 = arith.subi %scan3A, %abs3A_1757 : i32
      %convert_element_type3A_1759 = arith.sitofp %sub3A_1758 : i32 to f32
      %jit3A_1760 = arith.constant 16 : i32
      %div3A_1761 = arith.divsi %min3A_1748, %jit3A_1760 : i32
      %sign3A_1762 = arith.constant 0 : i32
      %sign3A_1763 = arith.cmpi sgt, %min3A_1748, %sign3A_1762 : i32
      %sign3A_1764 = arith.extui %sign3A_1763 : i1 to i32
      %sign3A_1765 = arith.constant 0 : i32
      %sign3A_1766 = arith.cmpi slt, %min3A_1748, %sign3A_1765 : i32
      %sign3A_1767 = arith.extui %sign3A_1766 : i1 to i32
      %sign3A_1768 = arith.subi %sign3A_1764, %sign3A_1767 : i32
      %sign3A_1769 = arith.constant 0 : i32
      %sign3A_1770 = arith.cmpi sgt, %jit3A_1760, %sign3A_1769 : i32
      %sign3A_1771 = arith.extui %sign3A_1770 : i1 to i32
      %sign3A_1772 = arith.constant 0 : i32
      %sign3A_1773 = arith.cmpi slt, %jit3A_1760, %sign3A_1772 : i32
      %sign3A_1774 = arith.extui %sign3A_1773 : i1 to i32
      %sign3A_1775 = arith.subi %sign3A_1771, %sign3A_1774 : i32
      %ne3A_1776 = arith.cmpi ne, %sign3A_1768, %sign3A_1775 : i32
      %rem3A_1777 = arith.remsi %min3A_1748, %jit3A_1760 : i32
      %ne3A_1778 = arith.constant 0 : i32
      %ne3A_1779 = arith.cmpi ne, %rem3A_1777, %ne3A_1778 : i32
      %and3A_1780 = arith.andi %ne3A_1776, %ne3A_1779 : i1
      %sub3A_1781 = arith.constant 1 : i32
      %sub3A_1782 = arith.subi %div3A_1761, %sub3A_1781 : i32
      %select_n3A_1783 = arith.select %and3A_1780, %sub3A_1782, %div3A_1761 : i32
      %mul3A_1784 = arith.constant 16 : i32
      %mul3A_1785 = arith.muli %select_n3A_1783, %mul3A_1784 : i32
      %jit3A_1786 = arith.constant 16 : i32
      %eq3A_1787 = arith.constant 0 : i32
      %eq3A_1788 = arith.cmpi eq, %jit3A_1786, %eq3A_1787 : i32
      %jit3A_1789 = arith.constant 1 : i32
      %select_n3A_1790 = arith.select %eq3A_1788, %jit3A_1789, %jit3A_1786 : i32
      %rem3A_1791 = arith.remsi %min3A_1748, %select_n3A_1790 : i32
      %ne3A_1792 = arith.constant 0 : i32
      %ne3A_1793 = arith.cmpi ne, %rem3A_1791, %ne3A_1792 : i32
      %lt3A_1794 = arith.constant 0 : i32
      %lt3A_1795 = arith.cmpi slt, %rem3A_1791, %lt3A_1794 : i32
      %lt3A_1796 = arith.constant 0 : i32
      %lt3A_1797 = arith.cmpi slt, %select_n3A_1790, %lt3A_1796 : i32
      %ne3A_1798 = arith.xori %lt3A_1795, %lt3A_1797 : i1
      %and3A_1799 = arith.andi %ne3A_1798, %ne3A_1793 : i1
      %add3A_1800 = arith.addi %rem3A_1791, %select_n3A_1790 : i32
      %select_n3A_1801 = arith.select %and3A_1799, %add3A_1800, %rem3A_1791 : i32
      %sub3A_1802 = vector.broadcast %select_n3A_1801 : i32 to vector<16xi32>
      %sub3A_1803 = arith.subi %iota3A, %sub3A_1802 : vector<16xi32>
      %abs3A_1804 = math.absi %sub3A_1803 : vector<16xi32>
      %min3A_1805 = vector.broadcast %scan3A : i32 to vector<16xi32>
      %min3A_1806 = arith.minsi %min3A_1805, %abs3A_1804 : vector<16xi32>
      %sub3A_1807 = vector.broadcast %scan3A : i32 to vector<16xi32>
      %sub3A_1808 = arith.subi %sub3A_1807, %min3A_1806 : vector<16xi32>
      %convert_element_type3A_1809 = arith.sitofp %sub3A_1808 : vector<16xi32> to vector<16xf32>
      %get3A_1810 = arith.constant 2 : i32
      %get3A_1811 = arith.index_cast %get3A_1810 : i32 to index
      %get3A_1812 = arith.index_cast %mul3A_1785 : i32 to index
      %get3A_1813 = tpu.vector_load %arg10[%get3A_1811, %get3A_1812] {strides = array<i32>} : memref<8x4096xf32, #tpu.memory_space<vmem>>, vector<1x16xf32>,
      %get3A_1814 = vector.shape_cast %get3A_1813 : vector<1x16xf32> to vector<16xf32>
      %mul3A_1815 = arith.mulf %get3A_1814, %convert_element_type3A_1809 : vector<16xf32>
      %mul3A_1816 = vector.broadcast %convert_element_type3A_1759 : f32 to vector<16xf32>
      %mul3A_1817 = arith.mulf %mul3A_1815, %mul3A_1816 : vector<16xf32>
      %add3A_1818 = arith.addf %add3A_1718, %mul3A_1817 : vector<16xf32>
      %sub3A_1819 = arith.constant 1 : i32
      %sub3A_1820 = arith.subi %select_n3A_1744, %sub3A_1819 : i32
      %abs3A_1821 = math.absi %sub3A_1820 : i32
      %sub3A_1822 = arith.subi %scan3A, %abs3A_1821 : i32
      %convert_element_type3A_1823 = arith.sitofp %sub3A_1822 : i32 to f32
      %jit3A_1824 = arith.constant 16 : i32
      %div3A_1825 = arith.divsi %min3A_1754, %jit3A_1824 : i32
      %sign3A_1826 = arith.constant 0 : i32
      %sign3A_1827 = arith.cmpi sgt, %min3A_1754, %sign3A_1826 : i32
      %sign3A_1828 = arith.extui %sign3A_1827 : i1 to i32
      %sign3A_1829 = arith.constant 0 : i32
      %sign3A_1830 = arith.cmpi slt, %min3A_1754, %sign3A_1829 : i32
      %sign3A_1831 = arith.extui %sign3A_1830 : i1 to i32
      %sign3A_1832 = arith.subi %sign3A_1828, %sign3A_1831 : i32
      %sign3A_1833 = arith.constant 0 : i32
      %sign3A_1834 = arith.cmpi sgt, %jit3A_1824, %sign3A_1833 : i32
      %sign3A_1835 = arith.extui %sign3A_1834 : i1 to i32
      %sign3A_1836 = arith.constant 0 : i32
      %sign3A_1837 = arith.cmpi slt, %jit3A_1824, %sign3A_1836 : i32
      %sign3A_1838 = arith.extui %sign3A_1837 : i1 to i32
      %sign3A_1839 = arith.subi %sign3A_1835, %sign3A_1838 : i32
      %ne3A_1840 = arith.cmpi ne, %sign3A_1832, %sign3A_1839 : i32
      %rem3A_1841 = arith.remsi %min3A_1754, %jit3A_1824 : i32
      %ne3A_1842 = arith.constant 0 : i32
      %ne3A_1843 = arith.cmpi ne, %rem3A_1841, %ne3A_1842 : i32
      %and3A_1844 = arith.andi %ne3A_1840, %ne3A_1843 : i1
      %sub3A_1845 = arith.constant 1 : i32
      %sub3A_1846 = arith.subi %div3A_1825, %sub3A_1845 : i32
      %select_n3A_1847 = arith.select %and3A_1844, %sub3A_1846, %div3A_1825 : i32
      %mul3A_1848 = arith.constant 16 : i32
      %mul3A_1849 = arith.muli %select_n3A_1847, %mul3A_1848 : i32
      %jit3A_1850 = arith.constant 16 : i32
      %eq3A_1851 = arith.constant 0 : i32
      %eq3A_1852 = arith.cmpi eq, %jit3A_1850, %eq3A_1851 : i32
      %jit3A_1853 = arith.constant 1 : i32
      %select_n3A_1854 = arith.select %eq3A_1852, %jit3A_1853, %jit3A_1850 : i32
      %rem3A_1855 = arith.remsi %min3A_1754, %select_n3A_1854 : i32
      %ne3A_1856 = arith.constant 0 : i32
      %ne3A_1857 = arith.cmpi ne, %rem3A_1855, %ne3A_1856 : i32
      %lt3A_1858 = arith.constant 0 : i32
      %lt3A_1859 = arith.cmpi slt, %rem3A_1855, %lt3A_1858 : i32
      %lt3A_1860 = arith.constant 0 : i32
      %lt3A_1861 = arith.cmpi slt, %select_n3A_1854, %lt3A_1860 : i32
      %ne3A_1862 = arith.xori %lt3A_1859, %lt3A_1861 : i1
      %and3A_1863 = arith.andi %ne3A_1862, %ne3A_1857 : i1
      %add3A_1864 = arith.addi %rem3A_1855, %select_n3A_1854 : i32
      %select_n3A_1865 = arith.select %and3A_1863, %add3A_1864, %rem3A_1855 : i32
      %sub3A_1866 = vector.broadcast %select_n3A_1865 : i32 to vector<16xi32>
      %sub3A_1867 = arith.subi %iota3A, %sub3A_1866 : vector<16xi32>
      %abs3A_1868 = math.absi %sub3A_1867 : vector<16xi32>
      %min3A_1869 = vector.broadcast %scan3A : i32 to vector<16xi32>
      %min3A_1870 = arith.minsi %min3A_1869, %abs3A_1868 : vector<16xi32>
      %sub3A_1871 = vector.broadcast %scan3A : i32 to vector<16xi32>
      %sub3A_1872 = arith.subi %sub3A_1871, %min3A_1870 : vector<16xi32>
      %convert_element_type3A_1873 = arith.sitofp %sub3A_1872 : vector<16xi32> to vector<16xf32>
      %get3A_1874 = arith.constant 2 : i32
      %get3A_1875 = arith.index_cast %get3A_1874 : i32 to index
      %get3A_1876 = arith.index_cast %mul3A_1849 : i32 to index
      %get3A_1877 = tpu.vector_load %arg11[%get3A_1875, %get3A_1876] {strides = array<i32>} : memref<8x4096xf32, #tpu.memory_space<vmem>>, vector<1x16xf32>,
      %get3A_1878 = vector.shape_cast %get3A_1877 : vector<1x16xf32> to vector<16xf32>
      %mul3A_1879 = arith.mulf %get3A_1878, %convert_element_type3A_1873 : vector<16xf32>
      %mul3A_1880 = vector.broadcast %convert_element_type3A_1823 : f32 to vector<16xf32>
      %mul3A_1881 = arith.mulf %mul3A_1879, %mul3A_1880 : vector<16xf32>
      %add3A_1882 = arith.addf %add3A_1818, %mul3A_1881 : vector<16xf32>
      %slice3A_1883 = vector.extract_strided_slice %get3A_26 {offsets = [11], sizes = [1], strides = [1]} : vector<16xi32> to vector<1xi32>
      %squeeze3A_1884 = vector.extract %slice3A_1883[0] : i32 from vector<1xi32>
      %jit3A_1885 = arith.constant 4096 : i32
      %div3A_1886 = arith.divsi %squeeze3A_1884, %jit3A_1885 : i32
      %sign3A_1887 = arith.constant 0 : i32
      %sign3A_1888 = arith.cmpi sgt, %squeeze3A_1884, %sign3A_1887 : i32
      %sign3A_1889 = arith.extui %sign3A_1888 : i1 to i32
      %sign3A_1890 = arith.constant 0 : i32
      %sign3A_1891 = arith.cmpi slt, %squeeze3A_1884, %sign3A_1890 : i32
      %sign3A_1892 = arith.extui %sign3A_1891 : i1 to i32
      %sign3A_1893 = arith.subi %sign3A_1889, %sign3A_1892 : i32
      %sign3A_1894 = arith.constant 0 : i32
      %sign3A_1895 = arith.cmpi sgt, %jit3A_1885, %sign3A_1894 : i32
      %sign3A_1896 = arith.extui %sign3A_1895 : i1 to i32
      %sign3A_1897 = arith.constant 0 : i32
      %sign3A_1898 = arith.cmpi slt, %jit3A_1885, %sign3A_1897 : i32
      %sign3A_1899 = arith.extui %sign3A_1898 : i1 to i32
      %sign3A_1900 = arith.subi %sign3A_1896, %sign3A_1899 : i32
      %ne3A_1901 = arith.cmpi ne, %sign3A_1893, %sign3A_1900 : i32
      %rem3A_1902 = arith.remsi %squeeze3A_1884, %jit3A_1885 : i32
      %ne3A_1903 = arith.constant 0 : i32
      %ne3A_1904 = arith.cmpi ne, %rem3A_1902, %ne3A_1903 : i32
      %and3A_1905 = arith.andi %ne3A_1901, %ne3A_1904 : i1
      %sub3A_1906 = arith.constant 1 : i32
      %sub3A_1907 = arith.subi %div3A_1886, %sub3A_1906 : i32
      %select_n3A_1908 = arith.select %and3A_1905, %sub3A_1907, %div3A_1886 : i32
      %jit3A_1909 = arith.constant 0 : i32
      %jit3A_1910 = arith.constant 4095 : i32
      %max3A_1911 = arith.maxsi %jit3A_1909, %squeeze3A_1884 : i32
      %min3A_1912 = arith.minsi %jit3A_1910, %max3A_1911 : i32
      %sub3A_1913 = arith.constant 4096 : i32
      %sub3A_1914 = arith.subi %squeeze3A_1884, %sub3A_1913 : i32
      %jit3A_1915 = arith.constant 0 : i32
      %jit3A_1916 = arith.constant 4095 : i32
      %max3A_1917 = arith.maxsi %jit3A_1915, %sub3A_1914 : i32
      %min3A_1918 = arith.minsi %jit3A_1916, %max3A_1917 : i32
      %sub3A_1919 = arith.constant 0 : i32
      %sub3A_1920 = arith.subi %select_n3A_1908, %sub3A_1919 : i32
      %abs3A_1921 = math.absi %sub3A_1920 : i32
      %sub3A_1922 = arith.subi %scan3A, %abs3A_1921 : i32
      %convert_element_type3A_1923 = arith.sitofp %sub3A_1922 : i32 to f32
      %jit3A_1924 = arith.constant 16 : i32
      %div3A_1925 = arith.divsi %min3A_1912, %jit3A_1924 : i32
      %sign3A_1926 = arith.constant 0 : i32
      %sign3A_1927 = arith.cmpi sgt, %min3A_1912, %sign3A_1926 : i32
      %sign3A_1928 = arith.extui %sign3A_1927 : i1 to i32
      %sign3A_1929 = arith.constant 0 : i32
      %sign3A_1930 = arith.cmpi slt, %min3A_1912, %sign3A_1929 : i32
      %sign3A_1931 = arith.extui %sign3A_1930 : i1 to i32
      %sign3A_1932 = arith.subi %sign3A_1928, %sign3A_1931 : i32
      %sign3A_1933 = arith.constant 0 : i32
      %sign3A_1934 = arith.cmpi sgt, %jit3A_1924, %sign3A_1933 : i32
      %sign3A_1935 = arith.extui %sign3A_1934 : i1 to i32
      %sign3A_1936 = arith.constant 0 : i32
      %sign3A_1937 = arith.cmpi slt, %jit3A_1924, %sign3A_1936 : i32
      %sign3A_1938 = arith.extui %sign3A_1937 : i1 to i32
      %sign3A_1939 = arith.subi %sign3A_1935, %sign3A_1938 : i32
      %ne3A_1940 = arith.cmpi ne, %sign3A_1932, %sign3A_1939 : i32
      %rem3A_1941 = arith.remsi %min3A_1912, %jit3A_1924 : i32
      %ne3A_1942 = arith.constant 0 : i32
      %ne3A_1943 = arith.cmpi ne, %rem3A_1941, %ne3A_1942 : i32
      %and3A_1944 = arith.andi %ne3A_1940, %ne3A_1943 : i1
      %sub3A_1945 = arith.constant 1 : i32
      %sub3A_1946 = arith.subi %div3A_1925, %sub3A_1945 : i32
      %select_n3A_1947 = arith.select %and3A_1944, %sub3A_1946, %div3A_1925 : i32
      %mul3A_1948 = arith.constant 16 : i32
      %mul3A_1949 = arith.muli %select_n3A_1947, %mul3A_1948 : i32
      %jit3A_1950 = arith.constant 16 : i32
      %eq3A_1951 = arith.constant 0 : i32
      %eq3A_1952 = arith.cmpi eq, %jit3A_1950, %eq3A_1951 : i32
      %jit3A_1953 = arith.constant 1 : i32
      %select_n3A_1954 = arith.select %eq3A_1952, %jit3A_1953, %jit3A_1950 : i32
      %rem3A_1955 = arith.remsi %min3A_1912, %select_n3A_1954 : i32
      %ne3A_1956 = arith.constant 0 : i32
      %ne3A_1957 = arith.cmpi ne, %rem3A_1955, %ne3A_1956 : i32
      %lt3A_1958 = arith.constant 0 : i32
      %lt3A_1959 = arith.cmpi slt, %rem3A_1955, %lt3A_1958 : i32
      %lt3A_1960 = arith.constant 0 : i32
      %lt3A_1961 = arith.cmpi slt, %select_n3A_1954, %lt3A_1960 : i32
      %ne3A_1962 = arith.xori %lt3A_1959, %lt3A_1961 : i1
      %and3A_1963 = arith.andi %ne3A_1962, %ne3A_1957 : i1
      %add3A_1964 = arith.addi %rem3A_1955, %select_n3A_1954 : i32
      %select_n3A_1965 = arith.select %and3A_1963, %add3A_1964, %rem3A_1955 : i32
      %sub3A_1966 = vector.broadcast %select_n3A_1965 : i32 to vector<16xi32>
      %sub3A_1967 = arith.subi %iota3A, %sub3A_1966 : vector<16xi32>
      %abs3A_1968 = math.absi %sub3A_1967 : vector<16xi32>
      %min3A_1969 = vector.broadcast %scan3A : i32 to vector<16xi32>
      %min3A_1970 = arith.minsi %min3A_1969, %abs3A_1968 : vector<16xi32>
      %sub3A_1971 = vector.broadcast %scan3A : i32 to vector<16xi32>
      %sub3A_1972 = arith.subi %sub3A_1971, %min3A_1970 : vector<16xi32>
      %convert_element_type3A_1973 = arith.sitofp %sub3A_1972 : vector<16xi32> to vector<16xf32>
      %get3A_1974 = arith.constant 3 : i32
      %get3A_1975 = arith.index_cast %get3A_1974 : i32 to index
      %get3A_1976 = arith.index_cast %mul3A_1949 : i32 to index
      %get3A_1977 = tpu.vector_load %arg10[%get3A_1975, %get3A_1976] {strides = array<i32>} : memref<8x4096xf32, #tpu.memory_space<vmem>>, vector<1x16xf32>,
      %get3A_1978 = vector.shape_cast %get3A_1977 : vector<1x16xf32> to vector<16xf32>
      %mul3A_1979 = arith.mulf %get3A_1978, %convert_element_type3A_1973 : vector<16xf32>
      %mul3A_1980 = vector.broadcast %convert_element_type3A_1923 : f32 to vector<16xf32>
      %mul3A_1981 = arith.mulf %mul3A_1979, %mul3A_1980 : vector<16xf32>
      %add3A_1982 = arith.addf %add3A_1882, %mul3A_1981 : vector<16xf32>
      %sub3A_1983 = arith.constant 1 : i32
      %sub3A_1984 = arith.subi %select_n3A_1908, %sub3A_1983 : i32
      %abs3A_1985 = math.absi %sub3A_1984 : i32
      %sub3A_1986 = arith.subi %scan3A, %abs3A_1985 : i32
      %convert_element_type3A_1987 = arith.sitofp %sub3A_1986 : i32 to f32
      %jit3A_1988 = arith.constant 16 : i32
      %div3A_1989 = arith.divsi %min3A_1918, %jit3A_1988 : i32
      %sign3A_1990 = arith.constant 0 : i32
      %sign3A_1991 = arith.cmpi sgt, %min3A_1918, %sign3A_1990 : i32
      %sign3A_1992 = arith.extui %sign3A_1991 : i1 to i32
      %sign3A_1993 = arith.constant 0 : i32
      %sign3A_1994 = arith.cmpi slt, %min3A_1918, %sign3A_1993 : i32
      %sign3A_1995 = arith.extui %sign3A_1994 : i1 to i32
      %sign3A_1996 = arith.subi %sign3A_1992, %sign3A_1995 : i32
      %sign3A_1997 = arith.constant 0 : i32
      %sign3A_1998 = arith.cmpi sgt, %jit3A_1988, %sign3A_1997 : i32
      %sign3A_1999 = arith.extui %sign3A_1998 : i1 to i32
      %sign3A_2000 = arith.constant 0 : i32
      %sign3A_2001 = arith.cmpi slt, %jit3A_1988, %sign3A_2000 : i32
      %sign3A_2002 = arith.extui %sign3A_2001 : i1 to i32
      %sign3A_2003 = arith.subi %sign3A_1999, %sign3A_2002 : i32
      %ne3A_2004 = arith.cmpi ne, %sign3A_1996, %sign3A_2003 : i32
      %rem3A_2005 = arith.remsi %min3A_1918, %jit3A_1988 : i32
      %ne3A_2006 = arith.constant 0 : i32
      %ne3A_2007 = arith.cmpi ne, %rem3A_2005, %ne3A_2006 : i32
      %and3A_2008 = arith.andi %ne3A_2004, %ne3A_2007 : i1
      %sub3A_2009 = arith.constant 1 : i32
      %sub3A_2010 = arith.subi %div3A_1989, %sub3A_2009 : i32
      %select_n3A_2011 = arith.select %and3A_2008, %sub3A_2010, %div3A_1989 : i32
      %mul3A_2012 = arith.constant 16 : i32
      %mul3A_2013 = arith.muli %select_n3A_2011, %mul3A_2012 : i32
      %jit3A_2014 = arith.constant 16 : i32
      %eq3A_2015 = arith.constant 0 : i32
      %eq3A_2016 = arith.cmpi eq, %jit3A_2014, %eq3A_2015 : i32
      %jit3A_2017 = arith.constant 1 : i32
      %select_n3A_2018 = arith.select %eq3A_2016, %jit3A_2017, %jit3A_2014 : i32
      %rem3A_2019 = arith.remsi %min3A_1918, %select_n3A_2018 : i32
      %ne3A_2020 = arith.constant 0 : i32
      %ne3A_2021 = arith.cmpi ne, %rem3A_2019, %ne3A_2020 : i32
      %lt3A_2022 = arith.constant 0 : i32
      %lt3A_2023 = arith.cmpi slt, %rem3A_2019, %lt3A_2022 : i32
      %lt3A_2024 = arith.constant 0 : i32
      %lt3A_2025 = arith.cmpi slt, %select_n3A_2018, %lt3A_2024 : i32
      %ne3A_2026 = arith.xori %lt3A_2023, %lt3A_2025 : i1
      %and3A_2027 = arith.andi %ne3A_2026, %ne3A_2021 : i1
      %add3A_2028 = arith.addi %rem3A_2019, %select_n3A_2018 : i32
      %select_n3A_2029 = arith.select %and3A_2027, %add3A_2028, %rem3A_2019 : i32
      %sub3A_2030 = vector.broadcast %select_n3A_2029 : i32 to vector<16xi32>
      %sub3A_2031 = arith.subi %iota3A, %sub3A_2030 : vector<16xi32>
      %abs3A_2032 = math.absi %sub3A_2031 : vector<16xi32>
      %min3A_2033 = vector.broadcast %scan3A : i32 to vector<16xi32>
      %min3A_2034 = arith.minsi %min3A_2033, %abs3A_2032 : vector<16xi32>
      %sub3A_2035 = vector.broadcast %scan3A : i32 to vector<16xi32>
      %sub3A_2036 = arith.subi %sub3A_2035, %min3A_2034 : vector<16xi32>
      %convert_element_type3A_2037 = arith.sitofp %sub3A_2036 : vector<16xi32> to vector<16xf32>
      %get3A_2038 = arith.constant 3 : i32
      %get3A_2039 = arith.index_cast %get3A_2038 : i32 to index
      %get3A_2040 = arith.index_cast %mul3A_2013 : i32 to index
      %get3A_2041 = tpu.vector_load %arg11[%get3A_2039, %get3A_2040] {strides = array<i32>} : memref<8x4096xf32, #tpu.memory_space<vmem>>, vector<1x16xf32>,
      %get3A_2042 = vector.shape_cast %get3A_2041 : vector<1x16xf32> to vector<16xf32>
      %mul3A_2043 = arith.mulf %get3A_2042, %convert_element_type3A_2037 : vector<16xf32>
      %mul3A_2044 = vector.broadcast %convert_element_type3A_1987 : f32 to vector<16xf32>
      %mul3A_2045 = arith.mulf %mul3A_2043, %mul3A_2044 : vector<16xf32>
      %add3A_2046 = arith.addf %add3A_1982, %mul3A_2045 : vector<16xf32>
      %slice3A_2047 = vector.extract_strided_slice %get3A_26 {offsets = [12], sizes = [1], strides = [1]} : vector<16xi32> to vector<1xi32>
      %squeeze3A_2048 = vector.extract %slice3A_2047[0] : i32 from vector<1xi32>
      %jit3A_2049 = arith.constant 4096 : i32
      %div3A_2050 = arith.divsi %squeeze3A_2048, %jit3A_2049 : i32
      %sign3A_2051 = arith.constant 0 : i32
      %sign3A_2052 = arith.cmpi sgt, %squeeze3A_2048, %sign3A_2051 : i32
      %sign3A_2053 = arith.extui %sign3A_2052 : i1 to i32
      %sign3A_2054 = arith.constant 0 : i32
      %sign3A_2055 = arith.cmpi slt, %squeeze3A_2048, %sign3A_2054 : i32
      %sign3A_2056 = arith.extui %sign3A_2055 : i1 to i32
      %sign3A_2057 = arith.subi %sign3A_2053, %sign3A_2056 : i32
      %sign3A_2058 = arith.constant 0 : i32
      %sign3A_2059 = arith.cmpi sgt, %jit3A_2049, %sign3A_2058 : i32
      %sign3A_2060 = arith.extui %sign3A_2059 : i1 to i32
      %sign3A_2061 = arith.constant 0 : i32
      %sign3A_2062 = arith.cmpi slt, %jit3A_2049, %sign3A_2061 : i32
      %sign3A_2063 = arith.extui %sign3A_2062 : i1 to i32
      %sign3A_2064 = arith.subi %sign3A_2060, %sign3A_2063 : i32
      %ne3A_2065 = arith.cmpi ne, %sign3A_2057, %sign3A_2064 : i32
      %rem3A_2066 = arith.remsi %squeeze3A_2048, %jit3A_2049 : i32
      %ne3A_2067 = arith.constant 0 : i32
      %ne3A_2068 = arith.cmpi ne, %rem3A_2066, %ne3A_2067 : i32
      %and3A_2069 = arith.andi %ne3A_2065, %ne3A_2068 : i1
      %sub3A_2070 = arith.constant 1 : i32
      %sub3A_2071 = arith.subi %div3A_2050, %sub3A_2070 : i32
      %select_n3A_2072 = arith.select %and3A_2069, %sub3A_2071, %div3A_2050 : i32
      %jit3A_2073 = arith.constant 0 : i32
      %jit3A_2074 = arith.constant 4095 : i32
      %max3A_2075 = arith.maxsi %jit3A_2073, %squeeze3A_2048 : i32
      %min3A_2076 = arith.minsi %jit3A_2074, %max3A_2075 : i32
      %sub3A_2077 = arith.constant 4096 : i32
      %sub3A_2078 = arith.subi %squeeze3A_2048, %sub3A_2077 : i32
      %jit3A_2079 = arith.constant 0 : i32
      %jit3A_2080 = arith.constant 4095 : i32
      %max3A_2081 = arith.maxsi %jit3A_2079, %sub3A_2078 : i32
      %min3A_2082 = arith.minsi %jit3A_2080, %max3A_2081 : i32
      %sub3A_2083 = arith.constant 0 : i32
      %sub3A_2084 = arith.subi %select_n3A_2072, %sub3A_2083 : i32
      %abs3A_2085 = math.absi %sub3A_2084 : i32
      %sub3A_2086 = arith.subi %scan3A, %abs3A_2085 : i32
      %convert_element_type3A_2087 = arith.sitofp %sub3A_2086 : i32 to f32
      %jit3A_2088 = arith.constant 16 : i32
      %div3A_2089 = arith.divsi %min3A_2076, %jit3A_2088 : i32
      %sign3A_2090 = arith.constant 0 : i32
      %sign3A_2091 = arith.cmpi sgt, %min3A_2076, %sign3A_2090 : i32
      %sign3A_2092 = arith.extui %sign3A_2091 : i1 to i32
      %sign3A_2093 = arith.constant 0 : i32
      %sign3A_2094 = arith.cmpi slt, %min3A_2076, %sign3A_2093 : i32
      %sign3A_2095 = arith.extui %sign3A_2094 : i1 to i32
      %sign3A_2096 = arith.subi %sign3A_2092, %sign3A_2095 : i32
      %sign3A_2097 = arith.constant 0 : i32
      %sign3A_2098 = arith.cmpi sgt, %jit3A_2088, %sign3A_2097 : i32
      %sign3A_2099 = arith.extui %sign3A_2098 : i1 to i32
      %sign3A_2100 = arith.constant 0 : i32
      %sign3A_2101 = arith.cmpi slt, %jit3A_2088, %sign3A_2100 : i32
      %sign3A_2102 = arith.extui %sign3A_2101 : i1 to i32
      %sign3A_2103 = arith.subi %sign3A_2099, %sign3A_2102 : i32
      %ne3A_2104 = arith.cmpi ne, %sign3A_2096, %sign3A_2103 : i32
      %rem3A_2105 = arith.remsi %min3A_2076, %jit3A_2088 : i32
      %ne3A_2106 = arith.constant 0 : i32
      %ne3A_2107 = arith.cmpi ne, %rem3A_2105, %ne3A_2106 : i32
      %and3A_2108 = arith.andi %ne3A_2104, %ne3A_2107 : i1
      %sub3A_2109 = arith.constant 1 : i32
      %sub3A_2110 = arith.subi %div3A_2089, %sub3A_2109 : i32
      %select_n3A_2111 = arith.select %and3A_2108, %sub3A_2110, %div3A_2089 : i32
      %mul3A_2112 = arith.constant 16 : i32
      %mul3A_2113 = arith.muli %select_n3A_2111, %mul3A_2112 : i32
      %jit3A_2114 = arith.constant 16 : i32
      %eq3A_2115 = arith.constant 0 : i32
      %eq3A_2116 = arith.cmpi eq, %jit3A_2114, %eq3A_2115 : i32
      %jit3A_2117 = arith.constant 1 : i32
      %select_n3A_2118 = arith.select %eq3A_2116, %jit3A_2117, %jit3A_2114 : i32
      %rem3A_2119 = arith.remsi %min3A_2076, %select_n3A_2118 : i32
      %ne3A_2120 = arith.constant 0 : i32
      %ne3A_2121 = arith.cmpi ne, %rem3A_2119, %ne3A_2120 : i32
      %lt3A_2122 = arith.constant 0 : i32
      %lt3A_2123 = arith.cmpi slt, %rem3A_2119, %lt3A_2122 : i32
      %lt3A_2124 = arith.constant 0 : i32
      %lt3A_2125 = arith.cmpi slt, %select_n3A_2118, %lt3A_2124 : i32
      %ne3A_2126 = arith.xori %lt3A_2123, %lt3A_2125 : i1
      %and3A_2127 = arith.andi %ne3A_2126, %ne3A_2121 : i1
      %add3A_2128 = arith.addi %rem3A_2119, %select_n3A_2118 : i32
      %select_n3A_2129 = arith.select %and3A_2127, %add3A_2128, %rem3A_2119 : i32
      %sub3A_2130 = vector.broadcast %select_n3A_2129 : i32 to vector<16xi32>
      %sub3A_2131 = arith.subi %iota3A, %sub3A_2130 : vector<16xi32>
      %abs3A_2132 = math.absi %sub3A_2131 : vector<16xi32>
      %min3A_2133 = vector.broadcast %scan3A : i32 to vector<16xi32>
      %min3A_2134 = arith.minsi %min3A_2133, %abs3A_2132 : vector<16xi32>
      %sub3A_2135 = vector.broadcast %scan3A : i32 to vector<16xi32>
      %sub3A_2136 = arith.subi %sub3A_2135, %min3A_2134 : vector<16xi32>
      %convert_element_type3A_2137 = arith.sitofp %sub3A_2136 : vector<16xi32> to vector<16xf32>
      %get3A_2138 = arith.constant 4 : i32
      %get3A_2139 = arith.index_cast %get3A_2138 : i32 to index
      %get3A_2140 = arith.index_cast %mul3A_2113 : i32 to index
      %get3A_2141 = tpu.vector_load %arg10[%get3A_2139, %get3A_2140] {strides = array<i32>} : memref<8x4096xf32, #tpu.memory_space<vmem>>, vector<1x16xf32>,
      %get3A_2142 = vector.shape_cast %get3A_2141 : vector<1x16xf32> to vector<16xf32>
      %mul3A_2143 = arith.mulf %get3A_2142, %convert_element_type3A_2137 : vector<16xf32>
      %mul3A_2144 = vector.broadcast %convert_element_type3A_2087 : f32 to vector<16xf32>
      %mul3A_2145 = arith.mulf %mul3A_2143, %mul3A_2144 : vector<16xf32>
      %add3A_2146 = arith.addf %add3A_2046, %mul3A_2145 : vector<16xf32>
      %sub3A_2147 = arith.constant 1 : i32
      %sub3A_2148 = arith.subi %select_n3A_2072, %sub3A_2147 : i32
      %abs3A_2149 = math.absi %sub3A_2148 : i32
      %sub3A_2150 = arith.subi %scan3A, %abs3A_2149 : i32
      %convert_element_type3A_2151 = arith.sitofp %sub3A_2150 : i32 to f32
      %jit3A_2152 = arith.constant 16 : i32
      %div3A_2153 = arith.divsi %min3A_2082, %jit3A_2152 : i32
      %sign3A_2154 = arith.constant 0 : i32
      %sign3A_2155 = arith.cmpi sgt, %min3A_2082, %sign3A_2154 : i32
      %sign3A_2156 = arith.extui %sign3A_2155 : i1 to i32
      %sign3A_2157 = arith.constant 0 : i32
      %sign3A_2158 = arith.cmpi slt, %min3A_2082, %sign3A_2157 : i32
      %sign3A_2159 = arith.extui %sign3A_2158 : i1 to i32
      %sign3A_2160 = arith.subi %sign3A_2156, %sign3A_2159 : i32
      %sign3A_2161 = arith.constant 0 : i32
      %sign3A_2162 = arith.cmpi sgt, %jit3A_2152, %sign3A_2161 : i32
      %sign3A_2163 = arith.extui %sign3A_2162 : i1 to i32
      %sign3A_2164 = arith.constant 0 : i32
      %sign3A_2165 = arith.cmpi slt, %jit3A_2152, %sign3A_2164 : i32
      %sign3A_2166 = arith.extui %sign3A_2165 : i1 to i32
      %sign3A_2167 = arith.subi %sign3A_2163, %sign3A_2166 : i32
      %ne3A_2168 = arith.cmpi ne, %sign3A_2160, %sign3A_2167 : i32
      %rem3A_2169 = arith.remsi %min3A_2082, %jit3A_2152 : i32
      %ne3A_2170 = arith.constant 0 : i32
      %ne3A_2171 = arith.cmpi ne, %rem3A_2169, %ne3A_2170 : i32
      %and3A_2172 = arith.andi %ne3A_2168, %ne3A_2171 : i1
      %sub3A_2173 = arith.constant 1 : i32
      %sub3A_2174 = arith.subi %div3A_2153, %sub3A_2173 : i32
      %select_n3A_2175 = arith.select %and3A_2172, %sub3A_2174, %div3A_2153 : i32
      %mul3A_2176 = arith.constant 16 : i32
      %mul3A_2177 = arith.muli %select_n3A_2175, %mul3A_2176 : i32
      %jit3A_2178 = arith.constant 16 : i32
      %eq3A_2179 = arith.constant 0 : i32
      %eq3A_2180 = arith.cmpi eq, %jit3A_2178, %eq3A_2179 : i32
      %jit3A_2181 = arith.constant 1 : i32
      %select_n3A_2182 = arith.select %eq3A_2180, %jit3A_2181, %jit3A_2178 : i32
      %rem3A_2183 = arith.remsi %min3A_2082, %select_n3A_2182 : i32
      %ne3A_2184 = arith.constant 0 : i32
      %ne3A_2185 = arith.cmpi ne, %rem3A_2183, %ne3A_2184 : i32
      %lt3A_2186 = arith.constant 0 : i32
      %lt3A_2187 = arith.cmpi slt, %rem3A_2183, %lt3A_2186 : i32
      %lt3A_2188 = arith.constant 0 : i32
      %lt3A_2189 = arith.cmpi slt, %select_n3A_2182, %lt3A_2188 : i32
      %ne3A_2190 = arith.xori %lt3A_2187, %lt3A_2189 : i1
      %and3A_2191 = arith.andi %ne3A_2190, %ne3A_2185 : i1
      %add3A_2192 = arith.addi %rem3A_2183, %select_n3A_2182 : i32
      %select_n3A_2193 = arith.select %and3A_2191, %add3A_2192, %rem3A_2183 : i32
      %sub3A_2194 = vector.broadcast %select_n3A_2193 : i32 to vector<16xi32>
      %sub3A_2195 = arith.subi %iota3A, %sub3A_2194 : vector<16xi32>
      %abs3A_2196 = math.absi %sub3A_2195 : vector<16xi32>
      %min3A_2197 = vector.broadcast %scan3A : i32 to vector<16xi32>
      %min3A_2198 = arith.minsi %min3A_2197, %abs3A_2196 : vector<16xi32>
      %sub3A_2199 = vector.broadcast %scan3A : i32 to vector<16xi32>
      %sub3A_2200 = arith.subi %sub3A_2199, %min3A_2198 : vector<16xi32>
      %convert_element_type3A_2201 = arith.sitofp %sub3A_2200 : vector<16xi32> to vector<16xf32>
      %get3A_2202 = arith.constant 4 : i32
      %get3A_2203 = arith.index_cast %get3A_2202 : i32 to index
      %get3A_2204 = arith.index_cast %mul3A_2177 : i32 to index
      %get3A_2205 = tpu.vector_load %arg11[%get3A_2203, %get3A_2204] {strides = array<i32>} : memref<8x4096xf32, #tpu.memory_space<vmem>>, vector<1x16xf32>,
      %get3A_2206 = vector.shape_cast %get3A_2205 : vector<1x16xf32> to vector<16xf32>
      %mul3A_2207 = arith.mulf %get3A_2206, %convert_element_type3A_2201 : vector<16xf32>
      %mul3A_2208 = vector.broadcast %convert_element_type3A_2151 : f32 to vector<16xf32>
      %mul3A_2209 = arith.mulf %mul3A_2207, %mul3A_2208 : vector<16xf32>
      %add3A_2210 = arith.addf %add3A_2146, %mul3A_2209 : vector<16xf32>
      %slice3A_2211 = vector.extract_strided_slice %get3A_26 {offsets = [13], sizes = [1], strides = [1]} : vector<16xi32> to vector<1xi32>
      %squeeze3A_2212 = vector.extract %slice3A_2211[0] : i32 from vector<1xi32>
      %jit3A_2213 = arith.constant 4096 : i32
      %div3A_2214 = arith.divsi %squeeze3A_2212, %jit3A_2213 : i32
      %sign3A_2215 = arith.constant 0 : i32
      %sign3A_2216 = arith.cmpi sgt, %squeeze3A_2212, %sign3A_2215 : i32
      %sign3A_2217 = arith.extui %sign3A_2216 : i1 to i32
      %sign3A_2218 = arith.constant 0 : i32
      %sign3A_2219 = arith.cmpi slt, %squeeze3A_2212, %sign3A_2218 : i32
      %sign3A_2220 = arith.extui %sign3A_2219 : i1 to i32
      %sign3A_2221 = arith.subi %sign3A_2217, %sign3A_2220 : i32
      %sign3A_2222 = arith.constant 0 : i32
      %sign3A_2223 = arith.cmpi sgt, %jit3A_2213, %sign3A_2222 : i32
      %sign3A_2224 = arith.extui %sign3A_2223 : i1 to i32
      %sign3A_2225 = arith.constant 0 : i32
      %sign3A_2226 = arith.cmpi slt, %jit3A_2213, %sign3A_2225 : i32
      %sign3A_2227 = arith.extui %sign3A_2226 : i1 to i32
      %sign3A_2228 = arith.subi %sign3A_2224, %sign3A_2227 : i32
      %ne3A_2229 = arith.cmpi ne, %sign3A_2221, %sign3A_2228 : i32
      %rem3A_2230 = arith.remsi %squeeze3A_2212, %jit3A_2213 : i32
      %ne3A_2231 = arith.constant 0 : i32
      %ne3A_2232 = arith.cmpi ne, %rem3A_2230, %ne3A_2231 : i32
      %and3A_2233 = arith.andi %ne3A_2229, %ne3A_2232 : i1
      %sub3A_2234 = arith.constant 1 : i32
      %sub3A_2235 = arith.subi %div3A_2214, %sub3A_2234 : i32
      %select_n3A_2236 = arith.select %and3A_2233, %sub3A_2235, %div3A_2214 : i32
      %jit3A_2237 = arith.constant 0 : i32
      %jit3A_2238 = arith.constant 4095 : i32
      %max3A_2239 = arith.maxsi %jit3A_2237, %squeeze3A_2212 : i32
      %min3A_2240 = arith.minsi %jit3A_2238, %max3A_2239 : i32
      %sub3A_2241 = arith.constant 4096 : i32
      %sub3A_2242 = arith.subi %squeeze3A_2212, %sub3A_2241 : i32
      %jit3A_2243 = arith.constant 0 : i32
      %jit3A_2244 = arith.constant 4095 : i32
      %max3A_2245 = arith.maxsi %jit3A_2243, %sub3A_2242 : i32
      %min3A_2246 = arith.minsi %jit3A_2244, %max3A_2245 : i32
      %sub3A_2247 = arith.constant 0 : i32
      %sub3A_2248 = arith.subi %select_n3A_2236, %sub3A_2247 : i32
      %abs3A_2249 = math.absi %sub3A_2248 : i32
      %sub3A_2250 = arith.subi %scan3A, %abs3A_2249 : i32
      %convert_element_type3A_2251 = arith.sitofp %sub3A_2250 : i32 to f32
      %jit3A_2252 = arith.constant 16 : i32
      %div3A_2253 = arith.divsi %min3A_2240, %jit3A_2252 : i32
      %sign3A_2254 = arith.constant 0 : i32
      %sign3A_2255 = arith.cmpi sgt, %min3A_2240, %sign3A_2254 : i32
      %sign3A_2256 = arith.extui %sign3A_2255 : i1 to i32
      %sign3A_2257 = arith.constant 0 : i32
      %sign3A_2258 = arith.cmpi slt, %min3A_2240, %sign3A_2257 : i32
      %sign3A_2259 = arith.extui %sign3A_2258 : i1 to i32
      %sign3A_2260 = arith.subi %sign3A_2256, %sign3A_2259 : i32
      %sign3A_2261 = arith.constant 0 : i32
      %sign3A_2262 = arith.cmpi sgt, %jit3A_2252, %sign3A_2261 : i32
      %sign3A_2263 = arith.extui %sign3A_2262 : i1 to i32
      %sign3A_2264 = arith.constant 0 : i32
      %sign3A_2265 = arith.cmpi slt, %jit3A_2252, %sign3A_2264 : i32
      %sign3A_2266 = arith.extui %sign3A_2265 : i1 to i32
      %sign3A_2267 = arith.subi %sign3A_2263, %sign3A_2266 : i32
      %ne3A_2268 = arith.cmpi ne, %sign3A_2260, %sign3A_2267 : i32
      %rem3A_2269 = arith.remsi %min3A_2240, %jit3A_2252 : i32
      %ne3A_2270 = arith.constant 0 : i32
      %ne3A_2271 = arith.cmpi ne, %rem3A_2269, %ne3A_2270 : i32
      %and3A_2272 = arith.andi %ne3A_2268, %ne3A_2271 : i1
      %sub3A_2273 = arith.constant 1 : i32
      %sub3A_2274 = arith.subi %div3A_2253, %sub3A_2273 : i32
      %select_n3A_2275 = arith.select %and3A_2272, %sub3A_2274, %div3A_2253 : i32
      %mul3A_2276 = arith.constant 16 : i32
      %mul3A_2277 = arith.muli %select_n3A_2275, %mul3A_2276 : i32
      %jit3A_2278 = arith.constant 16 : i32
      %eq3A_2279 = arith.constant 0 : i32
      %eq3A_2280 = arith.cmpi eq, %jit3A_2278, %eq3A_2279 : i32
      %jit3A_2281 = arith.constant 1 : i32
      %select_n3A_2282 = arith.select %eq3A_2280, %jit3A_2281, %jit3A_2278 : i32
      %rem3A_2283 = arith.remsi %min3A_2240, %select_n3A_2282 : i32
      %ne3A_2284 = arith.constant 0 : i32
      %ne3A_2285 = arith.cmpi ne, %rem3A_2283, %ne3A_2284 : i32
      %lt3A_2286 = arith.constant 0 : i32
      %lt3A_2287 = arith.cmpi slt, %rem3A_2283, %lt3A_2286 : i32
      %lt3A_2288 = arith.constant 0 : i32
      %lt3A_2289 = arith.cmpi slt, %select_n3A_2282, %lt3A_2288 : i32
      %ne3A_2290 = arith.xori %lt3A_2287, %lt3A_2289 : i1
      %and3A_2291 = arith.andi %ne3A_2290, %ne3A_2285 : i1
      %add3A_2292 = arith.addi %rem3A_2283, %select_n3A_2282 : i32
      %select_n3A_2293 = arith.select %and3A_2291, %add3A_2292, %rem3A_2283 : i32
      %sub3A_2294 = vector.broadcast %select_n3A_2293 : i32 to vector<16xi32>
      %sub3A_2295 = arith.subi %iota3A, %sub3A_2294 : vector<16xi32>
      %abs3A_2296 = math.absi %sub3A_2295 : vector<16xi32>
      %min3A_2297 = vector.broadcast %scan3A : i32 to vector<16xi32>
      %min3A_2298 = arith.minsi %min3A_2297, %abs3A_2296 : vector<16xi32>
      %sub3A_2299 = vector.broadcast %scan3A : i32 to vector<16xi32>
      %sub3A_2300 = arith.subi %sub3A_2299, %min3A_2298 : vector<16xi32>
      %convert_element_type3A_2301 = arith.sitofp %sub3A_2300 : vector<16xi32> to vector<16xf32>
      %get3A_2302 = arith.constant 5 : i32
      %get3A_2303 = arith.index_cast %get3A_2302 : i32 to index
      %get3A_2304 = arith.index_cast %mul3A_2277 : i32 to index
      %get3A_2305 = tpu.vector_load %arg10[%get3A_2303, %get3A_2304] {strides = array<i32>} : memref<8x4096xf32, #tpu.memory_space<vmem>>, vector<1x16xf32>,
      %get3A_2306 = vector.shape_cast %get3A_2305 : vector<1x16xf32> to vector<16xf32>
      %mul3A_2307 = arith.mulf %get3A_2306, %convert_element_type3A_2301 : vector<16xf32>
      %mul3A_2308 = vector.broadcast %convert_element_type3A_2251 : f32 to vector<16xf32>
      %mul3A_2309 = arith.mulf %mul3A_2307, %mul3A_2308 : vector<16xf32>
      %add3A_2310 = arith.addf %add3A_2210, %mul3A_2309 : vector<16xf32>
      %sub3A_2311 = arith.constant 1 : i32
      %sub3A_2312 = arith.subi %select_n3A_2236, %sub3A_2311 : i32
      %abs3A_2313 = math.absi %sub3A_2312 : i32
      %sub3A_2314 = arith.subi %scan3A, %abs3A_2313 : i32
      %convert_element_type3A_2315 = arith.sitofp %sub3A_2314 : i32 to f32
      %jit3A_2316 = arith.constant 16 : i32
      %div3A_2317 = arith.divsi %min3A_2246, %jit3A_2316 : i32
      %sign3A_2318 = arith.constant 0 : i32
      %sign3A_2319 = arith.cmpi sgt, %min3A_2246, %sign3A_2318 : i32
      %sign3A_2320 = arith.extui %sign3A_2319 : i1 to i32
      %sign3A_2321 = arith.constant 0 : i32
      %sign3A_2322 = arith.cmpi slt, %min3A_2246, %sign3A_2321 : i32
      %sign3A_2323 = arith.extui %sign3A_2322 : i1 to i32
      %sign3A_2324 = arith.subi %sign3A_2320, %sign3A_2323 : i32
      %sign3A_2325 = arith.constant 0 : i32
      %sign3A_2326 = arith.cmpi sgt, %jit3A_2316, %sign3A_2325 : i32
      %sign3A_2327 = arith.extui %sign3A_2326 : i1 to i32
      %sign3A_2328 = arith.constant 0 : i32
      %sign3A_2329 = arith.cmpi slt, %jit3A_2316, %sign3A_2328 : i32
      %sign3A_2330 = arith.extui %sign3A_2329 : i1 to i32
      %sign3A_2331 = arith.subi %sign3A_2327, %sign3A_2330 : i32
      %ne3A_2332 = arith.cmpi ne, %sign3A_2324, %sign3A_2331 : i32
      %rem3A_2333 = arith.remsi %min3A_2246, %jit3A_2316 : i32
      %ne3A_2334 = arith.constant 0 : i32
      %ne3A_2335 = arith.cmpi ne, %rem3A_2333, %ne3A_2334 : i32
      %and3A_2336 = arith.andi %ne3A_2332, %ne3A_2335 : i1
      %sub3A_2337 = arith.constant 1 : i32
      %sub3A_2338 = arith.subi %div3A_2317, %sub3A_2337 : i32
      %select_n3A_2339 = arith.select %and3A_2336, %sub3A_2338, %div3A_2317 : i32
      %mul3A_2340 = arith.constant 16 : i32
      %mul3A_2341 = arith.muli %select_n3A_2339, %mul3A_2340 : i32
      %jit3A_2342 = arith.constant 16 : i32
      %eq3A_2343 = arith.constant 0 : i32
      %eq3A_2344 = arith.cmpi eq, %jit3A_2342, %eq3A_2343 : i32
      %jit3A_2345 = arith.constant 1 : i32
      %select_n3A_2346 = arith.select %eq3A_2344, %jit3A_2345, %jit3A_2342 : i32
      %rem3A_2347 = arith.remsi %min3A_2246, %select_n3A_2346 : i32
      %ne3A_2348 = arith.constant 0 : i32
      %ne3A_2349 = arith.cmpi ne, %rem3A_2347, %ne3A_2348 : i32
      %lt3A_2350 = arith.constant 0 : i32
      %lt3A_2351 = arith.cmpi slt, %rem3A_2347, %lt3A_2350 : i32
      %lt3A_2352 = arith.constant 0 : i32
      %lt3A_2353 = arith.cmpi slt, %select_n3A_2346, %lt3A_2352 : i32
      %ne3A_2354 = arith.xori %lt3A_2351, %lt3A_2353 : i1
      %and3A_2355 = arith.andi %ne3A_2354, %ne3A_2349 : i1
      %add3A_2356 = arith.addi %rem3A_2347, %select_n3A_2346 : i32
      %select_n3A_2357 = arith.select %and3A_2355, %add3A_2356, %rem3A_2347 : i32
      %sub3A_2358 = vector.broadcast %select_n3A_2357 : i32 to vector<16xi32>
      %sub3A_2359 = arith.subi %iota3A, %sub3A_2358 : vector<16xi32>
      %abs3A_2360 = math.absi %sub3A_2359 : vector<16xi32>
      %min3A_2361 = vector.broadcast %scan3A : i32 to vector<16xi32>
      %min3A_2362 = arith.minsi %min3A_2361, %abs3A_2360 : vector<16xi32>
      %sub3A_2363 = vector.broadcast %scan3A : i32 to vector<16xi32>
      %sub3A_2364 = arith.subi %sub3A_2363, %min3A_2362 : vector<16xi32>
      %convert_element_type3A_2365 = arith.sitofp %sub3A_2364 : vector<16xi32> to vector<16xf32>
      %get3A_2366 = arith.constant 5 : i32
      %get3A_2367 = arith.index_cast %get3A_2366 : i32 to index
      %get3A_2368 = arith.index_cast %mul3A_2341 : i32 to index
      %get3A_2369 = tpu.vector_load %arg11[%get3A_2367, %get3A_2368] {strides = array<i32>} : memref<8x4096xf32, #tpu.memory_space<vmem>>, vector<1x16xf32>,
      %get3A_2370 = vector.shape_cast %get3A_2369 : vector<1x16xf32> to vector<16xf32>
      %mul3A_2371 = arith.mulf %get3A_2370, %convert_element_type3A_2365 : vector<16xf32>
      %mul3A_2372 = vector.broadcast %convert_element_type3A_2315 : f32 to vector<16xf32>
      %mul3A_2373 = arith.mulf %mul3A_2371, %mul3A_2372 : vector<16xf32>
      %add3A_2374 = arith.addf %add3A_2310, %mul3A_2373 : vector<16xf32>
      %slice3A_2375 = vector.extract_strided_slice %get3A_26 {offsets = [14], sizes = [1], strides = [1]} : vector<16xi32> to vector<1xi32>
      %squeeze3A_2376 = vector.extract %slice3A_2375[0] : i32 from vector<1xi32>
      %jit3A_2377 = arith.constant 4096 : i32
      %div3A_2378 = arith.divsi %squeeze3A_2376, %jit3A_2377 : i32
      %sign3A_2379 = arith.constant 0 : i32
      %sign3A_2380 = arith.cmpi sgt, %squeeze3A_2376, %sign3A_2379 : i32
      %sign3A_2381 = arith.extui %sign3A_2380 : i1 to i32
      %sign3A_2382 = arith.constant 0 : i32
      %sign3A_2383 = arith.cmpi slt, %squeeze3A_2376, %sign3A_2382 : i32
      %sign3A_2384 = arith.extui %sign3A_2383 : i1 to i32
      %sign3A_2385 = arith.subi %sign3A_2381, %sign3A_2384 : i32
      %sign3A_2386 = arith.constant 0 : i32
      %sign3A_2387 = arith.cmpi sgt, %jit3A_2377, %sign3A_2386 : i32
      %sign3A_2388 = arith.extui %sign3A_2387 : i1 to i32
      %sign3A_2389 = arith.constant 0 : i32
      %sign3A_2390 = arith.cmpi slt, %jit3A_2377, %sign3A_2389 : i32
      %sign3A_2391 = arith.extui %sign3A_2390 : i1 to i32
      %sign3A_2392 = arith.subi %sign3A_2388, %sign3A_2391 : i32
      %ne3A_2393 = arith.cmpi ne, %sign3A_2385, %sign3A_2392 : i32
      %rem3A_2394 = arith.remsi %squeeze3A_2376, %jit3A_2377 : i32
      %ne3A_2395 = arith.constant 0 : i32
      %ne3A_2396 = arith.cmpi ne, %rem3A_2394, %ne3A_2395 : i32
      %and3A_2397 = arith.andi %ne3A_2393, %ne3A_2396 : i1
      %sub3A_2398 = arith.constant 1 : i32
      %sub3A_2399 = arith.subi %div3A_2378, %sub3A_2398 : i32
      %select_n3A_2400 = arith.select %and3A_2397, %sub3A_2399, %div3A_2378 : i32
      %jit3A_2401 = arith.constant 0 : i32
      %jit3A_2402 = arith.constant 4095 : i32
      %max3A_2403 = arith.maxsi %jit3A_2401, %squeeze3A_2376 : i32
      %min3A_2404 = arith.minsi %jit3A_2402, %max3A_2403 : i32
      %sub3A_2405 = arith.constant 4096 : i32
      %sub3A_2406 = arith.subi %squeeze3A_2376, %sub3A_2405 : i32
      %jit3A_2407 = arith.constant 0 : i32
      %jit3A_2408 = arith.constant 4095 : i32
      %max3A_2409 = arith.maxsi %jit3A_2407, %sub3A_2406 : i32
      %min3A_2410 = arith.minsi %jit3A_2408, %max3A_2409 : i32
      %sub3A_2411 = arith.constant 0 : i32
      %sub3A_2412 = arith.subi %select_n3A_2400, %sub3A_2411 : i32
      %abs3A_2413 = math.absi %sub3A_2412 : i32
      %sub3A_2414 = arith.subi %scan3A, %abs3A_2413 : i32
      %convert_element_type3A_2415 = arith.sitofp %sub3A_2414 : i32 to f32
      %jit3A_2416 = arith.constant 16 : i32
      %div3A_2417 = arith.divsi %min3A_2404, %jit3A_2416 : i32
      %sign3A_2418 = arith.constant 0 : i32
      %sign3A_2419 = arith.cmpi sgt, %min3A_2404, %sign3A_2418 : i32
      %sign3A_2420 = arith.extui %sign3A_2419 : i1 to i32
      %sign3A_2421 = arith.constant 0 : i32
      %sign3A_2422 = arith.cmpi slt, %min3A_2404, %sign3A_2421 : i32
      %sign3A_2423 = arith.extui %sign3A_2422 : i1 to i32
      %sign3A_2424 = arith.subi %sign3A_2420, %sign3A_2423 : i32
      %sign3A_2425 = arith.constant 0 : i32
      %sign3A_2426 = arith.cmpi sgt, %jit3A_2416, %sign3A_2425 : i32
      %sign3A_2427 = arith.extui %sign3A_2426 : i1 to i32
      %sign3A_2428 = arith.constant 0 : i32
      %sign3A_2429 = arith.cmpi slt, %jit3A_2416, %sign3A_2428 : i32
      %sign3A_2430 = arith.extui %sign3A_2429 : i1 to i32
      %sign3A_2431 = arith.subi %sign3A_2427, %sign3A_2430 : i32
      %ne3A_2432 = arith.cmpi ne, %sign3A_2424, %sign3A_2431 : i32
      %rem3A_2433 = arith.remsi %min3A_2404, %jit3A_2416 : i32
      %ne3A_2434 = arith.constant 0 : i32
      %ne3A_2435 = arith.cmpi ne, %rem3A_2433, %ne3A_2434 : i32
      %and3A_2436 = arith.andi %ne3A_2432, %ne3A_2435 : i1
      %sub3A_2437 = arith.constant 1 : i32
      %sub3A_2438 = arith.subi %div3A_2417, %sub3A_2437 : i32
      %select_n3A_2439 = arith.select %and3A_2436, %sub3A_2438, %div3A_2417 : i32
      %mul3A_2440 = arith.constant 16 : i32
      %mul3A_2441 = arith.muli %select_n3A_2439, %mul3A_2440 : i32
      %jit3A_2442 = arith.constant 16 : i32
      %eq3A_2443 = arith.constant 0 : i32
      %eq3A_2444 = arith.cmpi eq, %jit3A_2442, %eq3A_2443 : i32
      %jit3A_2445 = arith.constant 1 : i32
      %select_n3A_2446 = arith.select %eq3A_2444, %jit3A_2445, %jit3A_2442 : i32
      %rem3A_2447 = arith.remsi %min3A_2404, %select_n3A_2446 : i32
      %ne3A_2448 = arith.constant 0 : i32
      %ne3A_2449 = arith.cmpi ne, %rem3A_2447, %ne3A_2448 : i32
      %lt3A_2450 = arith.constant 0 : i32
      %lt3A_2451 = arith.cmpi slt, %rem3A_2447, %lt3A_2450 : i32
      %lt3A_2452 = arith.constant 0 : i32
      %lt3A_2453 = arith.cmpi slt, %select_n3A_2446, %lt3A_2452 : i32
      %ne3A_2454 = arith.xori %lt3A_2451, %lt3A_2453 : i1
      %and3A_2455 = arith.andi %ne3A_2454, %ne3A_2449 : i1
      %add3A_2456 = arith.addi %rem3A_2447, %select_n3A_2446 : i32
      %select_n3A_2457 = arith.select %and3A_2455, %add3A_2456, %rem3A_2447 : i32
      %sub3A_2458 = vector.broadcast %select_n3A_2457 : i32 to vector<16xi32>
      %sub3A_2459 = arith.subi %iota3A, %sub3A_2458 : vector<16xi32>
      %abs3A_2460 = math.absi %sub3A_2459 : vector<16xi32>
      %min3A_2461 = vector.broadcast %scan3A : i32 to vector<16xi32>
      %min3A_2462 = arith.minsi %min3A_2461, %abs3A_2460 : vector<16xi32>
      %sub3A_2463 = vector.broadcast %scan3A : i32 to vector<16xi32>
      %sub3A_2464 = arith.subi %sub3A_2463, %min3A_2462 : vector<16xi32>
      %convert_element_type3A_2465 = arith.sitofp %sub3A_2464 : vector<16xi32> to vector<16xf32>
      %get3A_2466 = arith.constant 6 : i32
      %get3A_2467 = arith.index_cast %get3A_2466 : i32 to index
      %get3A_2468 = arith.index_cast %mul3A_2441 : i32 to index
      %get3A_2469 = tpu.vector_load %arg10[%get3A_2467, %get3A_2468] {strides = array<i32>} : memref<8x4096xf32, #tpu.memory_space<vmem>>, vector<1x16xf32>,
      %get3A_2470 = vector.shape_cast %get3A_2469 : vector<1x16xf32> to vector<16xf32>
      %mul3A_2471 = arith.mulf %get3A_2470, %convert_element_type3A_2465 : vector<16xf32>
      %mul3A_2472 = vector.broadcast %convert_element_type3A_2415 : f32 to vector<16xf32>
      %mul3A_2473 = arith.mulf %mul3A_2471, %mul3A_2472 : vector<16xf32>
      %add3A_2474 = arith.addf %add3A_2374, %mul3A_2473 : vector<16xf32>
      %sub3A_2475 = arith.constant 1 : i32
      %sub3A_2476 = arith.subi %select_n3A_2400, %sub3A_2475 : i32
      %abs3A_2477 = math.absi %sub3A_2476 : i32
      %sub3A_2478 = arith.subi %scan3A, %abs3A_2477 : i32
      %convert_element_type3A_2479 = arith.sitofp %sub3A_2478 : i32 to f32
      %jit3A_2480 = arith.constant 16 : i32
      %div3A_2481 = arith.divsi %min3A_2410, %jit3A_2480 : i32
      %sign3A_2482 = arith.constant 0 : i32
      %sign3A_2483 = arith.cmpi sgt, %min3A_2410, %sign3A_2482 : i32
      %sign3A_2484 = arith.extui %sign3A_2483 : i1 to i32
      %sign3A_2485 = arith.constant 0 : i32
      %sign3A_2486 = arith.cmpi slt, %min3A_2410, %sign3A_2485 : i32
      %sign3A_2487 = arith.extui %sign3A_2486 : i1 to i32
      %sign3A_2488 = arith.subi %sign3A_2484, %sign3A_2487 : i32
      %sign3A_2489 = arith.constant 0 : i32
      %sign3A_2490 = arith.cmpi sgt, %jit3A_2480, %sign3A_2489 : i32
      %sign3A_2491 = arith.extui %sign3A_2490 : i1 to i32
      %sign3A_2492 = arith.constant 0 : i32
      %sign3A_2493 = arith.cmpi slt, %jit3A_2480, %sign3A_2492 : i32
      %sign3A_2494 = arith.extui %sign3A_2493 : i1 to i32
      %sign3A_2495 = arith.subi %sign3A_2491, %sign3A_2494 : i32
      %ne3A_2496 = arith.cmpi ne, %sign3A_2488, %sign3A_2495 : i32
      %rem3A_2497 = arith.remsi %min3A_2410, %jit3A_2480 : i32
      %ne3A_2498 = arith.constant 0 : i32
      %ne3A_2499 = arith.cmpi ne, %rem3A_2497, %ne3A_2498 : i32
      %and3A_2500 = arith.andi %ne3A_2496, %ne3A_2499 : i1
      %sub3A_2501 = arith.constant 1 : i32
      %sub3A_2502 = arith.subi %div3A_2481, %sub3A_2501 : i32
      %select_n3A_2503 = arith.select %and3A_2500, %sub3A_2502, %div3A_2481 : i32
      %mul3A_2504 = arith.constant 16 : i32
      %mul3A_2505 = arith.muli %select_n3A_2503, %mul3A_2504 : i32
      %jit3A_2506 = arith.constant 16 : i32
      %eq3A_2507 = arith.constant 0 : i32
      %eq3A_2508 = arith.cmpi eq, %jit3A_2506, %eq3A_2507 : i32
      %jit3A_2509 = arith.constant 1 : i32
      %select_n3A_2510 = arith.select %eq3A_2508, %jit3A_2509, %jit3A_2506 : i32
      %rem3A_2511 = arith.remsi %min3A_2410, %select_n3A_2510 : i32
      %ne3A_2512 = arith.constant 0 : i32
      %ne3A_2513 = arith.cmpi ne, %rem3A_2511, %ne3A_2512 : i32
      %lt3A_2514 = arith.constant 0 : i32
      %lt3A_2515 = arith.cmpi slt, %rem3A_2511, %lt3A_2514 : i32
      %lt3A_2516 = arith.constant 0 : i32
      %lt3A_2517 = arith.cmpi slt, %select_n3A_2510, %lt3A_2516 : i32
      %ne3A_2518 = arith.xori %lt3A_2515, %lt3A_2517 : i1
      %and3A_2519 = arith.andi %ne3A_2518, %ne3A_2513 : i1
      %add3A_2520 = arith.addi %rem3A_2511, %select_n3A_2510 : i32
      %select_n3A_2521 = arith.select %and3A_2519, %add3A_2520, %rem3A_2511 : i32
      %sub3A_2522 = vector.broadcast %select_n3A_2521 : i32 to vector<16xi32>
      %sub3A_2523 = arith.subi %iota3A, %sub3A_2522 : vector<16xi32>
      %abs3A_2524 = math.absi %sub3A_2523 : vector<16xi32>
      %min3A_2525 = vector.broadcast %scan3A : i32 to vector<16xi32>
      %min3A_2526 = arith.minsi %min3A_2525, %abs3A_2524 : vector<16xi32>
      %sub3A_2527 = vector.broadcast %scan3A : i32 to vector<16xi32>
      %sub3A_2528 = arith.subi %sub3A_2527, %min3A_2526 : vector<16xi32>
      %convert_element_type3A_2529 = arith.sitofp %sub3A_2528 : vector<16xi32> to vector<16xf32>
      %get3A_2530 = arith.constant 6 : i32
      %get3A_2531 = arith.index_cast %get3A_2530 : i32 to index
      %get3A_2532 = arith.index_cast %mul3A_2505 : i32 to index
      %get3A_2533 = tpu.vector_load %arg11[%get3A_2531, %get3A_2532] {strides = array<i32>} : memref<8x4096xf32, #tpu.memory_space<vmem>>, vector<1x16xf32>,
      %get3A_2534 = vector.shape_cast %get3A_2533 : vector<1x16xf32> to vector<16xf32>
      %mul3A_2535 = arith.mulf %get3A_2534, %convert_element_type3A_2529 : vector<16xf32>
      %mul3A_2536 = vector.broadcast %convert_element_type3A_2479 : f32 to vector<16xf32>
      %mul3A_2537 = arith.mulf %mul3A_2535, %mul3A_2536 : vector<16xf32>
      %add3A_2538 = arith.addf %add3A_2474, %mul3A_2537 : vector<16xf32>
      %slice3A_2539 = vector.extract_strided_slice %get3A_26 {offsets = [15], sizes = [1], strides = [1]} : vector<16xi32> to vector<1xi32>
      %squeeze3A_2540 = vector.extract %slice3A_2539[0] : i32 from vector<1xi32>
      %jit3A_2541 = arith.constant 4096 : i32
      %div3A_2542 = arith.divsi %squeeze3A_2540, %jit3A_2541 : i32
      %sign3A_2543 = arith.constant 0 : i32
      %sign3A_2544 = arith.cmpi sgt, %squeeze3A_2540, %sign3A_2543 : i32
      %sign3A_2545 = arith.extui %sign3A_2544 : i1 to i32
      %sign3A_2546 = arith.constant 0 : i32
      %sign3A_2547 = arith.cmpi slt, %squeeze3A_2540, %sign3A_2546 : i32
      %sign3A_2548 = arith.extui %sign3A_2547 : i1 to i32
      %sign3A_2549 = arith.subi %sign3A_2545, %sign3A_2548 : i32
      %sign3A_2550 = arith.constant 0 : i32
      %sign3A_2551 = arith.cmpi sgt, %jit3A_2541, %sign3A_2550 : i32
      %sign3A_2552 = arith.extui %sign3A_2551 : i1 to i32
      %sign3A_2553 = arith.constant 0 : i32
      %sign3A_2554 = arith.cmpi slt, %jit3A_2541, %sign3A_2553 : i32
      %sign3A_2555 = arith.extui %sign3A_2554 : i1 to i32
      %sign3A_2556 = arith.subi %sign3A_2552, %sign3A_2555 : i32
      %ne3A_2557 = arith.cmpi ne, %sign3A_2549, %sign3A_2556 : i32
      %rem3A_2558 = arith.remsi %squeeze3A_2540, %jit3A_2541 : i32
      %ne3A_2559 = arith.constant 0 : i32
      %ne3A_2560 = arith.cmpi ne, %rem3A_2558, %ne3A_2559 : i32
      %and3A_2561 = arith.andi %ne3A_2557, %ne3A_2560 : i1
      %sub3A_2562 = arith.constant 1 : i32
      %sub3A_2563 = arith.subi %div3A_2542, %sub3A_2562 : i32
      %select_n3A_2564 = arith.select %and3A_2561, %sub3A_2563, %div3A_2542 : i32
      %jit3A_2565 = arith.constant 0 : i32
      %jit3A_2566 = arith.constant 4095 : i32
      %max3A_2567 = arith.maxsi %jit3A_2565, %squeeze3A_2540 : i32
      %min3A_2568 = arith.minsi %jit3A_2566, %max3A_2567 : i32
      %sub3A_2569 = arith.constant 4096 : i32
      %sub3A_2570 = arith.subi %squeeze3A_2540, %sub3A_2569 : i32
      %jit3A_2571 = arith.constant 0 : i32
      %jit3A_2572 = arith.constant 4095 : i32
      %max3A_2573 = arith.maxsi %jit3A_2571, %sub3A_2570 : i32
      %min3A_2574 = arith.minsi %jit3A_2572, %max3A_2573 : i32
      %sub3A_2575 = arith.constant 0 : i32
      %sub3A_2576 = arith.subi %select_n3A_2564, %sub3A_2575 : i32
      %abs3A_2577 = math.absi %sub3A_2576 : i32
      %sub3A_2578 = arith.subi %scan3A, %abs3A_2577 : i32
      %convert_element_type3A_2579 = arith.sitofp %sub3A_2578 : i32 to f32
      %jit3A_2580 = arith.constant 16 : i32
      %div3A_2581 = arith.divsi %min3A_2568, %jit3A_2580 : i32
      %sign3A_2582 = arith.constant 0 : i32
      %sign3A_2583 = arith.cmpi sgt, %min3A_2568, %sign3A_2582 : i32
      %sign3A_2584 = arith.extui %sign3A_2583 : i1 to i32
      %sign3A_2585 = arith.constant 0 : i32
      %sign3A_2586 = arith.cmpi slt, %min3A_2568, %sign3A_2585 : i32
      %sign3A_2587 = arith.extui %sign3A_2586 : i1 to i32
      %sign3A_2588 = arith.subi %sign3A_2584, %sign3A_2587 : i32
      %sign3A_2589 = arith.constant 0 : i32
      %sign3A_2590 = arith.cmpi sgt, %jit3A_2580, %sign3A_2589 : i32
      %sign3A_2591 = arith.extui %sign3A_2590 : i1 to i32
      %sign3A_2592 = arith.constant 0 : i32
      %sign3A_2593 = arith.cmpi slt, %jit3A_2580, %sign3A_2592 : i32
      %sign3A_2594 = arith.extui %sign3A_2593 : i1 to i32
      %sign3A_2595 = arith.subi %sign3A_2591, %sign3A_2594 : i32
      %ne3A_2596 = arith.cmpi ne, %sign3A_2588, %sign3A_2595 : i32
      %rem3A_2597 = arith.remsi %min3A_2568, %jit3A_2580 : i32
      %ne3A_2598 = arith.constant 0 : i32
      %ne3A_2599 = arith.cmpi ne, %rem3A_2597, %ne3A_2598 : i32
      %and3A_2600 = arith.andi %ne3A_2596, %ne3A_2599 : i1
      %sub3A_2601 = arith.constant 1 : i32
      %sub3A_2602 = arith.subi %div3A_2581, %sub3A_2601 : i32
      %select_n3A_2603 = arith.select %and3A_2600, %sub3A_2602, %div3A_2581 : i32
      %mul3A_2604 = arith.constant 16 : i32
      %mul3A_2605 = arith.muli %select_n3A_2603, %mul3A_2604 : i32
      %jit3A_2606 = arith.constant 16 : i32
      %eq3A_2607 = arith.constant 0 : i32
      %eq3A_2608 = arith.cmpi eq, %jit3A_2606, %eq3A_2607 : i32
      %jit3A_2609 = arith.constant 1 : i32
      %select_n3A_2610 = arith.select %eq3A_2608, %jit3A_2609, %jit3A_2606 : i32
      %rem3A_2611 = arith.remsi %min3A_2568, %select_n3A_2610 : i32
      %ne3A_2612 = arith.constant 0 : i32
      %ne3A_2613 = arith.cmpi ne, %rem3A_2611, %ne3A_2612 : i32
      %lt3A_2614 = arith.constant 0 : i32
      %lt3A_2615 = arith.cmpi slt, %rem3A_2611, %lt3A_2614 : i32
      %lt3A_2616 = arith.constant 0 : i32
      %lt3A_2617 = arith.cmpi slt, %select_n3A_2610, %lt3A_2616 : i32
      %ne3A_2618 = arith.xori %lt3A_2615, %lt3A_2617 : i1
      %and3A_2619 = arith.andi %ne3A_2618, %ne3A_2613 : i1
      %add3A_2620 = arith.addi %rem3A_2611, %select_n3A_2610 : i32
      %select_n3A_2621 = arith.select %and3A_2619, %add3A_2620, %rem3A_2611 : i32
      %sub3A_2622 = vector.broadcast %select_n3A_2621 : i32 to vector<16xi32>
      %sub3A_2623 = arith.subi %iota3A, %sub3A_2622 : vector<16xi32>
      %abs3A_2624 = math.absi %sub3A_2623 : vector<16xi32>
      %min3A_2625 = vector.broadcast %scan3A : i32 to vector<16xi32>
      %min3A_2626 = arith.minsi %min3A_2625, %abs3A_2624 : vector<16xi32>
      %sub3A_2627 = vector.broadcast %scan3A : i32 to vector<16xi32>
      %sub3A_2628 = arith.subi %sub3A_2627, %min3A_2626 : vector<16xi32>
      %convert_element_type3A_2629 = arith.sitofp %sub3A_2628 : vector<16xi32> to vector<16xf32>
      %get3A_2630 = arith.constant 7 : i32
      %get3A_2631 = arith.index_cast %get3A_2630 : i32 to index
      %get3A_2632 = arith.index_cast %mul3A_2605 : i32 to index
      %get3A_2633 = tpu.vector_load %arg10[%get3A_2631, %get3A_2632] {strides = array<i32>} : memref<8x4096xf32, #tpu.memory_space<vmem>>, vector<1x16xf32>,
      %get3A_2634 = vector.shape_cast %get3A_2633 : vector<1x16xf32> to vector<16xf32>
      %mul3A_2635 = arith.mulf %get3A_2634, %convert_element_type3A_2629 : vector<16xf32>
      %mul3A_2636 = vector.broadcast %convert_element_type3A_2579 : f32 to vector<16xf32>
      %mul3A_2637 = arith.mulf %mul3A_2635, %mul3A_2636 : vector<16xf32>
      %add3A_2638 = arith.addf %add3A_2538, %mul3A_2637 : vector<16xf32>
      %sub3A_2639 = arith.constant 1 : i32
      %sub3A_2640 = arith.subi %select_n3A_2564, %sub3A_2639 : i32
      %abs3A_2641 = math.absi %sub3A_2640 : i32
      %sub3A_2642 = arith.subi %scan3A, %abs3A_2641 : i32
      %convert_element_type3A_2643 = arith.sitofp %sub3A_2642 : i32 to f32
      %jit3A_2644 = arith.constant 16 : i32
      %div3A_2645 = arith.divsi %min3A_2574, %jit3A_2644 : i32
      %sign3A_2646 = arith.constant 0 : i32
      %sign3A_2647 = arith.cmpi sgt, %min3A_2574, %sign3A_2646 : i32
      %sign3A_2648 = arith.extui %sign3A_2647 : i1 to i32
      %sign3A_2649 = arith.constant 0 : i32
      %sign3A_2650 = arith.cmpi slt, %min3A_2574, %sign3A_2649 : i32
      %sign3A_2651 = arith.extui %sign3A_2650 : i1 to i32
      %sign3A_2652 = arith.subi %sign3A_2648, %sign3A_2651 : i32
      %sign3A_2653 = arith.constant 0 : i32
      %sign3A_2654 = arith.cmpi sgt, %jit3A_2644, %sign3A_2653 : i32
      %sign3A_2655 = arith.extui %sign3A_2654 : i1 to i32
      %sign3A_2656 = arith.constant 0 : i32
      %sign3A_2657 = arith.cmpi slt, %jit3A_2644, %sign3A_2656 : i32
      %sign3A_2658 = arith.extui %sign3A_2657 : i1 to i32
      %sign3A_2659 = arith.subi %sign3A_2655, %sign3A_2658 : i32
      %ne3A_2660 = arith.cmpi ne, %sign3A_2652, %sign3A_2659 : i32
      %rem3A_2661 = arith.remsi %min3A_2574, %jit3A_2644 : i32
      %ne3A_2662 = arith.constant 0 : i32
      %ne3A_2663 = arith.cmpi ne, %rem3A_2661, %ne3A_2662 : i32
      %and3A_2664 = arith.andi %ne3A_2660, %ne3A_2663 : i1
      %sub3A_2665 = arith.constant 1 : i32
      %sub3A_2666 = arith.subi %div3A_2645, %sub3A_2665 : i32
      %select_n3A_2667 = arith.select %and3A_2664, %sub3A_2666, %div3A_2645 : i32
      %mul3A_2668 = arith.constant 16 : i32
      %mul3A_2669 = arith.muli %select_n3A_2667, %mul3A_2668 : i32
      %jit3A_2670 = arith.constant 16 : i32
      %eq3A_2671 = arith.constant 0 : i32
      %eq3A_2672 = arith.cmpi eq, %jit3A_2670, %eq3A_2671 : i32
      %jit3A_2673 = arith.constant 1 : i32
      %select_n3A_2674 = arith.select %eq3A_2672, %jit3A_2673, %jit3A_2670 : i32
      %rem3A_2675 = arith.remsi %min3A_2574, %select_n3A_2674 : i32
      %ne3A_2676 = arith.constant 0 : i32
      %ne3A_2677 = arith.cmpi ne, %rem3A_2675, %ne3A_2676 : i32
      %lt3A_2678 = arith.constant 0 : i32
      %lt3A_2679 = arith.cmpi slt, %rem3A_2675, %lt3A_2678 : i32
      %lt3A_2680 = arith.constant 0 : i32
      %lt3A_2681 = arith.cmpi slt, %select_n3A_2674, %lt3A_2680 : i32
      %ne3A_2682 = arith.xori %lt3A_2679, %lt3A_2681 : i1
      %and3A_2683 = arith.andi %ne3A_2682, %ne3A_2677 : i1
      %add3A_2684 = arith.addi %rem3A_2675, %select_n3A_2674 : i32
      %select_n3A_2685 = arith.select %and3A_2683, %add3A_2684, %rem3A_2675 : i32
      %sub3A_2686 = vector.broadcast %select_n3A_2685 : i32 to vector<16xi32>
      %sub3A_2687 = arith.subi %iota3A, %sub3A_2686 : vector<16xi32>
      %abs3A_2688 = math.absi %sub3A_2687 : vector<16xi32>
      %min3A_2689 = vector.broadcast %scan3A : i32 to vector<16xi32>
      %min3A_2690 = arith.minsi %min3A_2689, %abs3A_2688 : vector<16xi32>
      %sub3A_2691 = vector.broadcast %scan3A : i32 to vector<16xi32>
      %sub3A_2692 = arith.subi %sub3A_2691, %min3A_2690 : vector<16xi32>
      %convert_element_type3A_2693 = arith.sitofp %sub3A_2692 : vector<16xi32> to vector<16xf32>
      %get3A_2694 = arith.constant 7 : i32
      %get3A_2695 = arith.index_cast %get3A_2694 : i32 to index
      %get3A_2696 = arith.index_cast %mul3A_2669 : i32 to index
      %get3A_2697 = tpu.vector_load %arg11[%get3A_2695, %get3A_2696] {strides = array<i32>} : memref<8x4096xf32, #tpu.memory_space<vmem>>, vector<1x16xf32>,
      %get3A_2698 = vector.shape_cast %get3A_2697 : vector<1x16xf32> to vector<16xf32>
      %mul3A_2699 = arith.mulf %get3A_2698, %convert_element_type3A_2693 : vector<16xf32>
      %mul3A_2700 = vector.broadcast %convert_element_type3A_2643 : f32 to vector<16xf32>
      %mul3A_2701 = arith.mulf %mul3A_2699, %mul3A_2700 : vector<16xf32>
      %add3A_2702 = arith.addf %add3A_2638, %mul3A_2701 : vector<16xf32>
      %add3A_2703 = arith.addf %add3A_1352, %add3A_2702 : vector<16xf32>
      %add3A_2704 = arith.constant 1 : i32
      %add3A_2705 = arith.addi %add3A_1365, %add3A_2704 : i32
      %lt3A_2706 = arith.constant 32 : i32
      %lt3A_2707 = arith.cmpi slt, %add3A_2705, %lt3A_2706 : i32
      %convert_element_type3A_2708 = arith.extui %lt3A_2707 : i1 to i32
      %cond3A_2709 = arith.constant 0 : i32
      %cond3A_2710 = arith.cmpi ne, %convert_element_type3A_2708, %cond3A_2709 : i32
      scf.if %cond3A_2710 {
        %add3A_2714 = arith.constant 1 : i32
        %add3A_2715 = arith.addi %add3A_1365, %add3A_2714 : i32
        %mul3A_2716 = arith.constant 8 : i32
        %mul3A_2717 = arith.muli %add3A_2715, %mul3A_2716 : i32
        %dma_start3A_2718 = tpu.memref_slice %arg7[%mul3A_2717] : memref<256xi32, #tpu.memory_space<vmem>> -> memref<8xi32, #tpu.memory_space<vmem>>
        %dma_start3A_2719 = arith.constant 0 : i32
        %dma_start3A_2720 = arith.constant 0 : i32
        %dma_start3A_2721 = tpu.memref_slice %arg2[%dma_start3A_2719, %dma_start3A_2720] : memref<8192x8192xf32, #tpu.memory_space<hbm>> -> memref<8192x4096xf32, #tpu.memory_space<hbm>>
        tpu.enqueue_indirect_dma source(%dma_start3A_2721 : memref<8192x4096xf32, #tpu.memory_space<hbm>>) target(%arg10 : memref<8x4096xf32, #tpu.memory_space<vmem>>) offsets(%dma_start3A_2718 : memref<8xi32, #tpu.memory_space<vmem>>) semaphore(%arg12 : memref<!tpu.dma_semaphore, #tpu.memory_space<semaphore_mem>>)
      } else {
      }
      %mul3A_2711 = arith.constant 8 : i32
      %mul3A_2712 = arith.muli %add3A_1365, %mul3A_2711 : i32
      %add3A_2713 = arith.addi %mul3A_2, %mul3A_2712 : i32
      "tpu.region"() ({
        %run_scoped3A = tpu.sem_alloc : memref<!tpu.dma_semaphore, #tpu.memory_space<semaphore_mem>>
        %dma_start3A_2714 = arith.constant 4096 : i32
        %dma_start3A_2715 = tpu.memref_slice %arg5[%add3A_2713, %dma_start3A_2714] : memref<8192x8192xf32, #tpu.memory_space<hbm>> -> memref<8x4096xf32, #tpu.memory_space<hbm>>
        %dma_start3A_2716 = arith.constant 4096 : i32
        %dma_start3A_2717 = tpu.memref_slice %arg5[%add3A_2713, %dma_start3A_2716] : memref<8192x8192xf32, #tpu.memory_space<hbm>> -> memref<8x4096xf32, #tpu.memory_space<hbm>>
        tpu.enqueue_dma source(%arg11 : memref<8x4096xf32, #tpu.memory_space<vmem>>) target(%dma_start3A_2717 : memref<8x4096xf32, #tpu.memory_space<hbm>>) target_semaphore(%run_scoped3A : memref<!tpu.dma_semaphore, #tpu.memory_space<semaphore_mem>>)
        %dma_wait3A_2718 = arith.constant 4096 : i32
        %dma_wait3A_2719 = tpu.memref_slice %arg5[%add3A_2713, %dma_wait3A_2718] : memref<8192x8192xf32, #tpu.memory_space<hbm>> -> memref<8x4096xf32, #tpu.memory_space<hbm>>
        %dma_wait3A_2720 = arith.constant 4096 : i32
        %dma_wait3A_2721 = tpu.memref_slice %arg5[%add3A_2713, %dma_wait3A_2720] : memref<8192x8192xf32, #tpu.memory_space<hbm>> -> memref<8x4096xf32, #tpu.memory_space<hbm>>
        tpu.wait_dma2 semaphore(%run_scoped3A : memref<!tpu.dma_semaphore, #tpu.memory_space<semaphore_mem>>) src(%arg11 : memref<8x4096xf32, #tpu.memory_space<vmem>>) dst(%dma_wait3A_2721 : memref<8x4096xf32, #tpu.memory_space<hbm>>)
        tpu.yield
      }) : () -> ()
      scf.yield %add3A_2703 : vector<16xf32>
    }
    %scan3A_15 = arith.constant 16 : i32
    %swap3A = arith.constant 0 : i32
    %swap3A_16 = arith.index_cast %swap3A : i32 to index
    %swap3A_17 = arith.constant 0 : index
    %swap3A_18 = tpu.vector_load %arg9[%swap3A_16, %swap3A_17] {strides = array<i32>} : memref<1x16xf32, #tpu.memory_space<vmem>>, vector<1x16xf32>,
    %swap3A_19 = vector.shape_cast %swap3A_18 : vector<1x16xf32> to vector<16xf32>
    %swap3A_20 = vector.shape_cast %scan3A_14 : vector<16xf32> to vector<1x16xf32>
    tpu.vector_store %arg9[%swap3A_16, %swap3A_17], %swap3A_20 {strides = array<i32>} : memref<1x16xf32, #tpu.memory_space<vmem>>, vector<1x16xf32>,
    "tpu.region"() ({
      %run_scoped3A = tpu.sem_alloc : memref<!tpu.dma_semaphore, #tpu.memory_space<semaphore_mem>>
      %dma_start3A_21 = arith.constant 0 : i32
      %dma_start3A_22 = tpu.memref_slice %arg6[%add3A, %dma_start3A_21] : memref<32x16xf32, #tpu.memory_space<hbm>> -> memref<1x16xf32, #tpu.memory_space<hbm>>
      %dma_start3A_23 = arith.constant 0 : i32
      %dma_start3A_24 = tpu.memref_slice %arg6[%add3A, %dma_start3A_23] : memref<32x16xf32, #tpu.memory_space<hbm>> -> memref<1x16xf32, #tpu.memory_space<hbm>>
      tpu.enqueue_dma source(%arg9 : memref<1x16xf32, #tpu.memory_space<vmem>>) target(%dma_start3A_24 : memref<1x16xf32, #tpu.memory_space<hbm>>) target_semaphore(%run_scoped3A : memref<!tpu.dma_semaphore, #tpu.memory_space<semaphore_mem>>)
      %dma_wait3A = arith.constant 0 : i32
      %dma_wait3A_25 = tpu.memref_slice %arg6[%add3A, %dma_wait3A] : memref<32x16xf32, #tpu.memory_space<hbm>> -> memref<1x16xf32, #tpu.memory_space<hbm>>
      %dma_wait3A_26 = arith.constant 0 : i32
      %dma_wait3A_27 = tpu.memref_slice %arg6[%add3A, %dma_wait3A_26] : memref<32x16xf32, #tpu.memory_space<hbm>> -> memref<1x16xf32, #tpu.memory_space<hbm>>
      tpu.wait_dma2 semaphore(%run_scoped3A : memref<!tpu.dma_semaphore, #tpu.memory_space<semaphore_mem>>) src(%arg9 : memref<1x16xf32, #tpu.memory_space<vmem>>) dst(%dma_wait3A_27 : memref<1x16xf32, #tpu.memory_space<hbm>>)
      tpu.yield
    }) : () -> ()
    return
  }
}

module attributes {stable_mosaic.version = 14 : i64} {
  func.func @_mean_body(%arg0: memref<1x1xf32, #tpu.memory_space<smem>>, %arg1: memref<32x16xf32, #tpu.memory_space<vmem>>, %arg2: memref<1x1xf32, #tpu.memory_space<smem>>) attributes {dimension_semantics = [], scalar_prefetch = 0 : i64, scratch_operands = 0 : i64, tpu.core_type = #tpu.core_type<tc>} {
    %get3A = arith.constant 0 : index
    %get3A_0 = arith.constant 0 : index
    %get3A_1 = memref.load %arg0[%get3A, %get3A_0] : memref<1x1xf32, #tpu.memory_space<smem>>
    %get3A_2 = arith.constant 0 : index
    %get3A_3 = arith.constant 0 : index
    %get3A_4 = vector.load %arg1[%get3A_2, %get3A_3] : memref<32x16xf32, #tpu.memory_space<vmem>>, vector<32x16xf32>
    %reduce_sum3A = vector.shape_cast %get3A_4 : vector<32x16xf32> to vector<1x32x16xf32>
    %reduce_sum3A_5 = arith.constant dense<0.000000e+00> : vector<1xf32>
    %reduce_sum3A_6 = vector.multi_reduction <add>, %reduce_sum3A, %reduce_sum3A_5 [1, 2] : vector<1x32x16xf32> to vector<1xf32>
    %reduce_sum3A_7 = vector.shape_cast %reduce_sum3A_6 : vector<1xf32> to vector<1x1x1xf32>
    %reduce_sum3A_8 = vector.extract %reduce_sum3A_7[0, 0, 0] : f32 from vector<1x1x1xf32>
    %sub3A = arith.subf %get3A_1, %reduce_sum3A_8 : f32
    %mul3A = arith.constant 1.22070313E-4 : f32
    %mul3A_9 = arith.mulf %sub3A, %mul3A : f32
    %swap3A = arith.constant 0 : index
    %swap3A_10 = arith.constant 0 : index
    %swap3A_11 = memref.load %arg2[%swap3A, %swap3A_10] : memref<1x1xf32, #tpu.memory_space<smem>>
    memref.store %mul3A_9, %arg2[%swap3A, %swap3A_10] : memref<1x1xf32, #tpu.memory_space<smem>>
    return
  }
}

module attributes {stable_mosaic.version = 14 : i64} {
  func.func @_lse_body(%arg0: i32, %arg1: memref<32x8192xf32, #tpu.memory_space<vmem>>, %arg2: memref<32x8192xf32, #tpu.memory_space<vmem>>, %arg3: memref<1x2x32xf32, #tpu.memory_space<vmem>>, %arg4: memref<1x1xf32, #tpu.memory_space<smem>>) attributes {dimension_semantics = [#tpu.dimension_semantics<arbitrary>], iteration_bounds = array<i64: 128>, scalar_prefetch = 0 : i64, scratch_operands = 0 : i64, tpu.core_type = #tpu.core_type<tc>, window_params = [{transform_indices = @transform_0, window_bounds = array<i64: 32, 8192>}, {transform_indices = @transform_1, window_bounds = array<i64: 32, 8192>}, {transform_indices = @transform_2, window_bounds = array<i64: 1, 2, 32>}, {transform_indices = @transform_3, window_bounds = array<i64: 1, 1>}]} {
    %eq3A = arith.constant 0 : i32
    %eq3A_0 = arith.cmpi eq, %arg0, %eq3A : i32
    %convert_element_type3A = arith.extui %eq3A_0 : i1 to i32
    %cond3A = arith.constant 0 : i32
    %cond3A_1 = arith.cmpi ne, %convert_element_type3A, %cond3A : i32
    scf.if %cond3A_1 {
      %swap3A_52 = arith.constant 0.000000e+00 : f32
      %swap3A_53 = arith.constant 0 : index
      %swap3A_54 = arith.constant 0 : index
      %swap3A_55 = memref.load %arg4[%swap3A_53, %swap3A_54] : memref<1x1xf32, #tpu.memory_space<smem>>
      memref.store %swap3A_52, %arg4[%swap3A_53, %swap3A_54] : memref<1x1xf32, #tpu.memory_space<smem>>
    } else {
    }
    %get3A = arith.constant 0 : index
    %get3A_2 = arith.constant 0 : index
    %get3A_3 = vector.load %arg1[%get3A, %get3A_2] : memref<32x8192xf32, #tpu.memory_space<vmem>>, vector<32x8192xf32>
    %reduce_max3A = arith.constant dense<0xFF800000> : vector<32xf32>
    %reduce_max3A_4 = vector.multi_reduction <maximumf>, %get3A_3, %reduce_max3A [1] : vector<32x8192xf32> to vector<32xf32>
    %broadcast_in_dim3A = vector.shape_cast %reduce_max3A_4 : vector<32xf32> to vector<32x1xf32>
    %sub3A = vector.broadcast %broadcast_in_dim3A : vector<32x1xf32> to vector<32x8192xf32>
    %sub3A_5 = arith.subf %get3A_3, %sub3A : vector<32x8192xf32>
    %exp3A = math.exp %sub3A_5 : vector<32x8192xf32>
    %reduce_sum3A = arith.constant dense<0.000000e+00> : vector<32xf32>
    %reduce_sum3A_6 = vector.multi_reduction <add>, %exp3A, %reduce_sum3A [1] : vector<32x8192xf32> to vector<32xf32>
    %broadcast_in_dim3A_7 = vector.shape_cast %reduce_sum3A_6 : vector<32xf32> to vector<32x1xf32>
    %log3A = math.log %broadcast_in_dim3A_7 : vector<32x1xf32>
    %add3A = arith.addf %broadcast_in_dim3A, %log3A : vector<32x1xf32>
    %reshape3A = vector.shape_cast %add3A : vector<32x1xf32> to vector<1x1x32xf32>
    %squeeze3A = vector.shape_cast %reshape3A : vector<1x1x32xf32> to vector<32xf32>
    %get3A_8 = arith.constant 0 : index
    %get3A_9 = arith.constant 0 : index
    %get3A_10 = arith.constant 0 : index
    %get3A_11 = vector.load %arg3[%get3A_8, %get3A_9, %get3A_10] : memref<1x2x32xf32, #tpu.memory_space<vmem>>, vector<1x1x32xf32>
    %get3A_12 = vector.shape_cast %get3A_11 : vector<1x1x32xf32> to vector<32xf32>
    %mul3A = arith.mulf %squeeze3A, %get3A_12 : vector<32xf32>
    %reduce_sum3A_13 = vector.shape_cast %mul3A : vector<32xf32> to vector<1x32xf32>
    %reduce_sum3A_14 = arith.constant dense<0.000000e+00> : vector<1xf32>
    %reduce_sum3A_15 = vector.multi_reduction <add>, %reduce_sum3A_13, %reduce_sum3A_14 [1] : vector<1x32xf32> to vector<1xf32>
    %reduce_sum3A_16 = vector.shape_cast %reduce_sum3A_15 : vector<1xf32> to vector<1x1xf32>
    %reduce_sum3A_17 = vector.extract %reduce_sum3A_16[0, 0] : f32 from vector<1x1xf32>
    %get3A_18 = arith.constant 0 : index
    %get3A_19 = arith.constant 0 : index
    %get3A_20 = vector.load %arg2[%get3A_18, %get3A_19] : memref<32x8192xf32, #tpu.memory_space<vmem>>, vector<32x8192xf32>
    %reduce_max3A_21 = arith.constant dense<0xFF800000> : vector<32xf32>
    %reduce_max3A_22 = vector.multi_reduction <maximumf>, %get3A_20, %reduce_max3A_21 [1] : vector<32x8192xf32> to vector<32xf32>
    %broadcast_in_dim3A_23 = vector.shape_cast %reduce_max3A_22 : vector<32xf32> to vector<32x1xf32>
    %sub3A_24 = vector.broadcast %broadcast_in_dim3A_23 : vector<32x1xf32> to vector<32x8192xf32>
    %sub3A_25 = arith.subf %get3A_20, %sub3A_24 : vector<32x8192xf32>
    %exp3A_26 = math.exp %sub3A_25 : vector<32x8192xf32>
    %reduce_sum3A_27 = arith.constant dense<0.000000e+00> : vector<32xf32>
    %reduce_sum3A_28 = vector.multi_reduction <add>, %exp3A_26, %reduce_sum3A_27 [1] : vector<32x8192xf32> to vector<32xf32>
    %broadcast_in_dim3A_29 = vector.shape_cast %reduce_sum3A_28 : vector<32xf32> to vector<32x1xf32>
    %log3A_30 = math.log %broadcast_in_dim3A_29 : vector<32x1xf32>
    %add3A_31 = arith.addf %broadcast_in_dim3A_23, %log3A_30 : vector<32x1xf32>
    %reshape3A_32 = vector.shape_cast %add3A_31 : vector<32x1xf32> to vector<1x1x32xf32>
    %squeeze3A_33 = vector.shape_cast %reshape3A_32 : vector<1x1x32xf32> to vector<32xf32>
    %get3A_34 = arith.constant 0 : index
    %get3A_35 = arith.constant 1 : index
    %get3A_36 = arith.constant 0 : index
    %get3A_37 = vector.load %arg3[%get3A_34, %get3A_35, %get3A_36] : memref<1x2x32xf32, #tpu.memory_space<vmem>>, vector<1x1x32xf32>
    %get3A_38 = vector.shape_cast %get3A_37 : vector<1x1x32xf32> to vector<32xf32>
    %mul3A_39 = arith.mulf %squeeze3A_33, %get3A_38 : vector<32xf32>
    %reduce_sum3A_40 = vector.shape_cast %mul3A_39 : vector<32xf32> to vector<1x32xf32>
    %reduce_sum3A_41 = arith.constant dense<0.000000e+00> : vector<1xf32>
    %reduce_sum3A_42 = vector.multi_reduction <add>, %reduce_sum3A_40, %reduce_sum3A_41 [1] : vector<1x32xf32> to vector<1xf32>
    %reduce_sum3A_43 = vector.shape_cast %reduce_sum3A_42 : vector<1xf32> to vector<1x1xf32>
    %reduce_sum3A_44 = vector.extract %reduce_sum3A_43[0, 0] : f32 from vector<1x1xf32>
    %get3A_45 = arith.constant 0 : index
    %get3A_46 = arith.constant 0 : index
    %get3A_47 = memref.load %arg4[%get3A_45, %get3A_46] : memref<1x1xf32, #tpu.memory_space<smem>>
    %add3A_48 = arith.addf %reduce_sum3A_17, %reduce_sum3A_44 : f32
    %add3A_49 = arith.addf %get3A_47, %add3A_48 : f32
    %swap3A = arith.constant 0 : index
    %swap3A_50 = arith.constant 0 : index
    %swap3A_51 = memref.load %arg4[%swap3A, %swap3A_50] : memref<1x1xf32, #tpu.memory_space<smem>>
    memref.store %add3A_49, %arg4[%swap3A, %swap3A_50] : memref<1x1xf32, #tpu.memory_space<smem>>
    return
  }
  func.func @transform_0(%arg0: i32) -> (i32, i32) {
    %mul3A = arith.constant 2 : i32
    %mul3A_0 = arith.muli %mul3A, %arg0 : i32
    %c0_i32 = arith.constant 0 : i32
    %c0_i32_1 = arith.constant 0 : i32
    return %mul3A_0, %c0_i32 : i32, i32
  }
  func.func @transform_1(%arg0: i32) -> (i32, i32) {
    %mul3A = arith.constant 2 : i32
    %mul3A_0 = arith.muli %mul3A, %arg0 : i32
    %add3A = arith.constant 1 : i32
    %add3A_1 = arith.addi %mul3A_0, %add3A : i32
    %c0_i32 = arith.constant 0 : i32
    %c0_i32_2 = arith.constant 0 : i32
    return %add3A_1, %c0_i32 : i32, i32
  }
  func.func @transform_2(%arg0: i32) -> (i32, i32, i32) {
    %c0_i32 = arith.constant 0 : i32
    %c0_i32_0 = arith.constant 0 : i32
    %c0_i32_1 = arith.constant 0 : i32
    return %arg0, %c0_i32, %c0_i32_0 : i32, i32, i32
  }
  func.func @transform_3(%arg0: i32) -> (i32, i32) {
    %c0_i32 = arith.constant 0 : i32
    %c0_i32_0 = arith.constant 0 : i32
    %c0_i32_1 = arith.constant 0 : i32
    return %c0_i32, %c0_i32_0 : i32, i32
  }
}

</mosaic_0001>

<sc_bundles>
// kernel: _run.5.cloned.1.call-start
scs
__scs_entry_jumppad:
0x0: {  	(pc) =	sbr.rel $0x88, $3  }
0x1: {  	(tag) =	ssettag $0x0;
	lr =	simm.s32 $0x1  }
0x2: {  	[smem:$0x3F9E] =	sst lr;
	_ =	strace $0xD0000000  }
0x3: {  	_ = 	snop  }
0x4: {  	_ = 	snop  }
0x5: {  	_ = 	snop  }
0x6: {  	_ = 	snop  }
0x7: {  	_ = 	snop  }
__scs_overlays_trampoline_lowered:
0x8: {  	[smem:$0x3FAD] =	sst s0  }
0x9: {  	[smem:$0x3FAE] =	sst s1  }
0xa: {  	[smem:$0x3FAF] =	sst s2  }
0xb: {  	[smem:$0x3FB0] =	sst s3  }
0xc: {  	[smem:$0x3FB1] =	sst s4  }
0xd: {  	[smem:$0x3FB2] =	sst s5  }
0xe: {  	[smem:$0x3FB3] =	sst s6  }
0xf: {  	[smem:$0x3FB4] =	sst s7  }
0x10: {  	[smem:$0x3FB5] =	sst s8  }
0x11: {  	[smem:$0x3FB6] =	sst s9;
	s0 =	simm.s32 @!p0 $0x0  }
0x12: {  	s1 =	sld [smem:$0x3F9C];
	s0 =	simm.s32 @p0 $0x1  }
0x13: {  	[smem:$0x3FB7] =	sst s0;
	s0 =	simm.s32 @!p1 $0x0  }
0x14: {  	s2 =	sld [smem:$0x3F9B];
	s0 =	simm.s32 @p1 $0x1  }
0x15: {  	[smem:$0x3FB8] =	sst s0;
	s0 =	simm.s32 @!p2 $0x0  }
0x16: {  	s3 =	sld [smem:$0x3FDB];
	s0 =	simm.s32 @p2 $0x1  }
0x17: {  	s4 =	simm.s32 $0x1BF5;
	[smem:$0x3FBA] =	sst s0  }
0x18: {  	s0 =	sld [smem:$0x3F9D];
	_ =	swait.ge [sflag:s4], $0x0  }
0x19: {  	s7 =	sld [smem:$0x3F9E]  }
0x1a: {  	s8 =	sadd.s32 $0xFFFFE003, lr  }
0x1b: {  	s9 =	sadd.s32 $0xFFFFFEF7, lr;
	s5 =	simm.s32 $0xFFFFFFFF;
	p2 =	slt.u32 s8, $0xFFFFF086  }
0x1c: {  	p1 =	slt.u32 s9, $0xF7A;
	s5 =	simm.s32 @!p2 $0x0  }
0x1d: {  	s5 =	simm.s32 @p1 $0x1;
	p0 =	seq.s32 s7, s2  }
0x1e: {  	s7 =	smul.u32 @!p0 $0xF7A, s2;
	p2 =	seq.s32 @!p0 s5, $0x0  }
0x1f: {  	s9 =	smul.u32 $0xF7A, s1;
	s8 =	simm.s32 @!p0 $0x1BF5;
	p2 =	por !p2, p0  }
0x20: {  	[sflag:s8] =	ssyncset.s32 @!p0 $0xFFFFF086;
	s6 =	sadd.s32 @!p0 s3, s7;
	s7 =	simm.s32 @!p0 $0x108  }
0x21: {  	s3 =	sadd.s32 s3, s9;
	s6 =	sadd.s32 @!p0 $0x88, s6;
	s7 =	simm.s32 @p2 $0x1082  }
0x22: {  	[simem:s7], [sflag:s8] =	dma.local @!p0 [hbm:s6], $0xF7A  }
0x23: {  	s9 =	sor.u32 $0xD0000000, s2;
	s6 =	simm.s32 $0x108;
	_ =	swait.ge @!p0 [sflag:s8], $0x0  }
0x24: {  	s3 =	sadd.s32 $0x88, s3;
	s6 =	simm.s32 @!p1 $0x1082;
	[sflag:s4] =	ssyncset.s32 $0xFFFFF086  }
0x25: {  	[simem:s6], [sflag:s4] =	dma.local [hbm:s3], $0xF7A  }
0x26: {  	[smem:$0x3F9E] =	sst s1;
	(tag) =	ssettag s2;
	_ =	strace s9  }
0x27: {  	s1 =	sld [smem:$0x3FAE]  }
0x28: {  	s2 =	sld [smem:$0x3FAF]  }
0x29: {  	s4 =	sld [smem:$0x3FB1]  }
0x2a: {  	p0 =	seq.s32 s5, $0x0;
	s5 =	sld [smem:$0x3FB2]  }
0x2b: {  	s6 =	sld [smem:$0x3FB3]  }
0x2c: {  	s7 =	sld [smem:$0x3FB4]  }
0x2d: {  	s3 =	simm.s32 $0x108;
	s8 =	sld [smem:$0x3FB5]  }
0x2e: {  	s3 =	simm.s32 @!p0 $0x1082;
	s9 =	sld [smem:$0x3FB6]  }
0x2f: {  	lr =	sadd.s32 s0, s3;
	s0 =	sld [smem:$0x3FAD]  }
0x30: {  	s3 =	sld [smem:$0x3FB0]  }
0x31: {  	[smem:$0x3FB9] =	sst s10  }
0x32: {  	s10 =	sld [smem:$0x3FB7];
	_ =	sdelay $0x3  }
0x33: {  	p0 =	seq.s32 s10, $0x1;
	s10 =	sld [smem:$0x3FB9];
	_ =	sdelay $0x3  }
0x34: {  	[smem:$0x3FB9] =	sst s10  }
0x35: {  	s10 =	sld [smem:$0x3FB8];
	_ =	sdelay $0x3  }
0x36: {  	p1 =	seq.s32 s10, $0x1;
	s10 =	sld [smem:$0x3FB9];
	_ =	sdelay $0x3  }
0x37: {  	[smem:$0x3FB9] =	sst s10  }
0x38: {  	s10 =	sld [smem:$0x3FBA]  }
0x39: {  	_ = 	snop;
	(pc) =	sbr.ind lr, $3  }
0x3a: {  	_ = 	snop  }
0x3b: {  	_ = 	snop  }
0x3c: {  	p2 =	seq.s32 s10, $0x1;
	s10 =	sld [smem:$0x3FB9]  }
0x3d: {  	_ =	shalt  }
0x3e: {  	_ =	shalt  }
0x3f: {  	_ =	shalt  }
0x40: {  	_ =	shalt  }
0x41: {  	_ =	shalt  }
0x42: {  	_ =	shalt  }
0x43: {  	_ =	shalt  }
0x44: {  	_ =	shalt  }
0x45: {  	_ =	shalt  }
0x46: {  	_ =	shalt  }
0x47: {  	_ =	shalt  }
0x48: {  	_ =	shalt  }
0x49: {  	_ =	shalt  }
0x4a: {  	_ =	shalt  }
0x4b: {  	_ =	shalt  }
0x4c: {  	_ =	shalt  }
0x4d: {  	_ =	shalt  }
0x4e: {  	_ =	shalt  }
0x4f: {  	_ =	shalt  }
0x50: {  	_ =	shalt  }
0x51: {  	_ =	shalt  }
0x52: {  	_ =	shalt  }
0x53: {  	_ =	shalt  }
0x54: {  	_ =	shalt  }
0x55: {  	_ =	shalt  }
0x56: {  	_ =	shalt  }
0x57: {  	_ =	shalt  }
0x58: {  	_ =	shalt  }
0x59: {  	_ =	shalt  }
0x5a: {  	_ =	shalt  }
0x5b: {  	_ =	shalt  }
0x5c: {  	_ =	shalt  }
0x5d: {  	_ =	shalt  }
0x5e: {  	_ =	shalt  }
0x5f: {  	_ =	shalt  }
0x60: {  	_ =	shalt  }
0x61: {  	_ =	shalt  }
0x62: {  	_ =	shalt  }
0x63: {  	_ =	shalt  }
0x64: {  	_ =	shalt  }
0x65: {  	_ =	shalt  }
0x66: {  	_ =	shalt  }
0x67: {  	_ =	shalt  }
0x68: {  	_ =	shalt  }
0x69: {  	_ =	shalt  }
0x6a: {  	_ =	shalt  }
0x6b: {  	_ =	shalt  }
0x6c: {  	_ =	shalt  }
0x6d: {  	_ =	shalt  }
0x6e: {  	_ =	shalt  }
0x6f: {  	_ =	shalt  }
0x70: {  	_ =	shalt  }
0x71: {  	_ =	shalt  }
0x72: {  	_ =	shalt  }
0x73: {  	_ =	shalt  }
0x74: {  	_ =	shalt  }
0x75: {  	_ =	shalt  }
0x76: {  	_ =	shalt  }
0x77: {  	_ =	shalt  }
0x78: {  	_ =	shalt  }
0x79: {  	_ =	shalt  }
0x7a: {  	_ =	shalt  }
0x7b: {  	_ =	shalt  }
0x7c: {  	_ =	shalt  }
0x7d: {  	_ =	shalt  }
0x7e: {  	_ =	shalt  }
0x7f: {  	_ =	shalt  }
0x80: {  	_ =	shalt  }
0x81: {  	_ =	shalt  }
0x82: {  	_ =	shalt  }
0x83: {  	_ =	shalt  }
0x84: {  	_ =	shalt  }
0x85: {  	_ =	shalt  }
0x86: {  	_ =	shalt  }
0x87: {  	_ =	shalt  }
.Lfunc_end0:
.L_simem_size_0:
called_computation.1_lowered:
.L_overlay_start_0:
0x88: {  	s2 =	sld [smem:$0x3FD9]  }
0x89: {  	s3 =	sld [smem:$0x3FFE];
	_ =	sdelay $0x1  }
0x8a: {  	s1 =	srdreg.scid  }
0x8b: {  	s0 =	sand.u32 $0x1, s1  }
0x8c: {  	s15 =	sshll.u32 s0, $0xA;
	s2 =	sadd.s32 s3, s2  }
0x8d: {  	s2 =	sadd.s32 s2, s15  }
0x8e: {  	[smem:$0x3FC5] =	sst s2  }
0x8f: {  	_ = 	snop  }
0x90: {  	s4 =	sld [smem:$0x3FD0]  }
0x91: {  	s2 =	sld [smem:$0x3FC9]  }
0x92: {  	s16 =	sld [smem:$0x3FC8]  }
0x93: {  	s6 =	simm.s32 $0xB;
	s7 =	simm.s32 $0x10;
	s5 =	sld [smem:$0x3FC7]  }
0x94: {  	[smem:s7], [sflag:s6] =	dma.local [hbm:s4], $0x1  }
0x95: {  	_ =	swait.eq [sflag:s6], $0x1  }
0x96: {  	[sflag:s6] =	ssyncset.done $0x0  }
0x97: {  	[sflag:s6] =	ssyncadd.s32 $0xFFFFFFFF  }
0x98: {  	s17 =	sld [smem:$0x10];
	(tm) =	ssettm $0x1  }
0x99: {  	s18 =	sld [smem:$0x3FFB];
	_ =	sdelay $0x3  }
0x9a: {  	_ =	strace s18  }
0x9b: {  	s4 =	sld [smem:$0x3FFC];
	_ =	sdelay $0x3  }
0x9c: {  	_ =	strace s4  }
0x9d: {  	s4 =	sld [smem:$0x3FFD];
	_ =	sdelay $0x3  }
0x9e: {  	_ =	strace s4  }
0x9f: {  	_ =	strace $0x8FFFFFFF  }
0xa0: {  	s19 =	sld [smem:$0x3FDB];
	_ =	sdelay $0x1  }
0xa1: {  	s20 =	simm.s32 $_scs_section_size  }
0xa2: {  	s8 =	simm.s32 $_size__tile_overlayer_lowered;
	s9 =	simm.s32 $_tile_overlayer_lowered  }
0xa3: {  	s10 =	simm.s32 $0x1BFF;
	s21 =	sshll.u32 s9, $0x1;
	s7 =	sadd.s32 s20, s19  }
0xa4: {  	s22 =	simm.s32 $0x0;
	s8 =	sshll.u32 s8, $0x1;
	s9 =	sadd.s32 s21, s7  }
0xa5: {  	[timem:s22], [sflag:s10] =	dma.local [hbm:s9], s8  }
0xa6: {  	_ =	swait.ge [sflag:s10], s8  }
0xa7: {  	s8 =	ssub.s32 $0x0, s8;
	[sflag:s10] =	ssyncset.done $0x0  }
0xa8: {  	[sflag:s10] =	ssyncadd.s32 s8;
	_ =	sdelay $0x1  }
0xa9: {  	s23 =	simm.s32 $0x1B8B  }
0xaa: {  	_ =	swait.ge [sflag:s23], $0x1  }
0xab: {  	[sflag:s23] =	ssyncset.done $0x0  }
0xac: {  	[sflag:s23] =	ssyncadd.s32 $0xFFFFFFFF  }
0xad: {  	s8 =	sld [smem:$0x0]  }
0xae: {  	s9 =	sand.u32 $0xFFFFFFFE, s1  }
0xaf: {  	p0 =	sne.s32 s1, s9  }
0xb0: {  	s9 =	sshll.u32 @p0 s9, $0xE  }
0xb1: {  	s9 =	sadd.s32 @p0 $0x11B8D, s9;
	s10 =	sshll.u32 @p0 s8, $0x11  }
0xb2: {  	s9 =	sor.u32 @p0 s10, s9  }
0xb3: {  	[sflag:s9] =	ssyncadd.remote.s32 @p0 $0x1;
	_ =	sdelay $0x1  }
0xb4: {  	s9 =	simm.s32 @p0 $0x1B8D  }
0xb5: {  	_ =	swait.eq @p0 [sflag:s9], $0x1  }
0xb6: {  	[sflag:s9] =	ssyncadd.s32 @p0 $0xFFFFFFFF  }
0xb7: {  	s10 =	sshll.u32 @!p0 s1, $0xE  }
0xb8: {  	s10 =	sor.u32 @!p0 $0x4000, s10;
	s9 =	simm.s32 @!p0 $0x1B8D  }
0xb9: {  	s8 =	sshll.u32 @!p0 s8, $0x11;
	s10 =	sadd.s32 @!p0 $0x11B8D, s10;
	_ =	swait.eq @!p0 [sflag:s9], $0x1  }
0xba: {  	s8 =	sor.u32 @!p0 s8, s10;
	[sflag:s9] =	ssyncadd.s32 @!p0 $0xFFFFFFFF  }
0xbb: {  	s25 =	simm.s32 $0x1B8E;
	s24 =	sld [smem:$0x3FFE];
	[sflag:s8] =	ssyncadd.remote.s32 @!p0 $0x1  }
0xbc: {  	s26 =	simm.s32 $execute0_lowered;
	[smem:$0x3FD2] =	sst s25  }
0xbd: {  	s9 =	sshll.u32 s26, $0x1;
	_ =	strace $0x80000049;
	[dreg:$0x1] =	wrdreg $0xFFFFFFFF  }
0xbe: {  	s28 =	simm.s32 $_size_execute0_lowered;
	s7 =	sadd.s32 s7, s9;
	[dreg:$0x0] =	wrdreg $0x0  }
0xbf: {  	s9 =	sshll.u32 s28, $0x1;
	[dreg:$0x2] =	wrdreg s7  }
0xc0: {  	[dreg:$0x3] =	wrdreg s9  }
0xc1: {  	[dreg:$0x4] =	wrdreg $0xC0  }
0xc2: {  	_ =	task [dreg:s22], $0x5FFFF  }
0xc3: {  	[dreg:$0x1] =	wrdreg $0xFFFFFFFF  }
0xc4: {  	[dreg:$0x0] =	wrdreg $0x60  }
0xc5: {  	[dreg:$0x2] =	wrdreg s5  }
0xc6: {  	[dreg:$0x3] =	wrdreg s2  }
0xc7: {  	[dreg:$0x4] =	wrdreg s16  }
0xc8: {  	[dreg:$0x5] =	wrdreg s17  }
0xc9: {  	[dreg:$0x6] =	wrdreg s24  }
0xca: {  	[dreg:$0x7] =	wrdreg $0xA  }
0xcb: {  	_ =	task.clear_ibuf [dreg:s22], $0x8FFFF;
	_ =	strace $0x90000049  }
0xcc: {  	s29 =	simm.s32 $0xA;
	_ =	strace $0x8000004B  }
0xcd: {  	_ =	swait.ge [sflag:s29], $0x1  }
0xce: {  	[sflag:s29] =	ssyncadd.s32 $0xFFFFFFFF  }
0xcf: {  	_ =	strace $0x9000004B  }
0xd0: {  	_ =	sfence  }
0xd1: {  	s30 =	sld [smem:$0x0];
	_ =	sdelay $0x2  }
0xd2: {  	s31 =	sshll.u32 s1, $0xD;
	s1 =	sshrl.u32 s1, $0x2  }
0xd3: {  	s3 =	sand.u32 $0x4000, s31;
	s1 =	sadd.s32 s1, s30  }
0xd4: {  	s0 =	sor.u32 s3, s0;
	s1 =	sshll.u32 s1, $0x11  }
0xd5: {  	s0 =	sor.u32 s1, s0  }
0xd6: {  	s0 =	sadd.s32 $0x8F2B, s0  }
0xd7: {  	[sflag:s0] =	ssyncadd.remote.s32 $0x1  }
0xd8: {  	_ =	sfence.sel $0xFFFF  }
0xd9: {  	[dreg:$0x0] =	wrdreg $0xFFFFFFFF;
	(pc) =	sbr.abs _section_cstart, $3  }
0xda: {  	[dreg:$0x1] =	wrdreg $0xFFFFFFFF  }
0xdb: {  	_ =	task.clear_ibuf [dreg:s22], $0x2FFFF;
	_ =	strace $0x9FFFFFFF  }
0xdc: {  	(tm) =	ssettm $0x7FFFFFFF  }
0xdd: {  	_ =	shalt  }
tec
execute0_lowered:
.L_overlay_start_1:
0x0: {  	(tag) =	ssettag $0x1  }
0x1: {  	s9 =	rddreg [dreg:$0x0]  }
0x2: {  	s0 =	rddreg [dreg:$0x1]  }
0x3: {  	s1 =	rddreg [dreg:$0x2]  }
0x4: {  	s2 =	rddreg [dreg:$0x3]  }
0x5: {  	s4 =	rddreg [dreg:$0x4]  }
0x6: {  	s5 =	srdreg.scid;
	s10 =	stileid.u32  }
0x7: {  	s3 =	simm.s32 $0x0;
	s28 =	simm.s32 $0x3A80;
	s6 =	sshll.u32 s10, $0x1  }
0x8: {  	[smem:$0x7FF] =	sst s3;
	s21 =	sshll.u32 s10, $0x13;
	s10 =	sadd.s32 $0xF00, s9  }
0x9: {  	s15 =	sadd.s32 $0x700, s9;
	_ =	strace $0x8000004A;
	[dreg:$0x9] =	wrdreg s10  }
0xa: {  	s29 =	simm.s32 $0x4280;
	s16 =	sadd.s32 $0x800, s9;
	[dreg:$0xd] =	wrdreg s15  }
0xb: {  	s30 =	simm.s32 $0x4A80;
	s18 =	sadd.s32 $0xA00, s9;
	[dreg:$0xe] =	wrdreg s16  }
0xc: {  	s31 =	simm.s32 $0x5280;
	s23 =	sadd.s32 $0xE00, s9;
	[dreg:$0xf] =	wrdreg s18  }
0xd: {  	s5 =	sand.u32 $0x1, s5;
	s17 =	sadd.s32 $0x900, s9;
	[dreg:$0x11] =	wrdreg s23  }
0xe: {  	s11 =	sadd.s32 $0x300, s9;
	s22 =	sadd.s32 $0xD00, s9;
	[dreg:$0x12] =	wrdreg s17  }
0xf: {  	s12 =	sadd.s32 $0x400, s9;
	s13 =	sadd.s32 $0x500, s9;
	[dreg:$0x14] =	wrdreg s22  }
0x10: {  	s14 =	sadd.s32 $0x600, s9;
	s6 =	sor.u32 s5, s6;
	[dreg:$0x17] =	wrdreg s11  }
0x11: {  	s8 =	ssub.s32 $0x2, s5;
	s24 =	sshll.u32 s5, $0x12;
	[dreg:$0x18] =	wrdreg s12  }
0x12: {  	[dreg:$0x19] =	wrdreg s13;
	s7 =	sshll.u32 s6, $0x4;
	s6 =	sshll.u32 s6, $0x5  }
0x13: {  	s5 =	simm.s32 $0x1280;
	[dreg:$0x1a] =	wrdreg s14;
	s0 =	sadd.s32 s0, s6  }
0x14: {  	s19 =	sshrl.u32 s8, $0x1;
	s20 =	sadd.s32 s1, s6;
	[dreg:$0x7] =	wrdreg s0  }
0x15: {  	s4 =	sadd.s32 s7, s4;
	s1 =	simm.s32 $0x0;
	[dreg:$0x8] =	wrdreg s20  }
0x16: {  	s7 =	ssub.s32 s8, s19;
	s19 =	sadd.s32 $0xB00, s9;
	[dreg:$0xc] =	wrdreg s1  }
0x17: {  	s6 =	sadd.s32 $0x100, s9;
	s8 =	sadd.s32 $0x200, s9;
	[dreg:$0x13] =	wrdreg s19  }
0x18: {  	s20 =	sadd.s32 $0xC00, s9;
	s0 =	sadd.s32 s21, s2;
	[dreg:$0x15] =	wrdreg s6  }
0x19: {  	s21 =	sadd.s32 $0x1000, s9;
	s25 =	sadd.s32 $0xE00, s4;
	[dreg:$0x16] =	wrdreg s8  }
0x1a: {  	s26 =	smax.u32 s7, $0x1;
	s2 =	simm.s32 $0x280;
	[dreg:$0xa] =	wrdreg s25  }
0x1b: {  	v0 =	vlaneseq.u32;
	s4 =	simm.s32 $0xA80;
	s7 =	simm.s32 $0x1A80;
	[dreg:$0xb] =	wrdreg s26  }
0x1c: {  	vm0 =	vmmov $0xffff;
	v2 =	vshrl.u32 v0, $0x3;
	s0 =	sadd.s32 s24, s0;
	s24 =	simm.s32 $0x2280;
	[dreg:$0x10] =	wrdreg s20  }
0x1d: {  	v3 =	vimm.s32 $0x0;
	v1 =	vand.u32 $0x7, v0;
	v2 =	vmul.u32 $0x8, v2;
	s25 =	simm.s32 $0x2A80;
	s26 =	simm.s32 $0x3280;
	[dreg:$0x6] =	wrdreg s0  }
.LBB2_1:
0x1e: {  	s0 =	rddreg [dreg:$0x7];
	s1 =	simm.s32 $0x3  }
0x1f: {  	[tilespmem:s3], [sflag:$0x3] =	stream.linear.gather [hbm4b:s0+s3], $0x100, $0x38;
	[tilespmem:$0x10280] =	vst v63  }
0x20: {  	_ =	swait.ge [sflag:s1], $0x100  }
0x21: {  	[sflag:s1] =	ssyncset.done $0x0  }
0x22: {  	s23 =	simm.s32 $0x100;
	s0 =	rddreg [dreg:$0x8];
	[sflag:s1] =	ssyncadd.s32 $0xFFFFFF00  }
0x23: {  	[tilespmem:s23], [sflag:$0x3] =	stream.linear.gather [hbm4b:s0+s3], $0x100, $0x38;
	[tilespmem:$0x10280] =	vst v63  }
0x24: {  	_ =	swait.ge [sflag:s1], $0x100  }
0x25: {  	[sflag:s1] =	ssyncset.done $0x0  }
0x26: {  	[sflag:s1] =	ssyncadd.s32 $0xFFFFFF00  }
0x27: {  	v4 =	vld.msk [tilespmem:$0x0], $0xff;
	_ =	sdelay $0x4  }
0x28: {  	v5 =	vshll.u32 v4, $0x6  }
0x29: {  	v4 =	vand.u32 $0x7, v4;
	v5 =	vand.u32 $0xFFFFFE00, v5  }
0x2a: {  	v4 =	vor.u32 v4, v5  }
0x2b: {  	v4 =	vperm.xlane v4, v1;
	_ =	sdelay $0x1  }
0x2c: {  	v4 =	vadd.s32 v2, v4  }
0x2d: {  	s22 =	smov.u32 s20;
	s20 =	smov.u32 s19;
	s19 =	smov.u32 s18  }
0x2e: {  	s18 =	smov.u32 s17;
	s17 =	smov.u32 s16;
	s16 =	smov.u32 s14  }
0x2f: {  	s14 =	smov.u32 s13;
	s13 =	smov.u32 s12;
	s12 =	smov.u32 s11  }
0x30: {  	s11 =	smov.u32 s8;
	s8 =	smov.u32 s6;
	s6 =	smov.u32 s9  }
0x31: {  	[tilespmem:s2], [sflag:$0x1] =	stream.indirect_vreg.gather [hbm4b:s6+s3], $0x80, v4, vm0, $0xb8;
	[tilespmem:$0x10280] =	vst v63  }
0x32: {  	_ = 	snop  }
0x33: {  	[tilespmem:s4], [sflag:$0x1] =	stream.indirect_vreg.gather [hbm4b:s8+s3], $0x80, v4, vm0, $0xb8;
	[tilespmem:$0x10280] =	vst v63  }
0x34: {  	_ = 	snop  }
0x35: {  	[tilespmem:s5], [sflag:$0x1] =	stream.indirect_vreg.gather [hbm4b:s11+s3], $0x80, v4, vm0, $0xb8;
	[tilespmem:$0x10280] =	vst v63  }
0x36: {  	_ = 	snop  }
0x37: {  	[tilespmem:s7], [sflag:$0x1] =	stream.indirect_vreg.gather [hbm4b:s12+s3], $0x80, v4, vm0, $0xb8;
	[tilespmem:$0x10280] =	vst v63  }
0x38: {  	_ = 	snop  }
0x39: {  	[tilespmem:s24], [sflag:$0x1] =	stream.indirect_vreg.gather [hbm4b:s13+s3], $0x80, v4, vm0, $0xb8;
	[tilespmem:$0x10280] =	vst v63  }
0x3a: {  	_ = 	snop  }
0x3b: {  	[tilespmem:s25], [sflag:$0x1] =	stream.indirect_vreg.gather [hbm4b:s14+s3], $0x80, v4, vm0, $0xb8;
	[tilespmem:$0x10280] =	vst v63  }
0x3c: {  	_ = 	snop  }
0x3d: {  	[tilespmem:s26], [sflag:$0x1] =	stream.indirect_vreg.gather [hbm4b:s16+s3], $0x80, v4, vm0, $0xb8;
	[tilespmem:$0x10280] =	vst v63  }
0x3e: {  	_ = 	snop  }
0x3f: {  	[tilespmem:s28], [sflag:$0x1] =	stream.indirect_vreg.gather [hbm4b:s15+s3], $0x80, v4, vm0, $0xb8;
	[tilespmem:$0x10280] =	vst v63  }
0x40: {  	_ = 	snop  }
0x41: {  	[tilespmem:s29], [sflag:$0x1] =	stream.indirect_vreg.gather [hbm4b:s17+s3], $0x80, v4, vm0, $0xb8;
	[tilespmem:$0x10280] =	vst v63  }
0x42: {  	_ = 	snop  }
0x43: {  	[tilespmem:s30], [sflag:$0x1] =	stream.indirect_vreg.gather [hbm4b:s18+s3], $0x80, v4, vm0, $0xb8;
	[tilespmem:$0x10280] =	vst v63  }
0x44: {  	_ = 	snop  }
0x45: {  	[tilespmem:s31], [sflag:$0x1] =	stream.indirect_vreg.gather [hbm4b:s19+s3], $0x80, v4, vm0, $0xb8;
	[tilespmem:$0x10280] =	vst v63  }
0x46: {  	s24 =	simm.s32 $0x5A80  }
0x47: {  	[tilespmem:s24], [sflag:$0x1] =	stream.indirect_vreg.gather [hbm4b:s20+s3], $0x80, v4, vm0, $0xb8;
	[tilespmem:$0x10280] =	vst v63  }
0x48: {  	s25 =	simm.s32 $0x6280  }
0x49: {  	[tilespmem:s25], [sflag:$0x1] =	stream.indirect_vreg.gather [hbm4b:s22+s3], $0x80, v4, vm0, $0xb8;
	[tilespmem:$0x10280] =	vst v63  }
0x4a: {  	s9 =	simm.s32 $0x100;
	s26 =	simm.s32 $0x6A80;
	s28 =	rddreg [dreg:$0x14]  }
0x4b: {  	[tilespmem:s26], [sflag:$0x1] =	stream.indirect_vreg.gather [hbm4b:s28+s3], $0x80, v4, vm0, $0xb8;
	[tilespmem:$0x10280] =	vst v63  }
0x4c: {  	s0 =	simm.s32 $0x8280;
	s29 =	simm.s32 $0x7280;
	s30 =	rddreg [dreg:$0x11]  }
0x4d: {  	[tilespmem:s29], [sflag:$0x1] =	stream.indirect_vreg.gather [hbm4b:s30+s3], $0x80, v4, vm0, $0xb8;
	[tilespmem:$0x10280] =	vst v63  }
0x4e: {  	s2 =	simm.s32 $0x0;
	s15 =	simm.s32 $0x8;
	s31 =	simm.s32 $0x7A80  }
0x4f: {  	[tilespmem:s31], [sflag:$0x1] =	stream.indirect_vreg.gather [hbm4b:s10+s3], $0x80, v4, vm0, $0xb8;
	v4 =	vimm.f32 $0.0e+00;
	[tilespmem:$0x10280] =	vst v63  }
.LBB2_2:
0x50: {  	[dreg:$0x1b] =	wrdreg s2  }
0x51: {  	[dreg:$0x1c] =	wrdreg s9;
	s4 =	simm.s32 $0x1  }
0x52: {  	v7 =	vld [tilespmem:s9+$0x0];
	_ =	swait.ge [sflag:s4], $0x8000  }
0x53: {  	[sflag:s4] =	ssyncset.done $0x0  }
0x54: {  	[sflag:s4] =	ssyncadd.s32 $0xFFFF8000  }
0x55: {  	v5 =	vld.msk [tilespmem:s15+$0xFFFFFFF8], $0xff;
	_ =	sdelay $0x4  }
0x56: {  	v6 =	vshll.u32 v5, $0x6  }
0x57: {  	v5 =	vand.u32 $0x7, v5;
	v6 =	vand.u32 $0xFFFFFE00, v6  }
0x58: {  	v5 =	vor.u32 v5, v6  }
0x59: {  	v5 =	vperm.xlane v5, v1;
	_ =	sdelay $0x1  }
0x5a: {  	v5 =	vadd.s32 v2, v5;
	_ =	sdelay $0x4  }
0x5b: {  	[tilespmem:s0], [sflag:$0x2] =	stream.indirect_vreg.gather [hbm4b:s21+s3], $0x80, v5, vm0, $0xb8;
	[tilespmem:$0x10280] =	vst v63  }
0x5c: {  	s7 =	sadd.s32 $0x100, s21;
	s1 =	simm.s32 $0x8A80  }
0x5d: {  	[tilespmem:s1], [sflag:$0x2] =	stream.indirect_vreg.gather [hbm4b:s7+s3], $0x80, v5, vm0, $0xb8;
	[tilespmem:$0x10280] =	vst v63  }
0x5e: {  	s8 =	sadd.s32 $0x200, s21;
	s9 =	simm.s32 $0x9280  }
0x5f: {  	[tilespmem:s9], [sflag:$0x2] =	stream.indirect_vreg.gather [hbm4b:s8+s3], $0x80, v5, vm0, $0xb8;
	[tilespmem:$0x10280] =	vst v63  }
0x60: {  	s10 =	sadd.s32 $0x300, s21;
	s11 =	simm.s32 $0x9A80  }
0x61: {  	[tilespmem:s11], [sflag:$0x2] =	stream.indirect_vreg.gather [hbm4b:s10+s3], $0x80, v5, vm0, $0xb8;
	[tilespmem:$0x10280] =	vst v63  }
0x62: {  	s12 =	sadd.s32 $0x400, s21;
	s13 =	simm.s32 $0xA280  }
0x63: {  	[tilespmem:s13], [sflag:$0x2] =	stream.indirect_vreg.gather [hbm4b:s12+s3], $0x80, v5, vm0, $0xb8;
	[tilespmem:$0x10280] =	vst v63  }
0x64: {  	s14 =	sadd.s32 $0x500, s21;
	s16 =	simm.s32 $0xAA80  }
0x65: {  	[tilespmem:s16], [sflag:$0x2] =	stream.indirect_vreg.gather [hbm4b:s14+s3], $0x80, v5, vm0, $0xb8;
	[tilespmem:$0x10280] =	vst v63  }
0x66: {  	s17 =	sadd.s32 $0x600, s21;
	s18 =	simm.s32 $0xB280  }
0x67: {  	[tilespmem:s18], [sflag:$0x2] =	stream.indirect_vreg.gather [hbm4b:s17+s3], $0x80, v5, vm0, $0xb8;
	[tilespmem:$0x10280] =	vst v63  }
0x68: {  	s26 =	sadd.s32 $0x700, s21;
	s19 =	simm.s32 $0xBA80  }
0x69: {  	[tilespmem:s19], [sflag:$0x2] =	stream.indirect_vreg.gather [hbm4b:s26+s3], $0x80, v5, vm0, $0xb8;
	[tilespmem:$0x10280] =	vst v63  }
0x6a: {  	s20 =	simm.s32 $0xC280;
	[smem:$0x7B6] =	sst s10;
	s10 =	sadd.s32 $0x800, s21  }
0x6b: {  	[tilespmem:s20], [sflag:$0x2] =	stream.indirect_vreg.gather [hbm4b:s10+s3], $0x80, v5, vm0, $0xb8;
	[tilespmem:$0x10280] =	vst v63  }
0x6c: {  	s22 =	simm.s32 $0xCA80;
	[smem:$0x7B5] =	sst s8;
	s8 =	sadd.s32 $0x900, s21  }
0x6d: {  	[tilespmem:s22], [sflag:$0x2] =	stream.indirect_vreg.gather [hbm4b:s8+s3], $0x80, v5, vm0, $0xb8;
	[tilespmem:$0x10280] =	vst v63  }
0x6e: {  	s23 =	simm.s32 $0xD280;
	[smem:$0x7B4] =	sst s7;
	s7 =	sadd.s32 $0xA00, s21  }
0x6f: {  	[tilespmem:s23], [sflag:$0x2] =	stream.indirect_vreg.gather [hbm4b:s7+s3], $0x80, v5, vm0, $0xb8;
	[tilespmem:$0x10280] =	vst v63  }
0x70: {  	s6 =	sadd.s32 $0xB00, s21;
	s24 =	simm.s32 $0xDA80;
	s25 =	simm.s32 $0xE280  }
0x71: {  	[tilespmem:s24], [sflag:$0x2] =	stream.indirect_vreg.gather [hbm4b:s6+s3], $0x80, v5, vm0, $0xb8;
	[tilespmem:$0x10280] =	vst v63  }
0x72: {  	s28 =	simm.s32 $0xEA80;
	[smem:$0x7B7] =	sst s12;
	s13 =	sadd.s32 $0xC00, s21  }
0x73: {  	[tilespmem:s25], [sflag:$0x2] =	stream.indirect_vreg.gather [hbm4b:s13+s3], $0x80, v5, vm0, $0xb8;
	[tilespmem:$0x10280] =	vst v63  }
0x74: {  	s29 =	simm.s32 $0xF280;
	[smem:$0x7B8] =	sst s14;
	s14 =	sadd.s32 $0xD00, s21  }
0x75: {  	[tilespmem:s28], [sflag:$0x2] =	stream.indirect_vreg.gather [hbm4b:s14+s3], $0x80, v5, vm0, $0xb8;
	[tilespmem:$0x10280] =	vst v63  }
0x76: {  	s31 =	simm.s32 $0xFA80;
	s30 =	rddreg [dreg:$0x6];
	s16 =	sadd.s32 $0xE00, s21  }
0x77: {  	[tilespmem:s29], [sflag:$0x2] =	stream.indirect_vreg.gather [hbm4b:s16+s3], $0x80, v5, vm0, $0xb8;
	[tilespmem:$0x10280] =	vst v63  }
0x78: {  	[smem:$0x7B9] =	sst s17;
	s5 =	sadd.s32 s2, s30;
	s17 =	sadd.s32 $0xF00, s21  }
0x79: {  	[tilespmem:s31], [sflag:$0x2] =	stream.indirect_vreg.gather [hbm4b:s17+s3], $0x80, v5, vm0, $0xb8;
	[tilespmem:$0x10280] =	vst v63  }
0x7a: {  	[dreg:$0x1e] =	wrdreg s5;
	s9 =	simm.s32 $0x280;
	s11 =	simm.s32 $0x3  }
0x7b: {  	[hbm4b:s5+s3] =	stream.linear.scatter [tilespmem:s9], [sflag:$0x3], $0x8000, $0x38;
	[tilespmem:$0x10280] =	vst v63  }
0x7c: {  	_ =	swait.ge [sflag:s11], $0x8000  }
0x7d: {  	[sflag:s11] =	ssyncset.done $0x0  }
0x7e: {  	s12 =	simm.s32 $0x2;
	[sflag:s11] =	ssyncadd.s32 $0xFFFF8000  }
0x7f: {  	_ =	swait.ge [sflag:s12], $0x8000  }
0x80: {  	(v2sf) =	vpush v7, $0x0;
	_ =	sdelay $0xe  }
0x81: {  	s1 =	spop (v2sf);
	(v2sf) =	vpush v7, $0x1  }
0x82: {  	s18 =	sshra.s32 s1, $0x1F;
	p1 =	slt.s32 s1, $0x1  }
0x83: {  	s20 =	sand.u32 $0xFFF, s1;
	p0 =	sgt.s32 s1, $0x0;
	s9 =	sshrl.u32 s18, $0x14  }
0x84: {  	s22 =	sadd.s32 $0xFFFFF000, s1;
	s19 =	sadd.s32 s9, s1;
	s1 =	simm.s32 @!p0 $0x0  }
0x85: {  	s1 =	smin.u32 s1, $0xFFF  }
0x86: {  	s0 =	simm.s32 @!p1 $0x0;
	[smem:$0x7BA] =	sst s20;
	s23 =	sand.u32 $0xF, s1  }
0x87: {  	s0 =	simm.s32 @p1 $0x1;
	[smem:$0x7BC] =	sst s19;
	p6 =	sne.s32 s23, $0x0  }
0x88: {  	s19 =	smov.u32 s22;
	p0 =	por !p1, !p6;
	p1 =	sgt.s32 s22, $0x0  }
0x89: {  	s18 =	simm.s32 $0xFFFFFFFF;
	p2 =	slt.s32 s22, $0x1;
	s19 =	simm.s32 @!p1 $0x0  }
0x8a: {  	(v2sf) =	vpush v7, $0x2;
	s20 =	simm.s32 $0xFFFFFFFF;
	p0 =	por !p0, !p0;
	s19 =	smin.u32 s19, $0xFFF  }
0x8b: {  	[smem:$0x7BB] =	sst s0;
	s18 =	simm.s32 @!p0 $0x0;
	s24 =	sand.u32 $0xF, s19  }
0x8c: {  	[smem:$0x7CD] =	sst s23;
	s18 =	sshll.u32 s18, $0x4;
	p3 =	sne.s32 s24, $0x0  }
0x8d: {  	s23 =	simm.s32 $0xFFFFFFFF;
	s1 =	sadd.s32 s1, s18;
	p0 =	por !p2, !p3  }
0x8e: {  	s18 =	sand.u32 $0x70, s1;
	s1 =	sshll.u32 s1, $0x3;
	p0 =	por !p0, !p0  }
0x8f: {  	[dreg:$0x1f] =	wrdreg s24;
	s1 =	sand.u32 $0xFFFFFC00, s1;
	s20 =	simm.s32 @!p0 $0x0  }
0x90: {  	s5 =	sor.u32 s18, s1;
	s9 =	spop (v2sf);
	s20 =	sshll.u32 s20, $0x4  }
0x91: {  	s22 =	sshra.s32 s9, $0x1F;
	p2 =	slt.s32 s9, $0x1;
	s29 =	sand.u32 $0xFFF, s9  }
0x92: {  	p0 =	sgt.s32 s9, $0x0;
	s30 =	sadd.s32 $0xFFFFF000, s9;
	s19 =	sadd.s32 s19, s20  }
0x93: {  	s25 =	sshrl.u32 s22, $0x14;
	s0 =	simm.s32 @!p2 $0x0;
	[smem:$0x7BD] =	sst s29  }
0x94: {  	s20 =	smov.u32 s30;
	p4 =	slt.s32 s30, $0x1;
	s1 =	sand.u32 $0x70, s19  }
0x95: {  	s19 =	sshll.u32 s19, $0x3;
	s22 =	simm.s32 $0xFFFFFFFF;
	s28 =	sadd.s32 s25, s9  }
0x96: {  	s0 =	simm.s32 @p2 $0x1;
	s9 =	simm.s32 @!p0 $0x0;
	p0 =	sgt.s32 s30, $0x0  }
0x97: {  	s19 =	sand.u32 $0xFFFFFC00, s19;
	[smem:$0x7BF] =	sst s28;
	s20 =	simm.s32 @!p0 $0x0  }
0x98: {  	[smem:$0x7BE] =	sst s0;
	s9 =	smin.u32 s9, $0xFFF;
	s31 =	smin.u32 s20, $0xFFF  }
0x99: {  	s2 =	sand.u32 $0xF, s9;
	s20 =	sor.u32 s1, s19;
	s19 =	spop (v2sf)  }
0x9a: {  	(v2sf) =	vpush v7, $0x3;
	[smem:$0x7D0] =	sst s2;
	p5 =	sne.s32 s2, $0x0;
	s11 =	sand.u32 $0xF, s31  }
0x9b: {  	s24 =	sshra.s32 s19, $0x1F;
	p3 =	slt.s32 s19, $0x1;
	s25 =	sadd.s32 $0xFFFFF000, s19  }
0x9c: {  	[smem:$0x7D1] =	sst s11;
	p0 =	por !p2, !p5;
	p6 =	sne.s32 s11, $0x0  }
0x9d: {  	s12 =	sshrl.u32 s24, $0x14;
	s0 =	simm.s32 @!p3 $0x0;
	s24 =	sand.u32 $0xFFF, s19  }
0x9e: {  	p0 =	por !p0, !p0;
	p1 =	por !p4, !p6;
	s0 =	simm.s32 @p3 $0x1  }
0x9f: {  	[smem:$0x7C0] =	sst s24;
	s22 =	simm.s32 @!p0 $0x0;
	p0 =	por !p1, !p1  }
0xa0: {  	p4 =	slt.s32 s25, $0x1;
	[smem:$0x7C1] =	sst s0;
	s23 =	simm.s32 @!p0 $0x0  }
0xa1: {  	s22 =	sshll.u32 s22, $0x4;
	p0 =	sgt.s32 s19, $0x0;
	s23 =	sshll.u32 s23, $0x4  }
0xa2: {  	s9 =	sadd.s32 s9, s22;
	s22 =	sadd.s32 s12, s19;
	s19 =	simm.s32 @!p0 $0x0  }
0xa3: {  	p0 =	sgt.s32 s25, $0x0;
	s18 =	sadd.s32 s31, s23;
	[smem:$0x7C4] =	sst s22  }
0xa4: {  	s23 =	sshll.u32 s9, $0x3;
	s9 =	sand.u32 $0x70, s9;
	s28 =	smin.u32 s19, $0xFFF  }
0xa5: {  	s22 =	sand.u32 $0xFFFFFC00, s23;
	s29 =	sshll.u32 s18, $0x3;
	s18 =	sand.u32 $0x70, s18  }
0xa6: {  	s30 =	sand.u32 $0xF, s28;
	s22 =	sor.u32 s9, s22;
	s19 =	sand.u32 $0xFFFFFC00, s29  }
0xa7: {  	[smem:$0x7D2] =	sst s30;
	p2 =	sne.s32 s30, $0x0;
	s23 =	sor.u32 s18, s19  }
0xa8: {  	s18 =	smov.u32 s25;
	p5 =	por !p3, !p2;
	s19 =	simm.s32 $0xFFFFFFFF  }
0xa9: {  	s24 =	spop (v2sf);
	s18 =	simm.s32 @!p0 $0x0;
	p0 =	por !p5, !p5  }
0xaa: {  	s25 =	sshra.s32 s24, $0x1F;
	p2 =	slt.s32 s24, $0x1;
	p1 =	sgt.s32 s24, $0x0  }
0xab: {  	s2 =	sand.u32 $0xFFF, s24;
	s11 =	sadd.s32 $0xFFFFF000, s24;
	s18 =	smin.u32 s18, $0xFFF  }
0xac: {  	(v2sf) =	vpush v7, $0x4;
	s19 =	simm.s32 @!p0 $0x0;
	s0 =	sshrl.u32 s25, $0x14;
	[smem:$0x7C2] =	sst s2  }
0xad: {  	s25 =	smov.u32 s11;
	s31 =	sand.u32 $0xF, s18;
	s19 =	sshll.u32 s19, $0x4  }
0xae: {  	s1 =	sadd.s32 s0, s24;
	s0 =	simm.s32 @!p2 $0x0;
	s24 =	simm.s32 @!p1 $0x0  }
0xaf: {  	[smem:$0x7D5] =	sst s31;
	p6 =	sne.s32 s31, $0x0;
	s9 =	sadd.s32 s28, s19  }
0xb0: {  	[smem:$0x7C6] =	sst s1;
	s0 =	simm.s32 @p2 $0x1;
	s28 =	simm.s32 $0xFFFFFFFF  }
0xb1: {  	s29 =	smin.u32 s24, $0xFFF;
	p0 =	por !p4, !p6;
	[smem:$0x7C3] =	sst s0  }
0xb2: {  	s12 =	sand.u32 $0x70, s9;
	s9 =	sshll.u32 s9, $0x3;
	s30 =	sand.u32 $0xF, s29  }
0xb3: {  	p0 =	por !p0, !p0;
	s9 =	sand.u32 $0xFFFFFC00, s9;
	[smem:$0x7D7] =	sst s30  }
0xb4: {  	p1 =	sne.s32 s30, $0x0;
	s30 =	simm.s32 $0xFFFFFFFF;
	s28 =	simm.s32 @!p0 $0x0  }
0xb5: {  	s24 =	sor.u32 s12, s9;
	p0 =	por !p2, !p1;
	p1 =	sgt.s32 s11, $0x0  }
0xb6: {  	p2 =	slt.s32 s11, $0x1;
	s28 =	sshll.u32 s28, $0x4;
	p0 =	por !p0, !p0  }
0xb7: {  	s25 =	simm.s32 @!p1 $0x0;
	s31 =	sadd.s32 s18, s28;
	s28 =	simm.s32 $0xFFFFFFFF  }
0xb8: {  	s25 =	smin.u32 s25, $0xFFF;
	s18 =	sand.u32 $0x70, s31;
	s9 =	sshll.u32 s31, $0x3  }
0xb9: {  	s28 =	simm.s32 @!p0 $0x0;
	s2 =	sand.u32 $0xF, s25;
	s9 =	sand.u32 $0xFFFFFC00, s9  }
0xba: {  	(v2sf) =	vpush v7, $0x5;
	s1 =	sshll.u32 s28, $0x4;
	[smem:$0x7D8] =	sst s2;
	p3 =	sne.s32 s2, $0x0  }
0xbb: {  	s28 =	spop (v2sf);
	s9 =	sor.u32 s18, s9;
	s18 =	sadd.s32 s29, s1  }
0xbc: {  	p0 =	por !p2, !p3;
	s12 =	sshra.s32 s28, $0x1F;
	p2 =	slt.s32 s28, $0x1  }
0xbd: {  	s31 =	sand.u32 $0xFFF, s28;
	s11 =	sand.u32 $0x70, s18;
	s18 =	sshll.u32 s18, $0x3  }
0xbe: {  	p0 =	por !p0, !p0;
	s29 =	sshrl.u32 s12, $0x14;
	s0 =	simm.s32 @!p2 $0x0  }
0xbf: {  	[smem:$0x7C5] =	sst s31;
	s30 =	simm.s32 @!p0 $0x0;
	s29 =	sadd.s32 s29, s28  }
0xc0: {  	s0 =	simm.s32 @p2 $0x1;
	p0 =	sgt.s32 s28, $0x0;
	[smem:$0x7C8] =	sst s29  }
0xc1: {  	s18 =	sand.u32 $0xFFFFFC00, s18;
	[smem:$0x7C7] =	sst s0;
	s29 =	sadd.s32 $0xFFFFF000, s28  }
0xc2: {  	s30 =	sshll.u32 s30, $0x4;
	s28 =	simm.s32 @!p0 $0x0;
	s18 =	sor.u32 s11, s18  }
0xc3: {  	(v2sf) =	vpush v7, $0x6;
	s1 =	sadd.s32 s25, s30;
	s2 =	smin.u32 s28, $0xFFF;
	p1 =	sgt.s32 s29, $0x0  }
0xc4: {  	p4 =	slt.s32 s29, $0x1;
	s30 =	simm.s32 $0xFFFFFFFF;
	s28 =	simm.s32 $0xFFFFFFFF  }
0xc5: {  	s11 =	sand.u32 $0xF, s2;
	s29 =	simm.s32 @!p1 $0x0;
	s12 =	sand.u32 $0x70, s1  }
0xc6: {  	s19 =	sshll.u32 s1, $0x3;
	[smem:$0x7DB] =	sst s11;
	p5 =	sne.s32 s11, $0x0  }
0xc7: {  	s29 =	smin.u32 s29, $0xFFF;
	s19 =	sand.u32 $0xFFFFFC00, s19;
	p1 =	por !p2, !p5  }
0xc8: {  	s31 =	sand.u32 $0xF, s29;
	s19 =	sor.u32 s12, s19;
	p1 =	por !p1, !p1  }
0xc9: {  	[smem:$0x7DE] =	sst s31;
	p6 =	sne.s32 s31, $0x0;
	s31 =	spop (v2sf)  }
0xca: {  	s30 =	simm.s32 @!p1 $0x0;
	p0 =	por !p4, !p6;
	s11 =	sshra.s32 s31, $0x1F  }
0xcb: {  	p4 =	slt.s32 s31, $0x1;
	s1 =	sshll.u32 s30, $0x4;
	p0 =	por !p0, !p0  }
0xcc: {  	s0 =	simm.s32 @!p4 $0x0;
	s25 =	sadd.s32 s2, s1;
	s28 =	simm.s32 @!p0 $0x0  }
0xcd: {  	s0 =	simm.s32 @p4 $0x1;
	p0 =	sgt.s32 s31, $0x0;
	s2 =	sand.u32 $0x70, s25  }
0xce: {  	s25 =	sshll.u32 s25, $0x3;
	s28 =	sshll.u32 s28, $0x4;
	[smem:$0x7CB] =	sst s0  }
0xcf: {  	s25 =	sand.u32 $0xFFFFFC00, s25;
	s28 =	sadd.s32 s29, s28;
	s29 =	sshrl.u32 s11, $0x14  }
0xd0: {  	s25 =	sor.u32 s2, s25;
	s12 =	sand.u32 $0x70, s28;
	s28 =	sshll.u32 s28, $0x3  }
0xd1: {  	s1 =	sadd.s32 s29, s31;
	s2 =	sand.u32 $0xFFF, s31;
	s29 =	sadd.s32 $0xFFFFF000, s31  }
0xd2: {  	s0 =	spop (v2sf);
	s31 =	simm.s32 @!p0 $0x0;
	[smem:$0x7CE] =	sst s1  }
0xd3: {  	[smem:$0x7C9] =	sst s2;
	s28 =	sand.u32 $0xFFFFFC00, s28;
	s11 =	sshra.s32 s0, $0x1F  }
0xd4: {  	s30 =	smin.u32 s31, $0xFFF;
	p1 =	sgt.s32 s29, $0x0;
	p6 =	slt.s32 s29, $0x1  }
0xd5: {  	p5 =	slt.s32 s0, $0x1;
	p3 =	sgt.s32 s0, $0x0;
	s31 =	sand.u32 $0xFFF, s0  }
0xd6: {  	s28 =	sor.u32 s12, s28;
	s1 =	sshrl.u32 s11, $0x14;
	s12 =	sand.u32 $0xF, s30  }
0xd7: {  	[smem:$0x7CA] =	sst s31;
	s29 =	simm.s32 @!p1 $0x0;
	s1 =	sadd.s32 s1, s0  }
0xd8: {  	[smem:$0x7DF] =	sst s12;
	p0 =	sne.s32 s12, $0x0;
	s2 =	smin.u32 s29, $0xFFF  }
0xd9: {  	[smem:$0x7CF] =	sst s1;
	s1 =	simm.s32 @!p5 $0x0;
	s11 =	sand.u32 $0xF, s2  }
0xda: {  	(v2sf) =	vpush v7, $0x7;
	p2 =	por !p4, !p0;
	s1 =	simm.s32 @p5 $0x1;
	[smem:$0x7E0] =	sst s11  }
0xdb: {  	s29 =	simm.s32 $0xFFFFFFFF;
	p1 =	por !p2, !p2;
	[smem:$0x7CC] =	sst s1  }
0xdc: {  	s1 =	sadd.s32 $0xFFFFF000, s0;
	s0 =	simm.s32 @!p3 $0x0;
	s29 =	simm.s32 @!p1 $0x0  }
0xdd: {  	p3 =	sne.s32 s11, $0x0;
	s11 =	simm.s32 $0xFFFFFFFF;
	s0 =	smin.u32 s0, $0xFFF  }
0xde: {  	s29 =	sshll.u32 s29, $0x4;
	p0 =	por !p6, !p3;
	s12 =	sand.u32 $0xF, s0  }
0xdf: {  	s29 =	sadd.s32 s30, s29;
	p0 =	por !p0, !p0;
	s30 =	simm.s32 $0xFFFFFFFF  }
0xe0: {  	[smem:$0x7E2] =	sst s12;
	p4 =	sne.s32 s12, $0x0;
	s30 =	simm.s32 @!p0 $0x0  }
0xe1: {  	s12 =	sand.u32 $0x70, s29;
	s29 =	sshll.u32 s29, $0x3;
	p1 =	por !p5, !p4  }
0xe2: {  	s29 =	sand.u32 $0xFFFFFC00, s29;
	s30 =	sshll.u32 s30, $0x4;
	p5 =	slt.s32 s1, $0x1  }
0xe3: {  	p0 =	por !p1, !p1;
	s29 =	sor.u32 s12, s29;
	s30 =	sadd.s32 s2, s30  }
0xe4: {  	s11 =	simm.s32 @!p0 $0x0;
	s31 =	sand.u32 $0x70, s30;
	s12 =	sshll.u32 s30, $0x3  }
0xe5: {  	p0 =	sgt.s32 s1, $0x0;
	s11 =	sshll.u32 s11, $0x4;
	s12 =	sand.u32 $0xFFFFFC00, s12  }
0xe6: {  	s0 =	sadd.s32 s0, s11;
	s31 =	sor.u32 s31, s12;
	s11 =	smov.u32 s1  }
0xe7: {  	s1 =	simm.s32 $0xFFFFFFFF;
	s2 =	sshll.u32 s0, $0x3;
	s0 =	sand.u32 $0x70, s0  }
0xe8: {  	s11 =	simm.s32 @!p0 $0x0;
	s30 =	sand.u32 $0xFFFFFC00, s2;
	s2 =	simm.s32 $0x2  }
0xe9: {  	s30 =	sor.u32 s0, s30;
	s0 =	spop (v2sf);
	[sflag:s2] =	ssyncset.done $0x0  }
0xea: {  	s11 =	smin.u32 s11, $0xFFF;
	s12 =	sshra.s32 s0, $0x1F;
	[sflag:s2] =	ssyncadd.s32 $0xFFFF8000  }
0xeb: {  	p4 =	slt.s32 s0, $0x1;
	s12 =	sshrl.u32 s12, $0x14;
	v19 =	vld [tilespmem:s20+$0x8280];
	s20 =	sand.u32 $0xF, s11  }
0xec: {  	s2 =	simm.s32 @!p4 $0x0;
	s12 =	sadd.s32 s12, s0;
	[smem:$0x7E5] =	sst s20  }
0xed: {  	p0 =	sgt.s32 s0, $0x0;
	s2 =	simm.s32 @p4 $0x1;
	[smem:$0x7D9] =	sst s12  }
0xee: {  	v16 =	vld [tilespmem:s9+$0x8380];
	s9 =	simm.s32 $0xFFFFFFFF;
	p6 =	sne.s32 s20, $0x0;
	[smem:$0x7D4] =	sst s2  }
0xef: {  	v5 =	vld.msk [tilespmem:s15+$0x0], $0xff;
	s12 =	sand.u32 $0xFFF, s0;
	s2 =	sadd.s32 $0xFFFFF000, s0;
	s0 =	simm.s32 @!p0 $0x0  }
0xf0: {  	p1 =	por !p5, !p6;
	[smem:$0x7D3] =	sst s12;
	p2 =	sgt.s32 s2, $0x0  }
0xf1: {  	v21 =	vld [tilespmem:s5+$0x280];
	p0 =	slt.s32 s2, $0x1;
	s0 =	smin.u32 s0, $0xFFF;
	p1 =	por !p1, !p1  }
0xf2: {  	v20 =	vld [tilespmem:s22+$0x300];
	s2 =	simm.s32 @!p2 $0x0;
	s5 =	sand.u32 $0xF, s0;
	s1 =	simm.s32 @!p1 $0x0  }
0xf3: {  	v17 =	vld [tilespmem:s23+$0x8300];
	[smem:$0x7ED] =	sst s5;
	s2 =	smin.u32 s2, $0xFFF;
	p5 =	sne.s32 s5, $0x0  }
0xf4: {  	v18 =	vld [tilespmem:s24+$0x380];
	s1 =	sshll.u32 s1, $0x4;
	v6 =	vshll.u32 v5, $0x6;
	p1 =	por !p4, !p5;
	s20 =	sand.u32 $0xF, s2  }
0xf5: {  	v14 =	vld [tilespmem:s18+$0x400];
	v5 =	vand.u32 $0x7, v5;
	s1 =	sadd.s32 s11, s1;
	v6 =	vand.u32 $0xFFFFFE00, v6;
	s11 =	simm.s32 $0xFFFFFFFF;
	p6 =	sne.s32 s20, $0x0  }
0xf6: {  	v13 =	vld [tilespmem:s19+$0x8400];
	[dreg:$0x1d] =	wrdreg s20;
	p1 =	por !p1, !p1;
	v5 =	vor.u32 v5, v6;
	p0 =	por !p0, !p6  }
0xf7: {  	v15 =	vld [tilespmem:s25+$0x480];
	s22 =	sshll.u32 s1, $0x3;
	s9 =	simm.s32 @!p1 $0x0;
	v5 =	vperm.xlane v5, v1;
	p0 =	por !p0, !p0  }
0xf8: {  	v10 =	vld [tilespmem:s28+$0x8480];
	s1 =	sand.u32 $0x70, s1;
	s9 =	sshll.u32 s9, $0x4;
	s11 =	simm.s32 @!p0 $0x0  }
0xf9: {  	v9 =	vld [tilespmem:s29+$0x500];
	s0 =	sadd.s32 s0, s9;
	s9 =	sand.u32 $0xFFFFFC00, s22;
	v22 =	vadd.s32 v2, v5;
	s11 =	sshll.u32 s11, $0x4  }
0xfa: {  	v11 =	vld [tilespmem:s31+$0x8500];
	s1 =	sor.u32 s1, s9;
	s23 =	sshll.u32 s0, $0x3;
	s2 =	sadd.s32 s2, s11  }
0xfb: {  	v12 =	vld [tilespmem:s30+$0x580];
	s0 =	sand.u32 $0x70, s0;
	s9 =	sand.u32 $0xFFFFFC00, s23;
	s11 =	sshll.u32 s2, $0x3  }
0xfc: {  	v8 =	vld [tilespmem:s1+$0x8580];
	s0 =	sor.u32 s0, s9;
	s24 =	sand.u32 $0x70, s2;
	s25 =	sand.u32 $0xFFFFFC00, s11  }
0xfd: {  	s5 =	simm.s32 $0x280;
	v6 =	vld [tilespmem:s0+$0x600];
	s11 =	rddreg [dreg:$0x0];
	s28 =	sor.u32 s24, s25  }
0xfe: {  	v5 =	vld [tilespmem:s28+$0x8600];
	[tilespmem:s5], [sflag:$0x1] =	stream.indirect_vreg.gather [hbm4b:s11+s3], $0x80, v22, vm0, $0xb8  }
0xff: {  	s29 =	simm.s32 $0xA80;
	s20 =	rddreg [dreg:$0x15]  }
0x100: {  	[tilespmem:s29], [sflag:$0x1] =	stream.indirect_vreg.gather [hbm4b:s20+s3], $0x80, v22, vm0, $0xb8;
	[tilespmem:$0x10280] =	vst v63  }
0x101: {  	s30 =	simm.s32 $0x1280;
	s23 =	rddreg [dreg:$0x16]  }
0x102: {  	[tilespmem:s30], [sflag:$0x1] =	stream.indirect_vreg.gather [hbm4b:s23+s3], $0x80, v22, vm0, $0xb8;
	[tilespmem:$0x10280] =	vst v63  }
0x103: {  	s31 =	simm.s32 $0x1A80;
	s24 =	rddreg [dreg:$0x17]  }
0x104: {  	[tilespmem:s31], [sflag:$0x1] =	stream.indirect_vreg.gather [hbm4b:s24+s3], $0x80, v22, vm0, $0xb8;
	[tilespmem:$0x10280] =	vst v63  }
0x105: {  	s1 =	simm.s32 $0x2280;
	s30 =	rddreg [dreg:$0x18]  }
0x106: {  	[tilespmem:s1], [sflag:$0x1] =	stream.indirect_vreg.gather [hbm4b:s30+s3], $0x80, v22, vm0, $0xb8;
	[tilespmem:$0x10280] =	vst v63  }
0x107: {  	s2 =	rddreg [dreg:$0x19];
	s9 =	simm.s32 $0x2A80  }
0x108: {  	[tilespmem:s9], [sflag:$0x1] =	stream.indirect_vreg.gather [hbm4b:s2+s3], $0x80, v22, vm0, $0xb8;
	[tilespmem:$0x10280] =	vst v63  }
0x109: {  	s18 =	simm.s32 $0x3280;
	s12 =	rddreg [dreg:$0x1a]  }
0x10a: {  	[tilespmem:s18], [sflag:$0x1] =	stream.indirect_vreg.gather [hbm4b:s12+s3], $0x80, v22, vm0, $0xb8;
	[tilespmem:$0x10280] =	vst v63  }
0x10b: {  	s19 =	rddreg [dreg:$0xd];
	s22 =	simm.s32 $0x3A80  }
0x10c: {  	[tilespmem:s22], [sflag:$0x1] =	stream.indirect_vreg.gather [hbm4b:s19+s3], $0x80, v22, vm0, $0xb8;
	[tilespmem:$0x10280] =	vst v63  }
0x10d: {  	s25 =	rddreg [dreg:$0xe];
	s28 =	simm.s32 $0x4280  }
0x10e: {  	[tilespmem:s28], [sflag:$0x1] =	stream.indirect_vreg.gather [hbm4b:s25+s3], $0x80, v22, vm0, $0xb8;
	[tilespmem:$0x10280] =	vst v63  }
0x10f: {  	s29 =	rddreg [dreg:$0x12];
	s31 =	simm.s32 $0x4A80  }
0x110: {  	[tilespmem:s31], [sflag:$0x1] =	stream.indirect_vreg.gather [hbm4b:s29+s3], $0x80, v22, vm0, $0xb8;
	[tilespmem:$0x10280] =	vst v63  }
0x111: {  	s2 =	rddreg [dreg:$0xf];
	s9 =	simm.s32 $0x5280  }
0x112: {  	[tilespmem:s9], [sflag:$0x1] =	stream.indirect_vreg.gather [hbm4b:s2+s3], $0x80, v22, vm0, $0xb8;
	[tilespmem:$0x10280] =	vst v63  }
0x113: {  	s12 =	simm.s32 $0x5A80;
	s18 =	rddreg [dreg:$0x13]  }
0x114: {  	[tilespmem:s12], [sflag:$0x1] =	stream.indirect_vreg.gather [hbm4b:s18+s3], $0x80, v22, vm0, $0xb8;
	[tilespmem:$0x10280] =	vst v63  }
0x115: {  	s19 =	rddreg [dreg:$0x10];
	s22 =	simm.s32 $0x6280  }
0x116: {  	[tilespmem:s22], [sflag:$0x1] =	stream.indirect_vreg.gather [hbm4b:s19+s3], $0x80, v22, vm0, $0xb8;
	[tilespmem:$0x10280] =	vst v63  }
0x117: {  	s25 =	rddreg [dreg:$0x14];
	s28 =	simm.s32 $0x6A80  }
0x118: {  	[tilespmem:s28], [sflag:$0x1] =	stream.indirect_vreg.gather [hbm4b:s25+s3], $0x80, v22, vm0, $0xb8;
	[tilespmem:$0x10280] =	vst v63  }
0x119: {  	s29 =	rddreg [dreg:$0x11];
	s31 =	simm.s32 $0x7280  }
0x11a: {  	[tilespmem:s31], [sflag:$0x1] =	stream.indirect_vreg.gather [hbm4b:s29+s3], $0x80, v22, vm0, $0xb8;
	[tilespmem:$0x10280] =	vst v63  }
0x11b: {  	s2 =	rddreg [dreg:$0x9];
	s9 =	simm.s32 $0x7A80  }
0x11c: {  	[tilespmem:s9], [sflag:$0x1] =	stream.indirect_vreg.gather [hbm4b:s2+s3], $0x80, v22, vm0, $0xb8;
	[tilespmem:$0x10280] =	vst v63  }
0x11d: {  	s2 =	rddreg [dreg:$0x1e]  }
0x11e: {  	s18 =	simm.s32 $0x8280;
	s19 =	simm.s32 $0x3;
	s12 =	sadd.s32 $0x1000, s2  }
0x11f: {  	[hbm4b:s12+s3] =	stream.linear.scatter [tilespmem:s18], [sflag:$0x3], $0x8000, $0x38;
	[tilespmem:$0x10280] =	vst v63  }
0x120: {  	_ =	swait.ge [sflag:s19], $0x8000  }
0x121: {  	[sflag:s19] =	ssyncset.done $0x0  }
0x122: {  	[sflag:s19] =	ssyncadd.s32 $0xFFFF8000  }
0x123: {  	_ =	swait.ge [sflag:s4], $0x8000  }
0x124: {  	[sflag:s4] =	ssyncset.done $0x0  }
0x125: {  	[sflag:s4] =	ssyncadd.s32 $0xFFFF8000  }
0x126: {  	v48 =	vld.msk [tilespmem:s15+$0x0], $0xff;
	_ =	sdelay $0x4  }
0x127: {  	v23 =	vshll.u32 v48, $0x6  }
0x128: {  	v22 =	vand.u32 $0x7, v48;
	v23 =	vand.u32 $0xFFFFFE00, v23  }
0x129: {  	v22 =	vor.u32 v22, v23  }
0x12a: {  	v22 =	vperm.xlane v22, v1;
	_ =	sdelay $0x1  }
0x12b: {  	v22 =	vadd.s32 v2, v22;
	_ =	sdelay $0x3  }
0x12c: {  	s22 =	simm.s32 $0x8280;
	s25 =	sld [smem:$0x7B4]  }
0x12d: {  	[tilespmem:s22], [sflag:$0x2] =	stream.indirect_vreg.gather [hbm4b:s21+s3], $0x80, v22, vm0, $0xb8;
	[tilespmem:$0x10280] =	vst v63  }
0x12e: {  	s28 =	simm.s32 $0x8A80;
	s29 =	sld [smem:$0x7B5]  }
0x12f: {  	[tilespmem:s28], [sflag:$0x2] =	stream.indirect_vreg.gather [hbm4b:s25+s3], $0x80, v22, vm0, $0xb8;
	[tilespmem:$0x10280] =	vst v63  }
0x130: {  	s31 =	simm.s32 $0x9280;
	s4 =	sld [smem:$0x7B6]  }
0x131: {  	[tilespmem:s31], [sflag:$0x2] =	stream.indirect_vreg.gather [hbm4b:s29+s3], $0x80, v22, vm0, $0xb8;
	[tilespmem:$0x10280] =	vst v63  }
0x132: {  	s9 =	simm.s32 $0x9A80;
	s12 =	sld [smem:$0x7B7]  }
0x133: {  	[tilespmem:s9], [sflag:$0x2] =	stream.indirect_vreg.gather [hbm4b:s4+s3], $0x80, v22, vm0, $0xb8;
	[tilespmem:$0x10280] =	vst v63  }
0x134: {  	s18 =	simm.s32 $0xA280;
	s19 =	sld [smem:$0x7B8]  }
0x135: {  	[tilespmem:s18], [sflag:$0x2] =	stream.indirect_vreg.gather [hbm4b:s12+s3], $0x80, v22, vm0, $0xb8;
	[tilespmem:$0x10280] =	vst v63  }
0x136: {  	s22 =	simm.s32 $0xAA80;
	s28 =	sld [smem:$0x7B9]  }
0x137: {  	[tilespmem:s22], [sflag:$0x2] =	stream.indirect_vreg.gather [hbm4b:s19+s3], $0x80, v22, vm0, $0xb8;
	[tilespmem:$0x10280] =	vst v63  }
0x138: {  	s25 =	simm.s32 $0xB280  }
0x139: {  	[tilespmem:s25], [sflag:$0x2] =	stream.indirect_vreg.gather [hbm4b:s28+s3], $0x80, v22, vm0, $0xb8;
	[tilespmem:$0x10280] =	vst v63  }
0x13a: {  	s29 =	simm.s32 $0xBA80  }
0x13b: {  	[tilespmem:s29], [sflag:$0x2] =	stream.indirect_vreg.gather [hbm4b:s26+s3], $0x80, v22, vm0, $0xb8;
	[tilespmem:$0x10280] =	vst v63  }
0x13c: {  	s31 =	simm.s32 $0xC280  }
0x13d: {  	[tilespmem:s31], [sflag:$0x2] =	stream.indirect_vreg.gather [hbm4b:s10+s3], $0x80, v22, vm0, $0xb8;
	[tilespmem:$0x10280] =	vst v63  }
0x13e: {  	s1 =	simm.s32 $0xCA80  }
0x13f: {  	[tilespmem:s1], [sflag:$0x2] =	stream.indirect_vreg.gather [hbm4b:s8+s3], $0x80, v22, vm0, $0xb8;
	[tilespmem:$0x10280] =	vst v63  }
0x140: {  	s4 =	simm.s32 $0xD280  }
0x141: {  	[tilespmem:s4], [sflag:$0x2] =	stream.indirect_vreg.gather [hbm4b:s7+s3], $0x80, v22, vm0, $0xb8;
	[tilespmem:$0x10280] =	vst v63  }
0x142: {  	s8 =	simm.s32 $0xDA80  }
0x143: {  	[tilespmem:s8], [sflag:$0x2] =	stream.indirect_vreg.gather [hbm4b:s6+s3], $0x80, v22, vm0, $0xb8;
	[tilespmem:$0x10280] =	vst v63  }
0x144: {  	s9 =	simm.s32 $0xE280  }
0x145: {  	[tilespmem:s9], [sflag:$0x2] =	stream.indirect_vreg.gather [hbm4b:s13+s3], $0x80, v22, vm0, $0xb8;
	[tilespmem:$0x10280] =	vst v63  }
0x146: {  	s10 =	simm.s32 $0xEA80  }
0x147: {  	[tilespmem:s10], [sflag:$0x2] =	stream.indirect_vreg.gather [hbm4b:s14+s3], $0x80, v22, vm0, $0xb8;
	[tilespmem:$0x10280] =	vst v63  }
0x148: {  	s12 =	simm.s32 $0xF280  }
0x149: {  	[tilespmem:s12], [sflag:$0x2] =	stream.indirect_vreg.gather [hbm4b:s16+s3], $0x80, v22, vm0, $0xb8;
	[tilespmem:$0x10280] =	vst v63  }
0x14a: {  	s13 =	simm.s32 $0xFA80  }
0x14b: {  	[tilespmem:s13], [sflag:$0x2] =	stream.indirect_vreg.gather [hbm4b:s17+s3], $0x80, v22, vm0, $0xb8;
	[tilespmem:$0x10280] =	vst v63  }
0x14c: {  	s14 =	sadd.s32 $0x2000, s2;
	s16 =	simm.s32 $0x3  }
0x14d: {  	[hbm4b:s14+s3] =	stream.linear.scatter [tilespmem:s5], [sflag:$0x3], $0x8000, $0x38;
	[tilespmem:$0x10280] =	vst v63  }
0x14e: {  	_ =	swait.ge [sflag:s16], $0x8000  }
0x14f: {  	[sflag:s16] =	ssyncset.done $0x0  }
0x150: {  	s17 =	simm.s32 $0x2;
	[sflag:s16] =	ssyncadd.s32 $0xFFFF8000  }
0x151: {  	_ =	swait.ge [sflag:s17], $0x8000  }
0x152: {  	(v2sf) =	vpush v7, $0x8;
	_ =	sdelay $0x1  }
0x153: {  	(v2sf) =	vpush v7, $0x9;
	_ =	sdelay $0xc  }
0x154: {  	s4 =	simm.s32 $0xFFFFFFFF;
	s7 =	simm.s32 $0xFFFFFFFF;
	s0 =	spop (v2sf)  }
0x155: {  	s18 =	sshra.s32 s0, $0x1F;
	p1 =	slt.s32 s0, $0x1;
	p0 =	sgt.s32 s0, $0x0  }
0x156: {  	s17 =	sand.u32 $0xFFF, s0;
	s19 =	sadd.s32 $0xFFFFF000, s0;
	s5 =	spop (v2sf)  }
0x157: {  	s1 =	sshrl.u32 s18, $0x14;
	s2 =	smov.u32 s19;
	s26 =	sshra.s32 s5, $0x1F  }
0x158: {  	p3 =	slt.s32 s19, $0x1;
	s29 =	sand.u32 $0xFFF, s5;
	s31 =	sadd.s32 $0xFFFFF000, s5  }
0x159: {  	s1 =	sadd.s32 s1, s0;
	s0 =	simm.s32 @!p0 $0x0;
	s28 =	sshrl.u32 s26, $0x14  }
0x15a: {  	[smem:$0x7DA] =	sst s1;
	s1 =	simm.s32 @!p1 $0x0;
	s0 =	smin.u32 s0, $0xFFF  }
0x15b: {  	[smem:$0x7DC] =	sst s29;
	s1 =	simm.s32 @p1 $0x1;
	s22 =	sand.u32 $0xF, s0  }
0x15c: {  	p6 =	slt.s32 s31, $0x1;
	[smem:$0x7D6] =	sst s1;
	p2 =	sne.s32 s22, $0x0  }
0x15d: {  	[smem:$0x7E8] =	sst s22;
	s1 =	sadd.s32 s28, s5;
	p0 =	por !p1, !p2  }
0x15e: {  	p1 =	sgt.s32 s19, $0x0;
	[smem:$0x7E1] =	sst s1;
	p2 =	slt.s32 s5, $0x1  }
0x15f: {  	(v2sf) =	vpush v7, $0xA;
	p0 =	por !p0, !p0;
	s2 =	simm.s32 @!p1 $0x0;
	s1 =	simm.s32 @!p2 $0x0  }
0x160: {  	p1 =	sgt.s32 s5, $0x0;
	s4 =	simm.s32 @!p0 $0x0;
	s2 =	smin.u32 s2, $0xFFF  }
0x161: {  	s1 =	simm.s32 @p2 $0x1;
	s5 =	simm.s32 @!p1 $0x0;
	s4 =	sshll.u32 s4, $0x4  }
0x162: {  	s25 =	sand.u32 $0xF, s2;
	[smem:$0x7DD] =	sst s1;
	s9 =	smin.u32 s5, $0xFFF  }
0x163: {  	s5 =	smov.u32 s31;
	s0 =	sadd.s32 s0, s4;
	[smem:$0x7E9] =	sst s25  }
0x164: {  	p4 =	sne.s32 s25, $0x0;
	s12 =	sand.u32 $0xF, s9;
	s4 =	simm.s32 $0xFFFFFFFF  }
0x165: {  	p0 =	por !p3, !p4;
	s8 =	sand.u32 $0x70, s0;
	s0 =	sshll.u32 s0, $0x3  }
0x166: {  	[smem:$0x7EE] =	sst s12;
	p5 =	sne.s32 s12, $0x0;
	p0 =	por !p0, !p0  }
0x167: {  	s0 =	sand.u32 $0xFFFFFC00, s0;
	s7 =	simm.s32 @!p0 $0x0;
	p0 =	sgt.s32 s31, $0x0  }
0x168: {  	s6 =	sor.u32 s8, s0;
	s8 =	simm.s32 $0xFFFFFFFF;
	s5 =	simm.s32 @!p0 $0x0  }
0x169: {  	s10 =	sshll.u32 s7, $0x4;
	p0 =	por !p2, !p5;
	s13 =	smin.u32 s5, $0xFFF  }
0x16a: {  	s2 =	sadd.s32 s2, s10;
	p0 =	por !p0, !p0;
	s5 =	sand.u32 $0xF, s13  }
0x16b: {  	s4 =	simm.s32 @!p0 $0x0;
	s14 =	sshll.u32 s2, $0x3;
	s2 =	sand.u32 $0x70, s2  }
0x16c: {  	[smem:$0x7EF] =	sst s5;
	p3 =	sne.s32 s5, $0x0;
	s5 =	sand.u32 $0xFFFFFC00, s14  }
0x16d: {  	(v2sf) =	vpush v7, $0xB;
	s4 =	sshll.u32 s4, $0x4;
	p0 =	por !p6, !p3;
	s7 =	sor.u32 s2, s5  }
0x16e: {  	s0 =	sadd.s32 s9, s4;
	s4 =	spop (v2sf);
	p0 =	por !p0, !p0  }
0x16f: {  	s16 =	sand.u32 $0x70, s0;
	s0 =	sshll.u32 s0, $0x3;
	s19 =	sshra.s32 s4, $0x1F  }
0x170: {  	p3 =	slt.s32 s4, $0x1;
	s26 =	sadd.s32 $0xFFFFF000, s4;
	s28 =	sand.u32 $0xFFF, s4  }
0x171: {  	s8 =	simm.s32 @!p0 $0x0;
	s0 =	sand.u32 $0xFFFFFC00, s0;
	s25 =	sshrl.u32 s19, $0x14  }
0x172: {  	p0 =	sgt.s32 s4, $0x0;
	p1 =	sgt.s32 s26, $0x0;
	[smem:$0x7E3] =	sst s28  }
0x173: {  	s2 =	smov.u32 s26;
	p4 =	slt.s32 s26, $0x1;
	s18 =	sshll.u32 s8, $0x4  }
0x174: {  	s10 =	sor.u32 s16, s0;
	s1 =	sadd.s32 s25, s4;
	s4 =	simm.s32 @!p0 $0x0  }
0x175: {  	s2 =	simm.s32 @!p1 $0x0;
	[smem:$0x7E7] =	sst s1;
	s1 =	simm.s32 @!p3 $0x0  }
0x176: {  	s22 =	sadd.s32 s13, s18;
	s29 =	smin.u32 s4, $0xFFF;
	s1 =	simm.s32 @p3 $0x1  }
0x177: {  	s2 =	smin.u32 s2, $0xFFF;
	s5 =	sand.u32 $0xF, s29;
	[smem:$0x7E4] =	sst s1  }
0x178: {  	s4 =	simm.s32 $0xFFFFFFFF;
	s9 =	sand.u32 $0xF, s2;
	[smem:$0x7F1] =	sst s5  }
0x179: {  	s31 =	sand.u32 $0x70, s22;
	s0 =	sshll.u32 s22, $0x3;
	[smem:$0x7F2] =	sst s9  }
0x17a: {  	s0 =	sand.u32 $0xFFFFFC00, s0;
	p5 =	sne.s32 s5, $0x0;
	p6 =	sne.s32 s9, $0x0  }
0x17b: {  	s5 =	simm.s32 $0xFFFFFFFF;
	s25 =	sor.u32 s31, s0;
	p0 =	por !p3, !p5  }
0x17c: {  	(v2sf) =	vpush v7, $0xC;
	p1 =	por !p4, !p6;
	s0 =	spop (v2sf);
	p0 =	por !p0, !p0  }
0x17d: {  	p1 =	por !p1, !p1;
	s12 =	sshra.s32 s0, $0x1F;
	s13 =	sand.u32 $0xFFF, s0  }
0x17e: {  	s14 =	sadd.s32 $0xFFFFF000, s0;
	s4 =	simm.s32 @!p0 $0x0;
	s5 =	simm.s32 @!p1 $0x0  }
0x17f: {  	s8 =	sshrl.u32 s12, $0x14;
	p1 =	slt.s32 s0, $0x1;
	p0 =	sgt.s32 s0, $0x0  }
0x180: {  	[smem:$0x7E6] =	sst s13;
	p5 =	slt.s32 s14, $0x1;
	s4 =	sshll.u32 s4, $0x4  }
0x181: {  	s8 =	sadd.s32 s8, s0;
	s0 =	simm.s32 @!p0 $0x0;
	s16 =	sshll.u32 s5, $0x4  }
0x182: {  	s5 =	simm.s32 $0xFFFFFFFF;
	[smem:$0x7EB] =	sst s8;
	s8 =	simm.s32 @!p1 $0x0  }
0x183: {  	s1 =	sadd.s32 s29, s4;
	s2 =	sadd.s32 s2, s16;
	s0 =	smin.u32 s0, $0xFFF  }
0x184: {  	s8 =	simm.s32 @p1 $0x1;
	s18 =	sshll.u32 s1, $0x3;
	s1 =	sand.u32 $0x70, s1  }
0x185: {  	s19 =	sand.u32 $0xF, s0;
	s22 =	sshll.u32 s2, $0x3;
	[smem:$0x7EA] =	sst s8  }
0x186: {  	s2 =	sand.u32 $0x70, s2;
	s4 =	sand.u32 $0xFFFFFC00, s18;
	[smem:$0x7F6] =	sst s19  }
0x187: {  	p4 =	sne.s32 s19, $0x0;
	s8 =	simm.s32 $0xFFFFFFFF;
	s9 =	sor.u32 s1, s4  }
0x188: {  	p0 =	por !p1, !p4;
	p1 =	sgt.s32 s14, $0x0;
	s4 =	smov.u32 s14  }
0x189: {  	s1 =	sand.u32 $0xFFFFFC00, s22;
	p0 =	por !p0, !p0;
	s4 =	simm.s32 @!p1 $0x0  }
0x18a: {  	s18 =	sor.u32 s2, s1;
	s5 =	simm.s32 @!p0 $0x0;
	s26 =	smin.u32 s4, $0xFFF  }
0x18b: {  	s4 =	spop (v2sf);
	s28 =	sshll.u32 s5, $0x4;
	s29 =	sand.u32 $0xF, s26  }
0x18c: {  	s31 =	sshra.s32 s4, $0x1F;
	p2 =	slt.s32 s4, $0x1;
	p1 =	sgt.s32 s4, $0x0  }
0x18d: {  	s12 =	sand.u32 $0xFFF, s4;
	s13 =	sadd.s32 $0xFFFFF000, s4;
	s0 =	sadd.s32 s0, s28  }
0x18e: {  	[smem:$0x7F7] =	sst s29;
	s2 =	sshrl.u32 s31, $0x14;
	p6 =	sne.s32 s29, $0x0  }
0x18f: {  	[smem:$0x7EC] =	sst s12;
	s5 =	smov.u32 s13;
	p3 =	slt.s32 s13, $0x1  }
0x190: {  	(v2sf) =	vpush v7, $0xD;
	p0 =	por !p5, !p6;
	s2 =	sadd.s32 s2, s4;
	s4 =	simm.s32 @!p1 $0x0  }
0x191: {  	s14 =	sand.u32 $0x70, s0;
	s0 =	sshll.u32 s0, $0x3;
	[smem:$0x7F3] =	sst s2  }
0x192: {  	s2 =	simm.s32 @!p2 $0x0;
	s0 =	sand.u32 $0xFFFFFC00, s0;
	p0 =	por !p0, !p0  }
0x193: {  	s4 =	smin.u32 s4, $0xFFF;
	s2 =	simm.s32 @p2 $0x1;
	s19 =	sor.u32 s14, s0  }
0x194: {  	s8 =	simm.s32 @!p0 $0x0;
	s22 =	sand.u32 $0xF, s4;
	[smem:$0x7F0] =	sst s2  }
0x195: {  	p0 =	sgt.s32 s13, $0x0;
	s16 =	sshll.u32 s8, $0x4;
	[smem:$0x7F8] =	sst s22  }
0x196: {  	(v2sf) =	vpush v7, $0xE;
	s5 =	simm.s32 @!p0 $0x0;
	p1 =	sne.s32 s22, $0x0;
	s2 =	simm.s32 $0xFFFFFFFF  }
0x197: {  	s0 =	sadd.s32 s26, s16;
	s26 =	smin.u32 s5, $0xFFF;
	p0 =	por !p2, !p1  }
0x198: {  	s8 =	simm.s32 $0xFFFFFFFF;
	p0 =	por !p0, !p0;
	s16 =	sand.u32 $0xF, s26  }
0x199: {  	s29 =	sshll.u32 s0, $0x3;
	s2 =	simm.s32 @!p0 $0x0;
	p4 =	sne.s32 s16, $0x0  }
0x19a: {  	s0 =	sand.u32 $0x70, s0;
	p0 =	por !p3, !p4;
	s2 =	sshll.u32 s2, $0x4  }
0x19b: {  	s5 =	sand.u32 $0xFFFFFC00, s29;
	p0 =	por !p0, !p0;
	s2 =	sadd.s32 s4, s2  }
0x19c: {  	s8 =	simm.s32 @!p0 $0x0;
	s4 =	sand.u32 $0x70, s2;
	s2 =	sshll.u32 s2, $0x3  }
0x19d: {  	s29 =	simm.s32 $0xFFFFFFFF;
	s2 =	sand.u32 $0xFFFFFC00, s2;
	s8 =	sshll.u32 s8, $0x4  }
0x19e: {  	s0 =	sor.u32 s0, s5;
	s28 =	sor.u32 s4, s2;
	s1 =	sadd.s32 s26, s8  }
0x19f: {  	s5 =	spop (v2sf);
	s14 =	sshll.u32 s1, $0x3;
	s1 =	sand.u32 $0x70, s1  }
0x1a0: {  	s31 =	sshra.s32 s5, $0x1F;
	p3 =	slt.s32 s5, $0x1;
	p0 =	sgt.s32 s5, $0x0  }
0x1a1: {  	s22 =	sand.u32 $0xFFF, s5;
	s4 =	sadd.s32 $0xFFFFF000, s5;
	s13 =	sshrl.u32 s31, $0x14  }
0x1a2: {  	[smem:$0x7F4] =	sst s22;
	p1 =	sgt.s32 s4, $0x0;
	s22 =	simm.s32 $0xFFFFFFFF  }
0x1a3: {  	s2 =	sadd.s32 s13, s5;
	s5 =	simm.s32 @!p0 $0x0;
	p0 =	slt.s32 s4, $0x1  }
0x1a4: {  	s4 =	simm.s32 @!p1 $0x0;
	[smem:$0x7FA] =	sst s2;
	s2 =	simm.s32 @!p3 $0x0  }
0x1a5: {  	s26 =	smin.u32 s5, $0xFFF;
	s5 =	spop (v2sf);
	s4 =	smin.u32 s4, $0xFFF  }
0x1a6: {  	s2 =	simm.s32 @p3 $0x1;
	s12 =	sshra.s32 s5, $0x1F;
	p6 =	slt.s32 s5, $0x1  }
0x1a7: {  	p2 =	sgt.s32 s5, $0x0;
	[smem:$0x7F5] =	sst s2;
	s2 =	sand.u32 $0xFFFFFC00, s14  }
0x1a8: {  	s31 =	sor.u32 s1, s2;
	s1 =	sshrl.u32 s12, $0x14;
	s12 =	sand.u32 $0xF, s26  }
0x1a9: {  	s13 =	sand.u32 $0xFFF, s5;
	s8 =	sadd.s32 $0xFFFFF000, s5;
	p5 =	sne.s32 s12, $0x0  }
0x1aa: {  	(v2sf) =	vpush v7, $0xF;
	s1 =	sadd.s32 s1, s5;
	s5 =	simm.s32 @!p2 $0x0;
	p1 =	por !p3, !p5  }
0x1ab: {  	[smem:$0x7FB] =	sst s1;
	s1 =	sand.u32 $0xF, s4;
	p1 =	por !p1, !p1  }
0x1ac: {  	s5 =	smin.u32 s5, $0xFFF;
	p4 =	sne.s32 s1, $0x0;
	s22 =	simm.s32 @!p1 $0x0  }
0x1ad: {  	p0 =	por !p0, !p4;
	s14 =	sshll.u32 s22, $0x4;
	s22 =	sand.u32 $0xF, s5  }
0x1ae: {  	[smem:$0x7F9] =	sst s13;
	p0 =	por !p0, !p0;
	p5 =	sne.s32 s22, $0x0  }
0x1af: {  	s2 =	sadd.s32 s26, s14;
	s29 =	simm.s32 @!p0 $0x0;
	p1 =	por !p6, !p5  }
0x1b0: {  	s13 =	sshll.u32 s29, $0x4;
	s29 =	simm.s32 $0xFFFFFFFF;
	p0 =	por !p1, !p1  }
0x1b1: {  	s14 =	sshll.u32 s2, $0x3;
	s29 =	simm.s32 @!p0 $0x0  }
0x1b2: {  	s2 =	sand.u32 $0x70, s2;
	s26 =	sand.u32 $0xFFFFFC00, s14;
	s29 =	sshll.u32 s29, $0x4  }
0x1b3: {  	s4 =	sadd.s32 s4, s13;
	s2 =	sor.u32 s2, s26;
	s13 =	sadd.s32 s5, s29  }
0x1b4: {  	s14 =	sshll.u32 s4, $0x3;
	s4 =	sand.u32 $0x70, s4;
	s29 =	sshll.u32 s13, $0x3  }
0x1b5: {  	s5 =	sand.u32 $0xFFFFFC00, s14;
	s26 =	sand.u32 $0x70, s13;
	s13 =	sand.u32 $0xFFFFFC00, s29  }
0x1b6: {  	s5 =	sor.u32 s4, s5;
	s4 =	sor.u32 s26, s13;
	s13 =	simm.s32 $0x2  }
0x1b7: {  	[sflag:s13] =	ssyncset.done $0x0  }
0x1b8: {  	p0 =	sgt.s32 s8, $0x0;
	[sflag:s13] =	ssyncadd.s32 $0xFFFF8000  }
0x1b9: {  	p4 =	slt.s32 s8, $0x1;
	s8 =	simm.s32 @!p0 $0x0;
	s26 =	spop (v2sf);
	v37 =	vld [tilespmem:s6+$0x280]  }
0x1ba: {  	s8 =	smin.u32 s8, $0xFFF;
	s14 =	sshra.s32 s26, $0x1F;
	p3 =	slt.s32 s26, $0x1;
	v36 =	vld [tilespmem:s7+$0x8280]  }
0x1bb: {  	p0 =	sgt.s32 s26, $0x0;
	s29 =	sshrl.u32 s14, $0x14;
	s7 =	rddreg [dreg:$0x1b];
	v33 =	vld [tilespmem:s25+$0x8300]  }
0x1bc: {  	s14 =	sadd.s32 s29, s26;
	s29 =	sand.u32 $0xFFF, s26;
	v24 =	vld [tilespmem:s4+$0x580];
	s4 =	rddreg [dreg:$0xf]  }
0x1bd: {  	s6 =	sand.u32 $0xF, s8;
	s25 =	simm.s32 $0xFFFFFFFF;
	v34 =	vld [tilespmem:s18+$0x8380];
	[smem:$0x7FD] =	sst s14  }
0x1be: {  	v30 =	vld [tilespmem:s19+$0x400];
	s19 =	simm.s32 $0xFFFFFFFF;
	s18 =	simm.s32 $0xFFFFFFFF;
	[smem:$0x7FC] =	sst s29  }
0x1bf: {  	s29 =	sadd.s32 $0xFFFFF000, s26;
	s26 =	simm.s32 @!p0 $0x0;
	p0 =	seq.s32 s7, $0x3C000  }
0x1c0: {  	p1 =	sne.s32 s6, $0x0;
	p2 =	sgt.s32 s29, $0x0;
	s13 =	smin.u32 s26, $0xFFF  }
0x1c1: {  	p5 =	slt.s32 s29, $0x1;
	p1 =	por !p4, !p1;
	s7 =	sand.u32 $0xF, s13  }
0x1c2: {  	v7 =	vld.msk @!p0 [tilespmem:s15+$0x8], $0xff;
	s29 =	simm.s32 @!p2 $0x0;
	p1 =	por !p1, !p1;
	p2 =	sne.s32 s7, $0x0  }
0x1c3: {  	v32 =	vld [tilespmem:s9+$0x380];
	s25 =	simm.s32 @!p1 $0x0;
	s9 =	smin.u32 s29, $0xFFF;
	p1 =	por !p3, !p2  }
0x1c4: {  	s14 =	sshll.u32 s25, $0x4;
	s25 =	sand.u32 $0xF, s9;
	p1 =	por !p1, !p1  }
0x1c5: {  	p4 =	por p3, p3;
	p3 =	sne.s32 s25, $0x0;
	s19 =	simm.s32 @!p1 $0x0  }
0x1c6: {  	s26 =	sadd.s32 s8, s14;
	p2 =	por !p5, !p3;
	s29 =	sshll.u32 s19, $0x4  }
0x1c7: {  	v22 =	vshll.u32 @!p0 v7, $0x6;
	p1 =	por !p2, !p2;
	s8 =	sadd.s32 s13, s29;
	s13 =	sshll.u32 s26, $0x3  }
0x1c8: {  	v35 =	vld [tilespmem:s10+$0x300];
	v23 =	vlaneseq.u32 @!p0;
	v7 =	vand.u32 @!p0 $0x7, v7;
	v22 =	vand.u32 @!p0 $0xFFFFFE00, v22;
	s18 =	simm.s32 @!p1 $0x0;
	s14 =	sand.u32 $0xFFFFFC00, s13;
	s13 =	sld [smem:$0x7BA]  }
0x1c9: {  	v28 =	vld [tilespmem:s0+$0x8400];
	s0 =	sand.u32 $0x70, s26;
	v7 =	vor.u32 @!p0 v7, v22;
	v22 =	vand.u32 @!p0 $0x7, v23;
	v23 =	vshrl.u32 @!p0 v23, $0x3;
	s19 =	sshll.u32 s18, $0x4;
	s18 =	sld [smem:$0x7BC]  }
0x1ca: {  	v31 =	vld [tilespmem:s28+$0x480];
	v7 =	vperm.xlane @!p0 v7, v22;
	v22 =	vmul.u32 @!p0 $0x8, v23;
	s28 =	sshll.u32 s8, $0x3;
	s29 =	sand.u32 $0x70, s8;
	s8 =	sld [smem:$0x7C1]  }
0x1cb: {  	v29 =	vld [tilespmem:s31+$0x8480];
	s0 =	sor.u32 s0, s14;
	s14 =	sld [smem:$0x7BB]  }
0x1cc: {  	v25 =	vld [tilespmem:s5+$0x8500];
	s26 =	sadd.s32 s9, s19;
	s5 =	sand.u32 $0xFFFFFC00, s28;
	s19 =	sld [smem:$0x7BD];
	v7 =	vadd.s32 @!p0 v22, v7  }
0x1cd: {  	v27 =	vld [tilespmem:s2+$0x500];
	s28 =	sld [smem:$0x7C0];
	s31 =	sshll.u32 s26, $0x3;
	s5 =	sor.u32 s29, s5  }
0x1ce: {  	v26 =	vld [tilespmem:s0+$0x8580];
	s2 =	sand.u32 $0x70, s26;
	s26 =	sld [smem:$0x7BF];
	s9 =	sand.u32 $0xFFFFFC00, s31  }
0x1cf: {  	s0 =	simm.s32 @!p0 $0x280;
	v23 =	vld [tilespmem:s5+$0x600];
	s5 =	rddreg [dreg:$0x13];
	s10 =	sor.u32 s2, s9  }
0x1d0: {  	vm1 =	vmmov @!p0 $0xffff;
	p3 =	sne.s32 s13, $0x0;
	s13 =	sld [smem:$0x7C3];
	v22 =	vld [tilespmem:s10+$0x8600];
	s10 =	simm.s32 @!p0 $0x0  }
0x1d1: {  	[tilespmem:s0], [sflag:$0x1] =	stream.indirect_vreg.gather @!p0 [hbm4b:s11+s10], $0x80, v7, vm1, $0xb8;
	[tilespmem:$0x10280] =	vst v63  }
0x1d2: {  	s2 =	rddreg [dreg:$0x19];
	p5 =	seq.s32 s14, $0x1;
	s0 =	simm.s32 @!p0 $0xA80  }
0x1d3: {  	[tilespmem:s0], [sflag:$0x1] =	stream.indirect_vreg.gather @!p0 [hbm4b:s20+s10], $0x80, v7, vm1, $0xb8;
	[tilespmem:$0x10280] =	vst v63  }
0x1d4: {  	s14 =	sld [smem:$0x7C4];
	p1 =	por !p5, !p3;
	s0 =	simm.s32 @!p0 $0x1280  }
0x1d5: {  	[tilespmem:s0], [sflag:$0x1] =	stream.indirect_vreg.gather @!p0 [hbm4b:s23+s10], $0x80, v7, vm1, $0xb8;
	[tilespmem:$0x10280] =	vst v63  }
0x1d6: {  	p3 =	sne.s32 s19, $0x0;
	s19 =	sld [smem:$0x7C6];
	s0 =	simm.s32 @!p0 $0x1A80  }
0x1d7: {  	[tilespmem:s0], [sflag:$0x1] =	stream.indirect_vreg.gather @!p0 [hbm4b:s24+s10], $0x80, v7, vm1, $0xb8;
	[tilespmem:$0x10280] =	vst v63  }
0x1d8: {  	s11 =	sld [smem:$0x7C2];
	s0 =	simm.s32 @!p0 $0x2280  }
0x1d9: {  	[tilespmem:s0], [sflag:$0x1] =	stream.indirect_vreg.gather @!p0 [hbm4b:s30+s10], $0x80, v7, vm1, $0xb8;
	[tilespmem:$0x10280] =	vst v63  }
0x1da: {  	s23 =	sld [smem:$0x7BE];
	s0 =	simm.s32 @!p0 $0x2A80  }
0x1db: {  	[tilespmem:s0], [sflag:$0x1] =	stream.indirect_vreg.gather @!p0 [hbm4b:s2+s10], $0x80, v7, vm1, $0xb8;
	[tilespmem:$0x10280] =	vst v63  }
0x1dc: {  	s0 =	simm.s32 @!p0 $0x3280;
	s2 =	rddreg [dreg:$0x1a]  }
0x1dd: {  	[tilespmem:s0], [sflag:$0x1] =	stream.indirect_vreg.gather @!p0 [hbm4b:s2+s10], $0x80, v7, vm1, $0xb8;
	[tilespmem:$0x10280] =	vst v63  }
0x1de: {  	s0 =	simm.s32 @!p0 $0x3A80;
	s2 =	rddreg [dreg:$0xd]  }
0x1df: {  	[tilespmem:s0], [sflag:$0x1] =	stream.indirect_vreg.gather @!p0 [hbm4b:s2+s10], $0x80, v7, vm1, $0xb8;
	[tilespmem:$0x10280] =	vst v63  }
0x1e0: {  	s0 =	simm.s32 @!p0 $0x4280;
	s2 =	rddreg [dreg:$0xe]  }
0x1e1: {  	[tilespmem:s0], [sflag:$0x1] =	stream.indirect_vreg.gather @!p0 [hbm4b:s2+s10], $0x80, v7, vm1, $0xb8;
	[tilespmem:$0x10280] =	vst v63  }
0x1e2: {  	p1 =	por !p1, !p1;
	s0 =	simm.s32 @!p0 $0x4A80;
	s2 =	rddreg [dreg:$0x12]  }
0x1e3: {  	[tilespmem:s0], [sflag:$0x1] =	stream.indirect_vreg.gather @!p0 [hbm4b:s2+s10], $0x80, v7, vm1, $0xb8;
	[tilespmem:$0x10280] =	vst v63  }
0x1e4: {  	p5 =	seq.s32 s23, $0x1;
	s23 =	sld [smem:$0x7C7];
	s0 =	simm.s32 $0x1  }
0x1e5: {  	s2 =	sshra.s32 s18, $0xC;
	s18 =	sld [smem:$0x7C5];
	s0 =	simm.s32 @!p1 $0x0  }
0x1e6: {  	p1 =	por !p5, !p3;
	p3 =	sne.s32 s28, $0x0;
	p5 =	seq.s32 s8, $0x1  }
0x1e7: {  	s8 =	sshra.s32 s14, $0xC;
	s0 =	ssub.s32 s2, s0;
	s2 =	simm.s32 @!p0 $0x5280  }
0x1e8: {  	[tilespmem:s2], [sflag:$0x1] =	stream.indirect_vreg.gather @!p0 [hbm4b:s4+s10], $0x80, v7, vm1, $0xb8;
	[tilespmem:$0x10280] =	vst v63  }
0x1e9: {  	p1 =	por !p1, !p1;
	s20 =	ssub.s32 $0x0, s0;
	s24 =	sadd.s32 $0xFFFFFFFF, s0  }
0x1ea: {  	s4 =	simm.s32 $0x1;
	s9 =	smin.u32 s0, s20;
	s0 =	ssub.s32 $0x1, s0  }
0x1eb: {  	s4 =	simm.s32 @!p1 $0x0;
	p1 =	por !p5, !p3;
	p3 =	sne.s32 s11, $0x0  }
0x1ec: {  	p5 =	seq.s32 s13, $0x1;
	s20 =	sshra.s32 s19, $0xC;
	s13 =	sld [smem:$0x7C8]  }
0x1ed: {  	s11 =	rddreg [dreg:$0x10];
	s2 =	smin.u32 s24, s0;
	s0 =	sshra.s32 s26, $0xC  }
0x1ee: {  	p1 =	por !p1, !p1;
	s9 =	ssub.s32 $0x1, s9;
	s0 =	ssub.s32 s0, s4  }
0x1ef: {  	s4 =	simm.s32 @!p0 $0x5A80;
	s9 =	scvt.s32.f32 s9;
	s2 =	ssub.s32 $0x1, s2  }
0x1f0: {  	[tilespmem:s4], [sflag:$0x1] =	stream.indirect_vreg.gather @!p0 [hbm4b:s5+s10], $0x80, v7, vm1, $0xb8;
	[tilespmem:$0x10280] =	vst v63  }
0x1f1: {  	s29 =	ssub.s32 $0x0, s0;
	s30 =	sadd.s32 $0xFFFFFFFF, s0;
	s31 =	ssub.s32 $0x1, s0  }
0x1f2: {  	s14 =	sshra.s32 s13, $0xC;
	s2 =	scvt.s32.f32 s2;
	s5 =	smin.u32 s0, s29  }
0x1f3: {  	s4 =	smin.u32 s30, s31;
	s0 =	simm.s32 $0x1;
	s29 =	simm.s32 $0x1  }
0x1f4: {  	s0 =	simm.s32 @!p1 $0x0;
	p1 =	por !p5, !p3;
	p3 =	sne.s32 s18, $0x0  }
0x1f5: {  	p5 =	seq.s32 s23, $0x1;
	s23 =	sld [smem:$0x7CA];
	s5 =	ssub.s32 $0x1, s5  }
0x1f6: {  	s0 =	ssub.s32 s8, s0;
	p1 =	por !p1, !p1;
	s8 =	simm.s32 $0x1  }
0x1f7: {  	s4 =	ssub.s32 $0x1, s4;
	s5 =	scvt.s32.f32 s5;
	s8 =	simm.s32 @!p1 $0x0  }
0x1f8: {  	p1 =	por !p5, !p3;
	s24 =	ssub.s32 $0x0, s0;
	s26 =	sadd.s32 $0xFFFFFFFF, s0  }
0x1f9: {  	s18 =	ssub.s32 s20, s8;
	s8 =	smin.u32 s0, s24;
	s0 =	ssub.s32 $0x1, s0  }
0x1fa: {  	p1 =	por !p1, !p1;
	s20 =	sld [smem:$0x7C9];
	p2 =	sne.s32 s23, $0x0  }
0x1fb: {  	s23 =	sld [smem:$0x7CF];
	s28 =	ssub.s32 $0x0, s18;
	s30 =	smin.u32 s26, s0  }
0x1fc: {  	s29 =	simm.s32 @!p1 $0x0;
	s31 =	sadd.s32 $0xFFFFFFFF, s18;
	s26 =	smin.u32 s18, s28  }
0x1fd: {  	s18 =	ssub.s32 $0x1, s18;
	s19 =	ssub.s32 s14, s29;
	s29 =	sld [smem:$0x7CB]  }
0x1fe: {  	s4 =	scvt.s32.f32 s4;
	s14 =	sld [smem:$0x7CD];
	s28 =	smin.u32 s31, s18  }
0x1ff: {  	s18 =	simm.s32 @!p0 $0x6280;
	p3 =	sne.s32 s20, $0x0;
	s31 =	sld [smem:$0x7CC]  }
0x200: {  	[tilespmem:s18], [sflag:$0x1] =	stream.indirect_vreg.gather @!p0 [hbm4b:s11+s10], $0x80, v7, vm1, $0xb8;
	[tilespmem:$0x10280] =	vst v63  }
0x201: {  	s13 =	sadd.s32 $0xFFFFFFFF, s19;
	s0 =	ssub.s32 $0x1, s19;
	s18 =	sld [smem:$0x7CE]  }
0x202: {  	s24 =	ssub.s32 $0x0, s19;
	s0 =	smin.u32 s13, s0;
	s11 =	sld [smem:$0x7D5]  }
0x203: {  	p5 =	seq.s32 s29, $0x1;
	s29 =	smin.u32 s19, s24;
	s19 =	simm.s32 $0x1  }
0x204: {  	s24 =	sshra.s32 s23, $0xC;
	p1 =	por !p5, !p3;
	p5 =	seq.s32 s31, $0x1  }
0x205: {  	s31 =	simm.s32 $0x1;
	p2 =	por !p5, !p2;
	p1 =	por !p1, !p1  }
0x206: {  	s20 =	sshra.s32 s18, $0xC;
	p2 =	por !p2, !p2;
	s19 =	simm.s32 @!p1 $0x0  }
0x207: {  	p1 =	sne.s32 s17, $0x0;
	s17 =	sld [smem:$0x7D8];
	s31 =	simm.s32 @!p2 $0x0  }
0x208: {  	s18 =	ssub.s32 s20, s19;
	s13 =	ssub.s32 s24, s31;
	s31 =	rddreg [dreg:$0x1f]  }
0x209: {  	s8 =	ssub.s32 $0x1, s8;
	s19 =	ssub.s32 $0x0, s18;
	s24 =	sld [smem:$0x7D0]  }
0x20a: {  	v38 =	vmov s14;
	s14 =	sadd.s32 $0xFFFFFFFF, s18;
	s20 =	ssub.s32 $0x1, s18;
	v49 =	vmov s31;
	s31 =	sld [smem:$0x7D1]  }
0x20b: {  	vm2 =	veq.s32 v38, v0;
	s19 =	smin.u32 s18, s19;
	s18 =	smin.u32 s14, s20;
	s20 =	sld [smem:$0x7D2]  }
0x20c: {  	s8 =	scvt.s32.f32 s8;
	v38 =	vsel vm2, $0x3F800000, v3;
	s23 =	ssub.s32 $0x0, s13;
	vm2 =	veq.s32 v49, v0;
	v50 =	vmov s24;
	s24 =	sld [smem:$0x7D4]  }
0x20d: {  	s0 =	ssub.s32 $0x1, s0;
	v21 =	vmul.f32 v38, v21;
	v40 =	vsel vm2, $0x3F800000, v3;
	v39 =	vmov s31;
	s31 =	smin.u32 s13, s23;
	s23 =	sld [smem:$0x7D3]  }
0x20e: {  	s14 =	sadd.s32 $0xFFFFFFFF, s13;
	s13 =	ssub.s32 $0x1, s13;
	v41 =	vmov s20;
	v19 =	vmul.f32 v40, v19;
	s20 =	sld [smem:$0x7D9]  }
0x20f: {  	s0 =	scvt.s32.f32 s0;
	v21 =	vmul.f32 s9, v21;
	vm2 =	veq.s32 v50, v0;
	s9 =	smin.u32 s14, s13;
	s13 =	sld [smem:$0x7D6]  }
0x210: {  	v38 =	vsel vm2, $0x3F800000, v3;
	s14 =	sld [smem:$0x7D7];
	p5 =	seq.s32 s24, $0x1;
	v19 =	vmul.f32 s2, v19;
	s2 =	simm.s32 $0x1  }
0x211: {  	vm2 =	veq.s32 v39, v0;
	vm3 =	veq.s32 v41, v0;
	v20 =	vmul.f32 v38, v20;
	s24 =	sld [smem:$0x7DB];
	s9 =	ssub.s32 $0x1, s9;
	p3 =	sne.s32 s23, $0x0  }
0x212: {  	v51 =	vsel vm2, $0x3F800000, v3;
	v52 =	vsel vm3, $0x3F800000, v3;
	s23 =	sld [smem:$0x7DA];
	s9 =	scvt.s32.f32 s9;
	p2 =	por !p5, !p3  }
0x213: {  	v17 =	vmul.f32 v51, v17;
	v20 =	vmul.f32 s5, v20;
	p5 =	seq.s32 s13, $0x1;
	v54 =	vmov s14;
	s5 =	sshra.s32 s20, $0xC;
	s14 =	ssub.s32 $0x1, s30  }
0x214: {  	v18 =	vmul.f32 v52, v18;
	s20 =	sld [smem:$0x7DC];
	p1 =	por !p5, !p1;
	p2 =	por !p2, !p2  }
0x215: {  	v39 =	vmul.f32 s4, v17;
	s4 =	simm.s32 $0x1;
	v57 =	vmov s24;
	s24 =	ssub.s32 $0x1, s28;
	s2 =	simm.s32 @!p2 $0x0  }
0x216: {  	v17 =	vmul.f32 s8, v18;
	p1 =	por !p1, !p1;
	s8 =	sshra.s32 s23, $0xC;
	s23 =	ssub.s32 $0x1, s26  }
0x217: {  	v53 =	vmov s11;
	v55 =	vmov s17;
	s26 =	ssub.s32 $0x1, s29;
	s29 =	sld [smem:$0x7DD];
	s17 =	ssub.s32 s5, s2  }
0x218: {  	vm2 =	veq.s32 v53, v0;
	p3 =	sne.s32 s20, $0x0;
	s5 =	scvt.s32.f32 s23;
	s20 =	sld [smem:$0x7DF]  }
0x219: {  	v56 =	vsel vm2, $0x3F800000, v3;
	vm2 =	veq.s32 v54, v0;
	s4 =	simm.s32 @!p1 $0x0;
	s13 =	scvt.s32.f32 s26;
	s23 =	sld [smem:$0x7E0]  }
0x21a: {  	v18 =	vsel vm2, $0x3F800000, v3;
	vm2 =	veq.s32 v55, v0;
	s26 =	sld [smem:$0x7E2];
	s11 =	ssub.s32 s8, s4;
	s4 =	scvt.s32.f32 s14  }
0x21b: {  	v14 =	vmul.f32 v18, v14;
	v58 =	vsel vm2, $0x3F800000, v3;
	s8 =	scvt.s32.f32 s24;
	s14 =	sld [smem:$0x7DE]  }
0x21c: {  	v16 =	vmul.f32 v56, v16;
	v13 =	vmul.f32 v58, v13;
	s24 =	sld [smem:$0x7E1];
	s28 =	ssub.s32 $0x0, s11;
	p5 =	seq.s32 s29, $0x1  }
0x21d: {  	vm3 =	veq.s32 v57, v0;
	v18 =	vmul.f32 s5, v14;
	s30 =	sadd.s32 $0xFFFFFFFF, s11;
	s2 =	ssub.s32 $0x1, s11;
	s29 =	sld [smem:$0x7E4]  }
0x21e: {  	v59 =	vsel vm3, $0x3F800000, v3;
	v16 =	vmul.f32 s4, v16;
	p1 =	por !p5, !p3;
	s4 =	smin.u32 s11, s28;
	v14 =	vmul.f32 s8, v13;
	s8 =	simm.s32 $0x1  }
0x21f: {  	v15 =	vmul.f32 v59, v15;
	s5 =	smin.u32 s30, s2;
	s28 =	sld [smem:$0x7E3];
	s30 =	ssub.s32 $0x1, s19  }
0x220: {  	v61 =	vmov s20;
	v63 =	vmov s26;
	s19 =	ssub.s32 $0x1, s18;
	s20 =	ssub.s32 $0x1, s31;
	s26 =	sld [smem:$0x7E5]  }
0x221: {  	v13 =	vmul.f32 s13, v15;
	s31 =	sld [smem:$0x7E8];
	s13 =	simm.s32 $0x1;
	p1 =	por !p1, !p1  }
0x222: {  	s2 =	sshra.s32 s24, $0xC;
	s11 =	scvt.s32.f32 s30;
	s18 =	scvt.s32.f32 s19  }
0x223: {  	v60 =	vmov s14;
	s14 =	scvt.s32.f32 s20;
	s4 =	ssub.s32 $0x1, s4;
	s19 =	sld [smem:$0x7EB]  }
0x224: {  	s5 =	ssub.s32 $0x1, s5;
	p5 =	seq.s32 s29, $0x1;
	s29 =	sld [smem:$0x7E7]  }
0x225: {  	vm3 =	veq.s32 v61, v0;
	s8 =	simm.s32 @!p1 $0x0;
	s4 =	scvt.s32.f32 s4;
	s5 =	scvt.s32.f32 s5  }
0x226: {  	v62 =	vmov s23;
	vm2 =	veq.s32 v60, v0;
	v38 =	vsel vm3, $0x3F800000, v3;
	s8 =	ssub.s32 s2, s8;
	p3 =	sne.s32 s28, $0x0;
	s28 =	sld [smem:$0x7E6]  }
0x227: {  	v15 =	vsel vm2, $0x3F800000, v3;
	vm2 =	veq.s32 v62, v0;
	v46 =	vmov s26;
	s26 =	sld [smem:$0x7ED];
	p1 =	por !p5, !p3;
	s23 =	ssub.s32 $0x0, s8  }
0x228: {  	v9 =	vmul.f32 v38, v9;
	v42 =	vsel vm2, $0x3F800000, v3;
	s24 =	sadd.s32 $0xFFFFFFFF, s8;
	s20 =	sshra.s32 s19, $0xC;
	s2 =	smin.u32 s8, s23  }
0x229: {  	v10 =	vmul.f32 v15, v10;
	vm2 =	veq.s32 v63, v0;
	v15 =	vmul.f32 v42, v11;
	s8 =	ssub.s32 $0x1, s8;
	p1 =	por !p1, !p1;
	s23 =	sld [smem:$0x7EC]  }
0x22a: {  	v43 =	vsel vm2, $0x3F800000, v3;
	s30 =	sshra.s32 s29, $0xC;
	vm2 =	veq.s32 v46, v0;
	s29 =	sld [smem:$0x7EE];
	v46 =	vmov s1;
	s1 =	simm.s32 $0x1  }
0x22b: {  	v44 =	vmul.f32 s0, v10;
	v12 =	vmul.f32 v43, v12;
	s0 =	smin.u32 s24, s8;
	s8 =	simm.s32 $0x1;
	v54 =	vmov s26;
	s26 =	sld [smem:$0x7F3]  }
0x22c: {  	p3 =	sne.s32 s28, $0x0;
	s2 =	ssub.s32 $0x1, s2;
	v10 =	vmul.f32 s18, v15;
	s18 =	sld [smem:$0x7EA]  }
0x22d: {  	v45 =	vmul.f32 s11, v9;
	s8 =	simm.s32 @!p1 $0x0;
	s2 =	scvt.s32.f32 s2;
	v9 =	vmul.f32 s14, v12;
	s14 =	sld [smem:$0x7E9]  }
0x22e: {  	v47 =	vadd.f32 $0.0e+00, v21;
	v51 =	vsel vm2, $0x3F800000, v3;
	s0 =	ssub.s32 $0x1, s0;
	s8 =	ssub.s32 s30, s8;
	s30 =	sld [smem:$0x7EF]  }
0x22f: {  	v8 =	vmul.f32 v51, v8;
	v55 =	vmov s29;
	s0 =	scvt.s32.f32 s0;
	s29 =	sld [smem:$0x7F4];
	s24 =	ssub.s32 $0x0, s8  }
0x230: {  	v50 =	vadd.f32 v19, v47;
	s28 =	sadd.s32 $0xFFFFFFFF, s8;
	p5 =	seq.s32 s18, $0x1;
	s18 =	sld [smem:$0x7F0]  }
0x231: {  	v8 =	vmul.f32 s9, v8;
	s9 =	smin.u32 s8, s24;
	s8 =	ssub.s32 $0x1, s8;
	s24 =	sld [smem:$0x7F2]  }
0x232: {  	v48 =	vmov s31;
	v12 =	vadd.f32 v20, v50;
	p1 =	por !p5, !p3;
	p3 =	sne.s32 s23, $0x0;
	s31 =	smin.u32 s28, s8  }
0x233: {  	vm2 =	veq.s32 v48, v0;
	v56 =	vmov s30;
	s28 =	sshra.s32 s26, $0xC;
	s9 =	ssub.s32 $0x1, s9;
	s30 =	ssub.s32 $0x0, s17  }
0x234: {  	v52 =	vsel vm2, $0x3F800000, v3;
	v12 =	vadd.f32 v39, v12;
	v49 =	vmov s14;
	p1 =	por !p1, !p1;
	p5 =	seq.s32 s18, $0x1;
	s18 =	sld [smem:$0x7F6]  }
0x235: {  	v15 =	vmul.f32 v52, v37;
	vm2 =	veq.s32 v49, v0;
	s9 =	scvt.s32.f32 s9;
	s13 =	simm.s32 @!p1 $0x0;
	v58 =	vmov s24;
	s24 =	sld [smem:$0x7FA]  }
0x236: {  	v12 =	vadd.f32 v17, v12;
	v53 =	vsel vm2, $0x3F800000, v3;
	s13 =	ssub.s32 s20, s13;
	p1 =	por !p5, !p3;
	s20 =	sld [smem:$0x7F1]  }
0x237: {  	v15 =	vmul.f32 s4, v15;
	vm2 =	veq.s32 v55, v0;
	v19 =	vmul.f32 v53, v36;
	p3 =	sne.s32 s29, $0x0;
	s19 =	ssub.s32 $0x0, s13;
	s23 =	sadd.s32 $0xFFFFFFFF, s13  }
0x238: {  	v21 =	vsel vm2, $0x3F800000, v3;
	vm2 =	veq.s32 v56, v0;
	v12 =	vadd.f32 v16, v12;
	p1 =	por !p1, !p1;
	s8 =	smin.u32 s13, s19;
	s19 =	sld [smem:$0x7F7]  }
0x239: {  	v59 =	vsel vm2, $0x3F800000, v3;
	v19 =	vmul.f32 s5, v19;
	s13 =	ssub.s32 $0x1, s13;
	s5 =	ssub.s32 $0x1, s31;
	v63 =	vmov s18;
	s18 =	sld [smem:$0x7FD]  }
0x23a: {  	v15 =	vadd.f32 $0.0e+00, v15;
	v16 =	vmul.f32 v59, v33;
	s11 =	sshra.s32 s24, $0xC;
	v57 =	vmov s20;
	s4 =	smin.u32 s23, s13;
	s20 =	sld [smem:$0x7F8]  }
0x23b: {  	v21 =	vmul.f32 v21, v35;
	v12 =	vadd.f32 v18, v12;
	s13 =	simm.s32 $0x1;
	s5 =	scvt.s32.f32 s5;
	s23 =	sld [smem:$0x7F9];
	vm2 =	veq.s32 v57, v0  }
0x23c: {  	s8 =	ssub.s32 $0x1, s8;
	s13 =	simm.s32 @!p1 $0x0;
	v16 =	vmul.f32 s0, v16;
	s0 =	smin.u32 s17, s30;
	v60 =	vsel vm2, $0x3F800000, v3;
	vm2 =	veq.s32 v58, v0  }
0x23d: {  	v21 =	vmul.f32 s2, v21;
	v15 =	vadd.f32 v19, v15;
	s8 =	scvt.s32.f32 s8;
	s4 =	ssub.s32 $0x1, s4;
	s13 =	ssub.s32 s28, s13;
	v17 =	vsel vm2, $0x3F800000, v3  }
0x23e: {  	s0 =	ssub.s32 $0x1, s0;
	s28 =	sld [smem:$0x7FB];
	v61 =	vmul.f32 v60, v32;
	s14 =	ssub.s32 $0x0, s13;
	v32 =	vmov s19;
	v33 =	vmov s20  }
0x23f: {  	s4 =	scvt.s32.f32 s4;
	vm2 =	veq.s32 v54, v0;
	v17 =	vmul.f32 v17, v34;
	s31 =	smin.u32 s13, s14;
	s14 =	sld [smem:$0x7F5];
	v34 =	vmov s16  }
0x240: {  	s0 =	scvt.s32.f32 s0;
	v35 =	vsel vm2, $0x3F800000, v3;
	vm2 =	veq.s32 v63, v0;
	v18 =	vmul.f32 s9, v61;
	s9 =	sadd.s32 $0xFFFFFFFF, s13;
	s13 =	ssub.s32 $0x1, s13  }
0x241: {  	s16 =	ssub.s32 $0x1, s17;
	v36 =	vsel vm2, $0x3F800000, v3;
	vm2 =	veq.s32 v32, v0;
	s2 =	ssub.s32 $0x1, s31;
	v62 =	vmul.f32 s5, v17;
	s5 =	smin.u32 s9, s13  }
0x242: {  	v12 =	vadd.f32 v14, v12;
	s9 =	simm.s32 $0x1;
	v37 =	vsel vm2, $0x3F800000, v3;
	vm2 =	veq.s32 v33, v0;
	s2 =	scvt.s32.f32 s2;
	p5 =	seq.s32 s14, $0x1  }
0x243: {  	v15 =	vadd.f32 v21, v15;
	s13 =	sshra.s32 s28, $0xC;
	s5 =	ssub.s32 $0x1, s5;
	v38 =	vsel vm2, $0x3F800000, v3;
	vm2 =	veq.s32 v34, v0;
	p1 =	por !p5, !p3  }
0x244: {  	v12 =	vadd.f32 v13, v12;
	s14 =	sadd.s32 $0xFFFFFFFF, s17;
	p3 =	sne.s32 s23, $0x0;
	v40 =	vsel vm2, $0x3F800000, v3;
	p1 =	por !p1, !p1  }
0x245: {  	v47 =	vmov s22;
	v15 =	vadd.f32 v16, v15;
	s5 =	scvt.s32.f32 s5;
	p5 =	por !p6, !p3;
	v42 =	vmul.f32 v40, v29;
	s9 =	simm.s32 @!p1 $0x0  }
0x246: {  	v50 =	vmov s6;
	v12 =	vadd.f32 v44, v12;
	v6 =	vmul.f32 v35, v6;
	p1 =	por !p5, !p5;
	s9 =	ssub.s32 s11, s9;
	s11 =	simm.s32 $0x1  }
0x247: {  	v16 =	vmul.f32 v36, v30;
	v15 =	vadd.f32 v18, v15;
	v44 =	vmul.f32 s5, v42;
	s5 =	simm.s32 @!p0 $0x6A80;
	s26 =	ssub.s32 $0x0, s9;
	s11 =	simm.s32 @!p1 $0x0  }
0x248: {  	v17 =	vmul.f32 v37, v28;
	v6 =	vmul.f32 s0, v6;
	v11 =	vadd.f32 v45, v12;
	s29 =	sadd.s32 $0xFFFFFFFF, s9;
	s30 =	ssub.s32 $0x1, s9;
	s11 =	ssub.s32 s13, s11  }
0x249: {  	v45 =	vmov s12;
	v39 =	vmul.f32 v38, v31;
	v41 =	vmul.f32 s8, v16;
	s0 =	smin.u32 s9, s26;
	s31 =	smin.u32 s29, s30;
	s13 =	sld [smem:$0x7FC]  }
0x24a: {  	vm2 =	veq.s32 v45, v0;
	v14 =	vadd.f32 v62, v15;
	v17 =	vmul.f32 s4, v17;
	s8 =	ssub.s32 $0x0, s11;
	s9 =	sadd.s32 $0xFFFFFFFF, s11;
	s0 =	ssub.s32 $0x1, s0  }
0x24b: {  	v49 =	vsel vm2, $0x3F800000, v3;
	vm2 =	veq.s32 v46, v0;
	v13 =	vmul.f32 s2, v39;
	s4 =	smin.u32 s11, s8;
	s11 =	ssub.s32 $0x1, s11;
	s8 =	rddreg [dreg:$0x14]  }
0x24c: {  	v16 =	vsel vm2, $0x3F800000, v3;
	vm2 =	veq.s32 v47, v0;
	v43 =	vadd.f32 v41, v14;
	s0 =	scvt.s32.f32 s0;
	s12 =	smin.u32 s9, s11;
	p6 =	sne.s32 s13, $0x0  }
0x24d: {  	v12 =	vmul.f32 v49, v27;
	v51 =	vsel vm2, $0x3F800000, v3;
	vm2 =	veq.s32 v50, v0;
	[tilespmem:s5], [sflag:$0x1] =	stream.indirect_vreg.gather @!p0 [hbm4b:s8+s10], $0x80, v7, vm1, $0xb8;
	[tilespmem:$0x10280] =	vst v63  }
0x24e: {  	v52 =	vmul.f32 v16, v25;
	v53 =	vsel vm2, $0x3F800000, v3;
	v48 =	vadd.f32 v17, v43;
	s2 =	ssub.s32 $0x1, s31;
	p1 =	por !p4, !p6;
	s17 =	ssub.s32 $0x1, s12  }
0x24f: {  	v54 =	vmul.f32 v53, v26;
	s2 =	scvt.s32.f32 s2;
	v12 =	vmul.f32 s0, v12;
	p1 =	por !p1, !p1;
	s0 =	scvt.s32.f32 s17  }
0x250: {  	s19 =	rddreg [dreg:$0x1d];
	v10 =	vadd.f32 v10, v11;
	v11 =	vadd.f32 v13, v48;
	s8 =	sshra.s32 s18, $0xC;
	s1 =	simm.s32 @!p1 $0x0  }
0x251: {  	v55 =	vmov s19;
	v15 =	vmul.f32 s2, v52;
	s2 =	simm.s32 @!p0 $0x7280;
	s1 =	ssub.s32 s8, s1;
	v57 =	vmul.f32 s0, v54;
	s0 =	rddreg [dreg:$0x11]  }
0x252: {  	vm2 =	veq.s32 v55, v0;
	v11 =	vadd.f32 v44, v11;
	[tilespmem:s2], [sflag:$0x1] =	stream.indirect_vreg.gather @!p0 [hbm4b:s0+s10], $0x80, v7, vm1, $0xb8;
	[tilespmem:$0x10280] =	vst v63  }
0x253: {  	v58 =	vmov s7;
	v9 =	vadd.f32 v9, v10;
	v59 =	vsel vm2, $0x3F800000, v3;
	s4 =	ssub.s32 $0x1, s4;
	s22 =	ssub.s32 $0x0, s1  }
0x254: {  	vm2 =	veq.s32 v58, v0;
	v13 =	vmul.f32 v51, v24;
	s5 =	smin.u32 s14, s16;
	s4 =	scvt.s32.f32 s4;
	v11 =	vadd.f32 v12, v11;
	s2 =	smin.u32 s1, s22  }
0x255: {  	v8 =	vadd.f32 v8, v9;
	v9 =	vsel vm2, $0x3F800000, v3;
	s20 =	ssub.s32 $0x1, s5;
	s2 =	ssub.s32 $0x1, s2  }
0x256: {  	v9 =	vmul.f32 v9, v23;
	v56 =	vmul.f32 s4, v13;
	v11 =	vadd.f32 v15, v11;
	s23 =	sadd.s32 $0xFFFFFFFF, s1;
	s1 =	ssub.s32 $0x1, s1;
	s2 =	scvt.s32.f32 s2  }
0x257: {  	v60 =	vmov s25;
	s25 =	rddreg [dreg:$0x1b];
	v5 =	vmul.f32 v59, v5;
	s0 =	scvt.s32.f32 s20;
	s1 =	smin.u32 s23, s1  }
0x258: {  	vm2 =	veq.s32 v60, v0;
	v10 =	vadd.f32 v56, v11;
	s24 =	ssub.s32 $0x1, s1;
	s1 =	simm.s32 @!p0 $0x7A80;
	v9 =	vmul.f32 s2, v9;
	s2 =	rddreg [dreg:$0x9]  }
0x259: {  	v61 =	vsel vm2, $0x3F800000, v3;
	v6 =	vadd.f32 v6, v8;
	[tilespmem:s1], [sflag:$0x1] =	stream.indirect_vreg.gather @!p0 [hbm4b:s2+s10], $0x80, v7, vm1, $0xb8;
	[tilespmem:$0x10280] =	vst v63  }
0x25a: {  	v63 =	vmul.f32 v61, v22;
	v5 =	vmul.f32 s0, v5;
	v62 =	vadd.f32 v57, v10;
	s0 =	scvt.s32.f32 s24;
	s2 =	sadd.s32 $0x4000, s25  }
0x25b: {  	s28 =	simm.s32 $0x8280;
	s26 =	rddreg [dreg:$0x1e];
	p0 =	sne.s32 s2, $0x40000  }
.Ltmp0:
0x25c: {  	s29 =	simm.s32 $0x3;
	v5 =	vadd.f32 v5, v6;
	v7 =	vmul.f32 s0, v63;
	s0 =	sadd.s32 $0x3000, s26;
	v6 =	vadd.f32 v9, v62;
	(pc) =	sbr.rel @p0 .LBB2_2-.Ltmp0, $4  }
0x25d: {  	[hbm4b:s0+s3] =	stream.linear.scatter [tilespmem:s28], [sflag:$0x3], $0x8000, $0x38;
	[tilespmem:$0x10280] =	vst v63  }
0x25e: {  	s15 =	sadd.s32 $0x10, s15;
	s10 =	rddreg [dreg:$0x9];
	v4 =	vadd.f32 v5, v4;
	v5 =	vadd.f32 v7, v6;
	_ =	swait.ge [sflag:s29], $0x8000  }
0x25f: {  	s30 =	simm.s32 $0x3;
	[sflag:s29] =	ssyncset.done $0x0;
	s31 =	rddreg [dreg:$0x1c]  }
0x260: {  	s0 =	simm.s32 $0x8280;
	v4 =	vadd.f32 v5, v4;
	[sflag:s30] =	ssyncadd.s32 $0xFFFF8000;
	s9 =	sadd.s32 $0x10, s31  }
0x261: {  	_ = 	snop  }
0x262: {  	s0 =	rddreg [dreg:$0xa];
	s1 =	simm.s32 $0x200;
	s25 =	simm.s32 $0x3;
	[tilespmem:$0x200] =	vst v4  }
0x263: {  	[hbm4b:s0+s3] =	stream.linear.scatter [tilespmem:s1], [sflag:$0x3], $0x80, $0x38;
	[tilespmem:$0x10280] =	vst v63  }
0x264: {  	_ =	swait.ge [sflag:s25], $0x80  }
0x265: {  	s2 =	rddreg [dreg:$0xc]  }
0x266: {  	s26 =	rddreg [dreg:$0xb]  }
0x267: {  	s6 =	rddreg [dreg:$0x15]  }
0x268: {  	s8 =	rddreg [dreg:$0x16]  }
0x269: {  	s11 =	rddreg [dreg:$0x17]  }
0x26a: {  	s12 =	rddreg [dreg:$0x18]  }
0x26b: {  	s13 =	rddreg [dreg:$0x19]  }
0x26c: {  	s14 =	rddreg [dreg:$0x1a]  }
0x26d: {  	s4 =	simm.s32 $0xA80;
	s5 =	simm.s32 $0x1280;
	s15 =	rddreg [dreg:$0xd]  }
0x26e: {  	s7 =	simm.s32 $0x1A80;
	s16 =	rddreg [dreg:$0xe];
	s2 =	sadd.s32 $0x1, s2  }
0x26f: {  	s24 =	simm.s32 $0x2280;
	s17 =	rddreg [dreg:$0x12];
	p0 =	sne.s32 s2, s26  }
.Ltmp1:
0x270: {  	s28 =	simm.s32 $0x3A80;
	s18 =	rddreg [dreg:$0xf];
	(pc) =	sbr.rel @p0 .LBB2_1-.Ltmp1, $4  }
0x271: {  	s29 =	simm.s32 $0x4280;
	s30 =	simm.s32 $0x4A80;
	s19 =	rddreg [dreg:$0x13]  }
0x272: {  	s31 =	simm.s32 $0x5280;
	[sflag:s25] =	ssyncset.done $0x0;
	s20 =	rddreg [dreg:$0x10]  }
0x273: {  	[sflag:s25] =	ssyncadd.s32 $0xFFFFFF80;
	s25 =	simm.s32 $0x2A80;
	[dreg:$0xc] =	wrdreg s2  }
0x274: {  	s9 =	rddreg [dreg:$0x0];
	s2 =	simm.s32 $0x280;
	s26 =	simm.s32 $0x3280  }
0x275: {  	_ =	sfence.sel $0x180000  }
0x276: {  	[bflag:$0x0] =	sbarrier.arrive $0xFFFF  }
0x277: {  	_ =	strace $0x9000004A  }
0x278: {  	s0 =	stileid.u32;
	[bflag:$0x2] =	sbarrier.arrive $0xFFFF  }
0x279: {  	p0 =	sne.s32 s0, $0x0;
	s0 =	rddreg [dreg:$0x5]  }
0x27a: {  	s0 =	sadd.s32 @!p0 $0x100000, s0  }
0x27b: {  	[sflag:s0] =	ssyncadd.tile.s32 @!p0 $0x1;
	_ =	shalt  }
.Lfunc_end2:
_tile_overlayer_lowered:
.L_overlay_start_2:
0x27c: {  	(tag) =	ssettag $0x2  }
0x27d: {  	s0 =	rddreg [dreg:$0x0];
	s2 =	stileid.u32  }
0x27e: {  	s1 =	rddreg [dreg:$0x1];
	p0 =	sne.s32 s2, $0x0  }
0x27f: {  	s3 =	rddreg [dreg:$0x2];
	[bflag:$0x3] =	sbarrier.arrive $0xFFFF;
	s2 =	simm.s32 @!p0 $0x1C03  }
0x280: {  	[timem:s3], [sflag:s2] =	dma.local @!p0 [hbm:s0], s1  }
0x281: {  	s0 =	simm.s32 @!p0 $0x3  }
0x282: {  	_ =	swait.ge @!p0 [sflag:s0], s1  }
0x283: {  	s1 =	ssub.s32 @!p0 $0x0, s1;
	[sflag:s0] =	ssyncset.done @!p0 $0x0  }
0x284: {  	[sflag:s0] =	ssyncadd.s32 @!p0 s1  }
0x285: {  	[bflag:$0x3] =	sbarrier.arrive $0xFFFF  }
0x286: {  	_ =	shalt  }

// kernel: scatter_offload_async_start
scs
__scs_entry_jumppad:
0x0: {  	(pc) =	sbr.rel $0x88, $3  }
0x1: {  	(tag) =	ssettag $0x0;
	lr =	simm.s32 $0x1  }
0x2: {  	[smem:$0x3F9E] =	sst lr;
	_ =	strace $0xD0000000  }
0x3: {  	_ = 	snop  }
0x4: {  	_ = 	snop  }
0x5: {  	_ = 	snop  }
0x6: {  	_ = 	snop  }
0x7: {  	_ = 	snop  }
__scs_overlays_trampoline_lowered:
0x8: {  	[smem:$0x3FAD] =	sst s0  }
0x9: {  	[smem:$0x3FAE] =	sst s1  }
0xa: {  	[smem:$0x3FAF] =	sst s2  }
0xb: {  	[smem:$0x3FB0] =	sst s3  }
0xc: {  	[smem:$0x3FB1] =	sst s4  }
0xd: {  	[smem:$0x3FB2] =	sst s5  }
0xe: {  	[smem:$0x3FB3] =	sst s6  }
0xf: {  	[smem:$0x3FB4] =	sst s7  }
0x10: {  	[smem:$0x3FB5] =	sst s8  }
0x11: {  	[smem:$0x3FB6] =	sst s9;
	s0 =	simm.s32 @!p0 $0x0  }
0x12: {  	s1 =	sld [smem:$0x3F9C];
	s0 =	simm.s32 @p0 $0x1  }
0x13: {  	[smem:$0x3FB7] =	sst s0;
	s0 =	simm.s32 @!p1 $0x0  }
0x14: {  	s2 =	sld [smem:$0x3F9B];
	s0 =	simm.s32 @p1 $0x1  }
0x15: {  	[smem:$0x3FB8] =	sst s0;
	s0 =	simm.s32 @!p2 $0x0  }
0x16: {  	s3 =	sld [smem:$0x3FDB];
	s0 =	simm.s32 @p2 $0x1  }
0x17: {  	s4 =	simm.s32 $0x1BF5;
	[smem:$0x3FBA] =	sst s0  }
0x18: {  	s0 =	sld [smem:$0x3F9D];
	_ =	swait.ge [sflag:s4], $0x0  }
0x19: {  	s7 =	sld [smem:$0x3F9E]  }
0x1a: {  	s8 =	sadd.s32 $0xFFFFE003, lr  }
0x1b: {  	s9 =	sadd.s32 $0xFFFFFEF7, lr;
	s5 =	simm.s32 $0xFFFFFFFF;
	p2 =	slt.u32 s8, $0xFFFFF086  }
0x1c: {  	p1 =	slt.u32 s9, $0xF7A;
	s5 =	simm.s32 @!p2 $0x0  }
0x1d: {  	s5 =	simm.s32 @p1 $0x1;
	p0 =	seq.s32 s7, s2  }
0x1e: {  	s7 =	smul.u32 @!p0 $0xF7A, s2;
	p2 =	seq.s32 @!p0 s5, $0x0  }
0x1f: {  	s9 =	smul.u32 $0xF7A, s1;
	s8 =	simm.s32 @!p0 $0x1BF5;
	p2 =	por !p2, p0  }
0x20: {  	[sflag:s8] =	ssyncset.s32 @!p0 $0xFFFFF086;
	s6 =	sadd.s32 @!p0 s3, s7;
	s7 =	simm.s32 @!p0 $0x108  }
0x21: {  	s3 =	sadd.s32 s3, s9;
	s6 =	sadd.s32 @!p0 $0x88, s6;
	s7 =	simm.s32 @p2 $0x1082  }
0x22: {  	[simem:s7], [sflag:s8] =	dma.local @!p0 [hbm:s6], $0xF7A  }
0x23: {  	s9 =	sor.u32 $0xD0000000, s2;
	s6 =	simm.s32 $0x108;
	_ =	swait.ge @!p0 [sflag:s8], $0x0  }
0x24: {  	s3 =	sadd.s32 $0x88, s3;
	s6 =	simm.s32 @!p1 $0x1082;
	[sflag:s4] =	ssyncset.s32 $0xFFFFF086  }
0x25: {  	[simem:s6], [sflag:s4] =	dma.local [hbm:s3], $0xF7A  }
0x26: {  	[smem:$0x3F9E] =	sst s1;
	(tag) =	ssettag s2;
	_ =	strace s9  }
0x27: {  	s1 =	sld [smem:$0x3FAE]  }
0x28: {  	s2 =	sld [smem:$0x3FAF]  }
0x29: {  	s4 =	sld [smem:$0x3FB1]  }
0x2a: {  	p0 =	seq.s32 s5, $0x0;
	s5 =	sld [smem:$0x3FB2]  }
0x2b: {  	s6 =	sld [smem:$0x3FB3]  }
0x2c: {  	s7 =	sld [smem:$0x3FB4]  }
0x2d: {  	s3 =	simm.s32 $0x108;
	s8 =	sld [smem:$0x3FB5]  }
0x2e: {  	s3 =	simm.s32 @!p0 $0x1082;
	s9 =	sld [smem:$0x3FB6]  }
0x2f: {  	lr =	sadd.s32 s0, s3;
	s0 =	sld [smem:$0x3FAD]  }
0x30: {  	s3 =	sld [smem:$0x3FB0]  }
0x31: {  	[smem:$0x3FB9] =	sst s10  }
0x32: {  	s10 =	sld [smem:$0x3FB7];
	_ =	sdelay $0x3  }
0x33: {  	p0 =	seq.s32 s10, $0x1;
	s10 =	sld [smem:$0x3FB9];
	_ =	sdelay $0x3  }
0x34: {  	[smem:$0x3FB9] =	sst s10  }
0x35: {  	s10 =	sld [smem:$0x3FB8];
	_ =	sdelay $0x3  }
0x36: {  	p1 =	seq.s32 s10, $0x1;
	s10 =	sld [smem:$0x3FB9];
	_ =	sdelay $0x3  }
0x37: {  	[smem:$0x3FB9] =	sst s10  }
0x38: {  	s10 =	sld [smem:$0x3FBA]  }
0x39: {  	_ = 	snop;
	(pc) =	sbr.ind lr, $3  }
0x3a: {  	_ = 	snop  }
0x3b: {  	_ = 	snop  }
0x3c: {  	p2 =	seq.s32 s10, $0x1;
	s10 =	sld [smem:$0x3FB9]  }
0x3d: {  	_ =	shalt  }
0x3e: {  	_ =	shalt  }
0x3f: {  	_ =	shalt  }
0x40: {  	_ =	shalt  }
0x41: {  	_ =	shalt  }
0x42: {  	_ =	shalt  }
0x43: {  	_ =	shalt  }
0x44: {  	_ =	shalt  }
0x45: {  	_ =	shalt  }
0x46: {  	_ =	shalt  }
0x47: {  	_ =	shalt  }
0x48: {  	_ =	shalt  }
0x49: {  	_ =	shalt  }
0x4a: {  	_ =	shalt  }
0x4b: {  	_ =	shalt  }
0x4c: {  	_ =	shalt  }
0x4d: {  	_ =	shalt  }
0x4e: {  	_ =	shalt  }
0x4f: {  	_ =	shalt  }
0x50: {  	_ =	shalt  }
0x51: {  	_ =	shalt  }
0x52: {  	_ =	shalt  }
0x53: {  	_ =	shalt  }
0x54: {  	_ =	shalt  }
0x55: {  	_ =	shalt  }
0x56: {  	_ =	shalt  }
0x57: {  	_ =	shalt  }
0x58: {  	_ =	shalt  }
0x59: {  	_ =	shalt  }
0x5a: {  	_ =	shalt  }
0x5b: {  	_ =	shalt  }
0x5c: {  	_ =	shalt  }
0x5d: {  	_ =	shalt  }
0x5e: {  	_ =	shalt  }
0x5f: {  	_ =	shalt  }
0x60: {  	_ =	shalt  }
0x61: {  	_ =	shalt  }
0x62: {  	_ =	shalt  }
0x63: {  	_ =	shalt  }
0x64: {  	_ =	shalt  }
0x65: {  	_ =	shalt  }
0x66: {  	_ =	shalt  }
0x67: {  	_ =	shalt  }
0x68: {  	_ =	shalt  }
0x69: {  	_ =	shalt  }
0x6a: {  	_ =	shalt  }
0x6b: {  	_ =	shalt  }
0x6c: {  	_ =	shalt  }
0x6d: {  	_ =	shalt  }
0x6e: {  	_ =	shalt  }
0x6f: {  	_ =	shalt  }
0x70: {  	_ =	shalt  }
0x71: {  	_ =	shalt  }
0x72: {  	_ =	shalt  }
0x73: {  	_ =	shalt  }
0x74: {  	_ =	shalt  }
0x75: {  	_ =	shalt  }
0x76: {  	_ =	shalt  }
0x77: {  	_ =	shalt  }
0x78: {  	_ =	shalt  }
0x79: {  	_ =	shalt  }
0x7a: {  	_ =	shalt  }
0x7b: {  	_ =	shalt  }
0x7c: {  	_ =	shalt  }
0x7d: {  	_ =	shalt  }
0x7e: {  	_ =	shalt  }
0x7f: {  	_ =	shalt  }
0x80: {  	_ =	shalt  }
0x81: {  	_ =	shalt  }
0x82: {  	_ =	shalt  }
0x83: {  	_ =	shalt  }
0x84: {  	_ =	shalt  }
0x85: {  	_ =	shalt  }
0x86: {  	_ =	shalt  }
0x87: {  	_ =	shalt  }
.Lfunc_end0:
.L_simem_size_0:
called_computation_lowered:
.L_overlay_start_0:
0x88: {  	s0 =	sld [smem:$0x3FD9]  }
0x89: {  	s1 =	sld [smem:$0x3FFE];
	_ =	sdelay $0x3  }
0x8a: {  	s0 =	sadd.s32 s1, s0  }
0x8b: {  	[smem:$0x3FC5] =	sst s0  }
0x8c: {  	_ = 	snop  }
0x8d: {  	(tm) =	ssettm $0x1  }
0x8e: {  	s15 =	sld [smem:$0x3FFB];
	_ =	sdelay $0x3  }
0x8f: {  	_ =	strace s15  }
0x90: {  	s0 =	sld [smem:$0x3FFC];
	_ =	sdelay $0x3  }
0x91: {  	_ =	strace s0  }
0x92: {  	s0 =	sld [smem:$0x3FFD];
	_ =	sdelay $0x3  }
0x93: {  	_ =	strace s0  }
0x94: {  	_ =	strace $0x8FFFFFFF  }
0x95: {  	s16 =	sld [smem:$0x3FDB];
	_ =	sdelay $0x1  }
0x96: {  	s17 =	simm.s32 $_scs_section_size  }
0x97: {  	s2 =	simm.s32 $_size__tile_overlayer_lowered;
	s3 =	simm.s32 $_tile_overlayer_lowered  }
0x98: {  	s20 =	simm.s32 $0x1BFF;
	s19 =	sshll.u32 s3, $0x1;
	s0 =	sadd.s32 s17, s16  }
0x99: {  	s4 =	simm.s32 $0x0;
	s18 =	sshll.u32 s2, $0x1;
	s2 =	sadd.s32 s19, s0  }
0x9a: {  	[timem:s4], [sflag:s20] =	dma.local [hbm:s2], s18  }
0x9b: {  	_ =	swait.ge [sflag:s20], s18  }
0x9c: {  	s1 =	ssub.s32 $0x0, s18;
	[sflag:s20] =	ssyncset.done $0x0  }
0x9d: {  	[sflag:s20] =	ssyncadd.s32 s1;
	_ =	sdelay $0x1  }
0x9e: {  	s21 =	simm.s32 $0x1B8B  }
0x9f: {  	_ =	swait.ge [sflag:s21], $0x1  }
0xa0: {  	[sflag:s21] =	ssyncset.done $0x0  }
0xa1: {  	s23 =	simm.s32 $0x1B8E;
	s22 =	sld [smem:$0x3FFE];
	[sflag:s21] =	ssyncadd.s32 $0xFFFFFFFF  }
0xa2: {  	s24 =	simm.s32 $execute0_lowered;
	[smem:$0x3FD2] =	sst s23  }
0xa3: {  	s2 =	sshll.u32 s24, $0x1;
	_ =	strace $0x80000046;
	[dreg:$0x1] =	wrdreg $0xFFFFFFFF  }
0xa4: {  	s25 =	simm.s32 $_size_execute0_lowered;
	s0 =	sadd.s32 s0, s2;
	[dreg:$0x0] =	wrdreg $0x0  }
0xa5: {  	s2 =	sshll.u32 s25, $0x1;
	[dreg:$0x2] =	wrdreg s0  }
0xa6: {  	[dreg:$0x3] =	wrdreg s2  }
0xa7: {  	[dreg:$0x4] =	wrdreg $0xC0  }
0xa8: {  	_ =	task [dreg:s4], $0x5FFFF  }
0xa9: {  	[dreg:$0x1] =	wrdreg $0xFFFFFFFF  }
0xaa: {  	[dreg:$0x0] =	wrdreg $0x60  }
0xab: {  	[dreg:$0x2] =	wrdreg s22  }
0xac: {  	[dreg:$0x3] =	wrdreg $0x9  }
0xad: {  	_ =	task.clear_ibuf [dreg:s4], $0x4FFFF;
	_ =	strace $0x90000046  }
0xae: {  	s26 =	simm.s32 $0x9;
	_ =	strace $0x80000048  }
0xaf: {  	_ =	swait.ge [sflag:s26], $0x1  }
0xb0: {  	[sflag:s26] =	ssyncadd.s32 $0xFFFFFFFF  }
0xb1: {  	_ =	strace $0x90000048  }
0xb2: {  	_ =	sfence  }
0xb3: {  	s28 =	sld [smem:$0x0];
	_ =	sdelay $0x1  }
0xb4: {  	s29 =	srdreg.scid  }
0xb5: {  	s30 =	sshll.u32 s29, $0xD;
	s31 =	sshrl.u32 s29, $0x2  }
0xb6: {  	s1 =	sand.u32 $0x1, s29;
	s2 =	sand.u32 $0x4000, s30;
	s0 =	sadd.s32 s31, s28  }
0xb7: {  	s1 =	sor.u32 s2, s1;
	s0 =	sshll.u32 s0, $0x11  }
0xb8: {  	s0 =	sor.u32 s0, s1  }
0xb9: {  	s0 =	sadd.s32 $0x8F2B, s0  }
0xba: {  	[sflag:s0] =	ssyncadd.remote.s32 $0x1  }
0xbb: {  	_ =	sfence.sel $0xFFFF  }
0xbc: {  	[dreg:$0x0] =	wrdreg $0xFFFFFFFF;
	(pc) =	sbr.abs _section_cstart, $3  }
0xbd: {  	[dreg:$0x1] =	wrdreg $0xFFFFFFFF  }
0xbe: {  	_ =	task.clear_ibuf [dreg:s4], $0x2FFFF;
	_ =	strace $0x9FFFFFFF  }
0xbf: {  	(tm) =	ssettm $0x7FFFFFFF  }
tec
execute0_lowered:
.L_overlay_start_1:
0x0: {  	(tag) =	ssettag $0x1  }
0x1: {  	s0 =	rddreg [dreg:$0x0];
	_ =	strace $0x80000047;
	s3 =	simm.s32 $0x1  }
0x2: {  	v1 =	vimm.s32 $0xFFFFFFFF;
	[sflag:s3] =	ssyncpa.u1 $0x0  }
0x3: {  	[tilespmem:$0x10] =	vst v1  }
0x4: {  	v0 =	vimm.f32 $0.0e+00;
	[tilespmem:$0x20] =	vst v1  }
0x5: {  	[tilespmem:$0x30] =	vst v0  }
0x6: {  	s2 =	simm.s32 $0x2;
	s6 =	simm.s32 $0x7;
	s26 =	stileid.u32;
	[tilespmem:$0x40] =	vst v0  }
0x7: {  	s7 =	simm.s32 $0x8;
	s31 =	simm.s32 $0x9;
	s14 =	simm.s32 $0x0;
	[tilespmem:$0x50] =	vst v0  }
0x8: {  	s15 =	simm.s32 $0x100;
	s18 =	simm.s32 $0x10;
	s19 =	simm.s32 $0x1300;
	[tilespmem:$0x60] =	vst v1  }
0x9: {  	s20 =	simm.s32 $0xF;
	s21 =	simm.s32 $0x50;
	s22 =	simm.s32 $0x8FF;
	[tilespmem:$0x70] =	vst v1  }
0xa: {  	s23 =	simm.s32 $0x20;
	s24 =	simm.s32 $0x30;
	s25 =	simm.s32 $0x10FF;
	[tilespmem:$0x80] =	vst v1  }
0xb: {  	s30 =	simm.s32 $0x0;
	s29 =	simm.s32 $0x0;
	s1 =	sadd.s32 $0xA00, s0;
	v1 =	vimm.s32 $0x0;
	[tilespmem:$0xB0] =	vst v0  }
.Ltmp0:
0xc: {  	s4 =	sadd.s32 $0x200, s0;
	s5 =	sadd.s32 $0x600, s0;
	[tilespmem:$0x90] =	vst v1;
	(pc) =	sbr.rel .LBB2_1-.Ltmp0, $4  }
0xd: {  	s8 =	sshll.u32 s26, $0x9;
	s10 =	sshll.u32 s26, $0x1;
	[tilespmem:$0xA0] =	vst v1;
	[sflag:s2] =	ssyncpa.u1 $0x0  }
0xe: {  	s12 =	sshllo.u32 s26, $0x1;
	s26 =	simm.s32 $0x80;
	[sflag:s6] =	ssyncpa.u1 $0x0  }
0xf: {  	vm0 =	vmmov $0xffff;
	v2 =	vlaneseq.u32;
	s9 =	sadd.s32 $0x200, s8;
	s11 =	sor.u32 $0x81, s10;
	[sflag:s7] =	ssyncpa.u1 $0x0  }
0x10: {  	vm1 =	vmxor vm1, vm1;
	vm2 =	vmmov $0x1;
	vm3 =	vcmask $0x3F3C;
	s13 =	sor.u32 $0x80, s10;
	s28 =	smov.u32 s8;
	[sflag:s31] =	ssyncpa.u1 $0x0  }
.LBB2_3:
0x11: {  	s0 =	sshrl.u32 s28, $0x3  }
0x12: {  	s2 =	sand.u32 $0x7, s28;
	s0 =	sadd.s32 s4, s0  }
0x13: {  	[tilespmem:s15], [sflag:$0x7] =	stream.linear.gather [hbm4b:s0+s2], $0x200, $0x38;
	[tilespmem:$0x1320] =	vst v63  }
.LBB2_4:
0x14: {  	s0 =	sadd.s32 $0x200, s28  }
0x15: {  	s2 =	smov.u32 s8;
	s29 =	sadd.s32 $0x1, s29;
	p0 =	slt.s32 s0, s9  }
0x16: {  	s2 =	smov.u32 @p0 s0;
	p0 =	sne.s32 s29, $0x4  }
.Ltmp1:
0x17: {  	_ = 	snop;
	(pc) =	sbr.rel @!p0 .LBB2_13-.Ltmp1, $2  }
0x18: {  	_ =	sdelay $0x2  }
0x19: {  	s30 =	smov.u32 s28;
	s28 =	smov.u32 s2  }
.LBB2_1:
0x1a: {  	p0 =	sgt.s32 s29, $0x1  }
.Ltmp2:
0x1b: {  	_ = 	snop;
	(pc) =	sbr.rel @p0 .LBB2_11-.Ltmp2, $1  }
0x1c: {  	_ =	sdelay $0x3  }
0x1d: {  	p0 =	seq.s32 s29, $0x0  }
.Ltmp3:
0x1e: {  	_ = 	snop;
	(pc) =	sbr.rel @p0 .LBB2_3-.Ltmp3, $1  }
0x1f: {  	_ =	sdelay $0x3  }
0x20: {  	_ =	swait.ge [sflag:s6], $0x200  }
0x21: {  	[sflag:s6] =	ssyncset.done $0x0  }
0x22: {  	[sflag:s6] =	ssyncadd.s32 $0xFFFFFE00;
	(ifvalue) =	ssetifvalue $0xFFFFFFFF;
	v3 =	vld.msk [tilespmem:s15+$0x0 ss:$0x1], $0xffff;
	_ =	sdelay $0x4  }
0x23: {  	v4 =	vperm.xlane v3, v1  }
0x24: {  	vm4 =	vlt.u32 v3, $0x2000  }
0x25: {  	v3 =	vnsel vm4, $0xFFFFFFFE, v3;
	vm4 =	vlt.u32 v4, $0x2000  }
0x26: {  	[tilespmem:$0x70] =	vst v3;
	v3 =	vnsel vm4, $0xFFFFFFFE, v4  }
0x27: {  	s17 =	simm.s32 $0x2F0;
	[tilespmem:$0x80] =	vst v3  }
0x28: {  	v3 =	vld.msk [tilespmem:s17+$0x0 ss:$0x1], $0xffff;
	_ =	sdelay $0x4  }
0x29: {  	(xrf1) =	vunique.msk.u32 $0xffff, v3;
	_ =	sdelay $0xd  }
0x2a: {  	v4 =	vimm.s32 $0xFFFFFFFF;
	v5, _, _ =	vpop (xrf1)  }
0x2b: {  	vm5 =	vne.s32 v3, v4;
	vm4 =	veq.s32 v5, v2  }
0x2c: {  	vm6 =	vlt.u32 v3, $0x2000;
	vm4 =	vmand vm5, vm4  }
0x2d: {  	vm4 =	vmand vm6, vm4  }
0x2e: {  	v4 =	vnsel vm4, $0xFFFFFFFF, v3;
	_ =	sdelay $0x3  }
0x2f: {  	s0 =	simm.s32 $0x8F0;
	(ifvalue) =	ssetifvalue $0xFFFFFFFF  }
0x30: {  	v3 =	vperm.xlane v3, v1;
	[tilespmem:s0], [sflag:$0x8] =	stream.indirect_vreg.gather [hbm4b:s1+s14], $0x1, v4, vm0, $0x4038;
	v4 =	vnsel vm6, $0xFFFFFFFE, v4;
	[tilespmem:$0x1320] =	vst v63  }
0x31: {  	s2 =	simm.s32 $0x0;
	s16 =	simm.s32 $0x2E0;
	[tilespmem:s17+$0x0] =	vst v4  }
.LBB2_6:
0x32: {  	v4 =	vld.msk [tilespmem:s16+$0x0 ss:$0x1], $0xffff;
	s2 =	sadd.s32 $0x10, s2;
	v5 =	vmov v3;
	s17 =	smov.u32 s16  }
0x33: {  	p0 =	slt.u32 s2, $0x1F0;
	_ =	sdelay $0x4  }
0x34: {  	v3 =	vperm.xlane v4, v1;
	(xrf1) =	vunique.msk.u32 $0xffff, v4;
	_ =	sdelay $0xd  }
0x35: {  	v6, _, _ =	vpop (xrf1)  }
0x36: {  	vm5 =	vne.s32 v4, v5;
	vm4 =	veq.s32 v6, v2  }
0x37: {  	vm6 =	vlt.u32 v4, $0x2000;
	vm4 =	vmand vm5, vm4  }
0x38: {  	vm4 =	vmand vm6, vm4  }
0x39: {  	v4 =	vnsel vm4, $0xFFFFFFFF, v4  }
.Ltmp4:
0x3a: {  	v5 =	vnsel vm6, $0xFFFFFFFE, v4;
	(pc) =	sbr.rel @p0 .LBB2_6-.Ltmp4, $3  }
0x3b: {  	_ =	sdelay $0x1  }
0x3c: {  	s16 =	sadd.s32 $0xFFFFFFF0, s16;
	s0 =	sadd.s32 $0xFFFFFFF0, s0;
	(ifvalue) =	ssetifvalue $0xFFFFFFFF  }
0x3d: {  	[tilespmem:s0], [sflag:$0x8] =	stream.indirect_vreg.gather [hbm4b:s1+s14], $0x1, v4, vm0, $0x4038;
	[tilespmem:s17+$0x0] =	vst v5  }
.Ltmp5:
0x3e: {  	(pc) =	sbr.rel .LBB2_4-.Ltmp5, $4  }
0x3f: {  	_ = 	snop  }
0x40: {  	s0 =	sshrl.u32 s30, $0x3  }
0x41: {  	s2 =	simm.s32 $0xB00;
	s0 =	sadd.s32 s5, s0  }
0x42: {  	[tilespmem:s2], [sflag:$0x8] =	stream.linear.gather [hbm:s0], $0x200, $0x38;
	[tilespmem:$0x1320] =	vst v63  }
.LBB2_11:
0x43: {  	p0 =	seq.s32 s29, $0x2  }
.Ltmp6:
0x44: {  	_ = 	snop;
	(pc) =	sbr.rel @!p0 .LBB2_12-.Ltmp6, $1  }
0x45: {  	_ =	sdelay $0x3  }
0x46: {  	_ =	swait.ge [sflag:s7], $0x400  }
0x47: {  	[sflag:s7] =	ssyncset.done $0x0  }
0x48: {  	s0 =	simm.s32 $0x2FF;
	[sflag:s7] =	ssyncadd.s32 $0xFFFFFC00  }
0x49: {  	[spmem:s11] =	stream.linear.scatter [tilespmem:s0], [sflag:$0x1], $0x1, $0x38;
	[tilespmem:$0x1320] =	vst v63  }
0x4a: {  	_ =	swait.ge [sflag:s3], $0x1  }
0x4b: {  	[sflag:s3] =	ssyncset.done $0x0  }
0x4c: {  	[sflag:s3] =	ssyncadd.s32 $0xFFFFFFFF  }
0x4d: {  	v4 =	vld [tilespmem:$0x10]  }
0x4e: {  	v5 =	vld [tilespmem:$0x70]  }
0x4f: {  	v3 =	vld [tilespmem:$0x80];
	_ =	sdelay $0x2  }
0x50: {  	(v2sf) =	vpush v4, $0x0  }
0x51: {  	(v2sf) =	vpush v5, $0x0  }
0x52: {  	(v2sf) =	vpush v3, $0x0;
	_ =	sdelay $0xc  }
0x53: {  	s16 =	spop (v2sf)  }
0x54: {  	s2 =	spop (v2sf)  }
0x55: {  	s30 =	spop (v2sf)  }
0x56: {  	p0 =	seq.s32 s16, s2;
	p1 =	seq.s32 s30, s16  }
0x57: {  	p1 =	por p0, p1  }
0x58: {  	v4 =	vpsel p1, $0xFFFFFFFF, v4  }
0x59: {  	[tilespmem:s18+$0x0] =	vst.msk $0x1, v4  }
0x5a: {  	v4 =	vld [tilespmem:$0x30]  }
0x5b: {  	v5 =	vld [tilespmem:$0xB00]  }
0x5c: {  	v6 =	vld [tilespmem:$0x40];
	_ =	sdelay $0x3  }
0x5d: {  	vm4 =	vmmov vm1;
	v5 =	vadd.f32 v5, v4  }
0x5e: {  	vm5 =	vmmov vm2;
	s31 =	simm.s32 $0xB00;
	vm4 =	vmmov @p0 vm2;
	v4 =	vadd.f32 v6, v4  }
0x5f: {  	vm5 =	vmmov @p1 vm1;
	[tilespmem:s31+$0x0] =	vst.msk vm4, v5  }
0x60: {  	[tilespmem:s19+$0x0] =	vst.msk vm5, v4  }
0x61: {  	v4 =	vld [tilespmem:$0x8F0];
	_ =	sdelay $0x3  }
0x62: {  	v5 =	vimm.f32 $0.0e+00  }
0x63: {  	v4 =	vshift.insert v4, v5, s20;
	_ =	sdelay $0x1  }
0x64: {  	[tilespmem:s21+$0x0] =	vst.msk $0x1, v4  }
0x65: {  	[tilespmem:s22+$0x0] =	vst.msk $0x1, v5  }
0x66: {  	v4 =	vld [tilespmem:$0x2F0];
	_ =	sdelay $0x4  }
0x67: {  	v4 =	vshift.insert v4, v1, s20;
	_ =	sdelay $0x1  }
0x68: {  	[tilespmem:s23+$0x0] =	vst.msk $0x1, v4  }
0x69: {  	s17 =	simm.s32 $0x100;
	v6 =	vld [tilespmem:s31+$0x0]  }
0x6a: {  	v7 =	vld [tilespmem:s17+$0x0];
	_ =	sdelay $0x3  }
0x6b: {  	v5 =	vadd.f32 v6, v5  }
0x6c: {  	vm4 =	vne.s32 v7, $0xFFFFFFFF  }
0x6d: {  	(xrf2) =	vadd.seg.scan.f32 vm4, v5;
	_ =	sdelay $0x3  }
0x6e: {  	s0 =	simm.s32 $0x700;
	v5 =	vperm.xlane v4, v1  }
0x6f: {  	v6 =	vld [tilespmem:s0+$0x0]  }
0x70: {  	vm5 =	veq.s32 v7, v3;
	vm6 =	veq.s32 v7, v5  }
0x71: {  	vm7 =	vgt.u32 v7, $0xFFFFFFFD;
	vm6 =	vmor vm6, vm5  }
0x72: {  	vm6 =	vmor vm6, vm7  }
0x73: {  	v9 =	vld [tilespmem:$0xA0];
	v7 =	vsel vm6, $0xFFFFFFFF, v7  }
0x74: {  	v10 =	vld [tilespmem:$0x90];
	v6 =	vsel vm5, $0x0, v6;
	v8, _, _ =	vpop (xrf2)  }
0x75: {  	v6 =	vadd.f32 v8, v6  }
0x76: {  	s2 =	simm.s32 $0xF00  }
0x77: {  	vm4 =	vmand vm4, vm3;
	[tilespmem:s2+$0x0] =	vst v6;
	(ifvalue) =	ssetifvalue $0xFFFFFFFF  }
0x78: {  	vm6 =	veq.s32 v9, $0x1;
	[hbm4b:s1+s14] =	stream.indirect_vreg.scatter [tilespmem:s2], [sflag:$0x2], $0x1, v7, vm0, $0x4038;
	v7 =	vsel vm4, $0x0, v8;
	[tilespmem:$0x1320] =	vst v63  }
0x79: {  	s16 =	simm.s32 $0x0;
	s17 =	simm.s32 $0x110;
	vm4 =	vmor vm6, vm5;
	v6 =	vsel vm5, v8, v10;
	v7 =	vshift.insert v7, v0, s20  }
.LBB2_9:
0x7a: {  	v8 =	vld [tilespmem:s17+$0x0];
	s31 =	sadd.s32 $0x10, s31  }
0x7b: {  	s0 =	sadd.s32 $0x10, s0;
	v9 =	vld [tilespmem:s31+$0x0]  }
0x7c: {  	s16 =	sadd.s32 $0x10, s16;
	v10 =	vld [tilespmem:s0+$0x0]  }
0x7d: {  	p0 =	slt.u32 s16, $0x1F0;
	_ =	sdelay $0x2  }
0x7e: {  	v7 =	vadd.f32 v9, v7  }
0x7f: {  	vm5 =	vne.s32 v8, $0xFFFFFFFF  }
0x80: {  	vm6 =	vmand vm5, vm3;
	(xrf2) =	vadd.seg.scan.f32 vm5, v7;
	_ =	sdelay $0x5  }
0x81: {  	vm7 =	veq.s32 v8, v5;
	vm5 =	veq.s32 v8, v3  }
0x82: {  	vm8 =	vgt.u32 v8, $0xFFFFFFFD;
	vm4 =	vmor vm4, vm5;
	vm7 =	vmor vm7, vm5  }
0x83: {  	vm7 =	vmor vm7, vm8  }
0x84: {  	v8 =	vsel vm7, $0xFFFFFFFF, v8  }
.Ltmp7:
0x85: {  	v7 =	vsel vm5, $0x0, v10;
	v9, _, _ =	vpop (xrf2);
	(pc) =	sbr.rel @p0 .LBB2_9-.Ltmp7, $4  }
0x86: {  	v6 =	vsel vm5, v9, v6;
	v10 =	vadd.f32 v9, v7;
	v7 =	vsel vm6, $0x0, v9  }
0x87: {  	s2 =	sadd.s32 $0x10, s2;
	v7 =	vshift.insert v7, v0, s20  }
0x88: {  	s17 =	sadd.s32 $0x10, s17;
	[tilespmem:s2+$0x0] =	vst v10;
	(ifvalue) =	ssetifvalue $0xFFFFFFFF  }
0x89: {  	[hbm4b:s1+s14] =	stream.indirect_vreg.scatter [tilespmem:s2], [sflag:$0x2], $0x1, v8, vm0, $0x4038;
	[tilespmem:$0x1320] =	vst v63  }
0x8a: {  	v3 =	vld [tilespmem:$0x10F0];
	_ =	sdelay $0x4  }
0x8b: {  	v3 =	vshift.insert v3, v0, s20;
	_ =	sdelay $0x1  }
0x8c: {  	[tilespmem:s24+$0x0] =	vst.msk $0x1, v3  }
0x8d: {  	v3 =	vsel vm4, $0x1, v1;
	[tilespmem:$0x90] =	vst v6  }
0x8e: {  	[tilespmem:$0xA0] =	vst v3  }
0x8f: {  	[spmem:s12] =	stream.linear.scatter [tilespmem:s25], [sflag:$0x1], $0x1, $0x38;
	[tilespmem:$0x1320] =	vst v63  }
0x90: {  	v3 =	vmctz.xlane vm4;
	_ =	swait.ge [sflag:s3], $0x1  }
0x91: {  	(v2sf) =	vpush v4, $0x0  }
0x92: {  	(v2sf) =	vpush v3, $0x0;
	_ =	sdelay $0xd  }
0x93: {  	s0 =	spop (v2sf)  }
0x94: {  	s2 =	spop (v2sf)  }
0x95: {  	[sflag:s3] =	ssyncset.done $0x0;
	p0 =	sne.s32 s30, s0;
	p1 =	slt.s32 s2, $0xF  }
0x96: {  	[sflag:s3] =	ssyncadd.s32 $0xFFFFFFFF;
	v3 =	vimm.s32 @!p0 $0xFFFFFFFF;
	s2 =	simm.s32 @!p1 $0xF  }
0x97: {  	[tilespmem:$0x80] =	vst @!p0 v3;
	s31 =	sadd.s32 $0x90, s2  }
0x98: {  	[spmem:s10] =	stream.linear.scatter [tilespmem:s31], [sflag:$0x1], $0x1, $0x38;
	[tilespmem:$0x1320] =	vst v63  }
0x99: {  	_ =	swait.ge [sflag:s3], $0x1  }
0x9a: {  	[sflag:s3] =	ssyncset.done $0x0  }
0x9b: {  	[sflag:s3] =	ssyncadd.s32 $0xFFFFFFFF  }
0x9c: {  	[spmem:s13] =	stream.linear.scatter [tilespmem:s26], [sflag:$0x1], $0x1, $0x38;
	[tilespmem:$0x1320] =	vst v63  }
0x9d: {  	_ =	swait.ge [sflag:s3], $0x1  }
0x9e: {  	[sflag:s3] =	ssyncset.done $0x0  }
0x9f: {  	[sflag:s3] =	ssyncadd.s32 $0xFFFFFFFF;
	(ifvalue) =	ssetifvalue $0xFFFFFFFF;
	v3 =	vld [tilespmem:$0x10];
	_ =	sdelay $0x3  }
.Ltmp8:
0xa0: {  	_ = 	snop;
	(pc) =	sbr.rel .LBB2_4-.Ltmp8, $3  }
0xa1: {  	_ =	sdelay $0x1  }
0xa2: {  	(ifvalue) =	ssetifvalue $0xFFFFFFFF  }
0xa3: {  	[hbm4b:s1+s14] =	stream.indirect_vreg.scatter [tilespmem:s19], [sflag:$0x9], $0x1, v3, vm0, $0x4038;
	[tilespmem:$0x1320] =	vst v63  }
.LBB2_12:
0xa4: {  	s0 =	simm.s32 $0x2  }
0xa5: {  	_ =	swait.ge [sflag:s0], $0x200  }
0xa6: {  	[sflag:s0] =	ssyncset.done $0x0  }
0xa7: {  	s31 =	simm.s32 $0x9;
	[sflag:s0] =	ssyncadd.s32 $0xFFFFFE00  }
0xa8: {  	_ =	swait.ge [sflag:s31], $0x10  }
0xa9: {  	[sflag:s31] =	ssyncset.done $0x0  }
0xaa: {  	[sflag:s31] =	ssyncadd.s32 $0xFFFFFFF0  }
.LBB2_13:
0xab: {  	_ =	sfence.sel $0x180000  }
0xac: {  	s0 =	simm.s32 $0x7;
	[bflag:$0x0] =	sbarrier.arrive $0xFFFF  }
0xad: {  	s26 =	simm.s32 $0x8;
	[sflag:s0] =	ssyncpa.u1 $0x1  }
0xae: {  	s28 =	simm.s32 $0x9;
	[sflag:s26] =	ssyncpa.u1 $0x1  }
0xaf: {  	[sflag:s28] =	ssyncpa.u1 $0x1  }
0xb0: {  	_ =	sfence.stream.spmem  }
0xb1: {  	s29 =	simm.s32 $0x3;
	[bflag:$0x0] =	sbarrier.arrive $0xFFFF  }
0xb2: {  	s30 =	simm.s32 $0x4;
	[sflag:s29] =	ssyncpa.u1 $0x1  }
0xb3: {  	s31 =	simm.s32 $0x3C;
	s2 =	stileid.u32;
	[sflag:s30] =	ssyncpa.u1 $0x1  }
0xb4: {  	p0 =	sne.s32 s2, $0x0;
	[sflag:s31] =	ssyncpa.u1 $0x1  }
0xb5: {  	s0 =	simm.s32 @p0 $0x1;
	_ =	sfence @p0  }
0xb6: {  	[sflag:s0] =	ssyncpa.u1 @p0 $0x1;
	s0 =	simm.s32 @p0 $0x2  }
0xb7: {  	[sflag:s0] =	ssyncpa.u1 @p0 $0x1  }
0xb8: {  	_ =	strace @p0 $0x90000047  }
0xb9: {  	[bflag:$0x2] =	sbarrier.arrive @p0 $0xFFFF  }
0xba: {  	_ =	shalt @p0  }
.LBB2_14:
0xbb: {  	_ =	sfence.stream.spmem;
	s0 =	simm.s32 $0x5  }
0xbc: {  	s2 =	simm.s32 $0x80;
	s3 =	simm.s32 $0xC0;
	[sflag:s0] =	ssyncpa.u1 $0x0  }
0xbd: {  	[tilespmem:s3], [sflag:$0x5] =	stream.linear.gather [spmem:s2], $0x20, $0x38;
	[tilespmem:$0x1320] =	vst v63  }
0xbe: {  	s2 =	simm.s32 $0x0;
	s3 =	simm.s32 $0xE0  }
0xbf: {  	[tilespmem:s3], [sflag:$0x5] =	stream.linear.gather [spmem:s2], $0x20, $0x38;
	[tilespmem:$0x1320] =	vst v63  }
.Ltmp9:
0xc0: {  	_ = 	snop;
	(pc) =	sbr.rel .LBB2_15-.Ltmp9, $4  }
0xc1: {  	_ =	swait.ge [sflag:s0], $0x40  }
0xc2: {  	[sflag:s0] =	ssyncset.done $0x0  }
0xc3: {  	s31 =	simm.s32 $0x6;
	[sflag:s0] =	ssyncadd.s32 $0xFFFFFFC0  }
0xc4: {  	s4 =	simm.s32 $0x0;
	[sflag:s31] =	ssyncpa.u1 $0x0  }
.LBB2_20:
0xc5: {  	p0 =	sgt.u32 s0, $0x1FFF  }
0xc6: {  	s5 =	sshrl.u32 @!p0 s0, $0x3  }
0xc7: {  	s0 =	sand.u32 @!p0 $0x7, s0;
	s6 =	simm.s32 @!p0 $0xB0;
	s5 =	sadd.s32 @!p0 s1, s5  }
0xc8: {  	[tilespmem:s6], [sflag:$0x6] =	stream.linear.gather @!p0 [hbm4b:s5+s0], $0x1, $0x38;
	[tilespmem:$0x1320] =	vst v63  }
0xc9: {  	s0 =	simm.s32 @!p0 $0x6  }
0xca: {  	_ =	swait.ge @!p0 [sflag:s0], $0x1  }
0xcb: {  	[sflag:s0] =	ssyncset.done @!p0 $0x0  }
0xcc: {  	[sflag:s0] =	ssyncadd.s32 @!p0 $0xFFFFFFFF  }
0xcd: {  	v2 =	vmov @!p0 s4;
	v1 =	vld.msk @!p0 [tilespmem:$0xB0], $0x1;
	_ =	sdelay $0x3  }
0xce: {  	s0 =	simm.s32 @!p0 $0xE0  }
0xcf: {  	[tilespmem:v2+s0+$0x0], v1 =	vst.idx.ret.add.f32.msk @!p0 $0x1, v1  }
0xd0: {  	[tilespmem:s2+$0xC0] =	vst.msk $0x1, v0  }
0xd1: {  	v0 =	vld.msk [tilespmem:s4+$0xE0], $0x1;
	_ =	sdelay $0x4  }
0xd2: {  	[tilespmem:s2+$0xE0] =	vst.msk $0x1, v0;
	s2 =	sadd.s32 $0x1, s2  }
.LBB2_22:
0xd3: {  	s4 =	sadd.s32 $0x1, s4  }
0xd4: {  	p0 =	sne.s32 s4, $0x20  }
.Ltmp10:
0xd5: {  	_ = 	snop;
	(pc) =	sbr.rel @!p0 .LBB2_23-.Ltmp10, $1  }
0xd6: {  	_ =	sdelay $0x3  }
.LBB2_15:
0xd7: {  	v0 =	vld.msk [tilespmem:s4+$0xC0], $0x1;
	_ =	sdelay $0x4  }
0xd8: {  	(v2sf) =	vpush v0, $0x0;
	_ =	sdelay $0xe  }
0xd9: {  	s0 =	spop (v2sf)  }
0xda: {  	p0 =	seq.s32 s0, $0xFFFFFFFF  }
.Ltmp11:
0xdb: {  	_ = 	snop;
	(pc) =	sbr.rel @p0 .LBB2_22-.Ltmp11, $1  }
0xdc: {  	_ =	sdelay $0x3  }
0xdd: {  	p0 =	slt.s32 s2, $0x1  }
.Ltmp12:
0xde: {  	_ = 	snop;
	(pc) =	sbr.rel @p0 .LBB2_20-.Ltmp12, $1  }
0xdf: {  	_ =	sdelay $0x3  }
0xe0: {  	s5 =	simm.s32 $0xC0;
	p0 =	por $0x0, $0x0  }
0xe1: {  	v1 =	vld.msk @!p0 [tilespmem:s5+$0x0], $0x1;
	_ =	sdelay $0x4  }
0xe2: {  	(v2sf) =	vpush @!p0 v1, $0x0;
	_ =	sdelay $0xd  }
0xe3: {  	p2 =	sne.s32 s2, $0x1  }
.Ltmp13:
0xe4: {  	s6 =	spop @!p0 (v2sf);
	(pc) =	sbr.rel @!p2 .LBB2_19-.Ltmp13, $4  }
0xe5: {  	p1 =	seq.s32 @!p0 s0, s6  }
0xe6: {  	s6 =	simm.s32 $0x0;
	p1 =	por !p1, p0  }
0xe7: {  	s8 =	simm.s32 $0xFFFFFFFF;
	s6 =	simm.s32 @p1 $0xFFFFFFFF  }
0xe8: {  	s7 =	simm.s32 $0x1;
	s6 =	smov.u32 @p0 s8  }
.LBB2_18:
0xe9: {  	s8 =	smov.u32 s6;
	p0 =	sne.s32 s6, $0xFFFFFFFF  }
0xea: {  	s5 =	sadd.s32 $0x1, s5;
	s6 =	smov.u32 s7;
	s7 =	sadd.s32 $0x1, s7  }
0xeb: {  	p1 =	sne.s32 s2, s7;
	v1 =	vld.msk @!p0 [tilespmem:s5+$0x0], $0x1;
	_ =	sdelay $0x4  }
0xec: {  	(v2sf) =	vpush @!p0 v1, $0x0;
	_ =	sdelay $0xe  }
.Ltmp14:
0xed: {  	s9 =	spop @!p0 (v2sf);
	(pc) =	sbr.rel @p1 .LBB2_18-.Ltmp14, $4  }
0xee: {  	p2 =	seq.s32 @!p0 s0, s9  }
0xef: {  	p2 =	por !p2, p0  }
0xf0: {  	s6 =	simm.s32 @p2 $0xFFFFFFFF  }
0xf1: {  	s6 =	smov.u32 @p0 s8  }
.LBB2_19:
0xf2: {  	p0 =	sne.s32 s6, $0xFFFFFFFF  }
.Ltmp15:
0xf3: {  	_ = 	snop;
	(pc) =	sbr.rel @!p0 .LBB2_20-.Ltmp15, $1  }
0xf4: {  	_ =	sdelay $0x3  }
0xf5: {  	v0 =	vld.msk [tilespmem:s4+$0xE0], $0x1;
	v1 =	vmov s6  }
.Ltmp16:
0xf6: {  	_ = 	snop;
	(pc) =	sbr.rel .LBB2_22-.Ltmp16, $2  }
0xf7: {  	_ =	sdelay $0x2  }
0xf8: {  	[tilespmem:v1+s3+$0x0], v0 =	vst.idx.ret.add.f32.msk $0x1, v0  }
.LBB2_23:
0xf9: {  	p0 =	slt.s32 s2, $0x1  }
.Ltmp17:
0xfa: {  	_ = 	snop;
	(pc) =	sbr.rel @p0 .LBB2_27-.Ltmp17, $3  }
0xfb: {  	_ =	sdelay $0x1  }
0xfc: {  	s0 =	simm.s32 $0x6  }
0xfd: {  	[sflag:s0] =	ssyncpa.u1 $0x1;
	s0 =	simm.s32 $0x0  }
0xfe: {  	s3 =	simm.s32 $0xC0  }
0xff: {  	v0 =	vld.msk [tilespmem:s3+$0x0], $0x1;
	_ =	sdelay $0x4  }
0x100: {  	(v2sf) =	vpush v0, $0x0;
	_ =	sdelay $0xe  }
0x101: {  	s2 =	sadd.s32 $0xFFFFFFFF, s2;
	s4 =	spop (v2sf)  }
0x102: {  	p1 =	sne.s32 s2, $0x0;
	p0 =	sgt.u32 s4, $0x1FFF  }
.Ltmp18:
0x103: {  	s5 =	sshrl.u32 @!p0 s4, $0x3;
	(pc) =	sbr.rel @!p1 .LBB2_26-.Ltmp18, $4  }
0x104: {  	s3 =	simm.s32 $0xE0;
	s4 =	sand.u32 @!p0 $0x7, s4;
	s5 =	sadd.s32 @!p0 s1, s5  }
0x105: {  	[hbm4b:s5+s4] =	stream.linear.scatter @!p0 [tilespmem:s3], [sflag:$0x5], $0x1, $0x38;
	[tilespmem:$0x1320] =	vst v63  }
0x106: {  	s5 =	simm.s32 $0x0  }
0x107: {  	s4 =	simm.s32 $0xC1;
	s5 =	simm.s32 @!p0 $0x4  }
.LBB2_25:
0x108: {  	v0 =	vld.msk [tilespmem:s4+$0x0], $0x1;
	s2 =	sadd.s32 $0xFFFFFFFF, s2;
	s0 =	sadd.s32 s0, s5  }
0x109: {  	p0 =	sne.s32 s2, $0x0;
	_ =	sdelay $0x3  }
0x10a: {  	(v2sf) =	vpush v0, $0x0;
	_ =	sdelay $0xe  }
.Ltmp19:
0x10b: {  	s6 =	spop (v2sf);
	(pc) =	sbr.rel @p0 .LBB2_25-.Ltmp19, $4  }
0x10c: {  	s5 =	simm.s32 $0x0;
	p1 =	sgt.u32 s6, $0x1FFF  }
0x10d: {  	s3 =	sadd.s32 $0x1, s3;
	s5 =	simm.s32 @!p1 $0x4;
	s7 =	sshrl.u32 @!p1 s6, $0x3  }
0x10e: {  	s4 =	sadd.s32 $0x1, s4;
	s6 =	sand.u32 @!p1 $0x7, s6;
	s7 =	sadd.s32 @!p1 s1, s7  }
0x10f: {  	[hbm4b:s7+s6] =	stream.linear.scatter @!p1 [tilespmem:s3], [sflag:$0x5], $0x1, $0x38;
	[tilespmem:$0x1320] =	vst v63  }
.LBB2_26:
0x110: {  	s0 =	sadd.s32 s0, s5  }
0x111: {  	s0 =	sshrl.u32 s0, $0x2  }
.LBB2_27:
0x112: {  	s1 =	simm.s32 $0x5  }
0x113: {  	_ =	swait.ge [sflag:s1], s0  }
0x114: {  	s28 =	ssub.s32 $0x0, s0;
	[sflag:s1] =	ssyncset.done $0x0  }
0x115: {  	[sflag:s1] =	ssyncadd.s32 s28  }
0x116: {  	[sflag:s1] =	ssyncpa.u1 $0x1  }
0x117: {  	s29 =	simm.s32 $0x1;
	_ =	sfence  }
0x118: {  	s30 =	simm.s32 $0x2;
	[sflag:s29] =	ssyncpa.u1 $0x1  }
0x119: {  	[sflag:s30] =	ssyncpa.u1 $0x1  }
0x11a: {  	_ =	strace $0x90000047  }
0x11b: {  	[bflag:$0x2] =	sbarrier.arrive $0xFFFF  }
0x11c: {  	s31 =	rddreg [dreg:$0x1]  }
0x11d: {  	s0 =	sadd.s32 $0x100000, s31  }
0x11e: {  	[sflag:s0] =	ssyncadd.tile.s32 $0x1;
	_ =	shalt  }
.Lfunc_end2:
_tile_overlayer_lowered:
.L_overlay_start_2:
0x11f: {  	(tag) =	ssettag $0x2  }
0x120: {  	s0 =	rddreg [dreg:$0x0];
	s2 =	stileid.u32  }
0x121: {  	s1 =	rddreg [dreg:$0x1];
	p0 =	sne.s32 s2, $0x0  }
0x122: {  	s3 =	rddreg [dreg:$0x2];
	[bflag:$0x3] =	sbarrier.arrive $0xFFFF;
	s2 =	simm.s32 @!p0 $0x1C01  }
0x123: {  	[timem:s3], [sflag:s2] =	dma.local @!p0 [hbm:s0], s1  }
0x124: {  	s0 =	simm.s32 @!p0 $0x1  }
0x125: {  	_ =	swait.ge @!p0 [sflag:s0], s1  }
0x126: {  	s1 =	ssub.s32 @!p0 $0x0, s1;
	[sflag:s0] =	ssyncset.done @!p0 $0x0  }
0x127: {  	[sflag:s0] =	ssyncadd.s32 @!p0 s1  }
0x128: {  	[bflag:$0x3] =	sbarrier.arrive $0xFFFF  }
0x129: {  	_ =	shalt  }

</sc_bundles>
